<compile_context>
chip_gen: v7x
topology: tpu7x:2x2x1
jax: 0.10.2.dev20260603
libtpu: 0.0.44.dev20260713+nightly
codegen_flags: <defaults>
</compile_context>

<pallas_src>
import jax
import jax.numpy as jnp
from jax import lax
from jax.experimental import pallas as pl
from jax.experimental.pallas import tpu as pltpu
from jax.experimental.pallas import tpu_sc as plsc

R = 1024
N = 100000
NC = 2
NS = 16
SLAB = 128
NSLAB = R // SLAB
NQ = 4
Q = N // NQ
CC = 200
NCHK = Q // CC
BC = 20
NBLK = CC // BC
NGRP = SLAB // 16
NEG_INF = float("-inf")


def _insert(ts, v):
    out = []
    new = v
    for t in ts:
        hi = jnp.maximum(t, new)
        new = jnp.minimum(t, new)
        out.append(hi)
    return out


def _sc_body(predsT_hbm, labels_hbm, out_hbm,
             lab_v, stv, mrg, res_v, buf0, buf1, shared, sem0, sem1):
    cid = lax.axis_index("c")
    sid = lax.axis_index("s")
    slab = cid * (NSLAB // NC) + sid // NQ
    quarter = sid % NQ
    row0 = slab * SLAB
    colq = quarter * Q

    pltpu.sync_copy(labels_hbm.at[pl.ds(row0, SLAB)], lab_v)

    def reset(g, carry_r):
        for j in range(5):
            stv[g * 6 + j] = jnp.full((16,), NEG_INF, jnp.float32)
        stv[g * 6 + 5] = jnp.zeros((16,), jnp.float32)
        return carry_r

    lax.fori_loop(0, NGRP, reset, 0)

    pltpu.async_copy(
        predsT_hbm.at[pl.ds(colq, CC), pl.ds(row0, SLAB)], buf0, sem0)
    pltpu.async_copy(
        predsT_hbm.at[pl.ds(colq + CC, CC), pl.ds(row0, SLAB)], buf1, sem1)

    def chunk_scan(buf, c):
        col0c = colq + c * CC

        def one_group(g, carry_g):
            t0 = stv[g * 6 + 0]
            t1 = stv[g * 6 + 1]
            t2 = stv[g * 6 + 2]
            t3 = stv[g * 6 + 3]
            t4 = stv[g * 6 + 4]
            g16 = g * 16

            def blk(b, ts):
                base = b * BC
                vs = [buf[base + i, pl.ds(g16, 16)] for i in range(BC)]
                acc = vs[0]
                accs = list(vs)
                while len(accs) > 1:
                    nxt = [jnp.maximum(accs[i], accs[i + 1])
                           for i in range(0, len(accs) - 1, 2)]
                    if len(accs) % 2:
                        nxt.append(accs[-1])
                    accs = nxt
                acc = accs[0]
                trig = plsc.all_reduce_population_count(acc > ts[4])[0] > 0

                def slow(ts2):
                    cur = list(ts2)
                    for v in vs:
                        cur = _insert(cur, v)
                    return tuple(cur)

                return lax.cond(trig, slow, lambda a: a, ts)

            t0, t1, t2, t3, t4 = plsc.parallel_loop(
                0, NBLK, unroll=5, carry=(t0, t1, t2, t3, t4))(blk)
            stv[g * 6 + 0] = t0
            stv[g * 6 + 1] = t1
            stv[g * 6 + 2] = t2
            stv[g * 6 + 3] = t3
            stv[g * 6 + 4] = t4

            labv = lab_v[pl.ds(g16, 16)]
            labv = jnp.minimum(jnp.maximum(labv, 0), N - 1)
            inb = (labv >= col0c) & (labv < col0c + CC)
            li = jnp.where(inb, labv - col0c, 0)
            rows16 = lax.iota(jnp.int32, 16) + g16
            vals = plsc.load_gather(buf, [li, rows16])
            stv[g * 6 + 5] = jnp.where(inb, vals, stv[g * 6 + 5])
            return carry_g

        plsc.parallel_loop(0, NGRP, unroll=2, carry=jnp.int32(0))(one_group)

    def pair(c2, carry_p):
        ca = 2 * c2
        pltpu.make_async_copy(
            predsT_hbm.at[pl.ds(0, CC), pl.ds(0, SLAB)], buf0, sem0).wait()
        chunk_scan(buf0, ca)

        @pl.when(ca + 2 < NCHK)
        def _issue0():
            pltpu.async_copy(
                predsT_hbm.at[pl.ds(colq + (ca + 2) * CC, CC),
                              pl.ds(row0, SLAB)], buf0, sem0)

        pltpu.make_async_copy(
            predsT_hbm.at[pl.ds(0, CC), pl.ds(0, SLAB)], buf1, sem1).wait()
        chunk_scan(buf1, ca + 1)

        @pl.when(ca + 3 < NCHK)
        def _issue1():
            pltpu.async_copy(
                predsT_hbm.at[pl.ds(colq + (ca + 3) * CC, CC),
                              pl.ds(row0, SLAB)], buf1, sem1)

        return carry_p

    lax.fori_loop(0, (NCHK - 1) // 2, pair, 0)

    pltpu.make_async_copy(
        predsT_hbm.at[pl.ds(0, CC), pl.ds(0, SLAB)], buf0, sem0).wait()
    chunk_scan(buf0, NCHK - 1)

    pltpu.sync_copy(stv, shared.at[pl.ds(sid * 6 * NGRP, 6 * NGRP)])
    plsc.subcore_barrier()

    @pl.when(quarter == 0)
    def _do_merge():
        def zero_res(j, carry_z):
            res_v[6, pl.ds(j * 16, 16)] = jnp.zeros((16,), jnp.float32)
            res_v[7, pl.ds(j * 16, 16)] = jnp.zeros((16,), jnp.float32)
            return carry_z

        lax.fori_loop(0, NGRP, zero_res, 0)

        def merge_one(p, carry_m):
            pltpu.sync_copy(shared.at[pl.ds((sid + p) * 6 * NGRP, 6 * NGRP)], mrg)

            def mg(g, carry_g):
                cur = [stv[g * 6 + j] for j in range(5)]
                for j in range(5):
                    cur = _insert(cur, mrg[g * 6 + j])
                for j in range(5):
                    stv[g * 6 + j] = cur[j]
                stv[g * 6 + 5] = stv[g * 6 + 5] + mrg[g * 6 + 5]
                return carry_g

            lax.fori_loop(0, NGRP, mg, 0)
            return carry_m

        lax.fori_loop(1, NQ, merge_one, 0)

        def emit(g, carry_e):
            for j in range(6):
                res_v[j, pl.ds(g * 16, 16)] = stv[g * 6 + j]
            return carry_e

        lax.fori_loop(0, NGRP, emit, 0)
        pltpu.sync_copy(res_v, out_hbm.at[:, pl.ds(row0, SLAB)])


_scan = pl.kernel(
    _sc_body,
    out_type=jax.ShapeDtypeStruct((8, R), jnp.float32),
    mesh=plsc.VectorSubcoreMesh(core_axis_name="c", subcore_axis_name="s"),
    compiler_params=pltpu.CompilerParams(needs_layout_passes=False),
    scratch_types=[
        pltpu.VMEM((SLAB,), jnp.int32),
        pltpu.VMEM((NGRP * 6, 16), jnp.float32),
        pltpu.VMEM((NGRP * 6, 16), jnp.float32),
        pltpu.VMEM((8, SLAB), jnp.float32),
        pltpu.VMEM((CC, SLAB), jnp.float32),
        pltpu.VMEM((CC, SLAB), jnp.float32),
        pltpu.VMEM_SHARED((NS * NGRP * 6, 16), jnp.float32),
        pltpu.SemaphoreType.DMA,
        pltpu.SemaphoreType.DMA,
    ],
)


def _fin_body(top_ref, lab_ref, out_ref):
    arr = top_ref[...]
    labs = lab_ref[...]
    top5 = arr[0:5, :]
    m = jnp.max(top5, axis=0, keepdims=True)
    s = jnp.sum(jnp.exp(top5 - m), axis=0, keepdims=True)
    lse = m + jnp.log(s)
    neg = arr[5:6, :]
    mask = labs != -100
    contrib = jnp.where(mask, lse - neg, 0.0)
    total = jnp.sum(contrib)
    cnt = jnp.sum(mask.astype(jnp.float32))
    out_ref[...] = jnp.reshape(total / cnt, (1, 1))


_finish = pl.pallas_call(
    _fin_body,
    out_shape=jax.ShapeDtypeStruct((1, 1), jnp.float32),
)


def kernel(preds, labels):
    preds = preds.reshape(R, N)
    labels_i = labels.astype(jnp.int32)
    tops = _scan(preds.T, labels_i)
    out = _finish(tops, labels_i.reshape(1, R))
    return jnp.reshape(out, ())

# --- scband reference (transcript-rebuilt; emitter-appended) ---
"""Pipeline reference for scband-sparsemax-48369921688196 (READ-ONLY COPY).

The authoritative reference and input builder live on the scoring server;
editing this copy changes nothing except your own understanding.
"""

import jax, jax.numpy as jnp
import numpy as np

K_SPARSE = 5

def setup_inputs(seed: int = 0) -> dict:
    key = jax.random.key(seed)
    k1, k2 = jax.random.split(key)
    preds = jax.random.normal(k1, (1024, 100000), dtype=jnp.float32)
    labels = jax.random.randint(k2, (1024,), 0, 100000, dtype=jnp.int64)
    return {"preds": preds, "labels": labels}

def reference(preds, labels):
    preds = preds.reshape(preds.shape[0], -1)
    topk_vals, _ = jax.lax.top_k(preds, K_SPARSE)
    pos_loss = jax.scipy.special.logsumexp(topk_vals, axis=1)
    mask = labels != -100
    labels_safe = jnp.where(mask, labels, 0)
    # torch.gather(preds, 1, labels[:,None].expand(-1, V))[:, 0] == preds[i, labels[i]]
    neg_loss = jnp.take_along_axis(preds, labels_safe[:, None], axis=1)[:, 0]
    loss = (pos_loss - neg_loss) * mask.astype(preds.dtype)
    return loss.sum() / mask.sum()

if __name__ == "__main__":
    import jax
    _d = setup_inputs()
    print(jax.jit(kernel)(*tuple(_d.values())))

</pallas_src>

<mosaic_0001>
#map = affine_map<(d0, d1) -> (0, 0)>
#map1 = affine_map<(d0, d1) -> (0)>
module attributes {stable_mosaic.version = 14 : i64} {
  func.func @_sc_body(%arg0: i32, %arg1: i32, %arg2: memref<100000x1024xf32, #tpu.memory_space<hbm>>, %arg3: memref<1024xi32, #tpu.memory_space<hbm>>, %arg4: memref<8x1024xf32, #tpu.memory_space<hbm>>, %arg5: memref<128xi32, #tpu.memory_space<vmem>>, %arg6: memref<48x16xf32, #tpu.memory_space<vmem>>, %arg7: memref<48x16xf32, #tpu.memory_space<vmem>>, %arg8: memref<8x128xf32, #tpu.memory_space<vmem>>, %arg9: memref<200x128xf32, #tpu.memory_space<vmem>>, %arg10: memref<200x128xf32, #tpu.memory_space<vmem>>, %arg11: memref<768x16xf32, #tpu.memory_space<vmem_shared>>, %arg12: memref<!tpu.dma_semaphore, #tpu.memory_space<semaphore_mem>>, %arg13: memref<!tpu.dma_semaphore, #tpu.memory_space<semaphore_mem>>) attributes {dimension_semantics = [#tpu.dimension_semantics<core_parallel>, #tpu.dimension_semantics<subcore_parallel>], iteration_bounds = array<i64: 2, 16>, scalar_prefetch = 0 : i64, scratch_operands = 9 : i64, tpu.core_type = #tpu.core_type<sc_vector_subcore>, window_params = [{transform_indices = #map}, {transform_indices = #map1}, {transform_indices = #map}]} {
    %mul3A = arith.constant 4 : i32
    %mul3A_0 = arith.muli %arg0, %mul3A : i32
    %jit3A = arith.constant 4 : i32
    %div3A = arith.divsi %arg1, %jit3A : i32
    %sign3A = arith.constant 0 : i32
    %sign3A_1 = arith.cmpi sgt, %arg1, %sign3A : i32
    %sign3A_2 = arith.extui %sign3A_1 : i1 to i32
    %sign3A_3 = arith.constant 0 : i32
    %sign3A_4 = arith.cmpi slt, %arg1, %sign3A_3 : i32
    %sign3A_5 = arith.extui %sign3A_4 : i1 to i32
    %sign3A_6 = arith.subi %sign3A_2, %sign3A_5 : i32
    %sign3A_7 = arith.constant 0 : i32
    %sign3A_8 = arith.cmpi sgt, %jit3A, %sign3A_7 : i32
    %sign3A_9 = arith.extui %sign3A_8 : i1 to i32
    %sign3A_10 = arith.constant 0 : i32
    %sign3A_11 = arith.cmpi slt, %jit3A, %sign3A_10 : i32
    %sign3A_12 = arith.extui %sign3A_11 : i1 to i32
    %sign3A_13 = arith.subi %sign3A_9, %sign3A_12 : i32
    %ne3A = arith.cmpi ne, %sign3A_6, %sign3A_13 : i32
    %rem3A = arith.remsi %arg1, %jit3A : i32
    %ne3A_14 = arith.constant 0 : i32
    %ne3A_15 = arith.cmpi ne, %rem3A, %ne3A_14 : i32
    %and3A = arith.andi %ne3A, %ne3A_15 : i1
    %sub3A = arith.constant 1 : i32
    %sub3A_16 = arith.subi %div3A, %sub3A : i32
    %select_n3A = arith.select %and3A, %sub3A_16, %div3A : i32
    %add3A = arith.addi %mul3A_0, %select_n3A : i32
    %jit3A_17 = arith.constant 4 : i32
    %eq3A = arith.constant 0 : i32
    %eq3A_18 = arith.cmpi eq, %jit3A_17, %eq3A : i32
    %jit3A_19 = arith.constant 1 : i32
    %select_n3A_20 = arith.select %eq3A_18, %jit3A_19, %jit3A_17 : i32
    %rem3A_21 = arith.remsi %arg1, %select_n3A_20 : i32
    %ne3A_22 = arith.constant 0 : i32
    %ne3A_23 = arith.cmpi ne, %rem3A_21, %ne3A_22 : i32
    %lt3A = arith.constant 0 : i32
    %lt3A_24 = arith.cmpi slt, %rem3A_21, %lt3A : i32
    %lt3A_25 = arith.constant 0 : i32
    %lt3A_26 = arith.cmpi slt, %select_n3A_20, %lt3A_25 : i32
    %ne3A_27 = arith.xori %lt3A_24, %lt3A_26 : i1
    %and3A_28 = arith.andi %ne3A_27, %ne3A_23 : i1
    %add3A_29 = arith.addi %rem3A_21, %select_n3A_20 : i32
    %select_n3A_30 = arith.select %and3A_28, %add3A_29, %rem3A_21 : i32
    %mul3A_31 = arith.constant 128 : i32
    %mul3A_32 = arith.muli %add3A, %mul3A_31 : i32
    %mul3A_33 = arith.constant 25000 : i32
    %mul3A_34 = arith.muli %select_n3A_30, %mul3A_33 : i32
    "tpu.region"() ({
      %run_scoped3A = tpu.sem_alloc : memref<!tpu.dma_semaphore, #tpu.memory_space<semaphore_mem>>
      %dma_start3A_69 = tpu.memref_slice %arg3[%mul3A_32] : memref<1024xi32, #tpu.memory_space<hbm>> -> memref<128xi32, #tpu.memory_space<hbm>>
      %dma_start3A_70 = tpu.memref_slice %arg3[%mul3A_32] : memref<1024xi32, #tpu.memory_space<hbm>> -> memref<128xi32, #tpu.memory_space<hbm>>
      tpu.enqueue_dma source(%dma_start3A_70 : memref<128xi32, #tpu.memory_space<hbm>>) target(%arg5 : memref<128xi32, #tpu.memory_space<vmem>>) target_semaphore(%run_scoped3A : memref<!tpu.dma_semaphore, #tpu.memory_space<semaphore_mem>>)
      %dma_wait3A_71 = tpu.memref_slice %arg3[%mul3A_32] : memref<1024xi32, #tpu.memory_space<hbm>> -> memref<128xi32, #tpu.memory_space<hbm>>
      %dma_wait3A_72 = tpu.memref_slice %arg3[%mul3A_32] : memref<1024xi32, #tpu.memory_space<hbm>> -> memref<128xi32, #tpu.memory_space<hbm>>
      tpu.wait_dma2 semaphore(%run_scoped3A : memref<!tpu.dma_semaphore, #tpu.memory_space<semaphore_mem>>) src(%dma_wait3A_72 : memref<128xi32, #tpu.memory_space<hbm>>) dst(%arg5 : memref<128xi32, #tpu.memory_space<vmem>>)
      tpu.yield
    }) : () -> ()
    %scan3A = arith.constant 0 : i32
    %scan3A_35 = arith.constant 0 : i32
    %scan3A_36 = arith.constant 8 : i32
    %scan3A_37 = arith.addi %scan3A_35, %scan3A_36 : i32
    %scan3A_38 = arith.constant 1 : i32
    scf.for %scan3A_69 = %scan3A_35 to %scan3A_37 step %scan3A_38  : i32 {
      %broadcast_in_dim3A = arith.constant 0xFF800000 : f32
      %broadcast_in_dim3A_70 = vector.broadcast %broadcast_in_dim3A : f32 to vector<16xf32>
      %mul3A_71 = arith.constant 6 : i32
      %mul3A_72 = arith.muli %scan3A_69, %mul3A_71 : i32
      %add3A_73 = arith.constant 0 : i32
      %add3A_74 = arith.addi %mul3A_72, %add3A_73 : i32
      %swap3A = arith.index_cast %add3A_74 : i32 to index
      %swap3A_75 = arith.constant 0 : index
      %swap3A_76 = tpu.vector_load %arg6[%swap3A, %swap3A_75] {strides = array<i32>} : memref<48x16xf32, #tpu.memory_space<vmem>>, vector<16xf32>,
      tpu.vector_store %arg6[%swap3A, %swap3A_75], %broadcast_in_dim3A_70 {strides = array<i32>} : memref<48x16xf32, #tpu.memory_space<vmem>>, vector<16xf32>,
      %broadcast_in_dim3A_77 = arith.constant 0xFF800000 : f32
      %broadcast_in_dim3A_78 = vector.broadcast %broadcast_in_dim3A_77 : f32 to vector<16xf32>
      %mul3A_79 = arith.constant 6 : i32
      %mul3A_80 = arith.muli %scan3A_69, %mul3A_79 : i32
      %add3A_81 = arith.constant 1 : i32
      %add3A_82 = arith.addi %mul3A_80, %add3A_81 : i32
      %swap3A_83 = arith.index_cast %add3A_82 : i32 to index
      %swap3A_84 = arith.constant 0 : index
      %swap3A_85 = tpu.vector_load %arg6[%swap3A_83, %swap3A_84] {strides = array<i32>} : memref<48x16xf32, #tpu.memory_space<vmem>>, vector<16xf32>,
      tpu.vector_store %arg6[%swap3A_83, %swap3A_84], %broadcast_in_dim3A_78 {strides = array<i32>} : memref<48x16xf32, #tpu.memory_space<vmem>>, vector<16xf32>,
      %broadcast_in_dim3A_86 = arith.constant 0xFF800000 : f32
      %broadcast_in_dim3A_87 = vector.broadcast %broadcast_in_dim3A_86 : f32 to vector<16xf32>
      %mul3A_88 = arith.constant 6 : i32
      %mul3A_89 = arith.muli %scan3A_69, %mul3A_88 : i32
      %add3A_90 = arith.constant 2 : i32
      %add3A_91 = arith.addi %mul3A_89, %add3A_90 : i32
      %swap3A_92 = arith.index_cast %add3A_91 : i32 to index
      %swap3A_93 = arith.constant 0 : index
      %swap3A_94 = tpu.vector_load %arg6[%swap3A_92, %swap3A_93] {strides = array<i32>} : memref<48x16xf32, #tpu.memory_space<vmem>>, vector<16xf32>,
      tpu.vector_store %arg6[%swap3A_92, %swap3A_93], %broadcast_in_dim3A_87 {strides = array<i32>} : memref<48x16xf32, #tpu.memory_space<vmem>>, vector<16xf32>,
      %broadcast_in_dim3A_95 = arith.constant 0xFF800000 : f32
      %broadcast_in_dim3A_96 = vector.broadcast %broadcast_in_dim3A_95 : f32 to vector<16xf32>
      %mul3A_97 = arith.constant 6 : i32
      %mul3A_98 = arith.muli %scan3A_69, %mul3A_97 : i32
      %add3A_99 = arith.constant 3 : i32
      %add3A_100 = arith.addi %mul3A_98, %add3A_99 : i32
      %swap3A_101 = arith.index_cast %add3A_100 : i32 to index
      %swap3A_102 = arith.constant 0 : index
      %swap3A_103 = tpu.vector_load %arg6[%swap3A_101, %swap3A_102] {strides = array<i32>} : memref<48x16xf32, #tpu.memory_space<vmem>>, vector<16xf32>,
      tpu.vector_store %arg6[%swap3A_101, %swap3A_102], %broadcast_in_dim3A_96 {strides = array<i32>} : memref<48x16xf32, #tpu.memory_space<vmem>>, vector<16xf32>,
      %broadcast_in_dim3A_104 = arith.constant 0xFF800000 : f32
      %broadcast_in_dim3A_105 = vector.broadcast %broadcast_in_dim3A_104 : f32 to vector<16xf32>
      %mul3A_106 = arith.constant 6 : i32
      %mul3A_107 = arith.muli %scan3A_69, %mul3A_106 : i32
      %add3A_108 = arith.constant 4 : i32
      %add3A_109 = arith.addi %mul3A_107, %add3A_108 : i32
      %swap3A_110 = arith.index_cast %add3A_109 : i32 to index
      %swap3A_111 = arith.constant 0 : index
      %swap3A_112 = tpu.vector_load %arg6[%swap3A_110, %swap3A_111] {strides = array<i32>} : memref<48x16xf32, #tpu.memory_space<vmem>>, vector<16xf32>,
      tpu.vector_store %arg6[%swap3A_110, %swap3A_111], %broadcast_in_dim3A_105 {strides = array<i32>} : memref<48x16xf32, #tpu.memory_space<vmem>>, vector<16xf32>,
      %broadcast_in_dim3A_113 = arith.constant 0.000000e+00 : f32
      %broadcast_in_dim3A_114 = vector.broadcast %broadcast_in_dim3A_113 : f32 to vector<16xf32>
      %mul3A_115 = arith.constant 6 : i32
      %mul3A_116 = arith.muli %scan3A_69, %mul3A_115 : i32
      %add3A_117 = arith.constant 5 : i32
      %add3A_118 = arith.addi %mul3A_116, %add3A_117 : i32
      %swap3A_119 = arith.index_cast %add3A_118 : i32 to index
      %swap3A_120 = arith.constant 0 : index
      %swap3A_121 = tpu.vector_load %arg6[%swap3A_119, %swap3A_120] {strides = array<i32>} : memref<48x16xf32, #tpu.memory_space<vmem>>, vector<16xf32>,
      tpu.vector_store %arg6[%swap3A_119, %swap3A_120], %broadcast_in_dim3A_114 {strides = array<i32>} : memref<48x16xf32, #tpu.memory_space<vmem>>, vector<16xf32>,
    }
    %scan3A_39 = arith.constant 8 : i32
    %dma_start3A = tpu.memref_slice %arg2[%mul3A_34, %mul3A_32] : memref<100000x1024xf32, #tpu.memory_space<hbm>> -> memref<200x128xf32, #tpu.memory_space<hbm>>
    %dma_start3A_40 = tpu.memref_slice %arg2[%mul3A_34, %mul3A_32] : memref<100000x1024xf32, #tpu.memory_space<hbm>> -> memref<200x128xf32, #tpu.memory_space<hbm>>
    tpu.enqueue_dma source(%dma_start3A_40 : memref<200x128xf32, #tpu.memory_space<hbm>>) target(%arg9 : memref<200x128xf32, #tpu.memory_space<vmem>>) target_semaphore(%arg12 : memref<!tpu.dma_semaphore, #tpu.memory_space<semaphore_mem>>)
    %add3A_41 = arith.constant 200 : i32
    %add3A_42 = arith.addi %mul3A_34, %add3A_41 : i32
    %dma_start3A_43 = tpu.memref_slice %arg2[%add3A_42, %mul3A_32] : memref<100000x1024xf32, #tpu.memory_space<hbm>> -> memref<200x128xf32, #tpu.memory_space<hbm>>
    %dma_start3A_44 = tpu.memref_slice %arg2[%add3A_42, %mul3A_32] : memref<100000x1024xf32, #tpu.memory_space<hbm>> -> memref<200x128xf32, #tpu.memory_space<hbm>>
    tpu.enqueue_dma source(%dma_start3A_44 : memref<200x128xf32, #tpu.memory_space<hbm>>) target(%arg10 : memref<200x128xf32, #tpu.memory_space<vmem>>) target_semaphore(%arg13 : memref<!tpu.dma_semaphore, #tpu.memory_space<semaphore_mem>>)
    %scan3A_45 = arith.constant 0 : i32
    %scan3A_46 = arith.constant 0 : i32
    %scan3A_47 = arith.constant 62 : i32
    %scan3A_48 = arith.addi %scan3A_46, %scan3A_47 : i32
    %scan3A_49 = arith.constant 1 : i32
    scf.for %scan3A_69 = %scan3A_46 to %scan3A_48 step %scan3A_49  : i32 {
      %mul3A_70 = arith.constant 2 : i32
      %mul3A_71 = arith.muli %mul3A_70, %scan3A_69 : i32
      %dma_wait3A_72 = arith.constant 0 : i32
      %dma_wait3A_73 = arith.constant 0 : i32
      %dma_wait3A_74 = tpu.memref_slice %arg2[%dma_wait3A_72, %dma_wait3A_73] : memref<100000x1024xf32, #tpu.memory_space<hbm>> -> memref<200x128xf32, #tpu.memory_space<hbm>>
      %dma_wait3A_75 = arith.constant 0 : i32
      %dma_wait3A_76 = arith.constant 0 : i32
      %dma_wait3A_77 = tpu.memref_slice %arg2[%dma_wait3A_75, %dma_wait3A_76] : memref<100000x1024xf32, #tpu.memory_space<hbm>> -> memref<200x128xf32, #tpu.memory_space<hbm>>
      tpu.wait_dma2 semaphore(%arg12 : memref<!tpu.dma_semaphore, #tpu.memory_space<semaphore_mem>>) src(%dma_wait3A_77 : memref<200x128xf32, #tpu.memory_space<hbm>>) dst(%arg9 : memref<200x128xf32, #tpu.memory_space<vmem>>)
      %mul3A_78 = arith.constant 200 : i32
      %mul3A_79 = arith.muli %mul3A_71, %mul3A_78 : i32
      %add3A_80 = arith.addi %mul3A_34, %mul3A_79 : i32
      %parallel_loop3A_81 = arith.constant 0 : i32
      %parallel_loop3A_82 = arith.constant 8 : i32
      %parallel_loop3A_83 = arith.constant 1 : i32
      %parallel_loop3A_84 = arith.constant 0 : i32
      %parallel_loop3A_85 = scf.for %parallel_loop3A_116 = %parallel_loop3A_81 to %parallel_loop3A_82 step %parallel_loop3A_83 iter_args(%parallel_loop3A_117 = %parallel_loop3A_84) -> (i32)  : i32 {
        %parallel_loop3A_118 = arith.constant 6 : i32
        %parallel_loop3A_119 = arith.muli %parallel_loop3A_116, %parallel_loop3A_118 : i32
        %parallel_loop3A_120 = arith.constant 0 : i32
        %parallel_loop3A_121 = arith.addi %parallel_loop3A_119, %parallel_loop3A_120 : i32
        %parallel_loop3A_122 = arith.index_cast %parallel_loop3A_121 : i32 to index
        %parallel_loop3A_123 = arith.constant 0 : index
        %parallel_loop3A_124 = tpu.vector_load %arg6[%parallel_loop3A_122, %parallel_loop3A_123] {strides = array<i32>} : memref<48x16xf32, #tpu.memory_space<vmem>>, vector<16xf32>,
        %parallel_loop3A_125 = arith.constant 6 : i32
        %parallel_loop3A_126 = arith.muli %parallel_loop3A_116, %parallel_loop3A_125 : i32
        %parallel_loop3A_127 = arith.constant 1 : i32
        %parallel_loop3A_128 = arith.addi %parallel_loop3A_126, %parallel_loop3A_127 : i32
        %parallel_loop3A_129 = arith.index_cast %parallel_loop3A_128 : i32 to index
        %parallel_loop3A_130 = arith.constant 0 : index
        %parallel_loop3A_131 = tpu.vector_load %arg6[%parallel_loop3A_129, %parallel_loop3A_130] {strides = array<i32>} : memref<48x16xf32, #tpu.memory_space<vmem>>, vector<16xf32>,
        %parallel_loop3A_132 = arith.constant 6 : i32
        %parallel_loop3A_133 = arith.muli %parallel_loop3A_116, %parallel_loop3A_132 : i32
        %parallel_loop3A_134 = arith.constant 2 : i32
        %parallel_loop3A_135 = arith.addi %parallel_loop3A_133, %parallel_loop3A_134 : i32
        %parallel_loop3A_136 = arith.index_cast %parallel_loop3A_135 : i32 to index
        %parallel_loop3A_137 = arith.constant 0 : index
        %parallel_loop3A_138 = tpu.vector_load %arg6[%parallel_loop3A_136, %parallel_loop3A_137] {strides = array<i32>} : memref<48x16xf32, #tpu.memory_space<vmem>>, vector<16xf32>,
        %parallel_loop3A_139 = arith.constant 6 : i32
        %parallel_loop3A_140 = arith.muli %parallel_loop3A_116, %parallel_loop3A_139 : i32
        %parallel_loop3A_141 = arith.constant 3 : i32
        %parallel_loop3A_142 = arith.addi %parallel_loop3A_140, %parallel_loop3A_141 : i32
        %parallel_loop3A_143 = arith.index_cast %parallel_loop3A_142 : i32 to index
        %parallel_loop3A_144 = arith.constant 0 : index
        %parallel_loop3A_145 = tpu.vector_load %arg6[%parallel_loop3A_143, %parallel_loop3A_144] {strides = array<i32>} : memref<48x16xf32, #tpu.memory_space<vmem>>, vector<16xf32>,
        %parallel_loop3A_146 = arith.constant 6 : i32
        %parallel_loop3A_147 = arith.muli %parallel_loop3A_116, %parallel_loop3A_146 : i32
        %parallel_loop3A_148 = arith.constant 4 : i32
        %parallel_loop3A_149 = arith.addi %parallel_loop3A_147, %parallel_loop3A_148 : i32
        %parallel_loop3A_150 = arith.index_cast %parallel_loop3A_149 : i32 to index
        %parallel_loop3A_151 = arith.constant 0 : index
        %parallel_loop3A_152 = tpu.vector_load %arg6[%parallel_loop3A_150, %parallel_loop3A_151] {strides = array<i32>} : memref<48x16xf32, #tpu.memory_space<vmem>>, vector<16xf32>,
        %parallel_loop3A_153 = arith.constant 16 : i32
        %parallel_loop3A_154 = arith.muli %parallel_loop3A_116, %parallel_loop3A_153 : i32
        %parallel_loop3A_155 = arith.constant 0 : i32
        %parallel_loop3A_156 = arith.constant 10 : i32
        %parallel_loop3A_157 = arith.constant 1 : i32
        %parallel_loop3A_158:5 = scf.for %parallel_loop3A_233 = %parallel_loop3A_155 to %parallel_loop3A_156 step %parallel_loop3A_157 iter_args(%parallel_loop3A_234 = %parallel_loop3A_124, %parallel_loop3A_235 = %parallel_loop3A_131, %parallel_loop3A_236 = %parallel_loop3A_138, %parallel_loop3A_237 = %parallel_loop3A_145, %parallel_loop3A_238 = %parallel_loop3A_152) -> (vector<16xf32>, vector<16xf32>, vector<16xf32>, vector<16xf32>, vector<16xf32>)  : i32 {
          %parallel_loop3A_239 = arith.constant 20 : i32
          %parallel_loop3A_240 = arith.muli %parallel_loop3A_233, %parallel_loop3A_239 : i32
          %parallel_loop3A_241 = arith.constant 0 : i32
          %parallel_loop3A_242 = arith.addi %parallel_loop3A_240, %parallel_loop3A_241 : i32
          %parallel_loop3A_243 = arith.index_cast %parallel_loop3A_242 : i32 to index
          %parallel_loop3A_244 = arith.index_cast %parallel_loop3A_154 : i32 to index
          %parallel_loop3A_245 = tpu.vector_load %arg9[%parallel_loop3A_243, %parallel_loop3A_244] {strides = array<i32>} : memref<200x128xf32, #tpu.memory_space<vmem>>, vector<16xf32>,
          %parallel_loop3A_246 = arith.constant 1 : i32
          %parallel_loop3A_247 = arith.addi %parallel_loop3A_240, %parallel_loop3A_246 : i32
          %parallel_loop3A_248 = arith.index_cast %parallel_loop3A_247 : i32 to index
          %parallel_loop3A_249 = arith.index_cast %parallel_loop3A_154 : i32 to index
          %parallel_loop3A_250 = tpu.vector_load %arg9[%parallel_loop3A_248, %parallel_loop3A_249] {strides = array<i32>} : memref<200x128xf32, #tpu.memory_space<vmem>>, vector<16xf32>,
          %parallel_loop3A_251 = arith.constant 2 : i32
          %parallel_loop3A_252 = arith.addi %parallel_loop3A_240, %parallel_loop3A_251 : i32
          %parallel_loop3A_253 = arith.index_cast %parallel_loop3A_252 : i32 to index
          %parallel_loop3A_254 = arith.index_cast %parallel_loop3A_154 : i32 to index
          %parallel_loop3A_255 = tpu.vector_load %arg9[%parallel_loop3A_253, %parallel_loop3A_254] {strides = array<i32>} : memref<200x128xf32, #tpu.memory_space<vmem>>, vector<16xf32>,
          %parallel_loop3A_256 = arith.constant 3 : i32
          %parallel_loop3A_257 = arith.addi %parallel_loop3A_240, %parallel_loop3A_256 : i32
          %parallel_loop3A_258 = arith.index_cast %parallel_loop3A_257 : i32 to index
          %parallel_loop3A_259 = arith.index_cast %parallel_loop3A_154 : i32 to index
          %parallel_loop3A_260 = tpu.vector_load %arg9[%parallel_loop3A_258, %parallel_loop3A_259] {strides = array<i32>} : memref<200x128xf32, #tpu.memory_space<vmem>>, vector<16xf32>,
          %parallel_loop3A_261 = arith.constant 4 : i32
          %parallel_loop3A_262 = arith.addi %parallel_loop3A_240, %parallel_loop3A_261 : i32
          %parallel_loop3A_263 = arith.index_cast %parallel_loop3A_262 : i32 to index
          %parallel_loop3A_264 = arith.index_cast %parallel_loop3A_154 : i32 to index
          %parallel_loop3A_265 = tpu.vector_load %arg9[%parallel_loop3A_263, %parallel_loop3A_264] {strides = array<i32>} : memref<200x128xf32, #tpu.memory_space<vmem>>, vector<16xf32>,
          %parallel_loop3A_266 = arith.constant 5 : i32
          %parallel_loop3A_267 = arith.addi %parallel_loop3A_240, %parallel_loop3A_266 : i32
          %parallel_loop3A_268 = arith.index_cast %parallel_loop3A_267 : i32 to index
          %parallel_loop3A_269 = arith.index_cast %parallel_loop3A_154 : i32 to index
          %parallel_loop3A_270 = tpu.vector_load %arg9[%parallel_loop3A_268, %parallel_loop3A_269] {strides = array<i32>} : memref<200x128xf32, #tpu.memory_space<vmem>>, vector<16xf32>,
          %parallel_loop3A_271 = arith.constant 6 : i32
          %parallel_loop3A_272 = arith.addi %parallel_loop3A_240, %parallel_loop3A_271 : i32
          %parallel_loop3A_273 = arith.index_cast %parallel_loop3A_272 : i32 to index
          %parallel_loop3A_274 = arith.index_cast %parallel_loop3A_154 : i32 to index
          %parallel_loop3A_275 = tpu.vector_load %arg9[%parallel_loop3A_273, %parallel_loop3A_274] {strides = array<i32>} : memref<200x128xf32, #tpu.memory_space<vmem>>, vector<16xf32>,
          %parallel_loop3A_276 = arith.constant 7 : i32
          %parallel_loop3A_277 = arith.addi %parallel_loop3A_240, %parallel_loop3A_276 : i32
          %parallel_loop3A_278 = arith.index_cast %parallel_loop3A_277 : i32 to index
          %parallel_loop3A_279 = arith.index_cast %parallel_loop3A_154 : i32 to index
          %parallel_loop3A_280 = tpu.vector_load %arg9[%parallel_loop3A_278, %parallel_loop3A_279] {strides = array<i32>} : memref<200x128xf32, #tpu.memory_space<vmem>>, vector<16xf32>,
          %parallel_loop3A_281 = arith.constant 8 : i32
          %parallel_loop3A_282 = arith.addi %parallel_loop3A_240, %parallel_loop3A_281 : i32
          %parallel_loop3A_283 = arith.index_cast %parallel_loop3A_282 : i32 to index
          %parallel_loop3A_284 = arith.index_cast %parallel_loop3A_154 : i32 to index
          %parallel_loop3A_285 = tpu.vector_load %arg9[%parallel_loop3A_283, %parallel_loop3A_284] {strides = array<i32>} : memref<200x128xf32, #tpu.memory_space<vmem>>, vector<16xf32>,
          %parallel_loop3A_286 = arith.constant 9 : i32
          %parallel_loop3A_287 = arith.addi %parallel_loop3A_240, %parallel_loop3A_286 : i32
          %parallel_loop3A_288 = arith.index_cast %parallel_loop3A_287 : i32 to index
          %parallel_loop3A_289 = arith.index_cast %parallel_loop3A_154 : i32 to index
          %parallel_loop3A_290 = tpu.vector_load %arg9[%parallel_loop3A_288, %parallel_loop3A_289] {strides = array<i32>} : memref<200x128xf32, #tpu.memory_space<vmem>>, vector<16xf32>,
          %parallel_loop3A_291 = arith.constant 10 : i32
          %parallel_loop3A_292 = arith.addi %parallel_loop3A_240, %parallel_loop3A_291 : i32
          %parallel_loop3A_293 = arith.index_cast %parallel_loop3A_292 : i32 to index
          %parallel_loop3A_294 = arith.index_cast %parallel_loop3A_154 : i32 to index
          %parallel_loop3A_295 = tpu.vector_load %arg9[%parallel_loop3A_293, %parallel_loop3A_294] {strides = array<i32>} : memref<200x128xf32, #tpu.memory_space<vmem>>, vector<16xf32>,
          %parallel_loop3A_296 = arith.constant 11 : i32
          %parallel_loop3A_297 = arith.addi %parallel_loop3A_240, %parallel_loop3A_296 : i32
          %parallel_loop3A_298 = arith.index_cast %parallel_loop3A_297 : i32 to index
          %parallel_loop3A_299 = arith.index_cast %parallel_loop3A_154 : i32 to index
          %parallel_loop3A_300 = tpu.vector_load %arg9[%parallel_loop3A_298, %parallel_loop3A_299] {strides = array<i32>} : memref<200x128xf32, #tpu.memory_space<vmem>>, vector<16xf32>,
          %parallel_loop3A_301 = arith.constant 12 : i32
          %parallel_loop3A_302 = arith.addi %parallel_loop3A_240, %parallel_loop3A_301 : i32
          %parallel_loop3A_303 = arith.index_cast %parallel_loop3A_302 : i32 to index
          %parallel_loop3A_304 = arith.index_cast %parallel_loop3A_154 : i32 to index
          %parallel_loop3A_305 = tpu.vector_load %arg9[%parallel_loop3A_303, %parallel_loop3A_304] {strides = array<i32>} : memref<200x128xf32, #tpu.memory_space<vmem>>, vector<16xf32>,
          %parallel_loop3A_306 = arith.constant 13 : i32
          %parallel_loop3A_307 = arith.addi %parallel_loop3A_240, %parallel_loop3A_306 : i32
          %parallel_loop3A_308 = arith.index_cast %parallel_loop3A_307 : i32 to index
          %parallel_loop3A_309 = arith.index_cast %parallel_loop3A_154 : i32 to index
          %parallel_loop3A_310 = tpu.vector_load %arg9[%parallel_loop3A_308, %parallel_loop3A_309] {strides = array<i32>} : memref<200x128xf32, #tpu.memory_space<vmem>>, vector<16xf32>,
          %parallel_loop3A_311 = arith.constant 14 : i32
          %parallel_loop3A_312 = arith.addi %parallel_loop3A_240, %parallel_loop3A_311 : i32
          %parallel_loop3A_313 = arith.index_cast %parallel_loop3A_312 : i32 to index
          %parallel_loop3A_314 = arith.index_cast %parallel_loop3A_154 : i32 to index
          %parallel_loop3A_315 = tpu.vector_load %arg9[%parallel_loop3A_313, %parallel_loop3A_314] {strides = array<i32>} : memref<200x128xf32, #tpu.memory_space<vmem>>, vector<16xf32>,
          %parallel_loop3A_316 = arith.constant 15 : i32
          %parallel_loop3A_317 = arith.addi %parallel_loop3A_240, %parallel_loop3A_316 : i32
          %parallel_loop3A_318 = arith.index_cast %parallel_loop3A_317 : i32 to index
          %parallel_loop3A_319 = arith.index_cast %parallel_loop3A_154 : i32 to index
          %parallel_loop3A_320 = tpu.vector_load %arg9[%parallel_loop3A_318, %parallel_loop3A_319] {strides = array<i32>} : memref<200x128xf32, #tpu.memory_space<vmem>>, vector<16xf32>,
          %parallel_loop3A_321 = arith.constant 16 : i32
          %parallel_loop3A_322 = arith.addi %parallel_loop3A_240, %parallel_loop3A_321 : i32
          %parallel_loop3A_323 = arith.index_cast %parallel_loop3A_322 : i32 to index
          %parallel_loop3A_324 = arith.index_cast %parallel_loop3A_154 : i32 to index
          %parallel_loop3A_325 = tpu.vector_load %arg9[%parallel_loop3A_323, %parallel_loop3A_324] {strides = array<i32>} : memref<200x128xf32, #tpu.memory_space<vmem>>, vector<16xf32>,
          %parallel_loop3A_326 = arith.constant 17 : i32
          %parallel_loop3A_327 = arith.addi %parallel_loop3A_240, %parallel_loop3A_326 : i32
          %parallel_loop3A_328 = arith.index_cast %parallel_loop3A_327 : i32 to index
          %parallel_loop3A_329 = arith.index_cast %parallel_loop3A_154 : i32 to index
          %parallel_loop3A_330 = tpu.vector_load %arg9[%parallel_loop3A_328, %parallel_loop3A_329] {strides = array<i32>} : memref<200x128xf32, #tpu.memory_space<vmem>>, vector<16xf32>,
          %parallel_loop3A_331 = arith.constant 18 : i32
          %parallel_loop3A_332 = arith.addi %parallel_loop3A_240, %parallel_loop3A_331 : i32
          %parallel_loop3A_333 = arith.index_cast %parallel_loop3A_332 : i32 to index
          %parallel_loop3A_334 = arith.index_cast %parallel_loop3A_154 : i32 to index
          %parallel_loop3A_335 = tpu.vector_load %arg9[%parallel_loop3A_333, %parallel_loop3A_334] {strides = array<i32>} : memref<200x128xf32, #tpu.memory_space<vmem>>, vector<16xf32>,
          %parallel_loop3A_336 = arith.constant 19 : i32
          %parallel_loop3A_337 = arith.addi %parallel_loop3A_240, %parallel_loop3A_336 : i32
          %parallel_loop3A_338 = arith.index_cast %parallel_loop3A_337 : i32 to index
          %parallel_loop3A_339 = arith.index_cast %parallel_loop3A_154 : i32 to index
          %parallel_loop3A_340 = tpu.vector_load %arg9[%parallel_loop3A_338, %parallel_loop3A_339] {strides = array<i32>} : memref<200x128xf32, #tpu.memory_space<vmem>>, vector<16xf32>,
          %parallel_loop3A_341 = arith.maximumf %parallel_loop3A_245, %parallel_loop3A_250 : vector<16xf32>
          %parallel_loop3A_342 = arith.maximumf %parallel_loop3A_255, %parallel_loop3A_260 : vector<16xf32>
          %parallel_loop3A_343 = arith.maximumf %parallel_loop3A_265, %parallel_loop3A_270 : vector<16xf32>
          %parallel_loop3A_344 = arith.maximumf %parallel_loop3A_275, %parallel_loop3A_280 : vector<16xf32>
          %parallel_loop3A_345 = arith.maximumf %parallel_loop3A_285, %parallel_loop3A_290 : vector<16xf32>
          %parallel_loop3A_346 = arith.maximumf %parallel_loop3A_295, %parallel_loop3A_300 : vector<16xf32>
          %parallel_loop3A_347 = arith.maximumf %parallel_loop3A_305, %parallel_loop3A_310 : vector<16xf32>
          %parallel_loop3A_348 = arith.maximumf %parallel_loop3A_315, %parallel_loop3A_320 : vector<16xf32>
          %parallel_loop3A_349 = arith.maximumf %parallel_loop3A_325, %parallel_loop3A_330 : vector<16xf32>
          %parallel_loop3A_350 = arith.maximumf %parallel_loop3A_335, %parallel_loop3A_340 : vector<16xf32>
          %parallel_loop3A_351 = arith.maximumf %parallel_loop3A_341, %parallel_loop3A_342 : vector<16xf32>
          %parallel_loop3A_352 = arith.maximumf %parallel_loop3A_343, %parallel_loop3A_344 : vector<16xf32>
          %parallel_loop3A_353 = arith.maximumf %parallel_loop3A_345, %parallel_loop3A_346 : vector<16xf32>
          %parallel_loop3A_354 = arith.maximumf %parallel_loop3A_347, %parallel_loop3A_348 : vector<16xf32>
          %parallel_loop3A_355 = arith.maximumf %parallel_loop3A_349, %parallel_loop3A_350 : vector<16xf32>
          %parallel_loop3A_356 = arith.maximumf %parallel_loop3A_351, %parallel_loop3A_352 : vector<16xf32>
          %parallel_loop3A_357 = arith.maximumf %parallel_loop3A_353, %parallel_loop3A_354 : vector<16xf32>
          %parallel_loop3A_358 = arith.maximumf %parallel_loop3A_356, %parallel_loop3A_357 : vector<16xf32>
          %parallel_loop3A_359 = arith.maximumf %parallel_loop3A_358, %parallel_loop3A_355 : vector<16xf32>
          %parallel_loop3A_360 = arith.cmpf ogt, %parallel_loop3A_359, %parallel_loop3A_238 : vector<16xf32>
          %parallel_loop3A_361 = tpu.all_reduce %parallel_loop3A_360 {dim = 0 : i64, kind = #tpu.reduction_kind<sum>} : vector<16xi1> -> vector<16xi32>
          %parallel_loop3A_362 = vector.extract_strided_slice %parallel_loop3A_361 {offsets = [0], sizes = [1], strides = [1]} : vector<16xi32> to vector<1xi32>
          %parallel_loop3A_363 = vector.extract %parallel_loop3A_362[0] : i32 from vector<1xi32>
          %parallel_loop3A_364 = arith.constant 0 : i32
          %parallel_loop3A_365 = arith.cmpi sgt, %parallel_loop3A_363, %parallel_loop3A_364 : i32
          %parallel_loop3A_366 = arith.extui %parallel_loop3A_365 : i1 to i32
          %parallel_loop3A_367 = arith.constant 0 : i32
          %parallel_loop3A_368 = arith.cmpi ne, %parallel_loop3A_366, %parallel_loop3A_367 : i32
          %parallel_loop3A_369:5 = scf.if %parallel_loop3A_368 -> (vector<16xf32>, vector<16xf32>, vector<16xf32>, vector<16xf32>, vector<16xf32>) {
            %parallel_loop3A_370 = arith.maximumf %parallel_loop3A_234, %parallel_loop3A_245 : vector<16xf32>
            %parallel_loop3A_371 = arith.minimumf %parallel_loop3A_234, %parallel_loop3A_245 : vector<16xf32>
            %parallel_loop3A_372 = arith.maximumf %parallel_loop3A_235, %parallel_loop3A_371 : vector<16xf32>
            %parallel_loop3A_373 = arith.minimumf %parallel_loop3A_235, %parallel_loop3A_371 : vector<16xf32>
            %parallel_loop3A_374 = arith.maximumf %parallel_loop3A_236, %parallel_loop3A_373 : vector<16xf32>
            %parallel_loop3A_375 = arith.minimumf %parallel_loop3A_236, %parallel_loop3A_373 : vector<16xf32>
            %parallel_loop3A_376 = arith.maximumf %parallel_loop3A_237, %parallel_loop3A_375 : vector<16xf32>
            %parallel_loop3A_377 = arith.minimumf %parallel_loop3A_237, %parallel_loop3A_375 : vector<16xf32>
            %parallel_loop3A_378 = arith.maximumf %parallel_loop3A_238, %parallel_loop3A_377 : vector<16xf32>
            %parallel_loop3A_379 = arith.minimumf %parallel_loop3A_238, %parallel_loop3A_377 : vector<16xf32>
            %parallel_loop3A_380 = arith.maximumf %parallel_loop3A_370, %parallel_loop3A_250 : vector<16xf32>
            %parallel_loop3A_381 = arith.minimumf %parallel_loop3A_370, %parallel_loop3A_250 : vector<16xf32>
            %parallel_loop3A_382 = arith.maximumf %parallel_loop3A_372, %parallel_loop3A_381 : vector<16xf32>
            %parallel_loop3A_383 = arith.minimumf %parallel_loop3A_372, %parallel_loop3A_381 : vector<16xf32>
            %parallel_loop3A_384 = arith.maximumf %parallel_loop3A_374, %parallel_loop3A_383 : vector<16xf32>
            %parallel_loop3A_385 = arith.minimumf %parallel_loop3A_374, %parallel_loop3A_383 : vector<16xf32>
            %parallel_loop3A_386 = arith.maximumf %parallel_loop3A_376, %parallel_loop3A_385 : vector<16xf32>
            %parallel_loop3A_387 = arith.minimumf %parallel_loop3A_376, %parallel_loop3A_385 : vector<16xf32>
            %parallel_loop3A_388 = arith.maximumf %parallel_loop3A_378, %parallel_loop3A_387 : vector<16xf32>
            %parallel_loop3A_389 = arith.minimumf %parallel_loop3A_378, %parallel_loop3A_387 : vector<16xf32>
            %parallel_loop3A_390 = arith.maximumf %parallel_loop3A_380, %parallel_loop3A_255 : vector<16xf32>
            %parallel_loop3A_391 = arith.minimumf %parallel_loop3A_380, %parallel_loop3A_255 : vector<16xf32>
            %parallel_loop3A_392 = arith.maximumf %parallel_loop3A_382, %parallel_loop3A_391 : vector<16xf32>
            %parallel_loop3A_393 = arith.minimumf %parallel_loop3A_382, %parallel_loop3A_391 : vector<16xf32>
            %parallel_loop3A_394 = arith.maximumf %parallel_loop3A_384, %parallel_loop3A_393 : vector<16xf32>
            %parallel_loop3A_395 = arith.minimumf %parallel_loop3A_384, %parallel_loop3A_393 : vector<16xf32>
            %parallel_loop3A_396 = arith.maximumf %parallel_loop3A_386, %parallel_loop3A_395 : vector<16xf32>
            %parallel_loop3A_397 = arith.minimumf %parallel_loop3A_386, %parallel_loop3A_395 : vector<16xf32>
            %parallel_loop3A_398 = arith.maximumf %parallel_loop3A_388, %parallel_loop3A_397 : vector<16xf32>
            %parallel_loop3A_399 = arith.minimumf %parallel_loop3A_388, %parallel_loop3A_397 : vector<16xf32>
            %parallel_loop3A_400 = arith.maximumf %parallel_loop3A_390, %parallel_loop3A_260 : vector<16xf32>
            %parallel_loop3A_401 = arith.minimumf %parallel_loop3A_390, %parallel_loop3A_260 : vector<16xf32>
            %parallel_loop3A_402 = arith.maximumf %parallel_loop3A_392, %parallel_loop3A_401 : vector<16xf32>
            %parallel_loop3A_403 = arith.minimumf %parallel_loop3A_392, %parallel_loop3A_401 : vector<16xf32>
            %parallel_loop3A_404 = arith.maximumf %parallel_loop3A_394, %parallel_loop3A_403 : vector<16xf32>
            %parallel_loop3A_405 = arith.minimumf %parallel_loop3A_394, %parallel_loop3A_403 : vector<16xf32>
            %parallel_loop3A_406 = arith.maximumf %parallel_loop3A_396, %parallel_loop3A_405 : vector<16xf32>
            %parallel_loop3A_407 = arith.minimumf %parallel_loop3A_396, %parallel_loop3A_405 : vector<16xf32>
            %parallel_loop3A_408 = arith.maximumf %parallel_loop3A_398, %parallel_loop3A_407 : vector<16xf32>
            %parallel_loop3A_409 = arith.minimumf %parallel_loop3A_398, %parallel_loop3A_407 : vector<16xf32>
            %parallel_loop3A_410 = arith.maximumf %parallel_loop3A_400, %parallel_loop3A_265 : vector<16xf32>
            %parallel_loop3A_411 = arith.minimumf %parallel_loop3A_400, %parallel_loop3A_265 : vector<16xf32>
            %parallel_loop3A_412 = arith.maximumf %parallel_loop3A_402, %parallel_loop3A_411 : vector<16xf32>
            %parallel_loop3A_413 = arith.minimumf %parallel_loop3A_402, %parallel_loop3A_411 : vector<16xf32>
            %parallel_loop3A_414 = arith.maximumf %parallel_loop3A_404, %parallel_loop3A_413 : vector<16xf32>
            %parallel_loop3A_415 = arith.minimumf %parallel_loop3A_404, %parallel_loop3A_413 : vector<16xf32>
            %parallel_loop3A_416 = arith.maximumf %parallel_loop3A_406, %parallel_loop3A_415 : vector<16xf32>
            %parallel_loop3A_417 = arith.minimumf %parallel_loop3A_406, %parallel_loop3A_415 : vector<16xf32>
            %parallel_loop3A_418 = arith.maximumf %parallel_loop3A_408, %parallel_loop3A_417 : vector<16xf32>
            %parallel_loop3A_419 = arith.minimumf %parallel_loop3A_408, %parallel_loop3A_417 : vector<16xf32>
            %parallel_loop3A_420 = arith.maximumf %parallel_loop3A_410, %parallel_loop3A_270 : vector<16xf32>
            %parallel_loop3A_421 = arith.minimumf %parallel_loop3A_410, %parallel_loop3A_270 : vector<16xf32>
            %parallel_loop3A_422 = arith.maximumf %parallel_loop3A_412, %parallel_loop3A_421 : vector<16xf32>
            %parallel_loop3A_423 = arith.minimumf %parallel_loop3A_412, %parallel_loop3A_421 : vector<16xf32>
            %parallel_loop3A_424 = arith.maximumf %parallel_loop3A_414, %parallel_loop3A_423 : vector<16xf32>
            %parallel_loop3A_425 = arith.minimumf %parallel_loop3A_414, %parallel_loop3A_423 : vector<16xf32>
            %parallel_loop3A_426 = arith.maximumf %parallel_loop3A_416, %parallel_loop3A_425 : vector<16xf32>
            %parallel_loop3A_427 = arith.minimumf %parallel_loop3A_416, %parallel_loop3A_425 : vector<16xf32>
            %parallel_loop3A_428 = arith.maximumf %parallel_loop3A_418, %parallel_loop3A_427 : vector<16xf32>
            %parallel_loop3A_429 = arith.minimumf %parallel_loop3A_418, %parallel_loop3A_427 : vector<16xf32>
            %parallel_loop3A_430 = arith.maximumf %parallel_loop3A_420, %parallel_loop3A_275 : vector<16xf32>
            %parallel_loop3A_431 = arith.minimumf %parallel_loop3A_420, %parallel_loop3A_275 : vector<16xf32>
            %parallel_loop3A_432 = arith.maximumf %parallel_loop3A_422, %parallel_loop3A_431 : vector<16xf32>
            %parallel_loop3A_433 = arith.minimumf %parallel_loop3A_422, %parallel_loop3A_431 : vector<16xf32>
            %parallel_loop3A_434 = arith.maximumf %parallel_loop3A_424, %parallel_loop3A_433 : vector<16xf32>
            %parallel_loop3A_435 = arith.minimumf %parallel_loop3A_424, %parallel_loop3A_433 : vector<16xf32>
            %parallel_loop3A_436 = arith.maximumf %parallel_loop3A_426, %parallel_loop3A_435 : vector<16xf32>
            %parallel_loop3A_437 = arith.minimumf %parallel_loop3A_426, %parallel_loop3A_435 : vector<16xf32>
            %parallel_loop3A_438 = arith.maximumf %parallel_loop3A_428, %parallel_loop3A_437 : vector<16xf32>
            %parallel_loop3A_439 = arith.minimumf %parallel_loop3A_428, %parallel_loop3A_437 : vector<16xf32>
            %parallel_loop3A_440 = arith.maximumf %parallel_loop3A_430, %parallel_loop3A_280 : vector<16xf32>
            %parallel_loop3A_441 = arith.minimumf %parallel_loop3A_430, %parallel_loop3A_280 : vector<16xf32>
            %parallel_loop3A_442 = arith.maximumf %parallel_loop3A_432, %parallel_loop3A_441 : vector<16xf32>
            %parallel_loop3A_443 = arith.minimumf %parallel_loop3A_432, %parallel_loop3A_441 : vector<16xf32>
            %parallel_loop3A_444 = arith.maximumf %parallel_loop3A_434, %parallel_loop3A_443 : vector<16xf32>
            %parallel_loop3A_445 = arith.minimumf %parallel_loop3A_434, %parallel_loop3A_443 : vector<16xf32>
            %parallel_loop3A_446 = arith.maximumf %parallel_loop3A_436, %parallel_loop3A_445 : vector<16xf32>
            %parallel_loop3A_447 = arith.minimumf %parallel_loop3A_436, %parallel_loop3A_445 : vector<16xf32>
            %parallel_loop3A_448 = arith.maximumf %parallel_loop3A_438, %parallel_loop3A_447 : vector<16xf32>
            %parallel_loop3A_449 = arith.minimumf %parallel_loop3A_438, %parallel_loop3A_447 : vector<16xf32>
            %parallel_loop3A_450 = arith.maximumf %parallel_loop3A_440, %parallel_loop3A_285 : vector<16xf32>
            %parallel_loop3A_451 = arith.minimumf %parallel_loop3A_440, %parallel_loop3A_285 : vector<16xf32>
            %parallel_loop3A_452 = arith.maximumf %parallel_loop3A_442, %parallel_loop3A_451 : vector<16xf32>
            %parallel_loop3A_453 = arith.minimumf %parallel_loop3A_442, %parallel_loop3A_451 : vector<16xf32>
            %parallel_loop3A_454 = arith.maximumf %parallel_loop3A_444, %parallel_loop3A_453 : vector<16xf32>
            %parallel_loop3A_455 = arith.minimumf %parallel_loop3A_444, %parallel_loop3A_453 : vector<16xf32>
            %parallel_loop3A_456 = arith.maximumf %parallel_loop3A_446, %parallel_loop3A_455 : vector<16xf32>
            %parallel_loop3A_457 = arith.minimumf %parallel_loop3A_446, %parallel_loop3A_455 : vector<16xf32>
            %parallel_loop3A_458 = arith.maximumf %parallel_loop3A_448, %parallel_loop3A_457 : vector<16xf32>
            %parallel_loop3A_459 = arith.minimumf %parallel_loop3A_448, %parallel_loop3A_457 : vector<16xf32>
            %parallel_loop3A_460 = arith.maximumf %parallel_loop3A_450, %parallel_loop3A_290 : vector<16xf32>
            %parallel_loop3A_461 = arith.minimumf %parallel_loop3A_450, %parallel_loop3A_290 : vector<16xf32>
            %parallel_loop3A_462 = arith.maximumf %parallel_loop3A_452, %parallel_loop3A_461 : vector<16xf32>
            %parallel_loop3A_463 = arith.minimumf %parallel_loop3A_452, %parallel_loop3A_461 : vector<16xf32>
            %parallel_loop3A_464 = arith.maximumf %parallel_loop3A_454, %parallel_loop3A_463 : vector<16xf32>
            %parallel_loop3A_465 = arith.minimumf %parallel_loop3A_454, %parallel_loop3A_463 : vector<16xf32>
            %parallel_loop3A_466 = arith.maximumf %parallel_loop3A_456, %parallel_loop3A_465 : vector<16xf32>
            %parallel_loop3A_467 = arith.minimumf %parallel_loop3A_456, %parallel_loop3A_465 : vector<16xf32>
            %parallel_loop3A_468 = arith.maximumf %parallel_loop3A_458, %parallel_loop3A_467 : vector<16xf32>
            %parallel_loop3A_469 = arith.minimumf %parallel_loop3A_458, %parallel_loop3A_467 : vector<16xf32>
            %parallel_loop3A_470 = arith.maximumf %parallel_loop3A_460, %parallel_loop3A_295 : vector<16xf32>
            %parallel_loop3A_471 = arith.minimumf %parallel_loop3A_460, %parallel_loop3A_295 : vector<16xf32>
            %parallel_loop3A_472 = arith.maximumf %parallel_loop3A_462, %parallel_loop3A_471 : vector<16xf32>
            %parallel_loop3A_473 = arith.minimumf %parallel_loop3A_462, %parallel_loop3A_471 : vector<16xf32>
            %parallel_loop3A_474 = arith.maximumf %parallel_loop3A_464, %parallel_loop3A_473 : vector<16xf32>
            %parallel_loop3A_475 = arith.minimumf %parallel_loop3A_464, %parallel_loop3A_473 : vector<16xf32>
            %parallel_loop3A_476 = arith.maximumf %parallel_loop3A_466, %parallel_loop3A_475 : vector<16xf32>
            %parallel_loop3A_477 = arith.minimumf %parallel_loop3A_466, %parallel_loop3A_475 : vector<16xf32>
            %parallel_loop3A_478 = arith.maximumf %parallel_loop3A_468, %parallel_loop3A_477 : vector<16xf32>
            %parallel_loop3A_479 = arith.minimumf %parallel_loop3A_468, %parallel_loop3A_477 : vector<16xf32>
            %parallel_loop3A_480 = arith.maximumf %parallel_loop3A_470, %parallel_loop3A_300 : vector<16xf32>
            %parallel_loop3A_481 = arith.minimumf %parallel_loop3A_470, %parallel_loop3A_300 : vector<16xf32>
            %parallel_loop3A_482 = arith.maximumf %parallel_loop3A_472, %parallel_loop3A_481 : vector<16xf32>
            %parallel_loop3A_483 = arith.minimumf %parallel_loop3A_472, %parallel_loop3A_481 : vector<16xf32>
            %parallel_loop3A_484 = arith.maximumf %parallel_loop3A_474, %parallel_loop3A_483 : vector<16xf32>
            %parallel_loop3A_485 = arith.minimumf %parallel_loop3A_474, %parallel_loop3A_483 : vector<16xf32>
            %parallel_loop3A_486 = arith.maximumf %parallel_loop3A_476, %parallel_loop3A_485 : vector<16xf32>
            %parallel_loop3A_487 = arith.minimumf %parallel_loop3A_476, %parallel_loop3A_485 : vector<16xf32>
            %parallel_loop3A_488 = arith.maximumf %parallel_loop3A_478, %parallel_loop3A_487 : vector<16xf32>
            %parallel_loop3A_489 = arith.minimumf %parallel_loop3A_478, %parallel_loop3A_487 : vector<16xf32>
            %parallel_loop3A_490 = arith.maximumf %parallel_loop3A_480, %parallel_loop3A_305 : vector<16xf32>
            %parallel_loop3A_491 = arith.minimumf %parallel_loop3A_480, %parallel_loop3A_305 : vector<16xf32>
            %parallel_loop3A_492 = arith.maximumf %parallel_loop3A_482, %parallel_loop3A_491 : vector<16xf32>
            %parallel_loop3A_493 = arith.minimumf %parallel_loop3A_482, %parallel_loop3A_491 : vector<16xf32>
            %parallel_loop3A_494 = arith.maximumf %parallel_loop3A_484, %parallel_loop3A_493 : vector<16xf32>
            %parallel_loop3A_495 = arith.minimumf %parallel_loop3A_484, %parallel_loop3A_493 : vector<16xf32>
            %parallel_loop3A_496 = arith.maximumf %parallel_loop3A_486, %parallel_loop3A_495 : vector<16xf32>
            %parallel_loop3A_497 = arith.minimumf %parallel_loop3A_486, %parallel_loop3A_495 : vector<16xf32>
            %parallel_loop3A_498 = arith.maximumf %parallel_loop3A_488, %parallel_loop3A_497 : vector<16xf32>
            %parallel_loop3A_499 = arith.minimumf %parallel_loop3A_488, %parallel_loop3A_497 : vector<16xf32>
            %parallel_loop3A_500 = arith.maximumf %parallel_loop3A_490, %parallel_loop3A_310 : vector<16xf32>
            %parallel_loop3A_501 = arith.minimumf %parallel_loop3A_490, %parallel_loop3A_310 : vector<16xf32>
            %parallel_loop3A_502 = arith.maximumf %parallel_loop3A_492, %parallel_loop3A_501 : vector<16xf32>
            %parallel_loop3A_503 = arith.minimumf %parallel_loop3A_492, %parallel_loop3A_501 : vector<16xf32>
            %parallel_loop3A_504 = arith.maximumf %parallel_loop3A_494, %parallel_loop3A_503 : vector<16xf32>
            %parallel_loop3A_505 = arith.minimumf %parallel_loop3A_494, %parallel_loop3A_503 : vector<16xf32>
            %parallel_loop3A_506 = arith.maximumf %parallel_loop3A_496, %parallel_loop3A_505 : vector<16xf32>
            %parallel_loop3A_507 = arith.minimumf %parallel_loop3A_496, %parallel_loop3A_505 : vector<16xf32>
            %parallel_loop3A_508 = arith.maximumf %parallel_loop3A_498, %parallel_loop3A_507 : vector<16xf32>
            %parallel_loop3A_509 = arith.minimumf %parallel_loop3A_498, %parallel_loop3A_507 : vector<16xf32>
            %parallel_loop3A_510 = arith.maximumf %parallel_loop3A_500, %parallel_loop3A_315 : vector<16xf32>
            %parallel_loop3A_511 = arith.minimumf %parallel_loop3A_500, %parallel_loop3A_315 : vector<16xf32>
            %parallel_loop3A_512 = arith.maximumf %parallel_loop3A_502, %parallel_loop3A_511 : vector<16xf32>
            %parallel_loop3A_513 = arith.minimumf %parallel_loop3A_502, %parallel_loop3A_511 : vector<16xf32>
            %parallel_loop3A_514 = arith.maximumf %parallel_loop3A_504, %parallel_loop3A_513 : vector<16xf32>
            %parallel_loop3A_515 = arith.minimumf %parallel_loop3A_504, %parallel_loop3A_513 : vector<16xf32>
            %parallel_loop3A_516 = arith.maximumf %parallel_loop3A_506, %parallel_loop3A_515 : vector<16xf32>
            %parallel_loop3A_517 = arith.minimumf %parallel_loop3A_506, %parallel_loop3A_515 : vector<16xf32>
            %parallel_loop3A_518 = arith.maximumf %parallel_loop3A_508, %parallel_loop3A_517 : vector<16xf32>
            %parallel_loop3A_519 = arith.minimumf %parallel_loop3A_508, %parallel_loop3A_517 : vector<16xf32>
            %parallel_loop3A_520 = arith.maximumf %parallel_loop3A_510, %parallel_loop3A_320 : vector<16xf32>
            %parallel_loop3A_521 = arith.minimumf %parallel_loop3A_510, %parallel_loop3A_320 : vector<16xf32>
            %parallel_loop3A_522 = arith.maximumf %parallel_loop3A_512, %parallel_loop3A_521 : vector<16xf32>
            %parallel_loop3A_523 = arith.minimumf %parallel_loop3A_512, %parallel_loop3A_521 : vector<16xf32>
            %parallel_loop3A_524 = arith.maximumf %parallel_loop3A_514, %parallel_loop3A_523 : vector<16xf32>
            %parallel_loop3A_525 = arith.minimumf %parallel_loop3A_514, %parallel_loop3A_523 : vector<16xf32>
            %parallel_loop3A_526 = arith.maximumf %parallel_loop3A_516, %parallel_loop3A_525 : vector<16xf32>
            %parallel_loop3A_527 = arith.minimumf %parallel_loop3A_516, %parallel_loop3A_525 : vector<16xf32>
            %parallel_loop3A_528 = arith.maximumf %parallel_loop3A_518, %parallel_loop3A_527 : vector<16xf32>
            %parallel_loop3A_529 = arith.minimumf %parallel_loop3A_518, %parallel_loop3A_527 : vector<16xf32>
            %parallel_loop3A_530 = arith.maximumf %parallel_loop3A_520, %parallel_loop3A_325 : vector<16xf32>
            %parallel_loop3A_531 = arith.minimumf %parallel_loop3A_520, %parallel_loop3A_325 : vector<16xf32>
            %parallel_loop3A_532 = arith.maximumf %parallel_loop3A_522, %parallel_loop3A_531 : vector<16xf32>
            %parallel_loop3A_533 = arith.minimumf %parallel_loop3A_522, %parallel_loop3A_531 : vector<16xf32>
            %parallel_loop3A_534 = arith.maximumf %parallel_loop3A_524, %parallel_loop3A_533 : vector<16xf32>
            %parallel_loop3A_535 = arith.minimumf %parallel_loop3A_524, %parallel_loop3A_533 : vector<16xf32>
            %parallel_loop3A_536 = arith.maximumf %parallel_loop3A_526, %parallel_loop3A_535 : vector<16xf32>
            %parallel_loop3A_537 = arith.minimumf %parallel_loop3A_526, %parallel_loop3A_535 : vector<16xf32>
            %parallel_loop3A_538 = arith.maximumf %parallel_loop3A_528, %parallel_loop3A_537 : vector<16xf32>
            %parallel_loop3A_539 = arith.minimumf %parallel_loop3A_528, %parallel_loop3A_537 : vector<16xf32>
            %parallel_loop3A_540 = arith.maximumf %parallel_loop3A_530, %parallel_loop3A_330 : vector<16xf32>
            %parallel_loop3A_541 = arith.minimumf %parallel_loop3A_530, %parallel_loop3A_330 : vector<16xf32>
            %parallel_loop3A_542 = arith.maximumf %parallel_loop3A_532, %parallel_loop3A_541 : vector<16xf32>
            %parallel_loop3A_543 = arith.minimumf %parallel_loop3A_532, %parallel_loop3A_541 : vector<16xf32>
            %parallel_loop3A_544 = arith.maximumf %parallel_loop3A_534, %parallel_loop3A_543 : vector<16xf32>
            %parallel_loop3A_545 = arith.minimumf %parallel_loop3A_534, %parallel_loop3A_543 : vector<16xf32>
            %parallel_loop3A_546 = arith.maximumf %parallel_loop3A_536, %parallel_loop3A_545 : vector<16xf32>
            %parallel_loop3A_547 = arith.minimumf %parallel_loop3A_536, %parallel_loop3A_545 : vector<16xf32>
            %parallel_loop3A_548 = arith.maximumf %parallel_loop3A_538, %parallel_loop3A_547 : vector<16xf32>
            %parallel_loop3A_549 = arith.minimumf %parallel_loop3A_538, %parallel_loop3A_547 : vector<16xf32>
            %parallel_loop3A_550 = arith.maximumf %parallel_loop3A_540, %parallel_loop3A_335 : vector<16xf32>
            %parallel_loop3A_551 = arith.minimumf %parallel_loop3A_540, %parallel_loop3A_335 : vector<16xf32>
            %parallel_loop3A_552 = arith.maximumf %parallel_loop3A_542, %parallel_loop3A_551 : vector<16xf32>
            %parallel_loop3A_553 = arith.minimumf %parallel_loop3A_542, %parallel_loop3A_551 : vector<16xf32>
            %parallel_loop3A_554 = arith.maximumf %parallel_loop3A_544, %parallel_loop3A_553 : vector<16xf32>
            %parallel_loop3A_555 = arith.minimumf %parallel_loop3A_544, %parallel_loop3A_553 : vector<16xf32>
            %parallel_loop3A_556 = arith.maximumf %parallel_loop3A_546, %parallel_loop3A_555 : vector<16xf32>
            %parallel_loop3A_557 = arith.minimumf %parallel_loop3A_546, %parallel_loop3A_555 : vector<16xf32>
            %parallel_loop3A_558 = arith.maximumf %parallel_loop3A_548, %parallel_loop3A_557 : vector<16xf32>
            %parallel_loop3A_559 = arith.minimumf %parallel_loop3A_548, %parallel_loop3A_557 : vector<16xf32>
            %parallel_loop3A_560 = arith.maximumf %parallel_loop3A_550, %parallel_loop3A_340 : vector<16xf32>
            %parallel_loop3A_561 = arith.minimumf %parallel_loop3A_550, %parallel_loop3A_340 : vector<16xf32>
            %parallel_loop3A_562 = arith.maximumf %parallel_loop3A_552, %parallel_loop3A_561 : vector<16xf32>
            %parallel_loop3A_563 = arith.minimumf %parallel_loop3A_552, %parallel_loop3A_561 : vector<16xf32>
            %parallel_loop3A_564 = arith.maximumf %parallel_loop3A_554, %parallel_loop3A_563 : vector<16xf32>
            %parallel_loop3A_565 = arith.minimumf %parallel_loop3A_554, %parallel_loop3A_563 : vector<16xf32>
            %parallel_loop3A_566 = arith.maximumf %parallel_loop3A_556, %parallel_loop3A_565 : vector<16xf32>
            %parallel_loop3A_567 = arith.minimumf %parallel_loop3A_556, %parallel_loop3A_565 : vector<16xf32>
            %parallel_loop3A_568 = arith.maximumf %parallel_loop3A_558, %parallel_loop3A_567 : vector<16xf32>
            %parallel_loop3A_569 = arith.minimumf %parallel_loop3A_558, %parallel_loop3A_567 : vector<16xf32>
            scf.yield %parallel_loop3A_560, %parallel_loop3A_562, %parallel_loop3A_564, %parallel_loop3A_566, %parallel_loop3A_568 : vector<16xf32>, vector<16xf32>, vector<16xf32>, vector<16xf32>, vector<16xf32>
          } else {
            scf.yield %parallel_loop3A_234, %parallel_loop3A_235, %parallel_loop3A_236, %parallel_loop3A_237, %parallel_loop3A_238 : vector<16xf32>, vector<16xf32>, vector<16xf32>, vector<16xf32>, vector<16xf32>
          }
          scf.yield %parallel_loop3A_369#0, %parallel_loop3A_369#1, %parallel_loop3A_369#2, %parallel_loop3A_369#3, %parallel_loop3A_369#4 : vector<16xf32>, vector<16xf32>, vector<16xf32>, vector<16xf32>, vector<16xf32>
        } {sc.loop_unroll_factor = 5 : i64, sc.parallel_access}
        %parallel_loop3A_159 = arith.constant 6 : i32
        %parallel_loop3A_160 = arith.muli %parallel_loop3A_116, %parallel_loop3A_159 : i32
        %parallel_loop3A_161 = arith.constant 0 : i32
        %parallel_loop3A_162 = arith.addi %parallel_loop3A_160, %parallel_loop3A_161 : i32
        %parallel_loop3A_163 = arith.index_cast %parallel_loop3A_162 : i32 to index
        %parallel_loop3A_164 = arith.constant 0 : index
        %parallel_loop3A_165 = tpu.vector_load %arg6[%parallel_loop3A_163, %parallel_loop3A_164] {strides = array<i32>} : memref<48x16xf32, #tpu.memory_space<vmem>>, vector<16xf32>,
        tpu.vector_store %arg6[%parallel_loop3A_163, %parallel_loop3A_164], %parallel_loop3A_158#0 {strides = array<i32>} : memref<48x16xf32, #tpu.memory_space<vmem>>, vector<16xf32>,
        %parallel_loop3A_166 = arith.constant 6 : i32
        %parallel_loop3A_167 = arith.muli %parallel_loop3A_116, %parallel_loop3A_166 : i32
        %parallel_loop3A_168 = arith.constant 1 : i32
        %parallel_loop3A_169 = arith.addi %parallel_loop3A_167, %parallel_loop3A_168 : i32
        %parallel_loop3A_170 = arith.index_cast %parallel_loop3A_169 : i32 to index
        %parallel_loop3A_171 = arith.constant 0 : index
        %parallel_loop3A_172 = tpu.vector_load %arg6[%parallel_loop3A_170, %parallel_loop3A_171] {strides = array<i32>} : memref<48x16xf32, #tpu.memory_space<vmem>>, vector<16xf32>,
        tpu.vector_store %arg6[%parallel_loop3A_170, %parallel_loop3A_171], %parallel_loop3A_158#1 {strides = array<i32>} : memref<48x16xf32, #tpu.memory_space<vmem>>, vector<16xf32>,
        %parallel_loop3A_173 = arith.constant 6 : i32
        %parallel_loop3A_174 = arith.muli %parallel_loop3A_116, %parallel_loop3A_173 : i32
        %parallel_loop3A_175 = arith.constant 2 : i32
        %parallel_loop3A_176 = arith.addi %parallel_loop3A_174, %parallel_loop3A_175 : i32
        %parallel_loop3A_177 = arith.index_cast %parallel_loop3A_176 : i32 to index
        %parallel_loop3A_178 = arith.constant 0 : index
        %parallel_loop3A_179 = tpu.vector_load %arg6[%parallel_loop3A_177, %parallel_loop3A_178] {strides = array<i32>} : memref<48x16xf32, #tpu.memory_space<vmem>>, vector<16xf32>,
        tpu.vector_store %arg6[%parallel_loop3A_177, %parallel_loop3A_178], %parallel_loop3A_158#2 {strides = array<i32>} : memref<48x16xf32, #tpu.memory_space<vmem>>, vector<16xf32>,
        %parallel_loop3A_180 = arith.constant 6 : i32
        %parallel_loop3A_181 = arith.muli %parallel_loop3A_116, %parallel_loop3A_180 : i32
        %parallel_loop3A_182 = arith.constant 3 : i32
        %parallel_loop3A_183 = arith.addi %parallel_loop3A_181, %parallel_loop3A_182 : i32
        %parallel_loop3A_184 = arith.index_cast %parallel_loop3A_183 : i32 to index
        %parallel_loop3A_185 = arith.constant 0 : index
        %parallel_loop3A_186 = tpu.vector_load %arg6[%parallel_loop3A_184, %parallel_loop3A_185] {strides = array<i32>} : memref<48x16xf32, #tpu.memory_space<vmem>>, vector<16xf32>,
        tpu.vector_store %arg6[%parallel_loop3A_184, %parallel_loop3A_185], %parallel_loop3A_158#3 {strides = array<i32>} : memref<48x16xf32, #tpu.memory_space<vmem>>, vector<16xf32>,
        %parallel_loop3A_187 = arith.constant 6 : i32
        %parallel_loop3A_188 = arith.muli %parallel_loop3A_116, %parallel_loop3A_187 : i32
        %parallel_loop3A_189 = arith.constant 4 : i32
        %parallel_loop3A_190 = arith.addi %parallel_loop3A_188, %parallel_loop3A_189 : i32
        %parallel_loop3A_191 = arith.index_cast %parallel_loop3A_190 : i32 to index
        %parallel_loop3A_192 = arith.constant 0 : index
        %parallel_loop3A_193 = tpu.vector_load %arg6[%parallel_loop3A_191, %parallel_loop3A_192] {strides = array<i32>} : memref<48x16xf32, #tpu.memory_space<vmem>>, vector<16xf32>,
        tpu.vector_store %arg6[%parallel_loop3A_191, %parallel_loop3A_192], %parallel_loop3A_158#4 {strides = array<i32>} : memref<48x16xf32, #tpu.memory_space<vmem>>, vector<16xf32>,
        %parallel_loop3A_194 = arith.index_cast %parallel_loop3A_154 : i32 to index
        %parallel_loop3A_195 = tpu.vector_load %arg5[%parallel_loop3A_194] {strides = array<i32>} : memref<128xi32, #tpu.memory_space<vmem>>, vector<16xi32>,
        %parallel_loop3A_196 = arith.constant 0 : i32
        %parallel_loop3A_197 = vector.broadcast %parallel_loop3A_196 : i32 to vector<16xi32>
        %parallel_loop3A_198 = arith.maxsi %parallel_loop3A_195, %parallel_loop3A_197 : vector<16xi32>
        %parallel_loop3A_199 = arith.constant 99999 : i32
        %parallel_loop3A_200 = vector.broadcast %parallel_loop3A_199 : i32 to vector<16xi32>
        %parallel_loop3A_201 = arith.minsi %parallel_loop3A_198, %parallel_loop3A_200 : vector<16xi32>
        %parallel_loop3A_202 = vector.broadcast %add3A_80 : i32 to vector<16xi32>
        %parallel_loop3A_203 = arith.cmpi sge, %parallel_loop3A_201, %parallel_loop3A_202 : vector<16xi32>
        %parallel_loop3A_204 = arith.constant 200 : i32
        %parallel_loop3A_205 = arith.addi %add3A_80, %parallel_loop3A_204 : i32
        %parallel_loop3A_206 = vector.broadcast %parallel_loop3A_205 : i32 to vector<16xi32>
        %parallel_loop3A_207 = arith.cmpi slt, %parallel_loop3A_201, %parallel_loop3A_206 : vector<16xi32>
        %parallel_loop3A_208 = arith.andi %parallel_loop3A_203, %parallel_loop3A_207 : vector<16xi1>
        %parallel_loop3A_209 = vector.broadcast %add3A_80 : i32 to vector<16xi32>
        %parallel_loop3A_210 = arith.subi %parallel_loop3A_201, %parallel_loop3A_209 : vector<16xi32>
        %parallel_loop3A_211 = arith.constant 0 : i32
        %parallel_loop3A_212 = vector.broadcast %parallel_loop3A_211 : i32 to vector<16xi32>
        %parallel_loop3A_213 = arith.select %parallel_loop3A_208, %parallel_loop3A_210, %parallel_loop3A_212 : vector<16xi1>, vector<16xi32>
        %parallel_loop3A_214 = tpu.iota {dimensions = array<i32: 0>} : vector<16xi32>
        %parallel_loop3A_215 = vector.broadcast %parallel_loop3A_154 : i32 to vector<16xi32>
        %parallel_loop3A_216 = arith.addi %parallel_loop3A_214, %parallel_loop3A_215 : vector<16xi32>
        %parallel_loop3A_217 = tpu.vector_load_idx %arg9[%parallel_loop3A_213, %parallel_loop3A_216] : memref<200x128xf32, #tpu.memory_space<vmem>>[vector<16xi32>, vector<16xi32>], vector<16xf32>,
        %parallel_loop3A_218 = arith.constant 6 : i32
        %parallel_loop3A_219 = arith.muli %parallel_loop3A_116, %parallel_loop3A_218 : i32
        %parallel_loop3A_220 = arith.constant 5 : i32
        %parallel_loop3A_221 = arith.addi %parallel_loop3A_219, %parallel_loop3A_220 : i32
        %parallel_loop3A_222 = arith.index_cast %parallel_loop3A_221 : i32 to index
        %parallel_loop3A_223 = arith.constant 0 : index
        %parallel_loop3A_224 = tpu.vector_load %arg6[%parallel_loop3A_222, %parallel_loop3A_223] {strides = array<i32>} : memref<48x16xf32, #tpu.memory_space<vmem>>, vector<16xf32>,
        %parallel_loop3A_225 = arith.select %parallel_loop3A_208, %parallel_loop3A_217, %parallel_loop3A_224 : vector<16xi1>, vector<16xf32>
        %parallel_loop3A_226 = arith.constant 6 : i32
        %parallel_loop3A_227 = arith.muli %parallel_loop3A_116, %parallel_loop3A_226 : i32
        %parallel_loop3A_228 = arith.constant 5 : i32
        %parallel_loop3A_229 = arith.addi %parallel_loop3A_227, %parallel_loop3A_228 : i32
        %parallel_loop3A_230 = arith.index_cast %parallel_loop3A_229 : i32 to index
        %parallel_loop3A_231 = arith.constant 0 : index
        %parallel_loop3A_232 = tpu.vector_load %arg6[%parallel_loop3A_230, %parallel_loop3A_231] {strides = array<i32>} : memref<48x16xf32, #tpu.memory_space<vmem>>, vector<16xf32>,
        tpu.vector_store %arg6[%parallel_loop3A_230, %parallel_loop3A_231], %parallel_loop3A_225 {strides = array<i32>} : memref<48x16xf32, #tpu.memory_space<vmem>>, vector<16xf32>,
        scf.yield %parallel_loop3A_117 : i32
      } {sc.loop_unroll_factor = 2 : i64, sc.parallel_access}
      %add3A_86 = arith.constant 2 : i32
      %add3A_87 = arith.addi %mul3A_71, %add3A_86 : i32
      %lt3A_88 = arith.constant 125 : i32
      %lt3A_89 = arith.cmpi slt, %add3A_87, %lt3A_88 : i32
      %convert_element_type3A_90 = arith.extui %lt3A_89 : i1 to i32
      %cond3A_91 = arith.constant 0 : i32
      %cond3A_92 = arith.cmpi ne, %convert_element_type3A_90, %cond3A_91 : i32
      scf.if %cond3A_92 {
        %add3A_116 = arith.constant 2 : i32
        %add3A_117 = arith.addi %mul3A_71, %add3A_116 : i32
        %mul3A_118 = arith.constant 200 : i32
        %mul3A_119 = arith.muli %add3A_117, %mul3A_118 : i32
        %add3A_120 = arith.addi %mul3A_34, %mul3A_119 : i32
        %dma_start3A_121 = tpu.memref_slice %arg2[%add3A_120, %mul3A_32] : memref<100000x1024xf32, #tpu.memory_space<hbm>> -> memref<200x128xf32, #tpu.memory_space<hbm>>
        %dma_start3A_122 = tpu.memref_slice %arg2[%add3A_120, %mul3A_32] : memref<100000x1024xf32, #tpu.memory_space<hbm>> -> memref<200x128xf32, #tpu.memory_space<hbm>>
        tpu.enqueue_dma source(%dma_start3A_122 : memref<200x128xf32, #tpu.memory_space<hbm>>) target(%arg9 : memref<200x128xf32, #tpu.memory_space<vmem>>) target_semaphore(%arg12 : memref<!tpu.dma_semaphore, #tpu.memory_space<semaphore_mem>>)
      } else {
      }
      %dma_wait3A_93 = arith.constant 0 : i32
      %dma_wait3A_94 = arith.constant 0 : i32
      %dma_wait3A_95 = tpu.memref_slice %arg2[%dma_wait3A_93, %dma_wait3A_94] : memref<100000x1024xf32, #tpu.memory_space<hbm>> -> memref<200x128xf32, #tpu.memory_space<hbm>>
      %dma_wait3A_96 = arith.constant 0 : i32
      %dma_wait3A_97 = arith.constant 0 : i32
      %dma_wait3A_98 = tpu.memref_slice %arg2[%dma_wait3A_96, %dma_wait3A_97] : memref<100000x1024xf32, #tpu.memory_space<hbm>> -> memref<200x128xf32, #tpu.memory_space<hbm>>
      tpu.wait_dma2 semaphore(%arg13 : memref<!tpu.dma_semaphore, #tpu.memory_space<semaphore_mem>>) src(%dma_wait3A_98 : memref<200x128xf32, #tpu.memory_space<hbm>>) dst(%arg10 : memref<200x128xf32, #tpu.memory_space<vmem>>)
      %add3A_99 = arith.constant 1 : i32
      %add3A_100 = arith.addi %mul3A_71, %add3A_99 : i32
      %mul3A_101 = arith.constant 200 : i32
      %mul3A_102 = arith.muli %add3A_100, %mul3A_101 : i32
      %add3A_103 = arith.addi %mul3A_34, %mul3A_102 : i32
      %parallel_loop3A_104 = arith.constant 0 : i32
      %parallel_loop3A_105 = arith.constant 8 : i32
      %parallel_loop3A_106 = arith.constant 1 : i32
      %parallel_loop3A_107 = arith.constant 0 : i32
      %parallel_loop3A_108 = scf.for %parallel_loop3A_116 = %parallel_loop3A_104 to %parallel_loop3A_105 step %parallel_loop3A_106 iter_args(%parallel_loop3A_117 = %parallel_loop3A_107) -> (i32)  : i32 {
        %parallel_loop3A_118 = arith.constant 6 : i32
        %parallel_loop3A_119 = arith.muli %parallel_loop3A_116, %parallel_loop3A_118 : i32
        %parallel_loop3A_120 = arith.constant 0 : i32
        %parallel_loop3A_121 = arith.addi %parallel_loop3A_119, %parallel_loop3A_120 : i32
        %parallel_loop3A_122 = arith.index_cast %parallel_loop3A_121 : i32 to index
        %parallel_loop3A_123 = arith.constant 0 : index
        %parallel_loop3A_124 = tpu.vector_load %arg6[%parallel_loop3A_122, %parallel_loop3A_123] {strides = array<i32>} : memref<48x16xf32, #tpu.memory_space<vmem>>, vector<16xf32>,
        %parallel_loop3A_125 = arith.constant 6 : i32
        %parallel_loop3A_126 = arith.muli %parallel_loop3A_116, %parallel_loop3A_125 : i32
        %parallel_loop3A_127 = arith.constant 1 : i32
        %parallel_loop3A_128 = arith.addi %parallel_loop3A_126, %parallel_loop3A_127 : i32
        %parallel_loop3A_129 = arith.index_cast %parallel_loop3A_128 : i32 to index
        %parallel_loop3A_130 = arith.constant 0 : index
        %parallel_loop3A_131 = tpu.vector_load %arg6[%parallel_loop3A_129, %parallel_loop3A_130] {strides = array<i32>} : memref<48x16xf32, #tpu.memory_space<vmem>>, vector<16xf32>,
        %parallel_loop3A_132 = arith.constant 6 : i32
        %parallel_loop3A_133 = arith.muli %parallel_loop3A_116, %parallel_loop3A_132 : i32
        %parallel_loop3A_134 = arith.constant 2 : i32
        %parallel_loop3A_135 = arith.addi %parallel_loop3A_133, %parallel_loop3A_134 : i32
        %parallel_loop3A_136 = arith.index_cast %parallel_loop3A_135 : i32 to index
        %parallel_loop3A_137 = arith.constant 0 : index
        %parallel_loop3A_138 = tpu.vector_load %arg6[%parallel_loop3A_136, %parallel_loop3A_137] {strides = array<i32>} : memref<48x16xf32, #tpu.memory_space<vmem>>, vector<16xf32>,
        %parallel_loop3A_139 = arith.constant 6 : i32
        %parallel_loop3A_140 = arith.muli %parallel_loop3A_116, %parallel_loop3A_139 : i32
        %parallel_loop3A_141 = arith.constant 3 : i32
        %parallel_loop3A_142 = arith.addi %parallel_loop3A_140, %parallel_loop3A_141 : i32
        %parallel_loop3A_143 = arith.index_cast %parallel_loop3A_142 : i32 to index
        %parallel_loop3A_144 = arith.constant 0 : index
        %parallel_loop3A_145 = tpu.vector_load %arg6[%parallel_loop3A_143, %parallel_loop3A_144] {strides = array<i32>} : memref<48x16xf32, #tpu.memory_space<vmem>>, vector<16xf32>,
        %parallel_loop3A_146 = arith.constant 6 : i32
        %parallel_loop3A_147 = arith.muli %parallel_loop3A_116, %parallel_loop3A_146 : i32
        %parallel_loop3A_148 = arith.constant 4 : i32
        %parallel_loop3A_149 = arith.addi %parallel_loop3A_147, %parallel_loop3A_148 : i32
        %parallel_loop3A_150 = arith.index_cast %parallel_loop3A_149 : i32 to index
        %parallel_loop3A_151 = arith.constant 0 : index
        %parallel_loop3A_152 = tpu.vector_load %arg6[%parallel_loop3A_150, %parallel_loop3A_151] {strides = array<i32>} : memref<48x16xf32, #tpu.memory_space<vmem>>, vector<16xf32>,
        %parallel_loop3A_153 = arith.constant 16 : i32
        %parallel_loop3A_154 = arith.muli %parallel_loop3A_116, %parallel_loop3A_153 : i32
        %parallel_loop3A_155 = arith.constant 0 : i32
        %parallel_loop3A_156 = arith.constant 10 : i32
        %parallel_loop3A_157 = arith.constant 1 : i32
        %parallel_loop3A_158:5 = scf.for %parallel_loop3A_233 = %parallel_loop3A_155 to %parallel_loop3A_156 step %parallel_loop3A_157 iter_args(%parallel_loop3A_234 = %parallel_loop3A_124, %parallel_loop3A_235 = %parallel_loop3A_131, %parallel_loop3A_236 = %parallel_loop3A_138, %parallel_loop3A_237 = %parallel_loop3A_145, %parallel_loop3A_238 = %parallel_loop3A_152) -> (vector<16xf32>, vector<16xf32>, vector<16xf32>, vector<16xf32>, vector<16xf32>)  : i32 {
          %parallel_loop3A_239 = arith.constant 20 : i32
          %parallel_loop3A_240 = arith.muli %parallel_loop3A_233, %parallel_loop3A_239 : i32
          %parallel_loop3A_241 = arith.constant 0 : i32
          %parallel_loop3A_242 = arith.addi %parallel_loop3A_240, %parallel_loop3A_241 : i32
          %parallel_loop3A_243 = arith.index_cast %parallel_loop3A_242 : i32 to index
          %parallel_loop3A_244 = arith.index_cast %parallel_loop3A_154 : i32 to index
          %parallel_loop3A_245 = tpu.vector_load %arg10[%parallel_loop3A_243, %parallel_loop3A_244] {strides = array<i32>} : memref<200x128xf32, #tpu.memory_space<vmem>>, vector<16xf32>,
          %parallel_loop3A_246 = arith.constant 1 : i32
          %parallel_loop3A_247 = arith.addi %parallel_loop3A_240, %parallel_loop3A_246 : i32
          %parallel_loop3A_248 = arith.index_cast %parallel_loop3A_247 : i32 to index
          %parallel_loop3A_249 = arith.index_cast %parallel_loop3A_154 : i32 to index
          %parallel_loop3A_250 = tpu.vector_load %arg10[%parallel_loop3A_248, %parallel_loop3A_249] {strides = array<i32>} : memref<200x128xf32, #tpu.memory_space<vmem>>, vector<16xf32>,
          %parallel_loop3A_251 = arith.constant 2 : i32
          %parallel_loop3A_252 = arith.addi %parallel_loop3A_240, %parallel_loop3A_251 : i32
          %parallel_loop3A_253 = arith.index_cast %parallel_loop3A_252 : i32 to index
          %parallel_loop3A_254 = arith.index_cast %parallel_loop3A_154 : i32 to index
          %parallel_loop3A_255 = tpu.vector_load %arg10[%parallel_loop3A_253, %parallel_loop3A_254] {strides = array<i32>} : memref<200x128xf32, #tpu.memory_space<vmem>>, vector<16xf32>,
          %parallel_loop3A_256 = arith.constant 3 : i32
          %parallel_loop3A_257 = arith.addi %parallel_loop3A_240, %parallel_loop3A_256 : i32
          %parallel_loop3A_258 = arith.index_cast %parallel_loop3A_257 : i32 to index
          %parallel_loop3A_259 = arith.index_cast %parallel_loop3A_154 : i32 to index
          %parallel_loop3A_260 = tpu.vector_load %arg10[%parallel_loop3A_258, %parallel_loop3A_259] {strides = array<i32>} : memref<200x128xf32, #tpu.memory_space<vmem>>, vector<16xf32>,
          %parallel_loop3A_261 = arith.constant 4 : i32
          %parallel_loop3A_262 = arith.addi %parallel_loop3A_240, %parallel_loop3A_261 : i32
          %parallel_loop3A_263 = arith.index_cast %parallel_loop3A_262 : i32 to index
          %parallel_loop3A_264 = arith.index_cast %parallel_loop3A_154 : i32 to index
          %parallel_loop3A_265 = tpu.vector_load %arg10[%parallel_loop3A_263, %parallel_loop3A_264] {strides = array<i32>} : memref<200x128xf32, #tpu.memory_space<vmem>>, vector<16xf32>,
          %parallel_loop3A_266 = arith.constant 5 : i32
          %parallel_loop3A_267 = arith.addi %parallel_loop3A_240, %parallel_loop3A_266 : i32
          %parallel_loop3A_268 = arith.index_cast %parallel_loop3A_267 : i32 to index
          %parallel_loop3A_269 = arith.index_cast %parallel_loop3A_154 : i32 to index
          %parallel_loop3A_270 = tpu.vector_load %arg10[%parallel_loop3A_268, %parallel_loop3A_269] {strides = array<i32>} : memref<200x128xf32, #tpu.memory_space<vmem>>, vector<16xf32>,
          %parallel_loop3A_271 = arith.constant 6 : i32
          %parallel_loop3A_272 = arith.addi %parallel_loop3A_240, %parallel_loop3A_271 : i32
          %parallel_loop3A_273 = arith.index_cast %parallel_loop3A_272 : i32 to index
          %parallel_loop3A_274 = arith.index_cast %parallel_loop3A_154 : i32 to index
          %parallel_loop3A_275 = tpu.vector_load %arg10[%parallel_loop3A_273, %parallel_loop3A_274] {strides = array<i32>} : memref<200x128xf32, #tpu.memory_space<vmem>>, vector<16xf32>,
          %parallel_loop3A_276 = arith.constant 7 : i32
          %parallel_loop3A_277 = arith.addi %parallel_loop3A_240, %parallel_loop3A_276 : i32
          %parallel_loop3A_278 = arith.index_cast %parallel_loop3A_277 : i32 to index
          %parallel_loop3A_279 = arith.index_cast %parallel_loop3A_154 : i32 to index
          %parallel_loop3A_280 = tpu.vector_load %arg10[%parallel_loop3A_278, %parallel_loop3A_279] {strides = array<i32>} : memref<200x128xf32, #tpu.memory_space<vmem>>, vector<16xf32>,
          %parallel_loop3A_281 = arith.constant 8 : i32
          %parallel_loop3A_282 = arith.addi %parallel_loop3A_240, %parallel_loop3A_281 : i32
          %parallel_loop3A_283 = arith.index_cast %parallel_loop3A_282 : i32 to index
          %parallel_loop3A_284 = arith.index_cast %parallel_loop3A_154 : i32 to index
          %parallel_loop3A_285 = tpu.vector_load %arg10[%parallel_loop3A_283, %parallel_loop3A_284] {strides = array<i32>} : memref<200x128xf32, #tpu.memory_space<vmem>>, vector<16xf32>,
          %parallel_loop3A_286 = arith.constant 9 : i32
          %parallel_loop3A_287 = arith.addi %parallel_loop3A_240, %parallel_loop3A_286 : i32
          %parallel_loop3A_288 = arith.index_cast %parallel_loop3A_287 : i32 to index
          %parallel_loop3A_289 = arith.index_cast %parallel_loop3A_154 : i32 to index
          %parallel_loop3A_290 = tpu.vector_load %arg10[%parallel_loop3A_288, %parallel_loop3A_289] {strides = array<i32>} : memref<200x128xf32, #tpu.memory_space<vmem>>, vector<16xf32>,
          %parallel_loop3A_291 = arith.constant 10 : i32
          %parallel_loop3A_292 = arith.addi %parallel_loop3A_240, %parallel_loop3A_291 : i32
          %parallel_loop3A_293 = arith.index_cast %parallel_loop3A_292 : i32 to index
          %parallel_loop3A_294 = arith.index_cast %parallel_loop3A_154 : i32 to index
          %parallel_loop3A_295 = tpu.vector_load %arg10[%parallel_loop3A_293, %parallel_loop3A_294] {strides = array<i32>} : memref<200x128xf32, #tpu.memory_space<vmem>>, vector<16xf32>,
          %parallel_loop3A_296 = arith.constant 11 : i32
          %parallel_loop3A_297 = arith.addi %parallel_loop3A_240, %parallel_loop3A_296 : i32
          %parallel_loop3A_298 = arith.index_cast %parallel_loop3A_297 : i32 to index
          %parallel_loop3A_299 = arith.index_cast %parallel_loop3A_154 : i32 to index
          %parallel_loop3A_300 = tpu.vector_load %arg10[%parallel_loop3A_298, %parallel_loop3A_299] {strides = array<i32>} : memref<200x128xf32, #tpu.memory_space<vmem>>, vector<16xf32>,
          %parallel_loop3A_301 = arith.constant 12 : i32
          %parallel_loop3A_302 = arith.addi %parallel_loop3A_240, %parallel_loop3A_301 : i32
          %parallel_loop3A_303 = arith.index_cast %parallel_loop3A_302 : i32 to index
          %parallel_loop3A_304 = arith.index_cast %parallel_loop3A_154 : i32 to index
          %parallel_loop3A_305 = tpu.vector_load %arg10[%parallel_loop3A_303, %parallel_loop3A_304] {strides = array<i32>} : memref<200x128xf32, #tpu.memory_space<vmem>>, vector<16xf32>,
          %parallel_loop3A_306 = arith.constant 13 : i32
          %parallel_loop3A_307 = arith.addi %parallel_loop3A_240, %parallel_loop3A_306 : i32
          %parallel_loop3A_308 = arith.index_cast %parallel_loop3A_307 : i32 to index
          %parallel_loop3A_309 = arith.index_cast %parallel_loop3A_154 : i32 to index
          %parallel_loop3A_310 = tpu.vector_load %arg10[%parallel_loop3A_308, %parallel_loop3A_309] {strides = array<i32>} : memref<200x128xf32, #tpu.memory_space<vmem>>, vector<16xf32>,
          %parallel_loop3A_311 = arith.constant 14 : i32
          %parallel_loop3A_312 = arith.addi %parallel_loop3A_240, %parallel_loop3A_311 : i32
          %parallel_loop3A_313 = arith.index_cast %parallel_loop3A_312 : i32 to index
          %parallel_loop3A_314 = arith.index_cast %parallel_loop3A_154 : i32 to index
          %parallel_loop3A_315 = tpu.vector_load %arg10[%parallel_loop3A_313, %parallel_loop3A_314] {strides = array<i32>} : memref<200x128xf32, #tpu.memory_space<vmem>>, vector<16xf32>,
          %parallel_loop3A_316 = arith.constant 15 : i32
          %parallel_loop3A_317 = arith.addi %parallel_loop3A_240, %parallel_loop3A_316 : i32
          %parallel_loop3A_318 = arith.index_cast %parallel_loop3A_317 : i32 to index
          %parallel_loop3A_319 = arith.index_cast %parallel_loop3A_154 : i32 to index
          %parallel_loop3A_320 = tpu.vector_load %arg10[%parallel_loop3A_318, %parallel_loop3A_319] {strides = array<i32>} : memref<200x128xf32, #tpu.memory_space<vmem>>, vector<16xf32>,
          %parallel_loop3A_321 = arith.constant 16 : i32
          %parallel_loop3A_322 = arith.addi %parallel_loop3A_240, %parallel_loop3A_321 : i32
          %parallel_loop3A_323 = arith.index_cast %parallel_loop3A_322 : i32 to index
          %parallel_loop3A_324 = arith.index_cast %parallel_loop3A_154 : i32 to index
          %parallel_loop3A_325 = tpu.vector_load %arg10[%parallel_loop3A_323, %parallel_loop3A_324] {strides = array<i32>} : memref<200x128xf32, #tpu.memory_space<vmem>>, vector<16xf32>,
          %parallel_loop3A_326 = arith.constant 17 : i32
          %parallel_loop3A_327 = arith.addi %parallel_loop3A_240, %parallel_loop3A_326 : i32
          %parallel_loop3A_328 = arith.index_cast %parallel_loop3A_327 : i32 to index
          %parallel_loop3A_329 = arith.index_cast %parallel_loop3A_154 : i32 to index
          %parallel_loop3A_330 = tpu.vector_load %arg10[%parallel_loop3A_328, %parallel_loop3A_329] {strides = array<i32>} : memref<200x128xf32, #tpu.memory_space<vmem>>, vector<16xf32>,
          %parallel_loop3A_331 = arith.constant 18 : i32
          %parallel_loop3A_332 = arith.addi %parallel_loop3A_240, %parallel_loop3A_331 : i32
          %parallel_loop3A_333 = arith.index_cast %parallel_loop3A_332 : i32 to index
          %parallel_loop3A_334 = arith.index_cast %parallel_loop3A_154 : i32 to index
          %parallel_loop3A_335 = tpu.vector_load %arg10[%parallel_loop3A_333, %parallel_loop3A_334] {strides = array<i32>} : memref<200x128xf32, #tpu.memory_space<vmem>>, vector<16xf32>,
          %parallel_loop3A_336 = arith.constant 19 : i32
          %parallel_loop3A_337 = arith.addi %parallel_loop3A_240, %parallel_loop3A_336 : i32
          %parallel_loop3A_338 = arith.index_cast %parallel_loop3A_337 : i32 to index
          %parallel_loop3A_339 = arith.index_cast %parallel_loop3A_154 : i32 to index
          %parallel_loop3A_340 = tpu.vector_load %arg10[%parallel_loop3A_338, %parallel_loop3A_339] {strides = array<i32>} : memref<200x128xf32, #tpu.memory_space<vmem>>, vector<16xf32>,
          %parallel_loop3A_341 = arith.maximumf %parallel_loop3A_245, %parallel_loop3A_250 : vector<16xf32>
          %parallel_loop3A_342 = arith.maximumf %parallel_loop3A_255, %parallel_loop3A_260 : vector<16xf32>
          %parallel_loop3A_343 = arith.maximumf %parallel_loop3A_265, %parallel_loop3A_270 : vector<16xf32>
          %parallel_loop3A_344 = arith.maximumf %parallel_loop3A_275, %parallel_loop3A_280 : vector<16xf32>
          %parallel_loop3A_345 = arith.maximumf %parallel_loop3A_285, %parallel_loop3A_290 : vector<16xf32>
          %parallel_loop3A_346 = arith.maximumf %parallel_loop3A_295, %parallel_loop3A_300 : vector<16xf32>
          %parallel_loop3A_347 = arith.maximumf %parallel_loop3A_305, %parallel_loop3A_310 : vector<16xf32>
          %parallel_loop3A_348 = arith.maximumf %parallel_loop3A_315, %parallel_loop3A_320 : vector<16xf32>
          %parallel_loop3A_349 = arith.maximumf %parallel_loop3A_325, %parallel_loop3A_330 : vector<16xf32>
          %parallel_loop3A_350 = arith.maximumf %parallel_loop3A_335, %parallel_loop3A_340 : vector<16xf32>
          %parallel_loop3A_351 = arith.maximumf %parallel_loop3A_341, %parallel_loop3A_342 : vector<16xf32>
          %parallel_loop3A_352 = arith.maximumf %parallel_loop3A_343, %parallel_loop3A_344 : vector<16xf32>
          %parallel_loop3A_353 = arith.maximumf %parallel_loop3A_345, %parallel_loop3A_346 : vector<16xf32>
          %parallel_loop3A_354 = arith.maximumf %parallel_loop3A_347, %parallel_loop3A_348 : vector<16xf32>
          %parallel_loop3A_355 = arith.maximumf %parallel_loop3A_349, %parallel_loop3A_350 : vector<16xf32>
          %parallel_loop3A_356 = arith.maximumf %parallel_loop3A_351, %parallel_loop3A_352 : vector<16xf32>
          %parallel_loop3A_357 = arith.maximumf %parallel_loop3A_353, %parallel_loop3A_354 : vector<16xf32>
          %parallel_loop3A_358 = arith.maximumf %parallel_loop3A_356, %parallel_loop3A_357 : vector<16xf32>
          %parallel_loop3A_359 = arith.maximumf %parallel_loop3A_358, %parallel_loop3A_355 : vector<16xf32>
          %parallel_loop3A_360 = arith.cmpf ogt, %parallel_loop3A_359, %parallel_loop3A_238 : vector<16xf32>
          %parallel_loop3A_361 = tpu.all_reduce %parallel_loop3A_360 {dim = 0 : i64, kind = #tpu.reduction_kind<sum>} : vector<16xi1> -> vector<16xi32>
          %parallel_loop3A_362 = vector.extract_strided_slice %parallel_loop3A_361 {offsets = [0], sizes = [1], strides = [1]} : vector<16xi32> to vector<1xi32>
          %parallel_loop3A_363 = vector.extract %parallel_loop3A_362[0] : i32 from vector<1xi32>
          %parallel_loop3A_364 = arith.constant 0 : i32
          %parallel_loop3A_365 = arith.cmpi sgt, %parallel_loop3A_363, %parallel_loop3A_364 : i32
          %parallel_loop3A_366 = arith.extui %parallel_loop3A_365 : i1 to i32
          %parallel_loop3A_367 = arith.constant 0 : i32
          %parallel_loop3A_368 = arith.cmpi ne, %parallel_loop3A_366, %parallel_loop3A_367 : i32
          %parallel_loop3A_369:5 = scf.if %parallel_loop3A_368 -> (vector<16xf32>, vector<16xf32>, vector<16xf32>, vector<16xf32>, vector<16xf32>) {
            %parallel_loop3A_370 = arith.maximumf %parallel_loop3A_234, %parallel_loop3A_245 : vector<16xf32>
            %parallel_loop3A_371 = arith.minimumf %parallel_loop3A_234, %parallel_loop3A_245 : vector<16xf32>
            %parallel_loop3A_372 = arith.maximumf %parallel_loop3A_235, %parallel_loop3A_371 : vector<16xf32>
            %parallel_loop3A_373 = arith.minimumf %parallel_loop3A_235, %parallel_loop3A_371 : vector<16xf32>
            %parallel_loop3A_374 = arith.maximumf %parallel_loop3A_236, %parallel_loop3A_373 : vector<16xf32>
            %parallel_loop3A_375 = arith.minimumf %parallel_loop3A_236, %parallel_loop3A_373 : vector<16xf32>
            %parallel_loop3A_376 = arith.maximumf %parallel_loop3A_237, %parallel_loop3A_375 : vector<16xf32>
            %parallel_loop3A_377 = arith.minimumf %parallel_loop3A_237, %parallel_loop3A_375 : vector<16xf32>
            %parallel_loop3A_378 = arith.maximumf %parallel_loop3A_238, %parallel_loop3A_377 : vector<16xf32>
            %parallel_loop3A_379 = arith.minimumf %parallel_loop3A_238, %parallel_loop3A_377 : vector<16xf32>
            %parallel_loop3A_380 = arith.maximumf %parallel_loop3A_370, %parallel_loop3A_250 : vector<16xf32>
            %parallel_loop3A_381 = arith.minimumf %parallel_loop3A_370, %parallel_loop3A_250 : vector<16xf32>
            %parallel_loop3A_382 = arith.maximumf %parallel_loop3A_372, %parallel_loop3A_381 : vector<16xf32>
            %parallel_loop3A_383 = arith.minimumf %parallel_loop3A_372, %parallel_loop3A_381 : vector<16xf32>
            %parallel_loop3A_384 = arith.maximumf %parallel_loop3A_374, %parallel_loop3A_383 : vector<16xf32>
            %parallel_loop3A_385 = arith.minimumf %parallel_loop3A_374, %parallel_loop3A_383 : vector<16xf32>
            %parallel_loop3A_386 = arith.maximumf %parallel_loop3A_376, %parallel_loop3A_385 : vector<16xf32>
            %parallel_loop3A_387 = arith.minimumf %parallel_loop3A_376, %parallel_loop3A_385 : vector<16xf32>
            %parallel_loop3A_388 = arith.maximumf %parallel_loop3A_378, %parallel_loop3A_387 : vector<16xf32>
            %parallel_loop3A_389 = arith.minimumf %parallel_loop3A_378, %parallel_loop3A_387 : vector<16xf32>
            %parallel_loop3A_390 = arith.maximumf %parallel_loop3A_380, %parallel_loop3A_255 : vector<16xf32>
            %parallel_loop3A_391 = arith.minimumf %parallel_loop3A_380, %parallel_loop3A_255 : vector<16xf32>
            %parallel_loop3A_392 = arith.maximumf %parallel_loop3A_382, %parallel_loop3A_391 : vector<16xf32>
            %parallel_loop3A_393 = arith.minimumf %parallel_loop3A_382, %parallel_loop3A_391 : vector<16xf32>
            %parallel_loop3A_394 = arith.maximumf %parallel_loop3A_384, %parallel_loop3A_393 : vector<16xf32>
            %parallel_loop3A_395 = arith.minimumf %parallel_loop3A_384, %parallel_loop3A_393 : vector<16xf32>
            %parallel_loop3A_396 = arith.maximumf %parallel_loop3A_386, %parallel_loop3A_395 : vector<16xf32>
            %parallel_loop3A_397 = arith.minimumf %parallel_loop3A_386, %parallel_loop3A_395 : vector<16xf32>
            %parallel_loop3A_398 = arith.maximumf %parallel_loop3A_388, %parallel_loop3A_397 : vector<16xf32>
            %parallel_loop3A_399 = arith.minimumf %parallel_loop3A_388, %parallel_loop3A_397 : vector<16xf32>
            %parallel_loop3A_400 = arith.maximumf %parallel_loop3A_390, %parallel_loop3A_260 : vector<16xf32>
            %parallel_loop3A_401 = arith.minimumf %parallel_loop3A_390, %parallel_loop3A_260 : vector<16xf32>
            %parallel_loop3A_402 = arith.maximumf %parallel_loop3A_392, %parallel_loop3A_401 : vector<16xf32>
            %parallel_loop3A_403 = arith.minimumf %parallel_loop3A_392, %parallel_loop3A_401 : vector<16xf32>
            %parallel_loop3A_404 = arith.maximumf %parallel_loop3A_394, %parallel_loop3A_403 : vector<16xf32>
            %parallel_loop3A_405 = arith.minimumf %parallel_loop3A_394, %parallel_loop3A_403 : vector<16xf32>
            %parallel_loop3A_406 = arith.maximumf %parallel_loop3A_396, %parallel_loop3A_405 : vector<16xf32>
            %parallel_loop3A_407 = arith.minimumf %parallel_loop3A_396, %parallel_loop3A_405 : vector<16xf32>
            %parallel_loop3A_408 = arith.maximumf %parallel_loop3A_398, %parallel_loop3A_407 : vector<16xf32>
            %parallel_loop3A_409 = arith.minimumf %parallel_loop3A_398, %parallel_loop3A_407 : vector<16xf32>
            %parallel_loop3A_410 = arith.maximumf %parallel_loop3A_400, %parallel_loop3A_265 : vector<16xf32>
            %parallel_loop3A_411 = arith.minimumf %parallel_loop3A_400, %parallel_loop3A_265 : vector<16xf32>
            %parallel_loop3A_412 = arith.maximumf %parallel_loop3A_402, %parallel_loop3A_411 : vector<16xf32>
            %parallel_loop3A_413 = arith.minimumf %parallel_loop3A_402, %parallel_loop3A_411 : vector<16xf32>
            %parallel_loop3A_414 = arith.maximumf %parallel_loop3A_404, %parallel_loop3A_413 : vector<16xf32>
            %parallel_loop3A_415 = arith.minimumf %parallel_loop3A_404, %parallel_loop3A_413 : vector<16xf32>
            %parallel_loop3A_416 = arith.maximumf %parallel_loop3A_406, %parallel_loop3A_415 : vector<16xf32>
            %parallel_loop3A_417 = arith.minimumf %parallel_loop3A_406, %parallel_loop3A_415 : vector<16xf32>
            %parallel_loop3A_418 = arith.maximumf %parallel_loop3A_408, %parallel_loop3A_417 : vector<16xf32>
            %parallel_loop3A_419 = arith.minimumf %parallel_loop3A_408, %parallel_loop3A_417 : vector<16xf32>
            %parallel_loop3A_420 = arith.maximumf %parallel_loop3A_410, %parallel_loop3A_270 : vector<16xf32>
            %parallel_loop3A_421 = arith.minimumf %parallel_loop3A_410, %parallel_loop3A_270 : vector<16xf32>
            %parallel_loop3A_422 = arith.maximumf %parallel_loop3A_412, %parallel_loop3A_421 : vector<16xf32>
            %parallel_loop3A_423 = arith.minimumf %parallel_loop3A_412, %parallel_loop3A_421 : vector<16xf32>
            %parallel_loop3A_424 = arith.maximumf %parallel_loop3A_414, %parallel_loop3A_423 : vector<16xf32>
            %parallel_loop3A_425 = arith.minimumf %parallel_loop3A_414, %parallel_loop3A_423 : vector<16xf32>
            %parallel_loop3A_426 = arith.maximumf %parallel_loop3A_416, %parallel_loop3A_425 : vector<16xf32>
            %parallel_loop3A_427 = arith.minimumf %parallel_loop3A_416, %parallel_loop3A_425 : vector<16xf32>
            %parallel_loop3A_428 = arith.maximumf %parallel_loop3A_418, %parallel_loop3A_427 : vector<16xf32>
            %parallel_loop3A_429 = arith.minimumf %parallel_loop3A_418, %parallel_loop3A_427 : vector<16xf32>
            %parallel_loop3A_430 = arith.maximumf %parallel_loop3A_420, %parallel_loop3A_275 : vector<16xf32>
            %parallel_loop3A_431 = arith.minimumf %parallel_loop3A_420, %parallel_loop3A_275 : vector<16xf32>
            %parallel_loop3A_432 = arith.maximumf %parallel_loop3A_422, %parallel_loop3A_431 : vector<16xf32>
            %parallel_loop3A_433 = arith.minimumf %parallel_loop3A_422, %parallel_loop3A_431 : vector<16xf32>
            %parallel_loop3A_434 = arith.maximumf %parallel_loop3A_424, %parallel_loop3A_433 : vector<16xf32>
            %parallel_loop3A_435 = arith.minimumf %parallel_loop3A_424, %parallel_loop3A_433 : vector<16xf32>
            %parallel_loop3A_436 = arith.maximumf %parallel_loop3A_426, %parallel_loop3A_435 : vector<16xf32>
            %parallel_loop3A_437 = arith.minimumf %parallel_loop3A_426, %parallel_loop3A_435 : vector<16xf32>
            %parallel_loop3A_438 = arith.maximumf %parallel_loop3A_428, %parallel_loop3A_437 : vector<16xf32>
            %parallel_loop3A_439 = arith.minimumf %parallel_loop3A_428, %parallel_loop3A_437 : vector<16xf32>
            %parallel_loop3A_440 = arith.maximumf %parallel_loop3A_430, %parallel_loop3A_280 : vector<16xf32>
            %parallel_loop3A_441 = arith.minimumf %parallel_loop3A_430, %parallel_loop3A_280 : vector<16xf32>
            %parallel_loop3A_442 = arith.maximumf %parallel_loop3A_432, %parallel_loop3A_441 : vector<16xf32>
            %parallel_loop3A_443 = arith.minimumf %parallel_loop3A_432, %parallel_loop3A_441 : vector<16xf32>
            %parallel_loop3A_444 = arith.maximumf %parallel_loop3A_434, %parallel_loop3A_443 : vector<16xf32>
            %parallel_loop3A_445 = arith.minimumf %parallel_loop3A_434, %parallel_loop3A_443 : vector<16xf32>
            %parallel_loop3A_446 = arith.maximumf %parallel_loop3A_436, %parallel_loop3A_445 : vector<16xf32>
            %parallel_loop3A_447 = arith.minimumf %parallel_loop3A_436, %parallel_loop3A_445 : vector<16xf32>
            %parallel_loop3A_448 = arith.maximumf %parallel_loop3A_438, %parallel_loop3A_447 : vector<16xf32>
            %parallel_loop3A_449 = arith.minimumf %parallel_loop3A_438, %parallel_loop3A_447 : vector<16xf32>
            %parallel_loop3A_450 = arith.maximumf %parallel_loop3A_440, %parallel_loop3A_285 : vector<16xf32>
            %parallel_loop3A_451 = arith.minimumf %parallel_loop3A_440, %parallel_loop3A_285 : vector<16xf32>
            %parallel_loop3A_452 = arith.maximumf %parallel_loop3A_442, %parallel_loop3A_451 : vector<16xf32>
            %parallel_loop3A_453 = arith.minimumf %parallel_loop3A_442, %parallel_loop3A_451 : vector<16xf32>
            %parallel_loop3A_454 = arith.maximumf %parallel_loop3A_444, %parallel_loop3A_453 : vector<16xf32>
            %parallel_loop3A_455 = arith.minimumf %parallel_loop3A_444, %parallel_loop3A_453 : vector<16xf32>
            %parallel_loop3A_456 = arith.maximumf %parallel_loop3A_446, %parallel_loop3A_455 : vector<16xf32>
            %parallel_loop3A_457 = arith.minimumf %parallel_loop3A_446, %parallel_loop3A_455 : vector<16xf32>
            %parallel_loop3A_458 = arith.maximumf %parallel_loop3A_448, %parallel_loop3A_457 : vector<16xf32>
            %parallel_loop3A_459 = arith.minimumf %parallel_loop3A_448, %parallel_loop3A_457 : vector<16xf32>
            %parallel_loop3A_460 = arith.maximumf %parallel_loop3A_450, %parallel_loop3A_290 : vector<16xf32>
            %parallel_loop3A_461 = arith.minimumf %parallel_loop3A_450, %parallel_loop3A_290 : vector<16xf32>
            %parallel_loop3A_462 = arith.maximumf %parallel_loop3A_452, %parallel_loop3A_461 : vector<16xf32>
            %parallel_loop3A_463 = arith.minimumf %parallel_loop3A_452, %parallel_loop3A_461 : vector<16xf32>
            %parallel_loop3A_464 = arith.maximumf %parallel_loop3A_454, %parallel_loop3A_463 : vector<16xf32>
            %parallel_loop3A_465 = arith.minimumf %parallel_loop3A_454, %parallel_loop3A_463 : vector<16xf32>
            %parallel_loop3A_466 = arith.maximumf %parallel_loop3A_456, %parallel_loop3A_465 : vector<16xf32>
            %parallel_loop3A_467 = arith.minimumf %parallel_loop3A_456, %parallel_loop3A_465 : vector<16xf32>
            %parallel_loop3A_468 = arith.maximumf %parallel_loop3A_458, %parallel_loop3A_467 : vector<16xf32>
            %parallel_loop3A_469 = arith.minimumf %parallel_loop3A_458, %parallel_loop3A_467 : vector<16xf32>
            %parallel_loop3A_470 = arith.maximumf %parallel_loop3A_460, %parallel_loop3A_295 : vector<16xf32>
            %parallel_loop3A_471 = arith.minimumf %parallel_loop3A_460, %parallel_loop3A_295 : vector<16xf32>
            %parallel_loop3A_472 = arith.maximumf %parallel_loop3A_462, %parallel_loop3A_471 : vector<16xf32>
            %parallel_loop3A_473 = arith.minimumf %parallel_loop3A_462, %parallel_loop3A_471 : vector<16xf32>
            %parallel_loop3A_474 = arith.maximumf %parallel_loop3A_464, %parallel_loop3A_473 : vector<16xf32>
            %parallel_loop3A_475 = arith.minimumf %parallel_loop3A_464, %parallel_loop3A_473 : vector<16xf32>
            %parallel_loop3A_476 = arith.maximumf %parallel_loop3A_466, %parallel_loop3A_475 : vector<16xf32>
            %parallel_loop3A_477 = arith.minimumf %parallel_loop3A_466, %parallel_loop3A_475 : vector<16xf32>
            %parallel_loop3A_478 = arith.maximumf %parallel_loop3A_468, %parallel_loop3A_477 : vector<16xf32>
            %parallel_loop3A_479 = arith.minimumf %parallel_loop3A_468, %parallel_loop3A_477 : vector<16xf32>
            %parallel_loop3A_480 = arith.maximumf %parallel_loop3A_470, %parallel_loop3A_300 : vector<16xf32>
            %parallel_loop3A_481 = arith.minimumf %parallel_loop3A_470, %parallel_loop3A_300 : vector<16xf32>
            %parallel_loop3A_482 = arith.maximumf %parallel_loop3A_472, %parallel_loop3A_481 : vector<16xf32>
            %parallel_loop3A_483 = arith.minimumf %parallel_loop3A_472, %parallel_loop3A_481 : vector<16xf32>
            %parallel_loop3A_484 = arith.maximumf %parallel_loop3A_474, %parallel_loop3A_483 : vector<16xf32>
            %parallel_loop3A_485 = arith.minimumf %parallel_loop3A_474, %parallel_loop3A_483 : vector<16xf32>
            %parallel_loop3A_486 = arith.maximumf %parallel_loop3A_476, %parallel_loop3A_485 : vector<16xf32>
            %parallel_loop3A_487 = arith.minimumf %parallel_loop3A_476, %parallel_loop3A_485 : vector<16xf32>
            %parallel_loop3A_488 = arith.maximumf %parallel_loop3A_478, %parallel_loop3A_487 : vector<16xf32>
            %parallel_loop3A_489 = arith.minimumf %parallel_loop3A_478, %parallel_loop3A_487 : vector<16xf32>
            %parallel_loop3A_490 = arith.maximumf %parallel_loop3A_480, %parallel_loop3A_305 : vector<16xf32>
            %parallel_loop3A_491 = arith.minimumf %parallel_loop3A_480, %parallel_loop3A_305 : vector<16xf32>
            %parallel_loop3A_492 = arith.maximumf %parallel_loop3A_482, %parallel_loop3A_491 : vector<16xf32>
            %parallel_loop3A_493 = arith.minimumf %parallel_loop3A_482, %parallel_loop3A_491 : vector<16xf32>
            %parallel_loop3A_494 = arith.maximumf %parallel_loop3A_484, %parallel_loop3A_493 : vector<16xf32>
            %parallel_loop3A_495 = arith.minimumf %parallel_loop3A_484, %parallel_loop3A_493 : vector<16xf32>
            %parallel_loop3A_496 = arith.maximumf %parallel_loop3A_486, %parallel_loop3A_495 : vector<16xf32>
            %parallel_loop3A_497 = arith.minimumf %parallel_loop3A_486, %parallel_loop3A_495 : vector<16xf32>
            %parallel_loop3A_498 = arith.maximumf %parallel_loop3A_488, %parallel_loop3A_497 : vector<16xf32>
            %parallel_loop3A_499 = arith.minimumf %parallel_loop3A_488, %parallel_loop3A_497 : vector<16xf32>
            %parallel_loop3A_500 = arith.maximumf %parallel_loop3A_490, %parallel_loop3A_310 : vector<16xf32>
            %parallel_loop3A_501 = arith.minimumf %parallel_loop3A_490, %parallel_loop3A_310 : vector<16xf32>
            %parallel_loop3A_502 = arith.maximumf %parallel_loop3A_492, %parallel_loop3A_501 : vector<16xf32>
            %parallel_loop3A_503 = arith.minimumf %parallel_loop3A_492, %parallel_loop3A_501 : vector<16xf32>
            %parallel_loop3A_504 = arith.maximumf %parallel_loop3A_494, %parallel_loop3A_503 : vector<16xf32>
            %parallel_loop3A_505 = arith.minimumf %parallel_loop3A_494, %parallel_loop3A_503 : vector<16xf32>
            %parallel_loop3A_506 = arith.maximumf %parallel_loop3A_496, %parallel_loop3A_505 : vector<16xf32>
            %parallel_loop3A_507 = arith.minimumf %parallel_loop3A_496, %parallel_loop3A_505 : vector<16xf32>
            %parallel_loop3A_508 = arith.maximumf %parallel_loop3A_498, %parallel_loop3A_507 : vector<16xf32>
            %parallel_loop3A_509 = arith.minimumf %parallel_loop3A_498, %parallel_loop3A_507 : vector<16xf32>
            %parallel_loop3A_510 = arith.maximumf %parallel_loop3A_500, %parallel_loop3A_315 : vector<16xf32>
            %parallel_loop3A_511 = arith.minimumf %parallel_loop3A_500, %parallel_loop3A_315 : vector<16xf32>
            %parallel_loop3A_512 = arith.maximumf %parallel_loop3A_502, %parallel_loop3A_511 : vector<16xf32>
            %parallel_loop3A_513 = arith.minimumf %parallel_loop3A_502, %parallel_loop3A_511 : vector<16xf32>
            %parallel_loop3A_514 = arith.maximumf %parallel_loop3A_504, %parallel_loop3A_513 : vector<16xf32>
            %parallel_loop3A_515 = arith.minimumf %parallel_loop3A_504, %parallel_loop3A_513 : vector<16xf32>
            %parallel_loop3A_516 = arith.maximumf %parallel_loop3A_506, %parallel_loop3A_515 : vector<16xf32>
            %parallel_loop3A_517 = arith.minimumf %parallel_loop3A_506, %parallel_loop3A_515 : vector<16xf32>
            %parallel_loop3A_518 = arith.maximumf %parallel_loop3A_508, %parallel_loop3A_517 : vector<16xf32>
            %parallel_loop3A_519 = arith.minimumf %parallel_loop3A_508, %parallel_loop3A_517 : vector<16xf32>
            %parallel_loop3A_520 = arith.maximumf %parallel_loop3A_510, %parallel_loop3A_320 : vector<16xf32>
            %parallel_loop3A_521 = arith.minimumf %parallel_loop3A_510, %parallel_loop3A_320 : vector<16xf32>
            %parallel_loop3A_522 = arith.maximumf %parallel_loop3A_512, %parallel_loop3A_521 : vector<16xf32>
            %parallel_loop3A_523 = arith.minimumf %parallel_loop3A_512, %parallel_loop3A_521 : vector<16xf32>
            %parallel_loop3A_524 = arith.maximumf %parallel_loop3A_514, %parallel_loop3A_523 : vector<16xf32>
            %parallel_loop3A_525 = arith.minimumf %parallel_loop3A_514, %parallel_loop3A_523 : vector<16xf32>
            %parallel_loop3A_526 = arith.maximumf %parallel_loop3A_516, %parallel_loop3A_525 : vector<16xf32>
            %parallel_loop3A_527 = arith.minimumf %parallel_loop3A_516, %parallel_loop3A_525 : vector<16xf32>
            %parallel_loop3A_528 = arith.maximumf %parallel_loop3A_518, %parallel_loop3A_527 : vector<16xf32>
            %parallel_loop3A_529 = arith.minimumf %parallel_loop3A_518, %parallel_loop3A_527 : vector<16xf32>
            %parallel_loop3A_530 = arith.maximumf %parallel_loop3A_520, %parallel_loop3A_325 : vector<16xf32>
            %parallel_loop3A_531 = arith.minimumf %parallel_loop3A_520, %parallel_loop3A_325 : vector<16xf32>
            %parallel_loop3A_532 = arith.maximumf %parallel_loop3A_522, %parallel_loop3A_531 : vector<16xf32>
            %parallel_loop3A_533 = arith.minimumf %parallel_loop3A_522, %parallel_loop3A_531 : vector<16xf32>
            %parallel_loop3A_534 = arith.maximumf %parallel_loop3A_524, %parallel_loop3A_533 : vector<16xf32>
            %parallel_loop3A_535 = arith.minimumf %parallel_loop3A_524, %parallel_loop3A_533 : vector<16xf32>
            %parallel_loop3A_536 = arith.maximumf %parallel_loop3A_526, %parallel_loop3A_535 : vector<16xf32>
            %parallel_loop3A_537 = arith.minimumf %parallel_loop3A_526, %parallel_loop3A_535 : vector<16xf32>
            %parallel_loop3A_538 = arith.maximumf %parallel_loop3A_528, %parallel_loop3A_537 : vector<16xf32>
            %parallel_loop3A_539 = arith.minimumf %parallel_loop3A_528, %parallel_loop3A_537 : vector<16xf32>
            %parallel_loop3A_540 = arith.maximumf %parallel_loop3A_530, %parallel_loop3A_330 : vector<16xf32>
            %parallel_loop3A_541 = arith.minimumf %parallel_loop3A_530, %parallel_loop3A_330 : vector<16xf32>
            %parallel_loop3A_542 = arith.maximumf %parallel_loop3A_532, %parallel_loop3A_541 : vector<16xf32>
            %parallel_loop3A_543 = arith.minimumf %parallel_loop3A_532, %parallel_loop3A_541 : vector<16xf32>
            %parallel_loop3A_544 = arith.maximumf %parallel_loop3A_534, %parallel_loop3A_543 : vector<16xf32>
            %parallel_loop3A_545 = arith.minimumf %parallel_loop3A_534, %parallel_loop3A_543 : vector<16xf32>
            %parallel_loop3A_546 = arith.maximumf %parallel_loop3A_536, %parallel_loop3A_545 : vector<16xf32>
            %parallel_loop3A_547 = arith.minimumf %parallel_loop3A_536, %parallel_loop3A_545 : vector<16xf32>
            %parallel_loop3A_548 = arith.maximumf %parallel_loop3A_538, %parallel_loop3A_547 : vector<16xf32>
            %parallel_loop3A_549 = arith.minimumf %parallel_loop3A_538, %parallel_loop3A_547 : vector<16xf32>
            %parallel_loop3A_550 = arith.maximumf %parallel_loop3A_540, %parallel_loop3A_335 : vector<16xf32>
            %parallel_loop3A_551 = arith.minimumf %parallel_loop3A_540, %parallel_loop3A_335 : vector<16xf32>
            %parallel_loop3A_552 = arith.maximumf %parallel_loop3A_542, %parallel_loop3A_551 : vector<16xf32>
            %parallel_loop3A_553 = arith.minimumf %parallel_loop3A_542, %parallel_loop3A_551 : vector<16xf32>
            %parallel_loop3A_554 = arith.maximumf %parallel_loop3A_544, %parallel_loop3A_553 : vector<16xf32>
            %parallel_loop3A_555 = arith.minimumf %parallel_loop3A_544, %parallel_loop3A_553 : vector<16xf32>
            %parallel_loop3A_556 = arith.maximumf %parallel_loop3A_546, %parallel_loop3A_555 : vector<16xf32>
            %parallel_loop3A_557 = arith.minimumf %parallel_loop3A_546, %parallel_loop3A_555 : vector<16xf32>
            %parallel_loop3A_558 = arith.maximumf %parallel_loop3A_548, %parallel_loop3A_557 : vector<16xf32>
            %parallel_loop3A_559 = arith.minimumf %parallel_loop3A_548, %parallel_loop3A_557 : vector<16xf32>
            %parallel_loop3A_560 = arith.maximumf %parallel_loop3A_550, %parallel_loop3A_340 : vector<16xf32>
            %parallel_loop3A_561 = arith.minimumf %parallel_loop3A_550, %parallel_loop3A_340 : vector<16xf32>
            %parallel_loop3A_562 = arith.maximumf %parallel_loop3A_552, %parallel_loop3A_561 : vector<16xf32>
            %parallel_loop3A_563 = arith.minimumf %parallel_loop3A_552, %parallel_loop3A_561 : vector<16xf32>
            %parallel_loop3A_564 = arith.maximumf %parallel_loop3A_554, %parallel_loop3A_563 : vector<16xf32>
            %parallel_loop3A_565 = arith.minimumf %parallel_loop3A_554, %parallel_loop3A_563 : vector<16xf32>
            %parallel_loop3A_566 = arith.maximumf %parallel_loop3A_556, %parallel_loop3A_565 : vector<16xf32>
            %parallel_loop3A_567 = arith.minimumf %parallel_loop3A_556, %parallel_loop3A_565 : vector<16xf32>
            %parallel_loop3A_568 = arith.maximumf %parallel_loop3A_558, %parallel_loop3A_567 : vector<16xf32>
            %parallel_loop3A_569 = arith.minimumf %parallel_loop3A_558, %parallel_loop3A_567 : vector<16xf32>
            scf.yield %parallel_loop3A_560, %parallel_loop3A_562, %parallel_loop3A_564, %parallel_loop3A_566, %parallel_loop3A_568 : vector<16xf32>, vector<16xf32>, vector<16xf32>, vector<16xf32>, vector<16xf32>
          } else {
            scf.yield %parallel_loop3A_234, %parallel_loop3A_235, %parallel_loop3A_236, %parallel_loop3A_237, %parallel_loop3A_238 : vector<16xf32>, vector<16xf32>, vector<16xf32>, vector<16xf32>, vector<16xf32>
          }
          scf.yield %parallel_loop3A_369#0, %parallel_loop3A_369#1, %parallel_loop3A_369#2, %parallel_loop3A_369#3, %parallel_loop3A_369#4 : vector<16xf32>, vector<16xf32>, vector<16xf32>, vector<16xf32>, vector<16xf32>
        } {sc.loop_unroll_factor = 5 : i64, sc.parallel_access}
        %parallel_loop3A_159 = arith.constant 6 : i32
        %parallel_loop3A_160 = arith.muli %parallel_loop3A_116, %parallel_loop3A_159 : i32
        %parallel_loop3A_161 = arith.constant 0 : i32
        %parallel_loop3A_162 = arith.addi %parallel_loop3A_160, %parallel_loop3A_161 : i32
        %parallel_loop3A_163 = arith.index_cast %parallel_loop3A_162 : i32 to index
        %parallel_loop3A_164 = arith.constant 0 : index
        %parallel_loop3A_165 = tpu.vector_load %arg6[%parallel_loop3A_163, %parallel_loop3A_164] {strides = array<i32>} : memref<48x16xf32, #tpu.memory_space<vmem>>, vector<16xf32>,
        tpu.vector_store %arg6[%parallel_loop3A_163, %parallel_loop3A_164], %parallel_loop3A_158#0 {strides = array<i32>} : memref<48x16xf32, #tpu.memory_space<vmem>>, vector<16xf32>,
        %parallel_loop3A_166 = arith.constant 6 : i32
        %parallel_loop3A_167 = arith.muli %parallel_loop3A_116, %parallel_loop3A_166 : i32
        %parallel_loop3A_168 = arith.constant 1 : i32
        %parallel_loop3A_169 = arith.addi %parallel_loop3A_167, %parallel_loop3A_168 : i32
        %parallel_loop3A_170 = arith.index_cast %parallel_loop3A_169 : i32 to index
        %parallel_loop3A_171 = arith.constant 0 : index
        %parallel_loop3A_172 = tpu.vector_load %arg6[%parallel_loop3A_170, %parallel_loop3A_171] {strides = array<i32>} : memref<48x16xf32, #tpu.memory_space<vmem>>, vector<16xf32>,
        tpu.vector_store %arg6[%parallel_loop3A_170, %parallel_loop3A_171], %parallel_loop3A_158#1 {strides = array<i32>} : memref<48x16xf32, #tpu.memory_space<vmem>>, vector<16xf32>,
        %parallel_loop3A_173 = arith.constant 6 : i32
        %parallel_loop3A_174 = arith.muli %parallel_loop3A_116, %parallel_loop3A_173 : i32
        %parallel_loop3A_175 = arith.constant 2 : i32
        %parallel_loop3A_176 = arith.addi %parallel_loop3A_174, %parallel_loop3A_175 : i32
        %parallel_loop3A_177 = arith.index_cast %parallel_loop3A_176 : i32 to index
        %parallel_loop3A_178 = arith.constant 0 : index
        %parallel_loop3A_179 = tpu.vector_load %arg6[%parallel_loop3A_177, %parallel_loop3A_178] {strides = array<i32>} : memref<48x16xf32, #tpu.memory_space<vmem>>, vector<16xf32>,
        tpu.vector_store %arg6[%parallel_loop3A_177, %parallel_loop3A_178], %parallel_loop3A_158#2 {strides = array<i32>} : memref<48x16xf32, #tpu.memory_space<vmem>>, vector<16xf32>,
        %parallel_loop3A_180 = arith.constant 6 : i32
        %parallel_loop3A_181 = arith.muli %parallel_loop3A_116, %parallel_loop3A_180 : i32
        %parallel_loop3A_182 = arith.constant 3 : i32
        %parallel_loop3A_183 = arith.addi %parallel_loop3A_181, %parallel_loop3A_182 : i32
        %parallel_loop3A_184 = arith.index_cast %parallel_loop3A_183 : i32 to index
        %parallel_loop3A_185 = arith.constant 0 : index
        %parallel_loop3A_186 = tpu.vector_load %arg6[%parallel_loop3A_184, %parallel_loop3A_185] {strides = array<i32>} : memref<48x16xf32, #tpu.memory_space<vmem>>, vector<16xf32>,
        tpu.vector_store %arg6[%parallel_loop3A_184, %parallel_loop3A_185], %parallel_loop3A_158#3 {strides = array<i32>} : memref<48x16xf32, #tpu.memory_space<vmem>>, vector<16xf32>,
        %parallel_loop3A_187 = arith.constant 6 : i32
        %parallel_loop3A_188 = arith.muli %parallel_loop3A_116, %parallel_loop3A_187 : i32
        %parallel_loop3A_189 = arith.constant 4 : i32
        %parallel_loop3A_190 = arith.addi %parallel_loop3A_188, %parallel_loop3A_189 : i32
        %parallel_loop3A_191 = arith.index_cast %parallel_loop3A_190 : i32 to index
        %parallel_loop3A_192 = arith.constant 0 : index
        %parallel_loop3A_193 = tpu.vector_load %arg6[%parallel_loop3A_191, %parallel_loop3A_192] {strides = array<i32>} : memref<48x16xf32, #tpu.memory_space<vmem>>, vector<16xf32>,
        tpu.vector_store %arg6[%parallel_loop3A_191, %parallel_loop3A_192], %parallel_loop3A_158#4 {strides = array<i32>} : memref<48x16xf32, #tpu.memory_space<vmem>>, vector<16xf32>,
        %parallel_loop3A_194 = arith.index_cast %parallel_loop3A_154 : i32 to index
        %parallel_loop3A_195 = tpu.vector_load %arg5[%parallel_loop3A_194] {strides = array<i32>} : memref<128xi32, #tpu.memory_space<vmem>>, vector<16xi32>,
        %parallel_loop3A_196 = arith.constant 0 : i32
        %parallel_loop3A_197 = vector.broadcast %parallel_loop3A_196 : i32 to vector<16xi32>
        %parallel_loop3A_198 = arith.maxsi %parallel_loop3A_195, %parallel_loop3A_197 : vector<16xi32>
        %parallel_loop3A_199 = arith.constant 99999 : i32
        %parallel_loop3A_200 = vector.broadcast %parallel_loop3A_199 : i32 to vector<16xi32>
        %parallel_loop3A_201 = arith.minsi %parallel_loop3A_198, %parallel_loop3A_200 : vector<16xi32>
        %parallel_loop3A_202 = vector.broadcast %add3A_103 : i32 to vector<16xi32>
        %parallel_loop3A_203 = arith.cmpi sge, %parallel_loop3A_201, %parallel_loop3A_202 : vector<16xi32>
        %parallel_loop3A_204 = arith.constant 200 : i32
        %parallel_loop3A_205 = arith.addi %add3A_103, %parallel_loop3A_204 : i32
        %parallel_loop3A_206 = vector.broadcast %parallel_loop3A_205 : i32 to vector<16xi32>
        %parallel_loop3A_207 = arith.cmpi slt, %parallel_loop3A_201, %parallel_loop3A_206 : vector<16xi32>
        %parallel_loop3A_208 = arith.andi %parallel_loop3A_203, %parallel_loop3A_207 : vector<16xi1>
        %parallel_loop3A_209 = vector.broadcast %add3A_103 : i32 to vector<16xi32>
        %parallel_loop3A_210 = arith.subi %parallel_loop3A_201, %parallel_loop3A_209 : vector<16xi32>
        %parallel_loop3A_211 = arith.constant 0 : i32
        %parallel_loop3A_212 = vector.broadcast %parallel_loop3A_211 : i32 to vector<16xi32>
        %parallel_loop3A_213 = arith.select %parallel_loop3A_208, %parallel_loop3A_210, %parallel_loop3A_212 : vector<16xi1>, vector<16xi32>
        %parallel_loop3A_214 = tpu.iota {dimensions = array<i32: 0>} : vector<16xi32>
        %parallel_loop3A_215 = vector.broadcast %parallel_loop3A_154 : i32 to vector<16xi32>
        %parallel_loop3A_216 = arith.addi %parallel_loop3A_214, %parallel_loop3A_215 : vector<16xi32>
        %parallel_loop3A_217 = tpu.vector_load_idx %arg10[%parallel_loop3A_213, %parallel_loop3A_216] : memref<200x128xf32, #tpu.memory_space<vmem>>[vector<16xi32>, vector<16xi32>], vector<16xf32>,
        %parallel_loop3A_218 = arith.constant 6 : i32
        %parallel_loop3A_219 = arith.muli %parallel_loop3A_116, %parallel_loop3A_218 : i32
        %parallel_loop3A_220 = arith.constant 5 : i32
        %parallel_loop3A_221 = arith.addi %parallel_loop3A_219, %parallel_loop3A_220 : i32
        %parallel_loop3A_222 = arith.index_cast %parallel_loop3A_221 : i32 to index
        %parallel_loop3A_223 = arith.constant 0 : index
        %parallel_loop3A_224 = tpu.vector_load %arg6[%parallel_loop3A_222, %parallel_loop3A_223] {strides = array<i32>} : memref<48x16xf32, #tpu.memory_space<vmem>>, vector<16xf32>,
        %parallel_loop3A_225 = arith.select %parallel_loop3A_208, %parallel_loop3A_217, %parallel_loop3A_224 : vector<16xi1>, vector<16xf32>
        %parallel_loop3A_226 = arith.constant 6 : i32
        %parallel_loop3A_227 = arith.muli %parallel_loop3A_116, %parallel_loop3A_226 : i32
        %parallel_loop3A_228 = arith.constant 5 : i32
        %parallel_loop3A_229 = arith.addi %parallel_loop3A_227, %parallel_loop3A_228 : i32
        %parallel_loop3A_230 = arith.index_cast %parallel_loop3A_229 : i32 to index
        %parallel_loop3A_231 = arith.constant 0 : index
        %parallel_loop3A_232 = tpu.vector_load %arg6[%parallel_loop3A_230, %parallel_loop3A_231] {strides = array<i32>} : memref<48x16xf32, #tpu.memory_space<vmem>>, vector<16xf32>,
        tpu.vector_store %arg6[%parallel_loop3A_230, %parallel_loop3A_231], %parallel_loop3A_225 {strides = array<i32>} : memref<48x16xf32, #tpu.memory_space<vmem>>, vector<16xf32>,
        scf.yield %parallel_loop3A_117 : i32
      } {sc.loop_unroll_factor = 2 : i64, sc.parallel_access}
      %add3A_109 = arith.constant 3 : i32
      %add3A_110 = arith.addi %mul3A_71, %add3A_109 : i32
      %lt3A_111 = arith.constant 125 : i32
      %lt3A_112 = arith.cmpi slt, %add3A_110, %lt3A_111 : i32
      %convert_element_type3A_113 = arith.extui %lt3A_112 : i1 to i32
      %cond3A_114 = arith.constant 0 : i32
      %cond3A_115 = arith.cmpi ne, %convert_element_type3A_113, %cond3A_114 : i32
      scf.if %cond3A_115 {
        %add3A_116 = arith.constant 3 : i32
        %add3A_117 = arith.addi %mul3A_71, %add3A_116 : i32
        %mul3A_118 = arith.constant 200 : i32
        %mul3A_119 = arith.muli %add3A_117, %mul3A_118 : i32
        %add3A_120 = arith.addi %mul3A_34, %mul3A_119 : i32
        %dma_start3A_121 = tpu.memref_slice %arg2[%add3A_120, %mul3A_32] : memref<100000x1024xf32, #tpu.memory_space<hbm>> -> memref<200x128xf32, #tpu.memory_space<hbm>>
        %dma_start3A_122 = tpu.memref_slice %arg2[%add3A_120, %mul3A_32] : memref<100000x1024xf32, #tpu.memory_space<hbm>> -> memref<200x128xf32, #tpu.memory_space<hbm>>
        tpu.enqueue_dma source(%dma_start3A_122 : memref<200x128xf32, #tpu.memory_space<hbm>>) target(%arg10 : memref<200x128xf32, #tpu.memory_space<vmem>>) target_semaphore(%arg13 : memref<!tpu.dma_semaphore, #tpu.memory_space<semaphore_mem>>)
      } else {
      }
    }
    %scan3A_50 = arith.constant 62 : i32
    %dma_wait3A = arith.constant 0 : i32
    %dma_wait3A_51 = arith.constant 0 : i32
    %dma_wait3A_52 = tpu.memref_slice %arg2[%dma_wait3A, %dma_wait3A_51] : memref<100000x1024xf32, #tpu.memory_space<hbm>> -> memref<200x128xf32, #tpu.memory_space<hbm>>
    %dma_wait3A_53 = arith.constant 0 : i32
    %dma_wait3A_54 = arith.constant 0 : i32
    %dma_wait3A_55 = tpu.memref_slice %arg2[%dma_wait3A_53, %dma_wait3A_54] : memref<100000x1024xf32, #tpu.memory_space<hbm>> -> memref<200x128xf32, #tpu.memory_space<hbm>>
    tpu.wait_dma2 semaphore(%arg12 : memref<!tpu.dma_semaphore, #tpu.memory_space<semaphore_mem>>) src(%dma_wait3A_55 : memref<200x128xf32, #tpu.memory_space<hbm>>) dst(%arg9 : memref<200x128xf32, #tpu.memory_space<vmem>>)
    %add3A_56 = arith.constant 24800 : i32
    %add3A_57 = arith.addi %mul3A_34, %add3A_56 : i32
    %parallel_loop3A = arith.constant 0 : i32
    %parallel_loop3A_58 = arith.constant 8 : i32
    %parallel_loop3A_59 = arith.constant 1 : i32
    %parallel_loop3A_60 = arith.constant 0 : i32
    %parallel_loop3A_61 = scf.for %parallel_loop3A_69 = %parallel_loop3A to %parallel_loop3A_58 step %parallel_loop3A_59 iter_args(%parallel_loop3A_70 = %parallel_loop3A_60) -> (i32)  : i32 {
      %parallel_loop3A_71 = arith.constant 6 : i32
      %parallel_loop3A_72 = arith.muli %parallel_loop3A_69, %parallel_loop3A_71 : i32
      %parallel_loop3A_73 = arith.constant 0 : i32
      %parallel_loop3A_74 = arith.addi %parallel_loop3A_72, %parallel_loop3A_73 : i32
      %parallel_loop3A_75 = arith.index_cast %parallel_loop3A_74 : i32 to index
      %parallel_loop3A_76 = arith.constant 0 : index
      %parallel_loop3A_77 = tpu.vector_load %arg6[%parallel_loop3A_75, %parallel_loop3A_76] {strides = array<i32>} : memref<48x16xf32, #tpu.memory_space<vmem>>, vector<16xf32>,
      %parallel_loop3A_78 = arith.constant 6 : i32
      %parallel_loop3A_79 = arith.muli %parallel_loop3A_69, %parallel_loop3A_78 : i32
      %parallel_loop3A_80 = arith.constant 1 : i32
      %parallel_loop3A_81 = arith.addi %parallel_loop3A_79, %parallel_loop3A_80 : i32
      %parallel_loop3A_82 = arith.index_cast %parallel_loop3A_81 : i32 to index
      %parallel_loop3A_83 = arith.constant 0 : index
      %parallel_loop3A_84 = tpu.vector_load %arg6[%parallel_loop3A_82, %parallel_loop3A_83] {strides = array<i32>} : memref<48x16xf32, #tpu.memory_space<vmem>>, vector<16xf32>,
      %parallel_loop3A_85 = arith.constant 6 : i32
      %parallel_loop3A_86 = arith.muli %parallel_loop3A_69, %parallel_loop3A_85 : i32
      %parallel_loop3A_87 = arith.constant 2 : i32
      %parallel_loop3A_88 = arith.addi %parallel_loop3A_86, %parallel_loop3A_87 : i32
      %parallel_loop3A_89 = arith.index_cast %parallel_loop3A_88 : i32 to index
      %parallel_loop3A_90 = arith.constant 0 : index
      %parallel_loop3A_91 = tpu.vector_load %arg6[%parallel_loop3A_89, %parallel_loop3A_90] {strides = array<i32>} : memref<48x16xf32, #tpu.memory_space<vmem>>, vector<16xf32>,
      %parallel_loop3A_92 = arith.constant 6 : i32
      %parallel_loop3A_93 = arith.muli %parallel_loop3A_69, %parallel_loop3A_92 : i32
      %parallel_loop3A_94 = arith.constant 3 : i32
      %parallel_loop3A_95 = arith.addi %parallel_loop3A_93, %parallel_loop3A_94 : i32
      %parallel_loop3A_96 = arith.index_cast %parallel_loop3A_95 : i32 to index
      %parallel_loop3A_97 = arith.constant 0 : index
      %parallel_loop3A_98 = tpu.vector_load %arg6[%parallel_loop3A_96, %parallel_loop3A_97] {strides = array<i32>} : memref<48x16xf32, #tpu.memory_space<vmem>>, vector<16xf32>,
      %parallel_loop3A_99 = arith.constant 6 : i32
      %parallel_loop3A_100 = arith.muli %parallel_loop3A_69, %parallel_loop3A_99 : i32
      %parallel_loop3A_101 = arith.constant 4 : i32
      %parallel_loop3A_102 = arith.addi %parallel_loop3A_100, %parallel_loop3A_101 : i32
      %parallel_loop3A_103 = arith.index_cast %parallel_loop3A_102 : i32 to index
      %parallel_loop3A_104 = arith.constant 0 : index
      %parallel_loop3A_105 = tpu.vector_load %arg6[%parallel_loop3A_103, %parallel_loop3A_104] {strides = array<i32>} : memref<48x16xf32, #tpu.memory_space<vmem>>, vector<16xf32>,
      %parallel_loop3A_106 = arith.constant 16 : i32
      %parallel_loop3A_107 = arith.muli %parallel_loop3A_69, %parallel_loop3A_106 : i32
      %parallel_loop3A_108 = arith.constant 0 : i32
      %parallel_loop3A_109 = arith.constant 10 : i32
      %parallel_loop3A_110 = arith.constant 1 : i32
      %parallel_loop3A_111:5 = scf.for %parallel_loop3A_186 = %parallel_loop3A_108 to %parallel_loop3A_109 step %parallel_loop3A_110 iter_args(%parallel_loop3A_187 = %parallel_loop3A_77, %parallel_loop3A_188 = %parallel_loop3A_84, %parallel_loop3A_189 = %parallel_loop3A_91, %parallel_loop3A_190 = %parallel_loop3A_98, %parallel_loop3A_191 = %parallel_loop3A_105) -> (vector<16xf32>, vector<16xf32>, vector<16xf32>, vector<16xf32>, vector<16xf32>)  : i32 {
        %parallel_loop3A_192 = arith.constant 20 : i32
        %parallel_loop3A_193 = arith.muli %parallel_loop3A_186, %parallel_loop3A_192 : i32
        %parallel_loop3A_194 = arith.constant 0 : i32
        %parallel_loop3A_195 = arith.addi %parallel_loop3A_193, %parallel_loop3A_194 : i32
        %parallel_loop3A_196 = arith.index_cast %parallel_loop3A_195 : i32 to index
        %parallel_loop3A_197 = arith.index_cast %parallel_loop3A_107 : i32 to index
        %parallel_loop3A_198 = tpu.vector_load %arg9[%parallel_loop3A_196, %parallel_loop3A_197] {strides = array<i32>} : memref<200x128xf32, #tpu.memory_space<vmem>>, vector<16xf32>,
        %parallel_loop3A_199 = arith.constant 1 : i32
        %parallel_loop3A_200 = arith.addi %parallel_loop3A_193, %parallel_loop3A_199 : i32
        %parallel_loop3A_201 = arith.index_cast %parallel_loop3A_200 : i32 to index
        %parallel_loop3A_202 = arith.index_cast %parallel_loop3A_107 : i32 to index
        %parallel_loop3A_203 = tpu.vector_load %arg9[%parallel_loop3A_201, %parallel_loop3A_202] {strides = array<i32>} : memref<200x128xf32, #tpu.memory_space<vmem>>, vector<16xf32>,
        %parallel_loop3A_204 = arith.constant 2 : i32
        %parallel_loop3A_205 = arith.addi %parallel_loop3A_193, %parallel_loop3A_204 : i32
        %parallel_loop3A_206 = arith.index_cast %parallel_loop3A_205 : i32 to index
        %parallel_loop3A_207 = arith.index_cast %parallel_loop3A_107 : i32 to index
        %parallel_loop3A_208 = tpu.vector_load %arg9[%parallel_loop3A_206, %parallel_loop3A_207] {strides = array<i32>} : memref<200x128xf32, #tpu.memory_space<vmem>>, vector<16xf32>,
        %parallel_loop3A_209 = arith.constant 3 : i32
        %parallel_loop3A_210 = arith.addi %parallel_loop3A_193, %parallel_loop3A_209 : i32
        %parallel_loop3A_211 = arith.index_cast %parallel_loop3A_210 : i32 to index
        %parallel_loop3A_212 = arith.index_cast %parallel_loop3A_107 : i32 to index
        %parallel_loop3A_213 = tpu.vector_load %arg9[%parallel_loop3A_211, %parallel_loop3A_212] {strides = array<i32>} : memref<200x128xf32, #tpu.memory_space<vmem>>, vector<16xf32>,
        %parallel_loop3A_214 = arith.constant 4 : i32
        %parallel_loop3A_215 = arith.addi %parallel_loop3A_193, %parallel_loop3A_214 : i32
        %parallel_loop3A_216 = arith.index_cast %parallel_loop3A_215 : i32 to index
        %parallel_loop3A_217 = arith.index_cast %parallel_loop3A_107 : i32 to index
        %parallel_loop3A_218 = tpu.vector_load %arg9[%parallel_loop3A_216, %parallel_loop3A_217] {strides = array<i32>} : memref<200x128xf32, #tpu.memory_space<vmem>>, vector<16xf32>,
        %parallel_loop3A_219 = arith.constant 5 : i32
        %parallel_loop3A_220 = arith.addi %parallel_loop3A_193, %parallel_loop3A_219 : i32
        %parallel_loop3A_221 = arith.index_cast %parallel_loop3A_220 : i32 to index
        %parallel_loop3A_222 = arith.index_cast %parallel_loop3A_107 : i32 to index
        %parallel_loop3A_223 = tpu.vector_load %arg9[%parallel_loop3A_221, %parallel_loop3A_222] {strides = array<i32>} : memref<200x128xf32, #tpu.memory_space<vmem>>, vector<16xf32>,
        %parallel_loop3A_224 = arith.constant 6 : i32
        %parallel_loop3A_225 = arith.addi %parallel_loop3A_193, %parallel_loop3A_224 : i32
        %parallel_loop3A_226 = arith.index_cast %parallel_loop3A_225 : i32 to index
        %parallel_loop3A_227 = arith.index_cast %parallel_loop3A_107 : i32 to index
        %parallel_loop3A_228 = tpu.vector_load %arg9[%parallel_loop3A_226, %parallel_loop3A_227] {strides = array<i32>} : memref<200x128xf32, #tpu.memory_space<vmem>>, vector<16xf32>,
        %parallel_loop3A_229 = arith.constant 7 : i32
        %parallel_loop3A_230 = arith.addi %parallel_loop3A_193, %parallel_loop3A_229 : i32
        %parallel_loop3A_231 = arith.index_cast %parallel_loop3A_230 : i32 to index
        %parallel_loop3A_232 = arith.index_cast %parallel_loop3A_107 : i32 to index
        %parallel_loop3A_233 = tpu.vector_load %arg9[%parallel_loop3A_231, %parallel_loop3A_232] {strides = array<i32>} : memref<200x128xf32, #tpu.memory_space<vmem>>, vector<16xf32>,
        %parallel_loop3A_234 = arith.constant 8 : i32
        %parallel_loop3A_235 = arith.addi %parallel_loop3A_193, %parallel_loop3A_234 : i32
        %parallel_loop3A_236 = arith.index_cast %parallel_loop3A_235 : i32 to index
        %parallel_loop3A_237 = arith.index_cast %parallel_loop3A_107 : i32 to index
        %parallel_loop3A_238 = tpu.vector_load %arg9[%parallel_loop3A_236, %parallel_loop3A_237] {strides = array<i32>} : memref<200x128xf32, #tpu.memory_space<vmem>>, vector<16xf32>,
        %parallel_loop3A_239 = arith.constant 9 : i32
        %parallel_loop3A_240 = arith.addi %parallel_loop3A_193, %parallel_loop3A_239 : i32
        %parallel_loop3A_241 = arith.index_cast %parallel_loop3A_240 : i32 to index
        %parallel_loop3A_242 = arith.index_cast %parallel_loop3A_107 : i32 to index
        %parallel_loop3A_243 = tpu.vector_load %arg9[%parallel_loop3A_241, %parallel_loop3A_242] {strides = array<i32>} : memref<200x128xf32, #tpu.memory_space<vmem>>, vector<16xf32>,
        %parallel_loop3A_244 = arith.constant 10 : i32
        %parallel_loop3A_245 = arith.addi %parallel_loop3A_193, %parallel_loop3A_244 : i32
        %parallel_loop3A_246 = arith.index_cast %parallel_loop3A_245 : i32 to index
        %parallel_loop3A_247 = arith.index_cast %parallel_loop3A_107 : i32 to index
        %parallel_loop3A_248 = tpu.vector_load %arg9[%parallel_loop3A_246, %parallel_loop3A_247] {strides = array<i32>} : memref<200x128xf32, #tpu.memory_space<vmem>>, vector<16xf32>,
        %parallel_loop3A_249 = arith.constant 11 : i32
        %parallel_loop3A_250 = arith.addi %parallel_loop3A_193, %parallel_loop3A_249 : i32
        %parallel_loop3A_251 = arith.index_cast %parallel_loop3A_250 : i32 to index
        %parallel_loop3A_252 = arith.index_cast %parallel_loop3A_107 : i32 to index
        %parallel_loop3A_253 = tpu.vector_load %arg9[%parallel_loop3A_251, %parallel_loop3A_252] {strides = array<i32>} : memref<200x128xf32, #tpu.memory_space<vmem>>, vector<16xf32>,
        %parallel_loop3A_254 = arith.constant 12 : i32
        %parallel_loop3A_255 = arith.addi %parallel_loop3A_193, %parallel_loop3A_254 : i32
        %parallel_loop3A_256 = arith.index_cast %parallel_loop3A_255 : i32 to index
        %parallel_loop3A_257 = arith.index_cast %parallel_loop3A_107 : i32 to index
        %parallel_loop3A_258 = tpu.vector_load %arg9[%parallel_loop3A_256, %parallel_loop3A_257] {strides = array<i32>} : memref<200x128xf32, #tpu.memory_space<vmem>>, vector<16xf32>,
        %parallel_loop3A_259 = arith.constant 13 : i32
        %parallel_loop3A_260 = arith.addi %parallel_loop3A_193, %parallel_loop3A_259 : i32
        %parallel_loop3A_261 = arith.index_cast %parallel_loop3A_260 : i32 to index
        %parallel_loop3A_262 = arith.index_cast %parallel_loop3A_107 : i32 to index
        %parallel_loop3A_263 = tpu.vector_load %arg9[%parallel_loop3A_261, %parallel_loop3A_262] {strides = array<i32>} : memref<200x128xf32, #tpu.memory_space<vmem>>, vector<16xf32>,
        %parallel_loop3A_264 = arith.constant 14 : i32
        %parallel_loop3A_265 = arith.addi %parallel_loop3A_193, %parallel_loop3A_264 : i32
        %parallel_loop3A_266 = arith.index_cast %parallel_loop3A_265 : i32 to index
        %parallel_loop3A_267 = arith.index_cast %parallel_loop3A_107 : i32 to index
        %parallel_loop3A_268 = tpu.vector_load %arg9[%parallel_loop3A_266, %parallel_loop3A_267] {strides = array<i32>} : memref<200x128xf32, #tpu.memory_space<vmem>>, vector<16xf32>,
        %parallel_loop3A_269 = arith.constant 15 : i32
        %parallel_loop3A_270 = arith.addi %parallel_loop3A_193, %parallel_loop3A_269 : i32
        %parallel_loop3A_271 = arith.index_cast %parallel_loop3A_270 : i32 to index
        %parallel_loop3A_272 = arith.index_cast %parallel_loop3A_107 : i32 to index
        %parallel_loop3A_273 = tpu.vector_load %arg9[%parallel_loop3A_271, %parallel_loop3A_272] {strides = array<i32>} : memref<200x128xf32, #tpu.memory_space<vmem>>, vector<16xf32>,
        %parallel_loop3A_274 = arith.constant 16 : i32
        %parallel_loop3A_275 = arith.addi %parallel_loop3A_193, %parallel_loop3A_274 : i32
        %parallel_loop3A_276 = arith.index_cast %parallel_loop3A_275 : i32 to index
        %parallel_loop3A_277 = arith.index_cast %parallel_loop3A_107 : i32 to index
        %parallel_loop3A_278 = tpu.vector_load %arg9[%parallel_loop3A_276, %parallel_loop3A_277] {strides = array<i32>} : memref<200x128xf32, #tpu.memory_space<vmem>>, vector<16xf32>,
        %parallel_loop3A_279 = arith.constant 17 : i32
        %parallel_loop3A_280 = arith.addi %parallel_loop3A_193, %parallel_loop3A_279 : i32
        %parallel_loop3A_281 = arith.index_cast %parallel_loop3A_280 : i32 to index
        %parallel_loop3A_282 = arith.index_cast %parallel_loop3A_107 : i32 to index
        %parallel_loop3A_283 = tpu.vector_load %arg9[%parallel_loop3A_281, %parallel_loop3A_282] {strides = array<i32>} : memref<200x128xf32, #tpu.memory_space<vmem>>, vector<16xf32>,
        %parallel_loop3A_284 = arith.constant 18 : i32
        %parallel_loop3A_285 = arith.addi %parallel_loop3A_193, %parallel_loop3A_284 : i32
        %parallel_loop3A_286 = arith.index_cast %parallel_loop3A_285 : i32 to index
        %parallel_loop3A_287 = arith.index_cast %parallel_loop3A_107 : i32 to index
        %parallel_loop3A_288 = tpu.vector_load %arg9[%parallel_loop3A_286, %parallel_loop3A_287] {strides = array<i32>} : memref<200x128xf32, #tpu.memory_space<vmem>>, vector<16xf32>,
        %parallel_loop3A_289 = arith.constant 19 : i32
        %parallel_loop3A_290 = arith.addi %parallel_loop3A_193, %parallel_loop3A_289 : i32
        %parallel_loop3A_291 = arith.index_cast %parallel_loop3A_290 : i32 to index
        %parallel_loop3A_292 = arith.index_cast %parallel_loop3A_107 : i32 to index
        %parallel_loop3A_293 = tpu.vector_load %arg9[%parallel_loop3A_291, %parallel_loop3A_292] {strides = array<i32>} : memref<200x128xf32, #tpu.memory_space<vmem>>, vector<16xf32>,
        %parallel_loop3A_294 = arith.maximumf %parallel_loop3A_198, %parallel_loop3A_203 : vector<16xf32>
        %parallel_loop3A_295 = arith.maximumf %parallel_loop3A_208, %parallel_loop3A_213 : vector<16xf32>
        %parallel_loop3A_296 = arith.maximumf %parallel_loop3A_218, %parallel_loop3A_223 : vector<16xf32>
        %parallel_loop3A_297 = arith.maximumf %parallel_loop3A_228, %parallel_loop3A_233 : vector<16xf32>
        %parallel_loop3A_298 = arith.maximumf %parallel_loop3A_238, %parallel_loop3A_243 : vector<16xf32>
        %parallel_loop3A_299 = arith.maximumf %parallel_loop3A_248, %parallel_loop3A_253 : vector<16xf32>
        %parallel_loop3A_300 = arith.maximumf %parallel_loop3A_258, %parallel_loop3A_263 : vector<16xf32>
        %parallel_loop3A_301 = arith.maximumf %parallel_loop3A_268, %parallel_loop3A_273 : vector<16xf32>
        %parallel_loop3A_302 = arith.maximumf %parallel_loop3A_278, %parallel_loop3A_283 : vector<16xf32>
        %parallel_loop3A_303 = arith.maximumf %parallel_loop3A_288, %parallel_loop3A_293 : vector<16xf32>
        %parallel_loop3A_304 = arith.maximumf %parallel_loop3A_294, %parallel_loop3A_295 : vector<16xf32>
        %parallel_loop3A_305 = arith.maximumf %parallel_loop3A_296, %parallel_loop3A_297 : vector<16xf32>
        %parallel_loop3A_306 = arith.maximumf %parallel_loop3A_298, %parallel_loop3A_299 : vector<16xf32>
        %parallel_loop3A_307 = arith.maximumf %parallel_loop3A_300, %parallel_loop3A_301 : vector<16xf32>
        %parallel_loop3A_308 = arith.maximumf %parallel_loop3A_302, %parallel_loop3A_303 : vector<16xf32>
        %parallel_loop3A_309 = arith.maximumf %parallel_loop3A_304, %parallel_loop3A_305 : vector<16xf32>
        %parallel_loop3A_310 = arith.maximumf %parallel_loop3A_306, %parallel_loop3A_307 : vector<16xf32>
        %parallel_loop3A_311 = arith.maximumf %parallel_loop3A_309, %parallel_loop3A_310 : vector<16xf32>
        %parallel_loop3A_312 = arith.maximumf %parallel_loop3A_311, %parallel_loop3A_308 : vector<16xf32>
        %parallel_loop3A_313 = arith.cmpf ogt, %parallel_loop3A_312, %parallel_loop3A_191 : vector<16xf32>
        %parallel_loop3A_314 = tpu.all_reduce %parallel_loop3A_313 {dim = 0 : i64, kind = #tpu.reduction_kind<sum>} : vector<16xi1> -> vector<16xi32>
        %parallel_loop3A_315 = vector.extract_strided_slice %parallel_loop3A_314 {offsets = [0], sizes = [1], strides = [1]} : vector<16xi32> to vector<1xi32>
        %parallel_loop3A_316 = vector.extract %parallel_loop3A_315[0] : i32 from vector<1xi32>
        %parallel_loop3A_317 = arith.constant 0 : i32
        %parallel_loop3A_318 = arith.cmpi sgt, %parallel_loop3A_316, %parallel_loop3A_317 : i32
        %parallel_loop3A_319 = arith.extui %parallel_loop3A_318 : i1 to i32
        %parallel_loop3A_320 = arith.constant 0 : i32
        %parallel_loop3A_321 = arith.cmpi ne, %parallel_loop3A_319, %parallel_loop3A_320 : i32
        %parallel_loop3A_322:5 = scf.if %parallel_loop3A_321 -> (vector<16xf32>, vector<16xf32>, vector<16xf32>, vector<16xf32>, vector<16xf32>) {
          %parallel_loop3A_323 = arith.maximumf %parallel_loop3A_187, %parallel_loop3A_198 : vector<16xf32>
          %parallel_loop3A_324 = arith.minimumf %parallel_loop3A_187, %parallel_loop3A_198 : vector<16xf32>
          %parallel_loop3A_325 = arith.maximumf %parallel_loop3A_188, %parallel_loop3A_324 : vector<16xf32>
          %parallel_loop3A_326 = arith.minimumf %parallel_loop3A_188, %parallel_loop3A_324 : vector<16xf32>
          %parallel_loop3A_327 = arith.maximumf %parallel_loop3A_189, %parallel_loop3A_326 : vector<16xf32>
          %parallel_loop3A_328 = arith.minimumf %parallel_loop3A_189, %parallel_loop3A_326 : vector<16xf32>
          %parallel_loop3A_329 = arith.maximumf %parallel_loop3A_190, %parallel_loop3A_328 : vector<16xf32>
          %parallel_loop3A_330 = arith.minimumf %parallel_loop3A_190, %parallel_loop3A_328 : vector<16xf32>
          %parallel_loop3A_331 = arith.maximumf %parallel_loop3A_191, %parallel_loop3A_330 : vector<16xf32>
          %parallel_loop3A_332 = arith.minimumf %parallel_loop3A_191, %parallel_loop3A_330 : vector<16xf32>
          %parallel_loop3A_333 = arith.maximumf %parallel_loop3A_323, %parallel_loop3A_203 : vector<16xf32>
          %parallel_loop3A_334 = arith.minimumf %parallel_loop3A_323, %parallel_loop3A_203 : vector<16xf32>
          %parallel_loop3A_335 = arith.maximumf %parallel_loop3A_325, %parallel_loop3A_334 : vector<16xf32>
          %parallel_loop3A_336 = arith.minimumf %parallel_loop3A_325, %parallel_loop3A_334 : vector<16xf32>
          %parallel_loop3A_337 = arith.maximumf %parallel_loop3A_327, %parallel_loop3A_336 : vector<16xf32>
          %parallel_loop3A_338 = arith.minimumf %parallel_loop3A_327, %parallel_loop3A_336 : vector<16xf32>
          %parallel_loop3A_339 = arith.maximumf %parallel_loop3A_329, %parallel_loop3A_338 : vector<16xf32>
          %parallel_loop3A_340 = arith.minimumf %parallel_loop3A_329, %parallel_loop3A_338 : vector<16xf32>
          %parallel_loop3A_341 = arith.maximumf %parallel_loop3A_331, %parallel_loop3A_340 : vector<16xf32>
          %parallel_loop3A_342 = arith.minimumf %parallel_loop3A_331, %parallel_loop3A_340 : vector<16xf32>
          %parallel_loop3A_343 = arith.maximumf %parallel_loop3A_333, %parallel_loop3A_208 : vector<16xf32>
          %parallel_loop3A_344 = arith.minimumf %parallel_loop3A_333, %parallel_loop3A_208 : vector<16xf32>
          %parallel_loop3A_345 = arith.maximumf %parallel_loop3A_335, %parallel_loop3A_344 : vector<16xf32>
          %parallel_loop3A_346 = arith.minimumf %parallel_loop3A_335, %parallel_loop3A_344 : vector<16xf32>
          %parallel_loop3A_347 = arith.maximumf %parallel_loop3A_337, %parallel_loop3A_346 : vector<16xf32>
          %parallel_loop3A_348 = arith.minimumf %parallel_loop3A_337, %parallel_loop3A_346 : vector<16xf32>
          %parallel_loop3A_349 = arith.maximumf %parallel_loop3A_339, %parallel_loop3A_348 : vector<16xf32>
          %parallel_loop3A_350 = arith.minimumf %parallel_loop3A_339, %parallel_loop3A_348 : vector<16xf32>
          %parallel_loop3A_351 = arith.maximumf %parallel_loop3A_341, %parallel_loop3A_350 : vector<16xf32>
          %parallel_loop3A_352 = arith.minimumf %parallel_loop3A_341, %parallel_loop3A_350 : vector<16xf32>
          %parallel_loop3A_353 = arith.maximumf %parallel_loop3A_343, %parallel_loop3A_213 : vector<16xf32>
          %parallel_loop3A_354 = arith.minimumf %parallel_loop3A_343, %parallel_loop3A_213 : vector<16xf32>
          %parallel_loop3A_355 = arith.maximumf %parallel_loop3A_345, %parallel_loop3A_354 : vector<16xf32>
          %parallel_loop3A_356 = arith.minimumf %parallel_loop3A_345, %parallel_loop3A_354 : vector<16xf32>
          %parallel_loop3A_357 = arith.maximumf %parallel_loop3A_347, %parallel_loop3A_356 : vector<16xf32>
          %parallel_loop3A_358 = arith.minimumf %parallel_loop3A_347, %parallel_loop3A_356 : vector<16xf32>
          %parallel_loop3A_359 = arith.maximumf %parallel_loop3A_349, %parallel_loop3A_358 : vector<16xf32>
          %parallel_loop3A_360 = arith.minimumf %parallel_loop3A_349, %parallel_loop3A_358 : vector<16xf32>
          %parallel_loop3A_361 = arith.maximumf %parallel_loop3A_351, %parallel_loop3A_360 : vector<16xf32>
          %parallel_loop3A_362 = arith.minimumf %parallel_loop3A_351, %parallel_loop3A_360 : vector<16xf32>
          %parallel_loop3A_363 = arith.maximumf %parallel_loop3A_353, %parallel_loop3A_218 : vector<16xf32>
          %parallel_loop3A_364 = arith.minimumf %parallel_loop3A_353, %parallel_loop3A_218 : vector<16xf32>
          %parallel_loop3A_365 = arith.maximumf %parallel_loop3A_355, %parallel_loop3A_364 : vector<16xf32>
          %parallel_loop3A_366 = arith.minimumf %parallel_loop3A_355, %parallel_loop3A_364 : vector<16xf32>
          %parallel_loop3A_367 = arith.maximumf %parallel_loop3A_357, %parallel_loop3A_366 : vector<16xf32>
          %parallel_loop3A_368 = arith.minimumf %parallel_loop3A_357, %parallel_loop3A_366 : vector<16xf32>
          %parallel_loop3A_369 = arith.maximumf %parallel_loop3A_359, %parallel_loop3A_368 : vector<16xf32>
          %parallel_loop3A_370 = arith.minimumf %parallel_loop3A_359, %parallel_loop3A_368 : vector<16xf32>
          %parallel_loop3A_371 = arith.maximumf %parallel_loop3A_361, %parallel_loop3A_370 : vector<16xf32>
          %parallel_loop3A_372 = arith.minimumf %parallel_loop3A_361, %parallel_loop3A_370 : vector<16xf32>
          %parallel_loop3A_373 = arith.maximumf %parallel_loop3A_363, %parallel_loop3A_223 : vector<16xf32>
          %parallel_loop3A_374 = arith.minimumf %parallel_loop3A_363, %parallel_loop3A_223 : vector<16xf32>
          %parallel_loop3A_375 = arith.maximumf %parallel_loop3A_365, %parallel_loop3A_374 : vector<16xf32>
          %parallel_loop3A_376 = arith.minimumf %parallel_loop3A_365, %parallel_loop3A_374 : vector<16xf32>
          %parallel_loop3A_377 = arith.maximumf %parallel_loop3A_367, %parallel_loop3A_376 : vector<16xf32>
          %parallel_loop3A_378 = arith.minimumf %parallel_loop3A_367, %parallel_loop3A_376 : vector<16xf32>
          %parallel_loop3A_379 = arith.maximumf %parallel_loop3A_369, %parallel_loop3A_378 : vector<16xf32>
          %parallel_loop3A_380 = arith.minimumf %parallel_loop3A_369, %parallel_loop3A_378 : vector<16xf32>
          %parallel_loop3A_381 = arith.maximumf %parallel_loop3A_371, %parallel_loop3A_380 : vector<16xf32>
          %parallel_loop3A_382 = arith.minimumf %parallel_loop3A_371, %parallel_loop3A_380 : vector<16xf32>
          %parallel_loop3A_383 = arith.maximumf %parallel_loop3A_373, %parallel_loop3A_228 : vector<16xf32>
          %parallel_loop3A_384 = arith.minimumf %parallel_loop3A_373, %parallel_loop3A_228 : vector<16xf32>
          %parallel_loop3A_385 = arith.maximumf %parallel_loop3A_375, %parallel_loop3A_384 : vector<16xf32>
          %parallel_loop3A_386 = arith.minimumf %parallel_loop3A_375, %parallel_loop3A_384 : vector<16xf32>
          %parallel_loop3A_387 = arith.maximumf %parallel_loop3A_377, %parallel_loop3A_386 : vector<16xf32>
          %parallel_loop3A_388 = arith.minimumf %parallel_loop3A_377, %parallel_loop3A_386 : vector<16xf32>
          %parallel_loop3A_389 = arith.maximumf %parallel_loop3A_379, %parallel_loop3A_388 : vector<16xf32>
          %parallel_loop3A_390 = arith.minimumf %parallel_loop3A_379, %parallel_loop3A_388 : vector<16xf32>
          %parallel_loop3A_391 = arith.maximumf %parallel_loop3A_381, %parallel_loop3A_390 : vector<16xf32>
          %parallel_loop3A_392 = arith.minimumf %parallel_loop3A_381, %parallel_loop3A_390 : vector<16xf32>
          %parallel_loop3A_393 = arith.maximumf %parallel_loop3A_383, %parallel_loop3A_233 : vector<16xf32>
          %parallel_loop3A_394 = arith.minimumf %parallel_loop3A_383, %parallel_loop3A_233 : vector<16xf32>
          %parallel_loop3A_395 = arith.maximumf %parallel_loop3A_385, %parallel_loop3A_394 : vector<16xf32>
          %parallel_loop3A_396 = arith.minimumf %parallel_loop3A_385, %parallel_loop3A_394 : vector<16xf32>
          %parallel_loop3A_397 = arith.maximumf %parallel_loop3A_387, %parallel_loop3A_396 : vector<16xf32>
          %parallel_loop3A_398 = arith.minimumf %parallel_loop3A_387, %parallel_loop3A_396 : vector<16xf32>
          %parallel_loop3A_399 = arith.maximumf %parallel_loop3A_389, %parallel_loop3A_398 : vector<16xf32>
          %parallel_loop3A_400 = arith.minimumf %parallel_loop3A_389, %parallel_loop3A_398 : vector<16xf32>
          %parallel_loop3A_401 = arith.maximumf %parallel_loop3A_391, %parallel_loop3A_400 : vector<16xf32>
          %parallel_loop3A_402 = arith.minimumf %parallel_loop3A_391, %parallel_loop3A_400 : vector<16xf32>
          %parallel_loop3A_403 = arith.maximumf %parallel_loop3A_393, %parallel_loop3A_238 : vector<16xf32>
          %parallel_loop3A_404 = arith.minimumf %parallel_loop3A_393, %parallel_loop3A_238 : vector<16xf32>
          %parallel_loop3A_405 = arith.maximumf %parallel_loop3A_395, %parallel_loop3A_404 : vector<16xf32>
          %parallel_loop3A_406 = arith.minimumf %parallel_loop3A_395, %parallel_loop3A_404 : vector<16xf32>
          %parallel_loop3A_407 = arith.maximumf %parallel_loop3A_397, %parallel_loop3A_406 : vector<16xf32>
          %parallel_loop3A_408 = arith.minimumf %parallel_loop3A_397, %parallel_loop3A_406 : vector<16xf32>
          %parallel_loop3A_409 = arith.maximumf %parallel_loop3A_399, %parallel_loop3A_408 : vector<16xf32>
          %parallel_loop3A_410 = arith.minimumf %parallel_loop3A_399, %parallel_loop3A_408 : vector<16xf32>
          %parallel_loop3A_411 = arith.maximumf %parallel_loop3A_401, %parallel_loop3A_410 : vector<16xf32>
          %parallel_loop3A_412 = arith.minimumf %parallel_loop3A_401, %parallel_loop3A_410 : vector<16xf32>
          %parallel_loop3A_413 = arith.maximumf %parallel_loop3A_403, %parallel_loop3A_243 : vector<16xf32>
          %parallel_loop3A_414 = arith.minimumf %parallel_loop3A_403, %parallel_loop3A_243 : vector<16xf32>
          %parallel_loop3A_415 = arith.maximumf %parallel_loop3A_405, %parallel_loop3A_414 : vector<16xf32>
          %parallel_loop3A_416 = arith.minimumf %parallel_loop3A_405, %parallel_loop3A_414 : vector<16xf32>
          %parallel_loop3A_417 = arith.maximumf %parallel_loop3A_407, %parallel_loop3A_416 : vector<16xf32>
          %parallel_loop3A_418 = arith.minimumf %parallel_loop3A_407, %parallel_loop3A_416 : vector<16xf32>
          %parallel_loop3A_419 = arith.maximumf %parallel_loop3A_409, %parallel_loop3A_418 : vector<16xf32>
          %parallel_loop3A_420 = arith.minimumf %parallel_loop3A_409, %parallel_loop3A_418 : vector<16xf32>
          %parallel_loop3A_421 = arith.maximumf %parallel_loop3A_411, %parallel_loop3A_420 : vector<16xf32>
          %parallel_loop3A_422 = arith.minimumf %parallel_loop3A_411, %parallel_loop3A_420 : vector<16xf32>
          %parallel_loop3A_423 = arith.maximumf %parallel_loop3A_413, %parallel_loop3A_248 : vector<16xf32>
          %parallel_loop3A_424 = arith.minimumf %parallel_loop3A_413, %parallel_loop3A_248 : vector<16xf32>
          %parallel_loop3A_425 = arith.maximumf %parallel_loop3A_415, %parallel_loop3A_424 : vector<16xf32>
          %parallel_loop3A_426 = arith.minimumf %parallel_loop3A_415, %parallel_loop3A_424 : vector<16xf32>
          %parallel_loop3A_427 = arith.maximumf %parallel_loop3A_417, %parallel_loop3A_426 : vector<16xf32>
          %parallel_loop3A_428 = arith.minimumf %parallel_loop3A_417, %parallel_loop3A_426 : vector<16xf32>
          %parallel_loop3A_429 = arith.maximumf %parallel_loop3A_419, %parallel_loop3A_428 : vector<16xf32>
          %parallel_loop3A_430 = arith.minimumf %parallel_loop3A_419, %parallel_loop3A_428 : vector<16xf32>
          %parallel_loop3A_431 = arith.maximumf %parallel_loop3A_421, %parallel_loop3A_430 : vector<16xf32>
          %parallel_loop3A_432 = arith.minimumf %parallel_loop3A_421, %parallel_loop3A_430 : vector<16xf32>
          %parallel_loop3A_433 = arith.maximumf %parallel_loop3A_423, %parallel_loop3A_253 : vector<16xf32>
          %parallel_loop3A_434 = arith.minimumf %parallel_loop3A_423, %parallel_loop3A_253 : vector<16xf32>
          %parallel_loop3A_435 = arith.maximumf %parallel_loop3A_425, %parallel_loop3A_434 : vector<16xf32>
          %parallel_loop3A_436 = arith.minimumf %parallel_loop3A_425, %parallel_loop3A_434 : vector<16xf32>
          %parallel_loop3A_437 = arith.maximumf %parallel_loop3A_427, %parallel_loop3A_436 : vector<16xf32>
          %parallel_loop3A_438 = arith.minimumf %parallel_loop3A_427, %parallel_loop3A_436 : vector<16xf32>
          %parallel_loop3A_439 = arith.maximumf %parallel_loop3A_429, %parallel_loop3A_438 : vector<16xf32>
          %parallel_loop3A_440 = arith.minimumf %parallel_loop3A_429, %parallel_loop3A_438 : vector<16xf32>
          %parallel_loop3A_441 = arith.maximumf %parallel_loop3A_431, %parallel_loop3A_440 : vector<16xf32>
          %parallel_loop3A_442 = arith.minimumf %parallel_loop3A_431, %parallel_loop3A_440 : vector<16xf32>
          %parallel_loop3A_443 = arith.maximumf %parallel_loop3A_433, %parallel_loop3A_258 : vector<16xf32>
          %parallel_loop3A_444 = arith.minimumf %parallel_loop3A_433, %parallel_loop3A_258 : vector<16xf32>
          %parallel_loop3A_445 = arith.maximumf %parallel_loop3A_435, %parallel_loop3A_444 : vector<16xf32>
          %parallel_loop3A_446 = arith.minimumf %parallel_loop3A_435, %parallel_loop3A_444 : vector<16xf32>
          %parallel_loop3A_447 = arith.maximumf %parallel_loop3A_437, %parallel_loop3A_446 : vector<16xf32>
          %parallel_loop3A_448 = arith.minimumf %parallel_loop3A_437, %parallel_loop3A_446 : vector<16xf32>
          %parallel_loop3A_449 = arith.maximumf %parallel_loop3A_439, %parallel_loop3A_448 : vector<16xf32>
          %parallel_loop3A_450 = arith.minimumf %parallel_loop3A_439, %parallel_loop3A_448 : vector<16xf32>
          %parallel_loop3A_451 = arith.maximumf %parallel_loop3A_441, %parallel_loop3A_450 : vector<16xf32>
          %parallel_loop3A_452 = arith.minimumf %parallel_loop3A_441, %parallel_loop3A_450 : vector<16xf32>
          %parallel_loop3A_453 = arith.maximumf %parallel_loop3A_443, %parallel_loop3A_263 : vector<16xf32>
          %parallel_loop3A_454 = arith.minimumf %parallel_loop3A_443, %parallel_loop3A_263 : vector<16xf32>
          %parallel_loop3A_455 = arith.maximumf %parallel_loop3A_445, %parallel_loop3A_454 : vector<16xf32>
          %parallel_loop3A_456 = arith.minimumf %parallel_loop3A_445, %parallel_loop3A_454 : vector<16xf32>
          %parallel_loop3A_457 = arith.maximumf %parallel_loop3A_447, %parallel_loop3A_456 : vector<16xf32>
          %parallel_loop3A_458 = arith.minimumf %parallel_loop3A_447, %parallel_loop3A_456 : vector<16xf32>
          %parallel_loop3A_459 = arith.maximumf %parallel_loop3A_449, %parallel_loop3A_458 : vector<16xf32>
          %parallel_loop3A_460 = arith.minimumf %parallel_loop3A_449, %parallel_loop3A_458 : vector<16xf32>
          %parallel_loop3A_461 = arith.maximumf %parallel_loop3A_451, %parallel_loop3A_460 : vector<16xf32>
          %parallel_loop3A_462 = arith.minimumf %parallel_loop3A_451, %parallel_loop3A_460 : vector<16xf32>
          %parallel_loop3A_463 = arith.maximumf %parallel_loop3A_453, %parallel_loop3A_268 : vector<16xf32>
          %parallel_loop3A_464 = arith.minimumf %parallel_loop3A_453, %parallel_loop3A_268 : vector<16xf32>
          %parallel_loop3A_465 = arith.maximumf %parallel_loop3A_455, %parallel_loop3A_464 : vector<16xf32>
          %parallel_loop3A_466 = arith.minimumf %parallel_loop3A_455, %parallel_loop3A_464 : vector<16xf32>
          %parallel_loop3A_467 = arith.maximumf %parallel_loop3A_457, %parallel_loop3A_466 : vector<16xf32>
          %parallel_loop3A_468 = arith.minimumf %parallel_loop3A_457, %parallel_loop3A_466 : vector<16xf32>
          %parallel_loop3A_469 = arith.maximumf %parallel_loop3A_459, %parallel_loop3A_468 : vector<16xf32>
          %parallel_loop3A_470 = arith.minimumf %parallel_loop3A_459, %parallel_loop3A_468 : vector<16xf32>
          %parallel_loop3A_471 = arith.maximumf %parallel_loop3A_461, %parallel_loop3A_470 : vector<16xf32>
          %parallel_loop3A_472 = arith.minimumf %parallel_loop3A_461, %parallel_loop3A_470 : vector<16xf32>
          %parallel_loop3A_473 = arith.maximumf %parallel_loop3A_463, %parallel_loop3A_273 : vector<16xf32>
          %parallel_loop3A_474 = arith.minimumf %parallel_loop3A_463, %parallel_loop3A_273 : vector<16xf32>
          %parallel_loop3A_475 = arith.maximumf %parallel_loop3A_465, %parallel_loop3A_474 : vector<16xf32>
          %parallel_loop3A_476 = arith.minimumf %parallel_loop3A_465, %parallel_loop3A_474 : vector<16xf32>
          %parallel_loop3A_477 = arith.maximumf %parallel_loop3A_467, %parallel_loop3A_476 : vector<16xf32>
          %parallel_loop3A_478 = arith.minimumf %parallel_loop3A_467, %parallel_loop3A_476 : vector<16xf32>
          %parallel_loop3A_479 = arith.maximumf %parallel_loop3A_469, %parallel_loop3A_478 : vector<16xf32>
          %parallel_loop3A_480 = arith.minimumf %parallel_loop3A_469, %parallel_loop3A_478 : vector<16xf32>
          %parallel_loop3A_481 = arith.maximumf %parallel_loop3A_471, %parallel_loop3A_480 : vector<16xf32>
          %parallel_loop3A_482 = arith.minimumf %parallel_loop3A_471, %parallel_loop3A_480 : vector<16xf32>
          %parallel_loop3A_483 = arith.maximumf %parallel_loop3A_473, %parallel_loop3A_278 : vector<16xf32>
          %parallel_loop3A_484 = arith.minimumf %parallel_loop3A_473, %parallel_loop3A_278 : vector<16xf32>
          %parallel_loop3A_485 = arith.maximumf %parallel_loop3A_475, %parallel_loop3A_484 : vector<16xf32>
          %parallel_loop3A_486 = arith.minimumf %parallel_loop3A_475, %parallel_loop3A_484 : vector<16xf32>
          %parallel_loop3A_487 = arith.maximumf %parallel_loop3A_477, %parallel_loop3A_486 : vector<16xf32>
          %parallel_loop3A_488 = arith.minimumf %parallel_loop3A_477, %parallel_loop3A_486 : vector<16xf32>
          %parallel_loop3A_489 = arith.maximumf %parallel_loop3A_479, %parallel_loop3A_488 : vector<16xf32>
          %parallel_loop3A_490 = arith.minimumf %parallel_loop3A_479, %parallel_loop3A_488 : vector<16xf32>
          %parallel_loop3A_491 = arith.maximumf %parallel_loop3A_481, %parallel_loop3A_490 : vector<16xf32>
          %parallel_loop3A_492 = arith.minimumf %parallel_loop3A_481, %parallel_loop3A_490 : vector<16xf32>
          %parallel_loop3A_493 = arith.maximumf %parallel_loop3A_483, %parallel_loop3A_283 : vector<16xf32>
          %parallel_loop3A_494 = arith.minimumf %parallel_loop3A_483, %parallel_loop3A_283 : vector<16xf32>
          %parallel_loop3A_495 = arith.maximumf %parallel_loop3A_485, %parallel_loop3A_494 : vector<16xf32>
          %parallel_loop3A_496 = arith.minimumf %parallel_loop3A_485, %parallel_loop3A_494 : vector<16xf32>
          %parallel_loop3A_497 = arith.maximumf %parallel_loop3A_487, %parallel_loop3A_496 : vector<16xf32>
          %parallel_loop3A_498 = arith.minimumf %parallel_loop3A_487, %parallel_loop3A_496 : vector<16xf32>
          %parallel_loop3A_499 = arith.maximumf %parallel_loop3A_489, %parallel_loop3A_498 : vector<16xf32>
          %parallel_loop3A_500 = arith.minimumf %parallel_loop3A_489, %parallel_loop3A_498 : vector<16xf32>
          %parallel_loop3A_501 = arith.maximumf %parallel_loop3A_491, %parallel_loop3A_500 : vector<16xf32>
          %parallel_loop3A_502 = arith.minimumf %parallel_loop3A_491, %parallel_loop3A_500 : vector<16xf32>
          %parallel_loop3A_503 = arith.maximumf %parallel_loop3A_493, %parallel_loop3A_288 : vector<16xf32>
          %parallel_loop3A_504 = arith.minimumf %parallel_loop3A_493, %parallel_loop3A_288 : vector<16xf32>
          %parallel_loop3A_505 = arith.maximumf %parallel_loop3A_495, %parallel_loop3A_504 : vector<16xf32>
          %parallel_loop3A_506 = arith.minimumf %parallel_loop3A_495, %parallel_loop3A_504 : vector<16xf32>
          %parallel_loop3A_507 = arith.maximumf %parallel_loop3A_497, %parallel_loop3A_506 : vector<16xf32>
          %parallel_loop3A_508 = arith.minimumf %parallel_loop3A_497, %parallel_loop3A_506 : vector<16xf32>
          %parallel_loop3A_509 = arith.maximumf %parallel_loop3A_499, %parallel_loop3A_508 : vector<16xf32>
          %parallel_loop3A_510 = arith.minimumf %parallel_loop3A_499, %parallel_loop3A_508 : vector<16xf32>
          %parallel_loop3A_511 = arith.maximumf %parallel_loop3A_501, %parallel_loop3A_510 : vector<16xf32>
          %parallel_loop3A_512 = arith.minimumf %parallel_loop3A_501, %parallel_loop3A_510 : vector<16xf32>
          %parallel_loop3A_513 = arith.maximumf %parallel_loop3A_503, %parallel_loop3A_293 : vector<16xf32>
          %parallel_loop3A_514 = arith.minimumf %parallel_loop3A_503, %parallel_loop3A_293 : vector<16xf32>
          %parallel_loop3A_515 = arith.maximumf %parallel_loop3A_505, %parallel_loop3A_514 : vector<16xf32>
          %parallel_loop3A_516 = arith.minimumf %parallel_loop3A_505, %parallel_loop3A_514 : vector<16xf32>
          %parallel_loop3A_517 = arith.maximumf %parallel_loop3A_507, %parallel_loop3A_516 : vector<16xf32>
          %parallel_loop3A_518 = arith.minimumf %parallel_loop3A_507, %parallel_loop3A_516 : vector<16xf32>
          %parallel_loop3A_519 = arith.maximumf %parallel_loop3A_509, %parallel_loop3A_518 : vector<16xf32>
          %parallel_loop3A_520 = arith.minimumf %parallel_loop3A_509, %parallel_loop3A_518 : vector<16xf32>
          %parallel_loop3A_521 = arith.maximumf %parallel_loop3A_511, %parallel_loop3A_520 : vector<16xf32>
          %parallel_loop3A_522 = arith.minimumf %parallel_loop3A_511, %parallel_loop3A_520 : vector<16xf32>
          scf.yield %parallel_loop3A_513, %parallel_loop3A_515, %parallel_loop3A_517, %parallel_loop3A_519, %parallel_loop3A_521 : vector<16xf32>, vector<16xf32>, vector<16xf32>, vector<16xf32>, vector<16xf32>
        } else {
          scf.yield %parallel_loop3A_187, %parallel_loop3A_188, %parallel_loop3A_189, %parallel_loop3A_190, %parallel_loop3A_191 : vector<16xf32>, vector<16xf32>, vector<16xf32>, vector<16xf32>, vector<16xf32>
        }
        scf.yield %parallel_loop3A_322#0, %parallel_loop3A_322#1, %parallel_loop3A_322#2, %parallel_loop3A_322#3, %parallel_loop3A_322#4 : vector<16xf32>, vector<16xf32>, vector<16xf32>, vector<16xf32>, vector<16xf32>
      } {sc.loop_unroll_factor = 5 : i64, sc.parallel_access}
      %parallel_loop3A_112 = arith.constant 6 : i32
      %parallel_loop3A_113 = arith.muli %parallel_loop3A_69, %parallel_loop3A_112 : i32
      %parallel_loop3A_114 = arith.constant 0 : i32
      %parallel_loop3A_115 = arith.addi %parallel_loop3A_113, %parallel_loop3A_114 : i32
      %parallel_loop3A_116 = arith.index_cast %parallel_loop3A_115 : i32 to index
      %parallel_loop3A_117 = arith.constant 0 : index
      %parallel_loop3A_118 = tpu.vector_load %arg6[%parallel_loop3A_116, %parallel_loop3A_117] {strides = array<i32>} : memref<48x16xf32, #tpu.memory_space<vmem>>, vector<16xf32>,
      tpu.vector_store %arg6[%parallel_loop3A_116, %parallel_loop3A_117], %parallel_loop3A_111#0 {strides = array<i32>} : memref<48x16xf32, #tpu.memory_space<vmem>>, vector<16xf32>,
      %parallel_loop3A_119 = arith.constant 6 : i32
      %parallel_loop3A_120 = arith.muli %parallel_loop3A_69, %parallel_loop3A_119 : i32
      %parallel_loop3A_121 = arith.constant 1 : i32
      %parallel_loop3A_122 = arith.addi %parallel_loop3A_120, %parallel_loop3A_121 : i32
      %parallel_loop3A_123 = arith.index_cast %parallel_loop3A_122 : i32 to index
      %parallel_loop3A_124 = arith.constant 0 : index
      %parallel_loop3A_125 = tpu.vector_load %arg6[%parallel_loop3A_123, %parallel_loop3A_124] {strides = array<i32>} : memref<48x16xf32, #tpu.memory_space<vmem>>, vector<16xf32>,
      tpu.vector_store %arg6[%parallel_loop3A_123, %parallel_loop3A_124], %parallel_loop3A_111#1 {strides = array<i32>} : memref<48x16xf32, #tpu.memory_space<vmem>>, vector<16xf32>,
      %parallel_loop3A_126 = arith.constant 6 : i32
      %parallel_loop3A_127 = arith.muli %parallel_loop3A_69, %parallel_loop3A_126 : i32
      %parallel_loop3A_128 = arith.constant 2 : i32
      %parallel_loop3A_129 = arith.addi %parallel_loop3A_127, %parallel_loop3A_128 : i32
      %parallel_loop3A_130 = arith.index_cast %parallel_loop3A_129 : i32 to index
      %parallel_loop3A_131 = arith.constant 0 : index
      %parallel_loop3A_132 = tpu.vector_load %arg6[%parallel_loop3A_130, %parallel_loop3A_131] {strides = array<i32>} : memref<48x16xf32, #tpu.memory_space<vmem>>, vector<16xf32>,
      tpu.vector_store %arg6[%parallel_loop3A_130, %parallel_loop3A_131], %parallel_loop3A_111#2 {strides = array<i32>} : memref<48x16xf32, #tpu.memory_space<vmem>>, vector<16xf32>,
      %parallel_loop3A_133 = arith.constant 6 : i32
      %parallel_loop3A_134 = arith.muli %parallel_loop3A_69, %parallel_loop3A_133 : i32
      %parallel_loop3A_135 = arith.constant 3 : i32
      %parallel_loop3A_136 = arith.addi %parallel_loop3A_134, %parallel_loop3A_135 : i32
      %parallel_loop3A_137 = arith.index_cast %parallel_loop3A_136 : i32 to index
      %parallel_loop3A_138 = arith.constant 0 : index
      %parallel_loop3A_139 = tpu.vector_load %arg6[%parallel_loop3A_137, %parallel_loop3A_138] {strides = array<i32>} : memref<48x16xf32, #tpu.memory_space<vmem>>, vector<16xf32>,
      tpu.vector_store %arg6[%parallel_loop3A_137, %parallel_loop3A_138], %parallel_loop3A_111#3 {strides = array<i32>} : memref<48x16xf32, #tpu.memory_space<vmem>>, vector<16xf32>,
      %parallel_loop3A_140 = arith.constant 6 : i32
      %parallel_loop3A_141 = arith.muli %parallel_loop3A_69, %parallel_loop3A_140 : i32
      %parallel_loop3A_142 = arith.constant 4 : i32
      %parallel_loop3A_143 = arith.addi %parallel_loop3A_141, %parallel_loop3A_142 : i32
      %parallel_loop3A_144 = arith.index_cast %parallel_loop3A_143 : i32 to index
      %parallel_loop3A_145 = arith.constant 0 : index
      %parallel_loop3A_146 = tpu.vector_load %arg6[%parallel_loop3A_144, %parallel_loop3A_145] {strides = array<i32>} : memref<48x16xf32, #tpu.memory_space<vmem>>, vector<16xf32>,
      tpu.vector_store %arg6[%parallel_loop3A_144, %parallel_loop3A_145], %parallel_loop3A_111#4 {strides = array<i32>} : memref<48x16xf32, #tpu.memory_space<vmem>>, vector<16xf32>,
      %parallel_loop3A_147 = arith.index_cast %parallel_loop3A_107 : i32 to index
      %parallel_loop3A_148 = tpu.vector_load %arg5[%parallel_loop3A_147] {strides = array<i32>} : memref<128xi32, #tpu.memory_space<vmem>>, vector<16xi32>,
      %parallel_loop3A_149 = arith.constant 0 : i32
      %parallel_loop3A_150 = vector.broadcast %parallel_loop3A_149 : i32 to vector<16xi32>
      %parallel_loop3A_151 = arith.maxsi %parallel_loop3A_148, %parallel_loop3A_150 : vector<16xi32>
      %parallel_loop3A_152 = arith.constant 99999 : i32
      %parallel_loop3A_153 = vector.broadcast %parallel_loop3A_152 : i32 to vector<16xi32>
      %parallel_loop3A_154 = arith.minsi %parallel_loop3A_151, %parallel_loop3A_153 : vector<16xi32>
      %parallel_loop3A_155 = vector.broadcast %add3A_57 : i32 to vector<16xi32>
      %parallel_loop3A_156 = arith.cmpi sge, %parallel_loop3A_154, %parallel_loop3A_155 : vector<16xi32>
      %parallel_loop3A_157 = arith.constant 200 : i32
      %parallel_loop3A_158 = arith.addi %add3A_57, %parallel_loop3A_157 : i32
      %parallel_loop3A_159 = vector.broadcast %parallel_loop3A_158 : i32 to vector<16xi32>
      %parallel_loop3A_160 = arith.cmpi slt, %parallel_loop3A_154, %parallel_loop3A_159 : vector<16xi32>
      %parallel_loop3A_161 = arith.andi %parallel_loop3A_156, %parallel_loop3A_160 : vector<16xi1>
      %parallel_loop3A_162 = vector.broadcast %add3A_57 : i32 to vector<16xi32>
      %parallel_loop3A_163 = arith.subi %parallel_loop3A_154, %parallel_loop3A_162 : vector<16xi32>
      %parallel_loop3A_164 = arith.constant 0 : i32
      %parallel_loop3A_165 = vector.broadcast %parallel_loop3A_164 : i32 to vector<16xi32>
      %parallel_loop3A_166 = arith.select %parallel_loop3A_161, %parallel_loop3A_163, %parallel_loop3A_165 : vector<16xi1>, vector<16xi32>
      %parallel_loop3A_167 = tpu.iota {dimensions = array<i32: 0>} : vector<16xi32>
      %parallel_loop3A_168 = vector.broadcast %parallel_loop3A_107 : i32 to vector<16xi32>
      %parallel_loop3A_169 = arith.addi %parallel_loop3A_167, %parallel_loop3A_168 : vector<16xi32>
      %parallel_loop3A_170 = tpu.vector_load_idx %arg9[%parallel_loop3A_166, %parallel_loop3A_169] : memref<200x128xf32, #tpu.memory_space<vmem>>[vector<16xi32>, vector<16xi32>], vector<16xf32>,
      %parallel_loop3A_171 = arith.constant 6 : i32
      %parallel_loop3A_172 = arith.muli %parallel_loop3A_69, %parallel_loop3A_171 : i32
      %parallel_loop3A_173 = arith.constant 5 : i32
      %parallel_loop3A_174 = arith.addi %parallel_loop3A_172, %parallel_loop3A_173 : i32
      %parallel_loop3A_175 = arith.index_cast %parallel_loop3A_174 : i32 to index
      %parallel_loop3A_176 = arith.constant 0 : index
      %parallel_loop3A_177 = tpu.vector_load %arg6[%parallel_loop3A_175, %parallel_loop3A_176] {strides = array<i32>} : memref<48x16xf32, #tpu.memory_space<vmem>>, vector<16xf32>,
      %parallel_loop3A_178 = arith.select %parallel_loop3A_161, %parallel_loop3A_170, %parallel_loop3A_177 : vector<16xi1>, vector<16xf32>
      %parallel_loop3A_179 = arith.constant 6 : i32
      %parallel_loop3A_180 = arith.muli %parallel_loop3A_69, %parallel_loop3A_179 : i32
      %parallel_loop3A_181 = arith.constant 5 : i32
      %parallel_loop3A_182 = arith.addi %parallel_loop3A_180, %parallel_loop3A_181 : i32
      %parallel_loop3A_183 = arith.index_cast %parallel_loop3A_182 : i32 to index
      %parallel_loop3A_184 = arith.constant 0 : index
      %parallel_loop3A_185 = tpu.vector_load %arg6[%parallel_loop3A_183, %parallel_loop3A_184] {strides = array<i32>} : memref<48x16xf32, #tpu.memory_space<vmem>>, vector<16xf32>,
      tpu.vector_store %arg6[%parallel_loop3A_183, %parallel_loop3A_184], %parallel_loop3A_178 {strides = array<i32>} : memref<48x16xf32, #tpu.memory_space<vmem>>, vector<16xf32>,
      scf.yield %parallel_loop3A_70 : i32
    } {sc.loop_unroll_factor = 2 : i64, sc.parallel_access}
    %mul3A_62 = arith.constant 6 : i32
    %mul3A_63 = arith.muli %arg1, %mul3A_62 : i32
    %mul3A_64 = arith.constant 8 : i32
    %mul3A_65 = arith.muli %mul3A_63, %mul3A_64 : i32
    "tpu.region"() ({
      %run_scoped3A = tpu.sem_alloc : memref<!tpu.dma_semaphore, #tpu.memory_space<semaphore_mem>>
      %dma_start3A_69 = arith.constant 0 : i32
      %dma_start3A_70 = tpu.memref_slice %arg11[%mul3A_65, %dma_start3A_69] : memref<768x16xf32, #tpu.memory_space<vmem_shared>> -> memref<48x16xf32, #tpu.memory_space<vmem_shared>>
      %dma_start3A_71 = arith.constant 0 : i32
      %dma_start3A_72 = tpu.memref_slice %arg11[%mul3A_65, %dma_start3A_71] : memref<768x16xf32, #tpu.memory_space<vmem_shared>> -> memref<48x16xf32, #tpu.memory_space<vmem_shared>>
      tpu.enqueue_dma source(%arg6 : memref<48x16xf32, #tpu.memory_space<vmem>>) target(%dma_start3A_72 : memref<48x16xf32, #tpu.memory_space<vmem_shared>>) target_semaphore(%run_scoped3A : memref<!tpu.dma_semaphore, #tpu.memory_space<semaphore_mem>>)
      %dma_wait3A_73 = arith.constant 0 : i32
      %dma_wait3A_74 = tpu.memref_slice %arg11[%mul3A_65, %dma_wait3A_73] : memref<768x16xf32, #tpu.memory_space<vmem_shared>> -> memref<48x16xf32, #tpu.memory_space<vmem_shared>>
      %dma_wait3A_75 = arith.constant 0 : i32
      %dma_wait3A_76 = tpu.memref_slice %arg11[%mul3A_65, %dma_wait3A_75] : memref<768x16xf32, #tpu.memory_space<vmem_shared>> -> memref<48x16xf32, #tpu.memory_space<vmem_shared>>
      tpu.wait_dma2 semaphore(%run_scoped3A : memref<!tpu.dma_semaphore, #tpu.memory_space<semaphore_mem>>) src(%arg6 : memref<48x16xf32, #tpu.memory_space<vmem>>) dst(%dma_wait3A_76 : memref<48x16xf32, #tpu.memory_space<vmem_shared>>)
      tpu.yield
    }) : () -> ()
    %barrier3A = arith.constant 0 : index
    tpu.barrier barrier_id(%barrier3A)
    %eq3A_66 = arith.constant 0 : i32
    %eq3A_67 = arith.cmpi eq, %select_n3A_30, %eq3A_66 : i32
    %convert_element_type3A = arith.extui %eq3A_67 : i1 to i32
    %cond3A = arith.constant 0 : i32
    %cond3A_68 = arith.cmpi ne, %convert_element_type3A, %cond3A : i32
    scf.if %cond3A_68 {
      %scan3A_69 = arith.constant 0 : i32
      %scan3A_70 = arith.constant 0 : i32
      %scan3A_71 = arith.constant 8 : i32
      %scan3A_72 = arith.addi %scan3A_70, %scan3A_71 : i32
      %scan3A_73 = arith.constant 1 : i32
      scf.for %scan3A_87 = %scan3A_70 to %scan3A_72 step %scan3A_73  : i32 {
        %broadcast_in_dim3A = arith.constant 0.000000e+00 : f32
        %broadcast_in_dim3A_88 = vector.broadcast %broadcast_in_dim3A : f32 to vector<16xf32>
        %mul3A_89 = arith.constant 16 : i32
        %mul3A_90 = arith.muli %scan3A_87, %mul3A_89 : i32
        %swap3A = arith.constant 6 : i32
        %swap3A_91 = arith.index_cast %swap3A : i32 to index
        %swap3A_92 = arith.index_cast %mul3A_90 : i32 to index
        %swap3A_93 = tpu.vector_load %arg8[%swap3A_91, %swap3A_92] {strides = array<i32>} : memref<8x128xf32, #tpu.memory_space<vmem>>, vector<16xf32>,
        tpu.vector_store %arg8[%swap3A_91, %swap3A_92], %broadcast_in_dim3A_88 {strides = array<i32>} : memref<8x128xf32, #tpu.memory_space<vmem>>, vector<16xf32>,
        %broadcast_in_dim3A_94 = arith.constant 0.000000e+00 : f32
        %broadcast_in_dim3A_95 = vector.broadcast %broadcast_in_dim3A_94 : f32 to vector<16xf32>
        %mul3A_96 = arith.constant 16 : i32
        %mul3A_97 = arith.muli %scan3A_87, %mul3A_96 : i32
        %swap3A_98 = arith.constant 7 : i32
        %swap3A_99 = arith.index_cast %swap3A_98 : i32 to index
        %swap3A_100 = arith.index_cast %mul3A_97 : i32 to index
        %swap3A_101 = tpu.vector_load %arg8[%swap3A_99, %swap3A_100] {strides = array<i32>} : memref<8x128xf32, #tpu.memory_space<vmem>>, vector<16xf32>,
        tpu.vector_store %arg8[%swap3A_99, %swap3A_100], %broadcast_in_dim3A_95 {strides = array<i32>} : memref<8x128xf32, #tpu.memory_space<vmem>>, vector<16xf32>,
      }
      %scan3A_74 = arith.constant 8 : i32
      %scan3A_75 = arith.constant 0 : i32
      %scan3A_76 = arith.constant 1 : i32
      %scan3A_77 = arith.constant 3 : i32
      %scan3A_78 = arith.addi %scan3A_76, %scan3A_77 : i32
      %scan3A_79 = arith.constant 1 : i32
      scf.for %scan3A_87 = %scan3A_76 to %scan3A_78 step %scan3A_79  : i32 {
        %add3A_88 = arith.addi %arg1, %scan3A_87 : i32
        %mul3A_89 = arith.constant 6 : i32
        %mul3A_90 = arith.muli %add3A_88, %mul3A_89 : i32
        %mul3A_91 = arith.constant 8 : i32
        %mul3A_92 = arith.muli %mul3A_90, %mul3A_91 : i32
        "tpu.region"() ({
          %run_scoped3A = tpu.sem_alloc : memref<!tpu.dma_semaphore, #tpu.memory_space<semaphore_mem>>
          %dma_start3A_99 = arith.constant 0 : i32
          %dma_start3A_100 = tpu.memref_slice %arg11[%mul3A_92, %dma_start3A_99] : memref<768x16xf32, #tpu.memory_space<vmem_shared>> -> memref<48x16xf32, #tpu.memory_space<vmem_shared>>
          %dma_start3A_101 = arith.constant 0 : i32
          %dma_start3A_102 = tpu.memref_slice %arg11[%mul3A_92, %dma_start3A_101] : memref<768x16xf32, #tpu.memory_space<vmem_shared>> -> memref<48x16xf32, #tpu.memory_space<vmem_shared>>
          tpu.enqueue_dma source(%dma_start3A_102 : memref<48x16xf32, #tpu.memory_space<vmem_shared>>) target(%arg7 : memref<48x16xf32, #tpu.memory_space<vmem>>) target_semaphore(%run_scoped3A : memref<!tpu.dma_semaphore, #tpu.memory_space<semaphore_mem>>)
          %dma_wait3A_103 = arith.constant 0 : i32
          %dma_wait3A_104 = tpu.memref_slice %arg11[%mul3A_92, %dma_wait3A_103] : memref<768x16xf32, #tpu.memory_space<vmem_shared>> -> memref<48x16xf32, #tpu.memory_space<vmem_shared>>
          %dma_wait3A_105 = arith.constant 0 : i32
          %dma_wait3A_106 = tpu.memref_slice %arg11[%mul3A_92, %dma_wait3A_105] : memref<768x16xf32, #tpu.memory_space<vmem_shared>> -> memref<48x16xf32, #tpu.memory_space<vmem_shared>>
          tpu.wait_dma2 semaphore(%run_scoped3A : memref<!tpu.dma_semaphore, #tpu.memory_space<semaphore_mem>>) src(%dma_wait3A_106 : memref<48x16xf32, #tpu.memory_space<vmem_shared>>) dst(%arg7 : memref<48x16xf32, #tpu.memory_space<vmem>>)
          tpu.yield
        }) : () -> ()
        %scan3A_93 = arith.constant 0 : i32
        %scan3A_94 = arith.constant 0 : i32
        %scan3A_95 = arith.constant 8 : i32
        %scan3A_96 = arith.addi %scan3A_94, %scan3A_95 : i32
        %scan3A_97 = arith.constant 1 : i32
        scf.for %scan3A_99 = %scan3A_94 to %scan3A_96 step %scan3A_97  : i32 {
          %mul3A_100 = arith.constant 6 : i32
          %mul3A_101 = arith.muli %scan3A_99, %mul3A_100 : i32
          %add3A_102 = arith.constant 0 : i32
          %add3A_103 = arith.addi %mul3A_101, %add3A_102 : i32
          %get3A = arith.index_cast %add3A_103 : i32 to index
          %get3A_104 = arith.constant 0 : index
          %get3A_105 = tpu.vector_load %arg6[%get3A, %get3A_104] {strides = array<i32>} : memref<48x16xf32, #tpu.memory_space<vmem>>, vector<16xf32>,
          %mul3A_106 = arith.constant 6 : i32
          %mul3A_107 = arith.muli %scan3A_99, %mul3A_106 : i32
          %add3A_108 = arith.constant 1 : i32
          %add3A_109 = arith.addi %mul3A_107, %add3A_108 : i32
          %get3A_110 = arith.index_cast %add3A_109 : i32 to index
          %get3A_111 = arith.constant 0 : index
          %get3A_112 = tpu.vector_load %arg6[%get3A_110, %get3A_111] {strides = array<i32>} : memref<48x16xf32, #tpu.memory_space<vmem>>, vector<16xf32>,
          %mul3A_113 = arith.constant 6 : i32
          %mul3A_114 = arith.muli %scan3A_99, %mul3A_113 : i32
          %add3A_115 = arith.constant 2 : i32
          %add3A_116 = arith.addi %mul3A_114, %add3A_115 : i32
          %get3A_117 = arith.index_cast %add3A_116 : i32 to index
          %get3A_118 = arith.constant 0 : index
          %get3A_119 = tpu.vector_load %arg6[%get3A_117, %get3A_118] {strides = array<i32>} : memref<48x16xf32, #tpu.memory_space<vmem>>, vector<16xf32>,
          %mul3A_120 = arith.constant 6 : i32
          %mul3A_121 = arith.muli %scan3A_99, %mul3A_120 : i32
          %add3A_122 = arith.constant 3 : i32
          %add3A_123 = arith.addi %mul3A_121, %add3A_122 : i32
          %get3A_124 = arith.index_cast %add3A_123 : i32 to index
          %get3A_125 = arith.constant 0 : index
          %get3A_126 = tpu.vector_load %arg6[%get3A_124, %get3A_125] {strides = array<i32>} : memref<48x16xf32, #tpu.memory_space<vmem>>, vector<16xf32>,
          %mul3A_127 = arith.constant 6 : i32
          %mul3A_128 = arith.muli %scan3A_99, %mul3A_127 : i32
          %add3A_129 = arith.constant 4 : i32
          %add3A_130 = arith.addi %mul3A_128, %add3A_129 : i32
          %get3A_131 = arith.index_cast %add3A_130 : i32 to index
          %get3A_132 = arith.constant 0 : index
          %get3A_133 = tpu.vector_load %arg6[%get3A_131, %get3A_132] {strides = array<i32>} : memref<48x16xf32, #tpu.memory_space<vmem>>, vector<16xf32>,
          %mul3A_134 = arith.constant 6 : i32
          %mul3A_135 = arith.muli %scan3A_99, %mul3A_134 : i32
          %add3A_136 = arith.constant 0 : i32
          %add3A_137 = arith.addi %mul3A_135, %add3A_136 : i32
          %get3A_138 = arith.index_cast %add3A_137 : i32 to index
          %get3A_139 = arith.constant 0 : index
          %get3A_140 = tpu.vector_load %arg7[%get3A_138, %get3A_139] {strides = array<i32>} : memref<48x16xf32, #tpu.memory_space<vmem>>, vector<16xf32>,
          %max3A = arith.maximumf %get3A_105, %get3A_140 : vector<16xf32>
          %min3A = arith.minimumf %get3A_105, %get3A_140 : vector<16xf32>
          %max3A_141 = arith.maximumf %get3A_112, %min3A : vector<16xf32>
          %min3A_142 = arith.minimumf %get3A_112, %min3A : vector<16xf32>
          %max3A_143 = arith.maximumf %get3A_119, %min3A_142 : vector<16xf32>
          %min3A_144 = arith.minimumf %get3A_119, %min3A_142 : vector<16xf32>
          %max3A_145 = arith.maximumf %get3A_126, %min3A_144 : vector<16xf32>
          %min3A_146 = arith.minimumf %get3A_126, %min3A_144 : vector<16xf32>
          %max3A_147 = arith.maximumf %get3A_133, %min3A_146 : vector<16xf32>
          %min3A_148 = arith.minimumf %get3A_133, %min3A_146 : vector<16xf32>
          %mul3A_149 = arith.constant 6 : i32
          %mul3A_150 = arith.muli %scan3A_99, %mul3A_149 : i32
          %add3A_151 = arith.constant 1 : i32
          %add3A_152 = arith.addi %mul3A_150, %add3A_151 : i32
          %get3A_153 = arith.index_cast %add3A_152 : i32 to index
          %get3A_154 = arith.constant 0 : index
          %get3A_155 = tpu.vector_load %arg7[%get3A_153, %get3A_154] {strides = array<i32>} : memref<48x16xf32, #tpu.memory_space<vmem>>, vector<16xf32>,
          %max3A_156 = arith.maximumf %max3A, %get3A_155 : vector<16xf32>
          %min3A_157 = arith.minimumf %max3A, %get3A_155 : vector<16xf32>
          %max3A_158 = arith.maximumf %max3A_141, %min3A_157 : vector<16xf32>
          %min3A_159 = arith.minimumf %max3A_141, %min3A_157 : vector<16xf32>
          %max3A_160 = arith.maximumf %max3A_143, %min3A_159 : vector<16xf32>
          %min3A_161 = arith.minimumf %max3A_143, %min3A_159 : vector<16xf32>
          %max3A_162 = arith.maximumf %max3A_145, %min3A_161 : vector<16xf32>
          %min3A_163 = arith.minimumf %max3A_145, %min3A_161 : vector<16xf32>
          %max3A_164 = arith.maximumf %max3A_147, %min3A_163 : vector<16xf32>
          %min3A_165 = arith.minimumf %max3A_147, %min3A_163 : vector<16xf32>
          %mul3A_166 = arith.constant 6 : i32
          %mul3A_167 = arith.muli %scan3A_99, %mul3A_166 : i32
          %add3A_168 = arith.constant 2 : i32
          %add3A_169 = arith.addi %mul3A_167, %add3A_168 : i32
          %get3A_170 = arith.index_cast %add3A_169 : i32 to index
          %get3A_171 = arith.constant 0 : index
          %get3A_172 = tpu.vector_load %arg7[%get3A_170, %get3A_171] {strides = array<i32>} : memref<48x16xf32, #tpu.memory_space<vmem>>, vector<16xf32>,
          %max3A_173 = arith.maximumf %max3A_156, %get3A_172 : vector<16xf32>
          %min3A_174 = arith.minimumf %max3A_156, %get3A_172 : vector<16xf32>
          %max3A_175 = arith.maximumf %max3A_158, %min3A_174 : vector<16xf32>
          %min3A_176 = arith.minimumf %max3A_158, %min3A_174 : vector<16xf32>
          %max3A_177 = arith.maximumf %max3A_160, %min3A_176 : vector<16xf32>
          %min3A_178 = arith.minimumf %max3A_160, %min3A_176 : vector<16xf32>
          %max3A_179 = arith.maximumf %max3A_162, %min3A_178 : vector<16xf32>
          %min3A_180 = arith.minimumf %max3A_162, %min3A_178 : vector<16xf32>
          %max3A_181 = arith.maximumf %max3A_164, %min3A_180 : vector<16xf32>
          %min3A_182 = arith.minimumf %max3A_164, %min3A_180 : vector<16xf32>
          %mul3A_183 = arith.constant 6 : i32
          %mul3A_184 = arith.muli %scan3A_99, %mul3A_183 : i32
          %add3A_185 = arith.constant 3 : i32
          %add3A_186 = arith.addi %mul3A_184, %add3A_185 : i32
          %get3A_187 = arith.index_cast %add3A_186 : i32 to index
          %get3A_188 = arith.constant 0 : index
          %get3A_189 = tpu.vector_load %arg7[%get3A_187, %get3A_188] {strides = array<i32>} : memref<48x16xf32, #tpu.memory_space<vmem>>, vector<16xf32>,
          %max3A_190 = arith.maximumf %max3A_173, %get3A_189 : vector<16xf32>
          %min3A_191 = arith.minimumf %max3A_173, %get3A_189 : vector<16xf32>
          %max3A_192 = arith.maximumf %max3A_175, %min3A_191 : vector<16xf32>
          %min3A_193 = arith.minimumf %max3A_175, %min3A_191 : vector<16xf32>
          %max3A_194 = arith.maximumf %max3A_177, %min3A_193 : vector<16xf32>
          %min3A_195 = arith.minimumf %max3A_177, %min3A_193 : vector<16xf32>
          %max3A_196 = arith.maximumf %max3A_179, %min3A_195 : vector<16xf32>
          %min3A_197 = arith.minimumf %max3A_179, %min3A_195 : vector<16xf32>
          %max3A_198 = arith.maximumf %max3A_181, %min3A_197 : vector<16xf32>
          %min3A_199 = arith.minimumf %max3A_181, %min3A_197 : vector<16xf32>
          %mul3A_200 = arith.constant 6 : i32
          %mul3A_201 = arith.muli %scan3A_99, %mul3A_200 : i32
          %add3A_202 = arith.constant 4 : i32
          %add3A_203 = arith.addi %mul3A_201, %add3A_202 : i32
          %get3A_204 = arith.index_cast %add3A_203 : i32 to index
          %get3A_205 = arith.constant 0 : index
          %get3A_206 = tpu.vector_load %arg7[%get3A_204, %get3A_205] {strides = array<i32>} : memref<48x16xf32, #tpu.memory_space<vmem>>, vector<16xf32>,
          %max3A_207 = arith.maximumf %max3A_190, %get3A_206 : vector<16xf32>
          %min3A_208 = arith.minimumf %max3A_190, %get3A_206 : vector<16xf32>
          %max3A_209 = arith.maximumf %max3A_192, %min3A_208 : vector<16xf32>
          %min3A_210 = arith.minimumf %max3A_192, %min3A_208 : vector<16xf32>
          %max3A_211 = arith.maximumf %max3A_194, %min3A_210 : vector<16xf32>
          %min3A_212 = arith.minimumf %max3A_194, %min3A_210 : vector<16xf32>
          %max3A_213 = arith.maximumf %max3A_196, %min3A_212 : vector<16xf32>
          %min3A_214 = arith.minimumf %max3A_196, %min3A_212 : vector<16xf32>
          %max3A_215 = arith.maximumf %max3A_198, %min3A_214 : vector<16xf32>
          %min3A_216 = arith.minimumf %max3A_198, %min3A_214 : vector<16xf32>
          %mul3A_217 = arith.constant 6 : i32
          %mul3A_218 = arith.muli %scan3A_99, %mul3A_217 : i32
          %add3A_219 = arith.constant 0 : i32
          %add3A_220 = arith.addi %mul3A_218, %add3A_219 : i32
          %swap3A = arith.index_cast %add3A_220 : i32 to index
          %swap3A_221 = arith.constant 0 : index
          %swap3A_222 = tpu.vector_load %arg6[%swap3A, %swap3A_221] {strides = array<i32>} : memref<48x16xf32, #tpu.memory_space<vmem>>, vector<16xf32>,
          tpu.vector_store %arg6[%swap3A, %swap3A_221], %max3A_207 {strides = array<i32>} : memref<48x16xf32, #tpu.memory_space<vmem>>, vector<16xf32>,
          %mul3A_223 = arith.constant 6 : i32
          %mul3A_224 = arith.muli %scan3A_99, %mul3A_223 : i32
          %add3A_225 = arith.constant 1 : i32
          %add3A_226 = arith.addi %mul3A_224, %add3A_225 : i32
          %swap3A_227 = arith.index_cast %add3A_226 : i32 to index
          %swap3A_228 = arith.constant 0 : index
          %swap3A_229 = tpu.vector_load %arg6[%swap3A_227, %swap3A_228] {strides = array<i32>} : memref<48x16xf32, #tpu.memory_space<vmem>>, vector<16xf32>,
          tpu.vector_store %arg6[%swap3A_227, %swap3A_228], %max3A_209 {strides = array<i32>} : memref<48x16xf32, #tpu.memory_space<vmem>>, vector<16xf32>,
          %mul3A_230 = arith.constant 6 : i32
          %mul3A_231 = arith.muli %scan3A_99, %mul3A_230 : i32
          %add3A_232 = arith.constant 2 : i32
          %add3A_233 = arith.addi %mul3A_231, %add3A_232 : i32
          %swap3A_234 = arith.index_cast %add3A_233 : i32 to index
          %swap3A_235 = arith.constant 0 : index
          %swap3A_236 = tpu.vector_load %arg6[%swap3A_234, %swap3A_235] {strides = array<i32>} : memref<48x16xf32, #tpu.memory_space<vmem>>, vector<16xf32>,
          tpu.vector_store %arg6[%swap3A_234, %swap3A_235], %max3A_211 {strides = array<i32>} : memref<48x16xf32, #tpu.memory_space<vmem>>, vector<16xf32>,
          %mul3A_237 = arith.constant 6 : i32
          %mul3A_238 = arith.muli %scan3A_99, %mul3A_237 : i32
          %add3A_239 = arith.constant 3 : i32
          %add3A_240 = arith.addi %mul3A_238, %add3A_239 : i32
          %swap3A_241 = arith.index_cast %add3A_240 : i32 to index
          %swap3A_242 = arith.constant 0 : index
          %swap3A_243 = tpu.vector_load %arg6[%swap3A_241, %swap3A_242] {strides = array<i32>} : memref<48x16xf32, #tpu.memory_space<vmem>>, vector<16xf32>,
          tpu.vector_store %arg6[%swap3A_241, %swap3A_242], %max3A_213 {strides = array<i32>} : memref<48x16xf32, #tpu.memory_space<vmem>>, vector<16xf32>,
          %mul3A_244 = arith.constant 6 : i32
          %mul3A_245 = arith.muli %scan3A_99, %mul3A_244 : i32
          %add3A_246 = arith.constant 4 : i32
          %add3A_247 = arith.addi %mul3A_245, %add3A_246 : i32
          %swap3A_248 = arith.index_cast %add3A_247 : i32 to index
          %swap3A_249 = arith.constant 0 : index
          %swap3A_250 = tpu.vector_load %arg6[%swap3A_248, %swap3A_249] {strides = array<i32>} : memref<48x16xf32, #tpu.memory_space<vmem>>, vector<16xf32>,
          tpu.vector_store %arg6[%swap3A_248, %swap3A_249], %max3A_215 {strides = array<i32>} : memref<48x16xf32, #tpu.memory_space<vmem>>, vector<16xf32>,
          %mul3A_251 = arith.constant 6 : i32
          %mul3A_252 = arith.muli %scan3A_99, %mul3A_251 : i32
          %add3A_253 = arith.constant 5 : i32
          %add3A_254 = arith.addi %mul3A_252, %add3A_253 : i32
          %get3A_255 = arith.index_cast %add3A_254 : i32 to index
          %get3A_256 = arith.constant 0 : index
          %get3A_257 = tpu.vector_load %arg6[%get3A_255, %get3A_256] {strides = array<i32>} : memref<48x16xf32, #tpu.memory_space<vmem>>, vector<16xf32>,
          %mul3A_258 = arith.constant 6 : i32
          %mul3A_259 = arith.muli %scan3A_99, %mul3A_258 : i32
          %add3A_260 = arith.constant 5 : i32
          %add3A_261 = arith.addi %mul3A_259, %add3A_260 : i32
          %get3A_262 = arith.index_cast %add3A_261 : i32 to index
          %get3A_263 = arith.constant 0 : index
          %get3A_264 = tpu.vector_load %arg7[%get3A_262, %get3A_263] {strides = array<i32>} : memref<48x16xf32, #tpu.memory_space<vmem>>, vector<16xf32>,
          %add3A_265 = arith.addf %get3A_257, %get3A_264 : vector<16xf32>
          %mul3A_266 = arith.constant 6 : i32
          %mul3A_267 = arith.muli %scan3A_99, %mul3A_266 : i32
          %add3A_268 = arith.constant 5 : i32
          %add3A_269 = arith.addi %mul3A_267, %add3A_268 : i32
          %swap3A_270 = arith.index_cast %add3A_269 : i32 to index
          %swap3A_271 = arith.constant 0 : index
          %swap3A_272 = tpu.vector_load %arg6[%swap3A_270, %swap3A_271] {strides = array<i32>} : memref<48x16xf32, #tpu.memory_space<vmem>>, vector<16xf32>,
          tpu.vector_store %arg6[%swap3A_270, %swap3A_271], %add3A_265 {strides = array<i32>} : memref<48x16xf32, #tpu.memory_space<vmem>>, vector<16xf32>,
        }
        %scan3A_98 = arith.constant 8 : i32
      }
      %scan3A_80 = arith.constant 3 : i32
      %scan3A_81 = arith.constant 0 : i32
      %scan3A_82 = arith.constant 0 : i32
      %scan3A_83 = arith.constant 8 : i32
      %scan3A_84 = arith.addi %scan3A_82, %scan3A_83 : i32
      %scan3A_85 = arith.constant 1 : i32
      scf.for %scan3A_87 = %scan3A_82 to %scan3A_84 step %scan3A_85  : i32 {
        %mul3A_88 = arith.constant 6 : i32
        %mul3A_89 = arith.muli %scan3A_87, %mul3A_88 : i32
        %add3A_90 = arith.constant 0 : i32
        %add3A_91 = arith.addi %mul3A_89, %add3A_90 : i32
        %get3A = arith.index_cast %add3A_91 : i32 to index
        %get3A_92 = arith.constant 0 : index
        %get3A_93 = tpu.vector_load %arg6[%get3A, %get3A_92] {strides = array<i32>} : memref<48x16xf32, #tpu.memory_space<vmem>>, vector<16xf32>,
        %mul3A_94 = arith.constant 16 : i32
        %mul3A_95 = arith.muli %scan3A_87, %mul3A_94 : i32
        %swap3A = arith.constant 0 : i32
        %swap3A_96 = arith.index_cast %swap3A : i32 to index
        %swap3A_97 = arith.index_cast %mul3A_95 : i32 to index
        %swap3A_98 = tpu.vector_load %arg8[%swap3A_96, %swap3A_97] {strides = array<i32>} : memref<8x128xf32, #tpu.memory_space<vmem>>, vector<16xf32>,
        tpu.vector_store %arg8[%swap3A_96, %swap3A_97], %get3A_93 {strides = array<i32>} : memref<8x128xf32, #tpu.memory_space<vmem>>, vector<16xf32>,
        %mul3A_99 = arith.constant 6 : i32
        %mul3A_100 = arith.muli %scan3A_87, %mul3A_99 : i32
        %add3A_101 = arith.constant 1 : i32
        %add3A_102 = arith.addi %mul3A_100, %add3A_101 : i32
        %get3A_103 = arith.index_cast %add3A_102 : i32 to index
        %get3A_104 = arith.constant 0 : index
        %get3A_105 = tpu.vector_load %arg6[%get3A_103, %get3A_104] {strides = array<i32>} : memref<48x16xf32, #tpu.memory_space<vmem>>, vector<16xf32>,
        %mul3A_106 = arith.constant 16 : i32
        %mul3A_107 = arith.muli %scan3A_87, %mul3A_106 : i32
        %swap3A_108 = arith.constant 1 : i32
        %swap3A_109 = arith.index_cast %swap3A_108 : i32 to index
        %swap3A_110 = arith.index_cast %mul3A_107 : i32 to index
        %swap3A_111 = tpu.vector_load %arg8[%swap3A_109, %swap3A_110] {strides = array<i32>} : memref<8x128xf32, #tpu.memory_space<vmem>>, vector<16xf32>,
        tpu.vector_store %arg8[%swap3A_109, %swap3A_110], %get3A_105 {strides = array<i32>} : memref<8x128xf32, #tpu.memory_space<vmem>>, vector<16xf32>,
        %mul3A_112 = arith.constant 6 : i32
        %mul3A_113 = arith.muli %scan3A_87, %mul3A_112 : i32
        %add3A_114 = arith.constant 2 : i32
        %add3A_115 = arith.addi %mul3A_113, %add3A_114 : i32
        %get3A_116 = arith.index_cast %add3A_115 : i32 to index
        %get3A_117 = arith.constant 0 : index
        %get3A_118 = tpu.vector_load %arg6[%get3A_116, %get3A_117] {strides = array<i32>} : memref<48x16xf32, #tpu.memory_space<vmem>>, vector<16xf32>,
        %mul3A_119 = arith.constant 16 : i32
        %mul3A_120 = arith.muli %scan3A_87, %mul3A_119 : i32
        %swap3A_121 = arith.constant 2 : i32
        %swap3A_122 = arith.index_cast %swap3A_121 : i32 to index
        %swap3A_123 = arith.index_cast %mul3A_120 : i32 to index
        %swap3A_124 = tpu.vector_load %arg8[%swap3A_122, %swap3A_123] {strides = array<i32>} : memref<8x128xf32, #tpu.memory_space<vmem>>, vector<16xf32>,
        tpu.vector_store %arg8[%swap3A_122, %swap3A_123], %get3A_118 {strides = array<i32>} : memref<8x128xf32, #tpu.memory_space<vmem>>, vector<16xf32>,
        %mul3A_125 = arith.constant 6 : i32
        %mul3A_126 = arith.muli %scan3A_87, %mul3A_125 : i32
        %add3A_127 = arith.constant 3 : i32
        %add3A_128 = arith.addi %mul3A_126, %add3A_127 : i32
        %get3A_129 = arith.index_cast %add3A_128 : i32 to index
        %get3A_130 = arith.constant 0 : index
        %get3A_131 = tpu.vector_load %arg6[%get3A_129, %get3A_130] {strides = array<i32>} : memref<48x16xf32, #tpu.memory_space<vmem>>, vector<16xf32>,
        %mul3A_132 = arith.constant 16 : i32
        %mul3A_133 = arith.muli %scan3A_87, %mul3A_132 : i32
        %swap3A_134 = arith.constant 3 : i32
        %swap3A_135 = arith.index_cast %swap3A_134 : i32 to index
        %swap3A_136 = arith.index_cast %mul3A_133 : i32 to index
        %swap3A_137 = tpu.vector_load %arg8[%swap3A_135, %swap3A_136] {strides = array<i32>} : memref<8x128xf32, #tpu.memory_space<vmem>>, vector<16xf32>,
        tpu.vector_store %arg8[%swap3A_135, %swap3A_136], %get3A_131 {strides = array<i32>} : memref<8x128xf32, #tpu.memory_space<vmem>>, vector<16xf32>,
        %mul3A_138 = arith.constant 6 : i32
        %mul3A_139 = arith.muli %scan3A_87, %mul3A_138 : i32
        %add3A_140 = arith.constant 4 : i32
        %add3A_141 = arith.addi %mul3A_139, %add3A_140 : i32
        %get3A_142 = arith.index_cast %add3A_141 : i32 to index
        %get3A_143 = arith.constant 0 : index
        %get3A_144 = tpu.vector_load %arg6[%get3A_142, %get3A_143] {strides = array<i32>} : memref<48x16xf32, #tpu.memory_space<vmem>>, vector<16xf32>,
        %mul3A_145 = arith.constant 16 : i32
        %mul3A_146 = arith.muli %scan3A_87, %mul3A_145 : i32
        %swap3A_147 = arith.constant 4 : i32
        %swap3A_148 = arith.index_cast %swap3A_147 : i32 to index
        %swap3A_149 = arith.index_cast %mul3A_146 : i32 to index
        %swap3A_150 = tpu.vector_load %arg8[%swap3A_148, %swap3A_149] {strides = array<i32>} : memref<8x128xf32, #tpu.memory_space<vmem>>, vector<16xf32>,
        tpu.vector_store %arg8[%swap3A_148, %swap3A_149], %get3A_144 {strides = array<i32>} : memref<8x128xf32, #tpu.memory_space<vmem>>, vector<16xf32>,
        %mul3A_151 = arith.constant 6 : i32
        %mul3A_152 = arith.muli %scan3A_87, %mul3A_151 : i32
        %add3A_153 = arith.constant 5 : i32
        %add3A_154 = arith.addi %mul3A_152, %add3A_153 : i32
        %get3A_155 = arith.index_cast %add3A_154 : i32 to index
        %get3A_156 = arith.constant 0 : index
        %get3A_157 = tpu.vector_load %arg6[%get3A_155, %get3A_156] {strides = array<i32>} : memref<48x16xf32, #tpu.memory_space<vmem>>, vector<16xf32>,
        %mul3A_158 = arith.constant 16 : i32
        %mul3A_159 = arith.muli %scan3A_87, %mul3A_158 : i32
        %swap3A_160 = arith.constant 5 : i32
        %swap3A_161 = arith.index_cast %swap3A_160 : i32 to index
        %swap3A_162 = arith.index_cast %mul3A_159 : i32 to index
        %swap3A_163 = tpu.vector_load %arg8[%swap3A_161, %swap3A_162] {strides = array<i32>} : memref<8x128xf32, #tpu.memory_space<vmem>>, vector<16xf32>,
        tpu.vector_store %arg8[%swap3A_161, %swap3A_162], %get3A_157 {strides = array<i32>} : memref<8x128xf32, #tpu.memory_space<vmem>>, vector<16xf32>,
      }
      %scan3A_86 = arith.constant 8 : i32
      "tpu.region"() ({
        %run_scoped3A = tpu.sem_alloc : memref<!tpu.dma_semaphore, #tpu.memory_space<semaphore_mem>>
        %dma_start3A_87 = arith.constant 0 : i32
        %dma_start3A_88 = tpu.memref_slice %arg4[%dma_start3A_87, %mul3A_32] : memref<8x1024xf32, #tpu.memory_space<hbm>> -> memref<8x128xf32, #tpu.memory_space<hbm>>
        %dma_start3A_89 = arith.constant 0 : i32
        %dma_start3A_90 = tpu.memref_slice %arg4[%dma_start3A_89, %mul3A_32] : memref<8x1024xf32, #tpu.memory_space<hbm>> -> memref<8x128xf32, #tpu.memory_space<hbm>>
        tpu.enqueue_dma source(%arg8 : memref<8x128xf32, #tpu.memory_space<vmem>>) target(%dma_start3A_90 : memref<8x128xf32, #tpu.memory_space<hbm>>) target_semaphore(%run_scoped3A : memref<!tpu.dma_semaphore, #tpu.memory_space<semaphore_mem>>)
        %dma_wait3A_91 = arith.constant 0 : i32
        %dma_wait3A_92 = tpu.memref_slice %arg4[%dma_wait3A_91, %mul3A_32] : memref<8x1024xf32, #tpu.memory_space<hbm>> -> memref<8x128xf32, #tpu.memory_space<hbm>>
        %dma_wait3A_93 = arith.constant 0 : i32
        %dma_wait3A_94 = tpu.memref_slice %arg4[%dma_wait3A_93, %mul3A_32] : memref<8x1024xf32, #tpu.memory_space<hbm>> -> memref<8x128xf32, #tpu.memory_space<hbm>>
        tpu.wait_dma2 semaphore(%run_scoped3A : memref<!tpu.dma_semaphore, #tpu.memory_space<semaphore_mem>>) src(%arg8 : memref<8x128xf32, #tpu.memory_space<vmem>>) dst(%dma_wait3A_94 : memref<8x128xf32, #tpu.memory_space<hbm>>)
        tpu.yield
      }) : () -> ()
    } else {
    }
    return
  }
}

module attributes {stable_mosaic.version = 14 : i64} {
  func.func @_fin_body(%arg0: memref<8x1024xf32, #tpu.memory_space<vmem>>, %arg1: memref<1x1024xi32, #tpu.memory_space<vmem>>, %arg2: memref<1x1xf32, #tpu.memory_space<vmem>>) attributes {dimension_semantics = [], scalar_prefetch = 0 : i64, scratch_operands = 0 : i64, tpu.core_type = #tpu.core_type<tc>} {
    %get3A = arith.constant 0 : index
    %get3A_0 = arith.constant 0 : index
    %get3A_1 = vector.load %arg0[%get3A, %get3A_0] : memref<8x1024xf32, #tpu.memory_space<vmem>>, vector<8x1024xf32>
    %get3A_2 = arith.constant 0 : index
    %get3A_3 = arith.constant 0 : index
    %get3A_4 = vector.load %arg1[%get3A_2, %get3A_3] : memref<1x1024xi32, #tpu.memory_space<vmem>>, vector<1x1024xi32>
    %slice3A = vector.extract_strided_slice %get3A_1 {offsets = [0, 0], sizes = [5, 1024], strides = [1, 1]} : vector<8x1024xf32> to vector<5x1024xf32>
    %reduce_max3A = arith.constant dense<0xFF800000> : vector<1024xf32>
    %reduce_max3A_5 = vector.multi_reduction <maximumf>, %slice3A, %reduce_max3A [0] : vector<5x1024xf32> to vector<1024xf32>
    %broadcast_in_dim3A = vector.shape_cast %reduce_max3A_5 : vector<1024xf32> to vector<1x1024xf32>
    %sub3A = vector.broadcast %broadcast_in_dim3A : vector<1x1024xf32> to vector<5x1024xf32>
    %sub3A_6 = arith.subf %slice3A, %sub3A : vector<5x1024xf32>
    %exp3A = math.exp %sub3A_6 : vector<5x1024xf32>
    %reduce_sum3A = arith.constant dense<0.000000e+00> : vector<1024xf32>
    %reduce_sum3A_7 = vector.multi_reduction <add>, %exp3A, %reduce_sum3A [0] : vector<5x1024xf32> to vector<1024xf32>
    %broadcast_in_dim3A_8 = vector.shape_cast %reduce_sum3A_7 : vector<1024xf32> to vector<1x1024xf32>
    %log3A = math.log %broadcast_in_dim3A_8 : vector<1x1024xf32>
    %add3A = arith.addf %broadcast_in_dim3A, %log3A : vector<1x1024xf32>
    %slice3A_9 = vector.extract_strided_slice %get3A_1 {offsets = [5, 0], sizes = [1, 1024], strides = [1, 1]} : vector<8x1024xf32> to vector<1x1024xf32>
    %ne3A = arith.constant -100 : i32
    %ne3A_10 = vector.broadcast %ne3A : i32 to vector<1x1024xi32>
    %ne3A_11 = arith.cmpi ne, %get3A_4, %ne3A_10 : vector<1x1024xi32>
    %sub3A_12 = arith.subf %add3A, %slice3A_9 : vector<1x1024xf32>
    %jit3A = arith.constant 0.000000e+00 : f32
    %broadcast_in_dim3A_13 = vector.broadcast %jit3A : f32 to vector<1x1024xf32>
    %select_n3A = arith.select %ne3A_11, %sub3A_12, %broadcast_in_dim3A_13 : vector<1x1024xi1>, vector<1x1024xf32>
    %reduce_sum3A_14 = vector.shape_cast %select_n3A : vector<1x1024xf32> to vector<1x1x1024xf32>
    %reduce_sum3A_15 = arith.constant dense<0.000000e+00> : vector<1xf32>
    %reduce_sum3A_16 = vector.multi_reduction <add>, %reduce_sum3A_14, %reduce_sum3A_15 [1, 2] : vector<1x1x1024xf32> to vector<1xf32>
    %reduce_sum3A_17 = vector.shape_cast %reduce_sum3A_16 : vector<1xf32> to vector<1x1x1xf32>
    %reduce_sum3A_18 = vector.extract %reduce_sum3A_17[0, 0, 0] : f32 from vector<1x1x1xf32>
    %convert_element_type3A = arith.extui %ne3A_11 : vector<1x1024xi1> to vector<1x1024xi32>
    %convert_element_type3A_19 = arith.sitofp %convert_element_type3A : vector<1x1024xi32> to vector<1x1024xf32>
    %reduce_sum3A_20 = vector.shape_cast %convert_element_type3A_19 : vector<1x1024xf32> to vector<1x1x1024xf32>
    %reduce_sum3A_21 = arith.constant dense<0.000000e+00> : vector<1xf32>
    %reduce_sum3A_22 = vector.multi_reduction <add>, %reduce_sum3A_20, %reduce_sum3A_21 [1, 2] : vector<1x1x1024xf32> to vector<1xf32>
    %reduce_sum3A_23 = vector.shape_cast %reduce_sum3A_22 : vector<1xf32> to vector<1x1x1xf32>
    %reduce_sum3A_24 = vector.extract %reduce_sum3A_23[0, 0, 0] : f32 from vector<1x1x1xf32>
    %div3A = arith.divf %reduce_sum3A_18, %reduce_sum3A_24 : f32
    %reshape3A = vector.broadcast %div3A : f32 to vector<1x1xf32>
    %swap3A = arith.constant 0 : index
    %swap3A_25 = arith.constant 0 : index
    %swap3A_26 = vector.load %arg2[%swap3A, %swap3A_25] : memref<1x1xf32, #tpu.memory_space<vmem>>, vector<1x1xf32>
    tpu.vector_store %arg2[%swap3A, %swap3A_25], %reshape3A {strides = array<i32>} : memref<1x1xf32, #tpu.memory_space<vmem>>, vector<1x1xf32>,
    return
  }
}

</mosaic_0001>

<sc_bundles>
// kernel: kernel.4.cloned.1.call-start
scs
__scs_entry_jumppad:
0x0: {  	(pc) =	sbr.rel $0x88, $3  }
0x1: {  	(tag) =	ssettag $0x0;
	lr =	simm.s32 $0x1  }
0x2: {  	[smem:$0x3F9F] =	sst lr;
	_ =	strace $0xD0000000  }
0x3: {  	_ = 	snop  }
0x4: {  	_ = 	snop  }
0x5: {  	_ = 	snop  }
0x6: {  	_ = 	snop  }
0x7: {  	_ = 	snop  }
__scs_overlays_trampoline_lowered:
0x8: {  	[smem:$0x3FAE] =	sst s0  }
0x9: {  	[smem:$0x3FAF] =	sst s1  }
0xa: {  	[smem:$0x3FB0] =	sst s2  }
0xb: {  	[smem:$0x3FB1] =	sst s3  }
0xc: {  	[smem:$0x3FB2] =	sst s4  }
0xd: {  	[smem:$0x3FB3] =	sst s5  }
0xe: {  	[smem:$0x3FB4] =	sst s6  }
0xf: {  	[smem:$0x3FB5] =	sst s7  }
0x10: {  	[smem:$0x3FB6] =	sst s8  }
0x11: {  	[smem:$0x3FB7] =	sst s9;
	s0 =	simm.s32 @!p0 $0x0  }
0x12: {  	s1 =	sld [smem:$0x3F9D];
	s0 =	simm.s32 @p0 $0x1  }
0x13: {  	[smem:$0x3FB8] =	sst s0;
	s0 =	simm.s32 @!p1 $0x0  }
0x14: {  	s2 =	sld [smem:$0x3F9C];
	s0 =	simm.s32 @p1 $0x1  }
0x15: {  	[smem:$0x3FB9] =	sst s0;
	s0 =	simm.s32 @!p2 $0x0  }
0x16: {  	s3 =	sld [smem:$0x3FDB];
	s0 =	simm.s32 @p2 $0x1  }
0x17: {  	s4 =	simm.s32 $0x1BF5;
	[smem:$0x3FBB] =	sst s0  }
0x18: {  	s0 =	sld [smem:$0x3F9E];
	_ =	swait.ge [sflag:s4], $0x0  }
0x19: {  	s7 =	sld [smem:$0x3F9F]  }
0x1a: {  	s8 =	sadd.s32 $0xFFFFE003, lr  }
0x1b: {  	s9 =	sadd.s32 $0xFFFFFEF7, lr;
	s5 =	simm.s32 $0xFFFFFFFF;
	p2 =	slt.u32 s8, $0xFFFFF086  }
0x1c: {  	p1 =	slt.u32 s9, $0xF7A;
	s5 =	simm.s32 @!p2 $0x0  }
0x1d: {  	s5 =	simm.s32 @p1 $0x1;
	p0 =	seq.s32 s7, s2  }
0x1e: {  	s7 =	smul.u32 @!p0 $0xF7A, s2;
	p2 =	seq.s32 @!p0 s5, $0x0  }
0x1f: {  	s9 =	smul.u32 $0xF7A, s1;
	s8 =	simm.s32 @!p0 $0x1BF5;
	p2 =	por !p2, p0  }
0x20: {  	[sflag:s8] =	ssyncset.s32 @!p0 $0xFFFFF086;
	s6 =	sadd.s32 @!p0 s3, s7;
	s7 =	simm.s32 @!p0 $0x108  }
0x21: {  	s3 =	sadd.s32 s3, s9;
	s6 =	sadd.s32 @!p0 $0x88, s6;
	s7 =	simm.s32 @p2 $0x1082  }
0x22: {  	[simem:s7], [sflag:s8] =	dma.local @!p0 [hbm:s6], $0xF7A  }
0x23: {  	s9 =	sor.u32 $0xD0000000, s2;
	s6 =	simm.s32 $0x108;
	_ =	swait.ge @!p0 [sflag:s8], $0x0  }
0x24: {  	s3 =	sadd.s32 $0x88, s3;
	s6 =	simm.s32 @!p1 $0x1082;
	[sflag:s4] =	ssyncset.s32 $0xFFFFF086  }
0x25: {  	[simem:s6], [sflag:s4] =	dma.local [hbm:s3], $0xF7A  }
0x26: {  	[smem:$0x3F9F] =	sst s1;
	(tag) =	ssettag s2;
	_ =	strace s9  }
0x27: {  	s1 =	sld [smem:$0x3FAF]  }
0x28: {  	s2 =	sld [smem:$0x3FB0]  }
0x29: {  	s4 =	sld [smem:$0x3FB2]  }
0x2a: {  	p0 =	seq.s32 s5, $0x0;
	s5 =	sld [smem:$0x3FB3]  }
0x2b: {  	s6 =	sld [smem:$0x3FB4]  }
0x2c: {  	s7 =	sld [smem:$0x3FB5]  }
0x2d: {  	s3 =	simm.s32 $0x108;
	s8 =	sld [smem:$0x3FB6]  }
0x2e: {  	s3 =	simm.s32 @!p0 $0x1082;
	s9 =	sld [smem:$0x3FB7]  }
0x2f: {  	lr =	sadd.s32 s0, s3;
	s0 =	sld [smem:$0x3FAE]  }
0x30: {  	s3 =	sld [smem:$0x3FB1]  }
0x31: {  	[smem:$0x3FBA] =	sst s10  }
0x32: {  	s10 =	sld [smem:$0x3FB8];
	_ =	sdelay $0x3  }
0x33: {  	p0 =	seq.s32 s10, $0x1;
	s10 =	sld [smem:$0x3FBA];
	_ =	sdelay $0x3  }
0x34: {  	[smem:$0x3FBA] =	sst s10  }
0x35: {  	s10 =	sld [smem:$0x3FB9];
	_ =	sdelay $0x3  }
0x36: {  	p1 =	seq.s32 s10, $0x1;
	s10 =	sld [smem:$0x3FBA];
	_ =	sdelay $0x3  }
0x37: {  	[smem:$0x3FBA] =	sst s10  }
0x38: {  	s10 =	sld [smem:$0x3FBB]  }
0x39: {  	_ = 	snop;
	(pc) =	sbr.ind lr, $3  }
0x3a: {  	_ = 	snop  }
0x3b: {  	_ = 	snop  }
0x3c: {  	p2 =	seq.s32 s10, $0x1;
	s10 =	sld [smem:$0x3FBA]  }
0x3d: {  	_ =	shalt  }
0x3e: {  	_ =	shalt  }
0x3f: {  	_ =	shalt  }
0x40: {  	_ =	shalt  }
0x41: {  	_ =	shalt  }
0x42: {  	_ =	shalt  }
0x43: {  	_ =	shalt  }
0x44: {  	_ =	shalt  }
0x45: {  	_ =	shalt  }
0x46: {  	_ =	shalt  }
0x47: {  	_ =	shalt  }
0x48: {  	_ =	shalt  }
0x49: {  	_ =	shalt  }
0x4a: {  	_ =	shalt  }
0x4b: {  	_ =	shalt  }
0x4c: {  	_ =	shalt  }
0x4d: {  	_ =	shalt  }
0x4e: {  	_ =	shalt  }
0x4f: {  	_ =	shalt  }
0x50: {  	_ =	shalt  }
0x51: {  	_ =	shalt  }
0x52: {  	_ =	shalt  }
0x53: {  	_ =	shalt  }
0x54: {  	_ =	shalt  }
0x55: {  	_ =	shalt  }
0x56: {  	_ =	shalt  }
0x57: {  	_ =	shalt  }
0x58: {  	_ =	shalt  }
0x59: {  	_ =	shalt  }
0x5a: {  	_ =	shalt  }
0x5b: {  	_ =	shalt  }
0x5c: {  	_ =	shalt  }
0x5d: {  	_ =	shalt  }
0x5e: {  	_ =	shalt  }
0x5f: {  	_ =	shalt  }
0x60: {  	_ =	shalt  }
0x61: {  	_ =	shalt  }
0x62: {  	_ =	shalt  }
0x63: {  	_ =	shalt  }
0x64: {  	_ =	shalt  }
0x65: {  	_ =	shalt  }
0x66: {  	_ =	shalt  }
0x67: {  	_ =	shalt  }
0x68: {  	_ =	shalt  }
0x69: {  	_ =	shalt  }
0x6a: {  	_ =	shalt  }
0x6b: {  	_ =	shalt  }
0x6c: {  	_ =	shalt  }
0x6d: {  	_ =	shalt  }
0x6e: {  	_ =	shalt  }
0x6f: {  	_ =	shalt  }
0x70: {  	_ =	shalt  }
0x71: {  	_ =	shalt  }
0x72: {  	_ =	shalt  }
0x73: {  	_ =	shalt  }
0x74: {  	_ =	shalt  }
0x75: {  	_ =	shalt  }
0x76: {  	_ =	shalt  }
0x77: {  	_ =	shalt  }
0x78: {  	_ =	shalt  }
0x79: {  	_ =	shalt  }
0x7a: {  	_ =	shalt  }
0x7b: {  	_ =	shalt  }
0x7c: {  	_ =	shalt  }
0x7d: {  	_ =	shalt  }
0x7e: {  	_ =	shalt  }
0x7f: {  	_ =	shalt  }
0x80: {  	_ =	shalt  }
0x81: {  	_ =	shalt  }
0x82: {  	_ =	shalt  }
0x83: {  	_ =	shalt  }
0x84: {  	_ =	shalt  }
0x85: {  	_ =	shalt  }
0x86: {  	_ =	shalt  }
0x87: {  	_ =	shalt  }
.Lfunc_end0:
.L_simem_size_0:
called_computation_lowered:
.L_overlay_start_0:
0x88: {  	s2 =	sld [smem:$0x3FD9]  }
0x89: {  	s3 =	sld [smem:$0x3FFE];
	_ =	sdelay $0x1  }
0x8a: {  	s1 =	srdreg.scid  }
0x8b: {  	s0 =	sand.u32 $0x1, s1  }
0x8c: {  	s17 =	sshll.u32 s0, $0xA;
	s2 =	sadd.s32 s3, s2  }
0x8d: {  	s2 =	sadd.s32 s2, s17  }
0x8e: {  	[smem:$0x3FC6] =	sst s2  }
0x8f: {  	_ = 	snop  }
0x90: {  	s2 =	sld [smem:$0x3FC9]  }
0x91: {  	s18 =	sld [smem:$0x3FC8];
	(tm) =	ssettm $0x1  }
0x92: {  	s4 =	sld [smem:$0x3FFB];
	_ =	sdelay $0x3  }
0x93: {  	_ =	strace s4  }
0x94: {  	s4 =	sld [smem:$0x3FFC];
	_ =	sdelay $0x3  }
0x95: {  	_ =	strace s4  }
0x96: {  	s4 =	sld [smem:$0x3FFD];
	_ =	sdelay $0x3  }
0x97: {  	_ =	strace s4  }
0x98: {  	_ =	strace $0x8FFFFFFF  }
0x99: {  	s19 =	sld [smem:$0x3FDB];
	_ =	sdelay $0x1  }
0x9a: {  	s5 =	simm.s32 $_scs_section_size  }
0x9b: {  	s6 =	simm.s32 $_size__tile_overlayer_lowered;
	s7 =	simm.s32 $_tile_overlayer_lowered  }
0x9c: {  	s22 =	simm.s32 $0x1BFF;
	s21 =	sshll.u32 s7, $0x1;
	s4 =	sadd.s32 s5, s19  }
0x9d: {  	s8 =	simm.s32 $0x0;
	s20 =	sshll.u32 s6, $0x1;
	s6 =	sadd.s32 s21, s4  }
0x9e: {  	[timem:s8], [sflag:s22] =	dma.local [hbm:s6], s20  }
0x9f: {  	_ =	swait.ge [sflag:s22], s20  }
0xa0: {  	s5 =	ssub.s32 $0x0, s20;
	[sflag:s22] =	ssyncset.done $0x0  }
0xa1: {  	[sflag:s22] =	ssyncadd.s32 s5;
	_ =	sdelay $0x1  }
0xa2: {  	s23 =	simm.s32 $0x1B8B  }
0xa3: {  	_ =	swait.ge [sflag:s23], $0x1  }
0xa4: {  	[sflag:s23] =	ssyncset.done $0x0  }
0xa5: {  	s25 =	simm.s32 $0x1B8E;
	s24 =	sld [smem:$0x3FFE];
	[sflag:s23] =	ssyncadd.s32 $0xFFFFFFFF  }
0xa6: {  	s26 =	simm.s32 $execute0_lowered;
	[smem:$0x3FD2] =	sst s25  }
0xa7: {  	s6 =	sshll.u32 s26, $0x1;
	_ =	strace $0x80000046;
	[dreg:$0x1] =	wrdreg $0xFFFFFFFF  }
0xa8: {  	s28 =	simm.s32 $_size_execute0_lowered;
	s4 =	sadd.s32 s4, s6;
	[dreg:$0x0] =	wrdreg $0x0  }
0xa9: {  	s6 =	sshll.u32 s28, $0x1;
	[dreg:$0x2] =	wrdreg s4  }
0xaa: {  	[dreg:$0x3] =	wrdreg s6  }
0xab: {  	[dreg:$0x4] =	wrdreg $0xC0  }
0xac: {  	_ =	task [dreg:s8], $0x5FFFF  }
0xad: {  	[dreg:$0x1] =	wrdreg $0xFFFFFFFF  }
0xae: {  	[dreg:$0x0] =	wrdreg $0x60  }
0xaf: {  	[dreg:$0x2] =	wrdreg s2  }
0xb0: {  	[dreg:$0x3] =	wrdreg s18  }
0xb1: {  	[dreg:$0x4] =	wrdreg s24  }
0xb2: {  	[dreg:$0x5] =	wrdreg $0xFC800  }
0xb3: {  	[dreg:$0x6] =	wrdreg $0x9  }
0xb4: {  	_ =	task.clear_ibuf [dreg:s8], $0x7FFFF;
	_ =	strace $0x90000046  }
0xb5: {  	s29 =	simm.s32 $0x9;
	_ =	strace $0x80000048  }
0xb6: {  	_ =	swait.ge [sflag:s29], $0x1  }
0xb7: {  	[sflag:s29] =	ssyncadd.s32 $0xFFFFFFFF  }
0xb8: {  	_ =	strace $0x90000048  }
0xb9: {  	_ =	sfence  }
0xba: {  	s30 =	sld [smem:$0x0];
	_ =	sdelay $0x2  }
0xbb: {  	s31 =	sshll.u32 s1, $0xD;
	s1 =	sshrl.u32 s1, $0x2  }
0xbc: {  	s3 =	sand.u32 $0x4000, s31;
	s1 =	sadd.s32 s1, s30  }
0xbd: {  	s0 =	sor.u32 s3, s0;
	s1 =	sshll.u32 s1, $0x11  }
0xbe: {  	s0 =	sor.u32 s1, s0  }
0xbf: {  	s0 =	sadd.s32 $0x8F2B, s0  }
0xc0: {  	[sflag:s0] =	ssyncadd.remote.s32 $0x1  }
0xc1: {  	_ =	sfence.sel $0xFFFF  }
0xc2: {  	[dreg:$0x0] =	wrdreg $0xFFFFFFFF;
	(pc) =	sbr.abs _section_cstart, $3  }
0xc3: {  	[dreg:$0x1] =	wrdreg $0xFFFFFFFF  }
0xc4: {  	_ =	task.clear_ibuf [dreg:s8], $0x2FFFF;
	_ =	strace $0x9FFFFFFF  }
0xc5: {  	(tm) =	ssettm $0x7FFFFFFF  }
tec
execute0_lowered:
.L_overlay_start_1:
0x0: {  	(tag) =	ssettag $0x1  }
0x1: {  	s1 =	rddreg [dreg:$0x0]  }
0x2: {  	s0 =	rddreg [dreg:$0x1]  }
0x3: {  	s5 =	rddreg [dreg:$0x2]  }
0x4: {  	s3 =	rddreg [dreg:$0x3];
	s6 =	srdreg.scid  }
0x5: {  	s4 =	simm.s32 $0x0;
	s2 =	stileid.u32;
	s16 =	simm.s32 $0x400  }
0x6: {  	s17 =	simm.s32 $0x2000;
	s18 =	simm.s32 $0x3480;
	s19 =	simm.s32 $0x9880  }
0x7: {  	s20 =	simm.s32 $0x1;
	s6 =	sand.u32 $0x1, s6;
	[smem:$0x7FF] =	sst s4  }
0x8: {  	s7 =	sshrl.u32 s2, $0x2;
	s13 =	sand.u32 $0x3, s2;
	s12 =	smul.u32 $0x6000, s2  }
0x9: {  	s8 =	sshll.u32 s6, $0x2;
	_ =	strace $0x80000047;
	s6 =	ssub.s32 $0x2, s6  }
0xa: {  	s22 =	smul.u32 $0x186A000, s13;
	p0 =	sne.s32 s13, $0x0;
	s9 =	sor.u32 s7, s8  }
0xb: {  	s23 =	sshrl.u32 s6, $0x1;
	s12 =	sshrl.u32 s12, $0x2;
	s7 =	sshll.u32 s9, $0x7  }
0xc: {  	s24 =	sshll.u32 s9, $0xA;
	s15 =	ssub.s32 s6, s23;
	s26 =	sshll.u32 s9, $0x4  }
0xd: {  	s12 =	sadd.s32 s12, s3;
	s23 =	simm.s32 $0x1880;
	s14 =	sadd.s32 s7, s5  }
0xe: {  	s5 =	smul.u32 $0x61A8, s13;
	s25 =	sor.u32 s22, s24;
	s6 =	sadd.s32 s0, s26  }
0xf: {  	s8 =	sshrl.u32 s25, $0x3;
	s10 =	sadd.s32 $0x32000, s25;
	s31 =	sadd.s32 $0x800, s14  }
.Ltmp0:
0x10: {  	s14 =	smax.u32 s15, $0x1;
	s15 =	simm.s32 $0x3;
	(pc) =	sbr.rel .LBB2_1-.Ltmp0, $4  }
0x11: {  	s25 =	simm.s32 $0x0;
	s7 =	sadd.s32 s1, s8;
	s28 =	sshrl.u32 s10, $0x3  }
0x12: {  	s29 =	sor.u32 s9, s5;
	s10 =	sadd.s32 $0xC8, s5;
	s30 =	sadd.s32 $0x60E0, s5  }
0x13: {  	v2 =	vimm.f32 $-Inf;
	v3 =	vimm.f32 $0.0e+00;
	s21 =	sadd.s32 $0x61A8, s5;
	[dreg:$0x5] =	wrdreg s31;
	s8 =	sadd.s32 s1, s28  }
0x14: {  	v4 =	vlaneseq.u32;
	s9 =	sadd.s32 $0x190, s29;
	s11 =	sadd.s32 $0x258, s29;
	v0 =	vmov s30;
	v1 =	vmov s21;
	s21 =	simm.s32 $0x2  }
.LBB2_82:
0x15: {  	s0 =	simm.s32 $0x80  }
0x16: {  	[spmem:s12] =	stream.linear.scatter [tilespmem:s0], [sflag:$0x3], $0x1800, $0x38;
	[tilespmem:$0xFF80] =	vst v63  }
.Ltmp1:
0x17: {  	_ =	swait.ge [sflag:s15], $0x1800;
	(pc) =	sbr.rel @!p0 .LBB2_83-.Ltmp1, $3  }
0x18: {  	[sflag:s15] =	ssyncset.done $0x0  }
0x19: {  	[sflag:s15] =	ssyncadd.s32 $0xFFFFE800  }
0x1a: {  	[bflag:$0x0] =	sbarrier.arrive $0xFFFF;
	_ =	sdelay $0x1  }
.LBB2_88:
0x1b: {  	s25 =	sadd.s32 $0x1, s25  }
0x1c: {  	p1 =	sne.s32 s25, s14  }
.Ltmp2:
0x1d: {  	_ = 	snop;
	(pc) =	sbr.rel @!p1 .LBB2_89-.Ltmp2, $1  }
0x1e: {  	_ =	sdelay $0x3  }
.LBB2_1:
0x1f: {  	s0 =	simm.s32 $0x0  }
0x20: {  	[tilespmem:s0], [sflag:$0x3] =	stream.linear.gather [hbm4b:s6+s0], $0x80, $0x38;
	[tilespmem:$0xFF80] =	vst v63  }
0x21: {  	_ =	swait.ge [sflag:s15], $0x80  }
0x22: {  	[sflag:s15] =	ssyncset.done $0x0  }
0x23: {  	[sflag:s15] =	ssyncadd.s32 $0xFFFFFF80  }
0x24: {  	[tilespmem:$0x80] =	vst v2  }
0x25: {  	[tilespmem:$0x100] =	vst v2  }
0x26: {  	[tilespmem:$0x180] =	vst v2  }
0x27: {  	[tilespmem:$0x200] =	vst v2  }
0x28: {  	[tilespmem:$0x280] =	vst v2  }
0x29: {  	[tilespmem:$0x300] =	vst v3  }
0x2a: {  	[tilespmem:$0x380] =	vst v2  }
0x2b: {  	[tilespmem:$0x400] =	vst v2  }
0x2c: {  	[tilespmem:$0x480] =	vst v2  }
0x2d: {  	[tilespmem:$0x500] =	vst v2  }
0x2e: {  	[tilespmem:$0x580] =	vst v2  }
0x2f: {  	[tilespmem:$0x600] =	vst v3  }
0x30: {  	[tilespmem:$0x680] =	vst v2  }
0x31: {  	[tilespmem:$0x700] =	vst v2  }
0x32: {  	[tilespmem:$0x780] =	vst v2  }
0x33: {  	[tilespmem:$0x800] =	vst v2  }
0x34: {  	[tilespmem:$0x880] =	vst v2  }
0x35: {  	[tilespmem:$0x900] =	vst v3  }
0x36: {  	[tilespmem:$0x980] =	vst v2  }
0x37: {  	[tilespmem:$0xA00] =	vst v2  }
0x38: {  	[tilespmem:$0xA80] =	vst v2  }
0x39: {  	[tilespmem:$0xB00] =	vst v2  }
0x3a: {  	[tilespmem:$0xB80] =	vst v2  }
0x3b: {  	[tilespmem:$0xC00] =	vst v3  }
0x3c: {  	[tilespmem:$0xC80] =	vst v2  }
0x3d: {  	[tilespmem:$0xD00] =	vst v2  }
0x3e: {  	[tilespmem:$0xD80] =	vst v2  }
0x3f: {  	[tilespmem:$0xE00] =	vst v2  }
0x40: {  	[tilespmem:$0xE80] =	vst v2  }
0x41: {  	[tilespmem:$0xF00] =	vst v3  }
0x42: {  	[tilespmem:$0xF80] =	vst v2  }
0x43: {  	[tilespmem:$0x1000] =	vst v2  }
0x44: {  	[tilespmem:$0x1080] =	vst v2  }
0x45: {  	[tilespmem:$0x1100] =	vst v2  }
0x46: {  	[tilespmem:$0x1180] =	vst v2  }
0x47: {  	[tilespmem:$0x1200] =	vst v3  }
0x48: {  	[tilespmem:$0x1280] =	vst v2  }
0x49: {  	[tilespmem:$0x1300] =	vst v2  }
0x4a: {  	[tilespmem:$0x1380] =	vst v2  }
0x4b: {  	[tilespmem:$0x1400] =	vst v2  }
0x4c: {  	[tilespmem:$0x1480] =	vst v2  }
0x4d: {  	[tilespmem:$0x1500] =	vst v3  }
0x4e: {  	[tilespmem:$0x1580] =	vst v2  }
0x4f: {  	[tilespmem:$0x1600] =	vst v2  }
0x50: {  	[tilespmem:$0x1680] =	vst v2  }
0x51: {  	[tilespmem:$0x1700] =	vst v2  }
0x52: {  	[tilespmem:$0x1780] =	vst v2  }
0x53: {  	[tilespmem:$0x1800] =	vst v3  }
0x54: {  	[tilespmem:s18], [sflag:$0x1] =	stream.strided.gather [hbm4b:s7+s16], $0x6400, s17, s16, $0x38;
	[tilespmem:$0xFF80] =	vst v63  }
0x55: {  	s26 =	simm.s32 $0x0  }
0x56: {  	[tilespmem:s19], [sflag:$0x2] =	stream.strided.gather [hbm4b:s8+s16], $0x6400, s17, s16, $0x38;
	[tilespmem:$0xFF80] =	vst v63  }
.LBB2_2:
0x57: {  	s28 =	smul.u32 $0x190, s26  }
.Ltmp3:
0x58: {  	_ = 	snop;
	(pc) =	sbr.rel .LBB2_3-.Ltmp3, $4  }
0x59: {  	_ = 	snop  }
0x5a: {  	_ =	swait.ge [sflag:s20], $0x6400;
	s0 =	sadd.s32 s5, s28  }
0x5b: {  	s31 =	simm.s32 $0x0;
	[sflag:s20] =	ssyncset.done $0x0;
	s13 =	sadd.s32 $0xC8, s0  }
0x5c: {  	s30 =	simm.s32 $0x4D90;
	[sflag:s20] =	ssyncadd.s32 $0xFFFF9C00;
	v5 =	vmov s0;
	v6 =	vmov s13;
	s13 =	simm.s32 $0x4D80  }
.LBB2_27:
0x5d: {  	[tilespmem:s24+$0x80] =	vst v11  }
0x5e: {  	[tilespmem:s24+$0x100] =	vst v10  }
0x5f: {  	[tilespmem:s24+$0x180] =	vst v9  }
0x60: {  	[tilespmem:s24+$0x200] =	vst v8  }
0x61: {  	[tilespmem:s24+$0x280] =	vst v7  }
0x62: {  	v7 =	vld [tilespmem:s0+$0x0];
	_ =	sdelay $0x4  }
0x63: {  	vm0 =	vgt.s32 v7, $0x0  }
0x64: {  	v7 =	vnsel vm0, $0x0, v7  }
0x65: {  	v7 =	vmin.u32 v7, $0x1869F  }
0x66: {  	vm15 =	vge.u32 v7, v5;
	vm1 =	vlt.u32 v7, v6;
	v7 =	vsub.s32 v7, v5  }
0x67: {  	vm0 =	vmand vm15, vm1;
	v7 =	vshll.u32 v7, $0x7  }
0x68: {  	v7 =	vnsel vm0, $0x0, v7  }
0x69: {  	v7 =	vor.u32 s0, v7  }
0x6a: {  	v7 =	vor.u32 v4, v7;
	_ =	sdelay $0x3  }
0x6b: {  	v8 =	vld [tilespmem:s24+$0x300]  }
0x6c: {  	v7 =	vld.idx.msk [tilespmem:v7+s18+$0x0], $0xffff  }
0x6d: {  	p1 =	slt.u32 s31, $0x6  }
.Ltmp4:
0x6e: {  	_ = 	snop;
	(pc) =	sbr.rel @!p1 .LBB2_28-.Ltmp4, $3  }
0x6f: {  	_ =	sdelay $0x1  }
0x70: {  	s29 =	sadd.s32 $0x2, s31;
	v7 =	vsel vm0, v7, v8  }
0x71: {  	s13 =	sadd.s32 $0x20, s13;
	s30 =	sadd.s32 $0x20, s30;
	s31 =	smov.u32 s29;
	[tilespmem:s24+$0x300] =	vst v7  }
.LBB2_3:
0x72: {  	s0 =	smul.u32 $0xC00, s31;
	_ =	sdelay $0x1  }
0x73: {  	s0 =	sshra.s32 s0, $0x2  }
.Ltmp5:
0x74: {  	v11 =	vld [tilespmem:s0+$0x80];
	(pc) =	sbr.rel .LBB2_4-.Ltmp5, $4  }
0x75: {  	v10 =	vld [tilespmem:s0+$0x100]  }
0x76: {  	v9 =	vld [tilespmem:s0+$0x180]  }
0x77: {  	v8 =	vld [tilespmem:s0+$0x200]  }
0x78: {  	s24 =	sshll.u32 s31, $0x4;
	s22 =	simm.s32 $0xFFFFFFFB;
	s29 =	smov.u32 s13;
	v7 =	vld [tilespmem:s0+$0x280]  }
.LBB2_14:
0x79: {  	s4 =	sadd.s32 $0x5, s22  }
0x7a: {  	p1 =	slt.u32 s4, s22  }
.Ltmp6:
0x7b: {  	_ = 	snop;
	(pc) =	sbr.rel @!p1 .LBB2_15-.Ltmp6, $2  }
0x7c: {  	_ =	sdelay $0x2  }
0x7d: {  	s29 =	sadd.s32 $0x3200, s29;
	s22 =	smov.u32 s4  }
.LBB2_4:
0x7e: {  	v31 =	vld [tilespmem:s29+$0xFFFFE700]  }
0x7f: {  	v30 =	vld [tilespmem:s29+$0xFFFFE780]  }
0x80: {  	v29 =	vld [tilespmem:s29+$0xFFFFE800]  }
0x81: {  	v28 =	vld [tilespmem:s29+$0xFFFFE880]  }
0x82: {  	v27 =	vld [tilespmem:s29+$0xFFFFE900]  }
0x83: {  	v26 =	vld [tilespmem:s29+$0xFFFFE980]  }
0x84: {  	v25 =	vld [tilespmem:s29+$0xFFFFEA00]  }
0x85: {  	v24 =	vld [tilespmem:s29+$0xFFFFEA80]  }
0x86: {  	v23 =	vld [tilespmem:s29+$0xFFFFEB00]  }
0x87: {  	v22 =	vld [tilespmem:s29+$0xFFFFEB80]  }
0x88: {  	v21 =	vld [tilespmem:s29+$0xFFFFEC00]  }
0x89: {  	v20 =	vld [tilespmem:s29+$0xFFFFEC80]  }
0x8a: {  	v19 =	vld [tilespmem:s29+$0xFFFFED00]  }
0x8b: {  	v18 =	vld [tilespmem:s29+$0xFFFFED80]  }
0x8c: {  	v17 =	vld [tilespmem:s29+$0xFFFFEE00]  }
0x8d: {  	v16 =	vld [tilespmem:s29+$0xFFFFEE80]  }
0x8e: {  	v15 =	vld [tilespmem:s29+$0xFFFFEF00]  }
0x8f: {  	v14 =	vld [tilespmem:s29+$0xFFFFEF80]  }
0x90: {  	v13 =	vld [tilespmem:s29+$0xFFFFF000]  }
0x91: {  	v12 =	vld [tilespmem:s29+$0xFFFFF080];
	v32 =	vmax.f32 v31, v30  }
0x92: {  	v33 =	vmax.f32 v29, v28;
	v34 =	vmax.f32 v27, v26;
	v35 =	vmax.f32 v25, v24  }
0x93: {  	v36 =	vmax.f32 v23, v22;
	v37 =	vmax.f32 v21, v20;
	v38 =	vmax.f32 v19, v18  }
0x94: {  	v39 =	vmax.f32 v17, v16;
	v40 =	vmax.f32 v15, v14;
	v32 =	vmax.f32 v32, v33  }
0x95: {  	v58 =	vmax.f32 v34, v35;
	v59 =	vmax.f32 v36, v37;
	v60 =	vmax.f32 v38, v39  }
0x96: {  	v61 =	vmax.f32 v13, v12;
	v32 =	vmax.f32 v32, v58;
	v62 =	vmax.f32 v59, v60  }
0x97: {  	v63 =	vmax.f32 v40, v61;
	v32 =	vmax.f32 v32, v62  }
0x98: {  	v32 =	vmax.f32 v32, v63  }
0x99: {  	vm0 =	vgt.f32 v32, v7  }
0x9a: {  	v32 =	vmpcnt.ones.xlane vm0;
	_ =	sdelay $0x1  }
0x9b: {  	(v2sf) =	vpush v32, $0x0;
	_ =	sdelay $0xe  }
0x9c: {  	s4 =	spop (v2sf)  }
0x9d: {  	p1 =	slt.s32 s4, $0x1  }
.Ltmp7:
0x9e: {  	_ = 	snop;
	(pc) =	sbr.rel @p1 .LBB2_6-.Ltmp7, $1  }
0x9f: {  	_ =	sdelay $0x3  }
0xa0: {  	v32 =	vmin.f32 v11, v31  }
0xa1: {  	v11 =	vmax.f32 v11, v31;
	v59 =	vmin.f32 v10, v32  }
0xa2: {  	v10 =	vmax.f32 v10, v32;
	v60 =	vmax.f32 v9, v59;
	v9 =	vmin.f32 v9, v59  }
0xa3: {  	v31 =	vmax.f32 v8, v9;
	v8 =	vmin.f32 v8, v9;
	v9 =	vmin.f32 v11, v30  }
0xa4: {  	v7 =	vmax.f32 v7, v8;
	v8 =	vmax.f32 v11, v30;
	v11 =	vmin.f32 v10, v9  }
0xa5: {  	v9 =	vmax.f32 v10, v9;
	v10 =	vmax.f32 v60, v11;
	v11 =	vmin.f32 v60, v11  }
0xa6: {  	v62 =	vmin.f32 v8, v29;
	v61 =	vmax.f32 v31, v11;
	v11 =	vmin.f32 v31, v11  }
0xa7: {  	v8 =	vmax.f32 v8, v29;
	v7 =	vmax.f32 v7, v11;
	v11 =	vmin.f32 v9, v62  }
0xa8: {  	v33 =	vmin.f32 v8, v28;
	v63 =	vmax.f32 v10, v11;
	v10 =	vmin.f32 v10, v11  }
0xa9: {  	v9 =	vmax.f32 v9, v62;
	v11 =	vmax.f32 v61, v10;
	v10 =	vmin.f32 v61, v10  }
0xaa: {  	v8 =	vmax.f32 v8, v28;
	v7 =	vmax.f32 v7, v10;
	v10 =	vmin.f32 v9, v33  }
0xab: {  	v9 =	vmax.f32 v9, v33;
	v34 =	vmax.f32 v63, v10;
	v10 =	vmin.f32 v63, v10  }
0xac: {  	v29 =	vmax.f32 v11, v10;
	v10 =	vmin.f32 v11, v10;
	v11 =	vmin.f32 v8, v27  }
0xad: {  	v8 =	vmax.f32 v8, v27;
	v7 =	vmax.f32 v7, v10;
	v10 =	vmin.f32 v9, v11  }
0xae: {  	v9 =	vmax.f32 v9, v11;
	v11 =	vmax.f32 v34, v10;
	v10 =	vmin.f32 v34, v10  }
0xaf: {  	v36 =	vmin.f32 v8, v26;
	v35 =	vmax.f32 v29, v10;
	v10 =	vmin.f32 v29, v10  }
0xb0: {  	v8 =	vmax.f32 v8, v26;
	v7 =	vmax.f32 v7, v10;
	v10 =	vmin.f32 v9, v36  }
0xb1: {  	v38 =	vmin.f32 v8, v25;
	v37 =	vmax.f32 v11, v10;
	v10 =	vmin.f32 v11, v10  }
0xb2: {  	v9 =	vmax.f32 v9, v36;
	v11 =	vmax.f32 v35, v10;
	v10 =	vmin.f32 v35, v10  }
0xb3: {  	v8 =	vmax.f32 v8, v25;
	v7 =	vmax.f32 v7, v10;
	v10 =	vmin.f32 v9, v38  }
0xb4: {  	v9 =	vmax.f32 v9, v38;
	v39 =	vmax.f32 v37, v10;
	v10 =	vmin.f32 v37, v10  }
0xb5: {  	v26 =	vmax.f32 v11, v10;
	v10 =	vmin.f32 v11, v10;
	v11 =	vmin.f32 v8, v24  }
0xb6: {  	v8 =	vmax.f32 v8, v24;
	v7 =	vmax.f32 v7, v10;
	v10 =	vmin.f32 v9, v11  }
0xb7: {  	v9 =	vmax.f32 v9, v11;
	v11 =	vmax.f32 v39, v10;
	v10 =	vmin.f32 v39, v10  }
0xb8: {  	v41 =	vmin.f32 v8, v23;
	v40 =	vmax.f32 v26, v10;
	v10 =	vmin.f32 v26, v10  }
0xb9: {  	v8 =	vmax.f32 v8, v23;
	v7 =	vmax.f32 v7, v10;
	v10 =	vmin.f32 v9, v41  }
0xba: {  	v43 =	vmin.f32 v8, v22;
	v42 =	vmax.f32 v11, v10;
	v10 =	vmin.f32 v11, v10  }
0xbb: {  	v9 =	vmax.f32 v9, v41;
	v11 =	vmax.f32 v40, v10;
	v10 =	vmin.f32 v40, v10  }
0xbc: {  	v8 =	vmax.f32 v8, v22;
	v7 =	vmax.f32 v7, v10;
	v10 =	vmin.f32 v9, v43  }
0xbd: {  	v9 =	vmax.f32 v9, v43;
	v44 =	vmax.f32 v42, v10;
	v10 =	vmin.f32 v42, v10  }
0xbe: {  	v23 =	vmax.f32 v11, v10;
	v10 =	vmin.f32 v11, v10;
	v11 =	vmin.f32 v8, v21  }
0xbf: {  	v8 =	vmax.f32 v8, v21;
	v7 =	vmax.f32 v7, v10;
	v10 =	vmin.f32 v9, v11  }
0xc0: {  	v9 =	vmax.f32 v9, v11;
	v11 =	vmax.f32 v44, v10;
	v10 =	vmin.f32 v44, v10  }
0xc1: {  	v46 =	vmin.f32 v8, v20;
	v45 =	vmax.f32 v23, v10;
	v10 =	vmin.f32 v23, v10  }
0xc2: {  	v8 =	vmax.f32 v8, v20;
	v7 =	vmax.f32 v7, v10;
	v10 =	vmin.f32 v9, v46  }
0xc3: {  	v48 =	vmin.f32 v8, v19;
	v47 =	vmax.f32 v11, v10;
	v10 =	vmin.f32 v11, v10  }
0xc4: {  	v9 =	vmax.f32 v9, v46;
	v11 =	vmax.f32 v45, v10;
	v10 =	vmin.f32 v45, v10  }
0xc5: {  	v8 =	vmax.f32 v8, v19;
	v7 =	vmax.f32 v7, v10;
	v10 =	vmin.f32 v9, v48  }
0xc6: {  	v9 =	vmax.f32 v9, v48;
	v49 =	vmax.f32 v47, v10;
	v10 =	vmin.f32 v47, v10  }
0xc7: {  	v20 =	vmax.f32 v11, v10;
	v10 =	vmin.f32 v11, v10;
	v11 =	vmin.f32 v8, v18  }
0xc8: {  	v8 =	vmax.f32 v8, v18;
	v7 =	vmax.f32 v7, v10;
	v10 =	vmin.f32 v9, v11  }
0xc9: {  	v9 =	vmax.f32 v9, v11;
	v11 =	vmax.f32 v49, v10;
	v10 =	vmin.f32 v49, v10  }
0xca: {  	v51 =	vmin.f32 v8, v17;
	v50 =	vmax.f32 v20, v10;
	v10 =	vmin.f32 v20, v10  }
0xcb: {  	v8 =	vmax.f32 v8, v17;
	v7 =	vmax.f32 v7, v10;
	v10 =	vmin.f32 v9, v51  }
0xcc: {  	v53 =	vmin.f32 v8, v16;
	v52 =	vmax.f32 v11, v10;
	v10 =	vmin.f32 v11, v10  }
0xcd: {  	v9 =	vmax.f32 v9, v51;
	v11 =	vmax.f32 v50, v10;
	v10 =	vmin.f32 v50, v10  }
0xce: {  	v8 =	vmax.f32 v8, v16;
	v7 =	vmax.f32 v7, v10;
	v10 =	vmin.f32 v9, v53  }
0xcf: {  	v9 =	vmax.f32 v9, v53;
	v54 =	vmax.f32 v52, v10;
	v10 =	vmin.f32 v52, v10  }
0xd0: {  	v17 =	vmax.f32 v11, v10;
	v10 =	vmin.f32 v11, v10;
	v11 =	vmin.f32 v8, v15  }
0xd1: {  	v8 =	vmax.f32 v8, v15;
	v7 =	vmax.f32 v7, v10;
	v10 =	vmin.f32 v9, v11  }
0xd2: {  	v9 =	vmax.f32 v9, v11;
	v11 =	vmax.f32 v54, v10;
	v10 =	vmin.f32 v54, v10  }
0xd3: {  	v56 =	vmin.f32 v8, v14;
	v55 =	vmax.f32 v17, v10;
	v10 =	vmin.f32 v17, v10  }
0xd4: {  	v8 =	vmax.f32 v8, v14;
	v7 =	vmax.f32 v7, v10;
	v10 =	vmin.f32 v9, v56  }
0xd5: {  	v58 =	vmin.f32 v8, v13;
	v57 =	vmax.f32 v11, v10;
	v10 =	vmin.f32 v11, v10  }
0xd6: {  	v9 =	vmax.f32 v9, v56;
	v11 =	vmax.f32 v55, v10;
	v10 =	vmin.f32 v55, v10  }
0xd7: {  	v8 =	vmax.f32 v8, v13;
	v7 =	vmax.f32 v7, v10;
	v10 =	vmin.f32 v9, v58  }
0xd8: {  	v60 =	vmin.f32 v8, v12;
	v9 =	vmax.f32 v9, v58;
	v59 =	vmin.f32 v57, v10  }
0xd9: {  	v14 =	vmax.f32 v57, v10;
	v61 =	vmin.f32 v9, v60;
	v10 =	vmin.f32 v11, v59  }
0xda: {  	v13 =	vmax.f32 v11, v59;
	v62 =	vmin.f32 v14, v61;
	v11 =	vmax.f32 v8, v12  }
0xdb: {  	v7 =	vmax.f32 v7, v10;
	v10 =	vmax.f32 v9, v60;
	v63 =	vmin.f32 v13, v62  }
0xdc: {  	v9 =	vmax.f32 v14, v61;
	v8 =	vmax.f32 v13, v62;
	v7 =	vmax.f32 v7, v63  }
.LBB2_6:
0xdd: {  	v31 =	vld [tilespmem:s29+$0xFFFFF100]  }
0xde: {  	v30 =	vld [tilespmem:s29+$0xFFFFF180]  }
0xdf: {  	v29 =	vld [tilespmem:s29+$0xFFFFF200]  }
0xe0: {  	v28 =	vld [tilespmem:s29+$0xFFFFF280]  }
0xe1: {  	v27 =	vld [tilespmem:s29+$0xFFFFF300]  }
0xe2: {  	v26 =	vld [tilespmem:s29+$0xFFFFF380]  }
0xe3: {  	v25 =	vld [tilespmem:s29+$0xFFFFF400]  }
0xe4: {  	v24 =	vld [tilespmem:s29+$0xFFFFF480]  }
0xe5: {  	v23 =	vld [tilespmem:s29+$0xFFFFF500]  }
0xe6: {  	v22 =	vld [tilespmem:s29+$0xFFFFF580]  }
0xe7: {  	v21 =	vld [tilespmem:s29+$0xFFFFF600]  }
0xe8: {  	v20 =	vld [tilespmem:s29+$0xFFFFF680]  }
0xe9: {  	v19 =	vld [tilespmem:s29+$0xFFFFF700]  }
0xea: {  	v18 =	vld [tilespmem:s29+$0xFFFFF780]  }
0xeb: {  	v17 =	vld [tilespmem:s29+$0xFFFFF800]  }
0xec: {  	v16 =	vld [tilespmem:s29+$0xFFFFF880]  }
0xed: {  	v15 =	vld [tilespmem:s29+$0xFFFFF900]  }
0xee: {  	v14 =	vld [tilespmem:s29+$0xFFFFF980]  }
0xef: {  	v13 =	vld [tilespmem:s29+$0xFFFFFA00]  }
0xf0: {  	v12 =	vld [tilespmem:s29+$0xFFFFFA80];
	v32 =	vmax.f32 v31, v30  }
0xf1: {  	v33 =	vmax.f32 v29, v28;
	v34 =	vmax.f32 v27, v26;
	v35 =	vmax.f32 v25, v24  }
0xf2: {  	v36 =	vmax.f32 v23, v22;
	v37 =	vmax.f32 v21, v20;
	v38 =	vmax.f32 v19, v18  }
0xf3: {  	v39 =	vmax.f32 v17, v16;
	v40 =	vmax.f32 v15, v14;
	v32 =	vmax.f32 v32, v33  }
0xf4: {  	v58 =	vmax.f32 v34, v35;
	v59 =	vmax.f32 v36, v37;
	v60 =	vmax.f32 v38, v39  }
0xf5: {  	v61 =	vmax.f32 v13, v12;
	v32 =	vmax.f32 v32, v58;
	v62 =	vmax.f32 v59, v60  }
0xf6: {  	v63 =	vmax.f32 v40, v61;
	v32 =	vmax.f32 v32, v62  }
0xf7: {  	v32 =	vmax.f32 v32, v63  }
0xf8: {  	vm0 =	vgt.f32 v32, v7  }
0xf9: {  	v32 =	vmpcnt.ones.xlane vm0;
	_ =	sdelay $0x1  }
0xfa: {  	(v2sf) =	vpush v32, $0x0;
	_ =	sdelay $0xe  }
0xfb: {  	s4 =	spop (v2sf)  }
0xfc: {  	p1 =	slt.s32 s4, $0x1  }
.Ltmp8:
0xfd: {  	_ = 	snop;
	(pc) =	sbr.rel @p1 .LBB2_8-.Ltmp8, $1  }
0xfe: {  	_ =	sdelay $0x3  }
0xff: {  	v32 =	vmin.f32 v11, v31  }
0x100: {  	v11 =	vmax.f32 v11, v31;
	v59 =	vmin.f32 v10, v32  }
0x101: {  	v10 =	vmax.f32 v10, v32;
	v60 =	vmax.f32 v9, v59;
	v9 =	vmin.f32 v9, v59  }
0x102: {  	v31 =	vmax.f32 v8, v9;
	v8 =	vmin.f32 v8, v9;
	v9 =	vmin.f32 v11, v30  }
0x103: {  	v7 =	vmax.f32 v7, v8;
	v8 =	vmax.f32 v11, v30;
	v11 =	vmin.f32 v10, v9  }
0x104: {  	v9 =	vmax.f32 v10, v9;
	v10 =	vmax.f32 v60, v11;
	v11 =	vmin.f32 v60, v11  }
0x105: {  	v62 =	vmin.f32 v8, v29;
	v61 =	vmax.f32 v31, v11;
	v11 =	vmin.f32 v31, v11  }
0x106: {  	v8 =	vmax.f32 v8, v29;
	v7 =	vmax.f32 v7, v11;
	v11 =	vmin.f32 v9, v62  }
0x107: {  	v33 =	vmin.f32 v8, v28;
	v63 =	vmax.f32 v10, v11;
	v10 =	vmin.f32 v10, v11  }
0x108: {  	v9 =	vmax.f32 v9, v62;
	v11 =	vmax.f32 v61, v10;
	v10 =	vmin.f32 v61, v10  }
0x109: {  	v8 =	vmax.f32 v8, v28;
	v7 =	vmax.f32 v7, v10;
	v10 =	vmin.f32 v9, v33  }
0x10a: {  	v9 =	vmax.f32 v9, v33;
	v34 =	vmax.f32 v63, v10;
	v10 =	vmin.f32 v63, v10  }
0x10b: {  	v29 =	vmax.f32 v11, v10;
	v10 =	vmin.f32 v11, v10;
	v11 =	vmin.f32 v8, v27  }
0x10c: {  	v8 =	vmax.f32 v8, v27;
	v7 =	vmax.f32 v7, v10;
	v10 =	vmin.f32 v9, v11  }
0x10d: {  	v9 =	vmax.f32 v9, v11;
	v11 =	vmax.f32 v34, v10;
	v10 =	vmin.f32 v34, v10  }
0x10e: {  	v36 =	vmin.f32 v8, v26;
	v35 =	vmax.f32 v29, v10;
	v10 =	vmin.f32 v29, v10  }
0x10f: {  	v8 =	vmax.f32 v8, v26;
	v7 =	vmax.f32 v7, v10;
	v10 =	vmin.f32 v9, v36  }
0x110: {  	v38 =	vmin.f32 v8, v25;
	v37 =	vmax.f32 v11, v10;
	v10 =	vmin.f32 v11, v10  }
0x111: {  	v9 =	vmax.f32 v9, v36;
	v11 =	vmax.f32 v35, v10;
	v10 =	vmin.f32 v35, v10  }
0x112: {  	v8 =	vmax.f32 v8, v25;
	v7 =	vmax.f32 v7, v10;
	v10 =	vmin.f32 v9, v38  }
0x113: {  	v9 =	vmax.f32 v9, v38;
	v39 =	vmax.f32 v37, v10;
	v10 =	vmin.f32 v37, v10  }
0x114: {  	v26 =	vmax.f32 v11, v10;
	v10 =	vmin.f32 v11, v10;
	v11 =	vmin.f32 v8, v24  }
0x115: {  	v8 =	vmax.f32 v8, v24;
	v7 =	vmax.f32 v7, v10;
	v10 =	vmin.f32 v9, v11  }
0x116: {  	v9 =	vmax.f32 v9, v11;
	v11 =	vmax.f32 v39, v10;
	v10 =	vmin.f32 v39, v10  }
0x117: {  	v41 =	vmin.f32 v8, v23;
	v40 =	vmax.f32 v26, v10;
	v10 =	vmin.f32 v26, v10  }
0x118: {  	v8 =	vmax.f32 v8, v23;
	v7 =	vmax.f32 v7, v10;
	v10 =	vmin.f32 v9, v41  }
0x119: {  	v43 =	vmin.f32 v8, v22;
	v42 =	vmax.f32 v11, v10;
	v10 =	vmin.f32 v11, v10  }
0x11a: {  	v9 =	vmax.f32 v9, v41;
	v11 =	vmax.f32 v40, v10;
	v10 =	vmin.f32 v40, v10  }
0x11b: {  	v8 =	vmax.f32 v8, v22;
	v7 =	vmax.f32 v7, v10;
	v10 =	vmin.f32 v9, v43  }
0x11c: {  	v9 =	vmax.f32 v9, v43;
	v44 =	vmax.f32 v42, v10;
	v10 =	vmin.f32 v42, v10  }
0x11d: {  	v23 =	vmax.f32 v11, v10;
	v10 =	vmin.f32 v11, v10;
	v11 =	vmin.f32 v8, v21  }
0x11e: {  	v8 =	vmax.f32 v8, v21;
	v7 =	vmax.f32 v7, v10;
	v10 =	vmin.f32 v9, v11  }
0x11f: {  	v9 =	vmax.f32 v9, v11;
	v11 =	vmax.f32 v44, v10;
	v10 =	vmin.f32 v44, v10  }
0x120: {  	v46 =	vmin.f32 v8, v20;
	v45 =	vmax.f32 v23, v10;
	v10 =	vmin.f32 v23, v10  }
0x121: {  	v8 =	vmax.f32 v8, v20;
	v7 =	vmax.f32 v7, v10;
	v10 =	vmin.f32 v9, v46  }
0x122: {  	v48 =	vmin.f32 v8, v19;
	v47 =	vmax.f32 v11, v10;
	v10 =	vmin.f32 v11, v10  }
0x123: {  	v9 =	vmax.f32 v9, v46;
	v11 =	vmax.f32 v45, v10;
	v10 =	vmin.f32 v45, v10  }
0x124: {  	v8 =	vmax.f32 v8, v19;
	v7 =	vmax.f32 v7, v10;
	v10 =	vmin.f32 v9, v48  }
0x125: {  	v9 =	vmax.f32 v9, v48;
	v49 =	vmax.f32 v47, v10;
	v10 =	vmin.f32 v47, v10  }
0x126: {  	v20 =	vmax.f32 v11, v10;
	v10 =	vmin.f32 v11, v10;
	v11 =	vmin.f32 v8, v18  }
0x127: {  	v8 =	vmax.f32 v8, v18;
	v7 =	vmax.f32 v7, v10;
	v10 =	vmin.f32 v9, v11  }
0x128: {  	v9 =	vmax.f32 v9, v11;
	v11 =	vmax.f32 v49, v10;
	v10 =	vmin.f32 v49, v10  }
0x129: {  	v51 =	vmin.f32 v8, v17;
	v50 =	vmax.f32 v20, v10;
	v10 =	vmin.f32 v20, v10  }
0x12a: {  	v8 =	vmax.f32 v8, v17;
	v7 =	vmax.f32 v7, v10;
	v10 =	vmin.f32 v9, v51  }
0x12b: {  	v53 =	vmin.f32 v8, v16;
	v52 =	vmax.f32 v11, v10;
	v10 =	vmin.f32 v11, v10  }
0x12c: {  	v9 =	vmax.f32 v9, v51;
	v11 =	vmax.f32 v50, v10;
	v10 =	vmin.f32 v50, v10  }
0x12d: {  	v8 =	vmax.f32 v8, v16;
	v7 =	vmax.f32 v7, v10;
	v10 =	vmin.f32 v9, v53  }
0x12e: {  	v9 =	vmax.f32 v9, v53;
	v54 =	vmax.f32 v52, v10;
	v10 =	vmin.f32 v52, v10  }
0x12f: {  	v17 =	vmax.f32 v11, v10;
	v10 =	vmin.f32 v11, v10;
	v11 =	vmin.f32 v8, v15  }
0x130: {  	v8 =	vmax.f32 v8, v15;
	v7 =	vmax.f32 v7, v10;
	v10 =	vmin.f32 v9, v11  }
0x131: {  	v9 =	vmax.f32 v9, v11;
	v11 =	vmax.f32 v54, v10;
	v10 =	vmin.f32 v54, v10  }
0x132: {  	v56 =	vmin.f32 v8, v14;
	v55 =	vmax.f32 v17, v10;
	v10 =	vmin.f32 v17, v10  }
0x133: {  	v8 =	vmax.f32 v8, v14;
	v7 =	vmax.f32 v7, v10;
	v10 =	vmin.f32 v9, v56  }
0x134: {  	v58 =	vmin.f32 v8, v13;
	v57 =	vmax.f32 v11, v10;
	v10 =	vmin.f32 v11, v10  }
0x135: {  	v9 =	vmax.f32 v9, v56;
	v11 =	vmax.f32 v55, v10;
	v10 =	vmin.f32 v55, v10  }
0x136: {  	v8 =	vmax.f32 v8, v13;
	v7 =	vmax.f32 v7, v10;
	v10 =	vmin.f32 v9, v58  }
0x137: {  	v60 =	vmin.f32 v8, v12;
	v9 =	vmax.f32 v9, v58;
	v59 =	vmin.f32 v57, v10  }
0x138: {  	v14 =	vmax.f32 v57, v10;
	v61 =	vmin.f32 v9, v60;
	v10 =	vmin.f32 v11, v59  }
0x139: {  	v13 =	vmax.f32 v11, v59;
	v62 =	vmin.f32 v14, v61;
	v11 =	vmax.f32 v8, v12  }
0x13a: {  	v7 =	vmax.f32 v7, v10;
	v10 =	vmax.f32 v9, v60;
	v63 =	vmin.f32 v13, v62  }
0x13b: {  	v9 =	vmax.f32 v14, v61;
	v8 =	vmax.f32 v13, v62;
	v7 =	vmax.f32 v7, v63  }
.LBB2_8:
0x13c: {  	v31 =	vld [tilespmem:s29+$0xFFFFFB00]  }
0x13d: {  	v30 =	vld [tilespmem:s29+$0xFFFFFB80]  }
0x13e: {  	v29 =	vld [tilespmem:s29+$0xFFFFFC00]  }
0x13f: {  	v28 =	vld [tilespmem:s29+$0xFFFFFC80]  }
0x140: {  	v27 =	vld [tilespmem:s29+$0xFFFFFD00]  }
0x141: {  	v26 =	vld [tilespmem:s29+$0xFFFFFD80]  }
0x142: {  	v25 =	vld [tilespmem:s29+$0xFFFFFE00]  }
0x143: {  	v24 =	vld [tilespmem:s29+$0xFFFFFE80]  }
0x144: {  	v23 =	vld [tilespmem:s29+$0xFFFFFF00]  }
0x145: {  	v22 =	vld [tilespmem:s29+$0xFFFFFF80]  }
0x146: {  	v21 =	vld [tilespmem:s29+$0x0]  }
0x147: {  	v20 =	vld [tilespmem:s29+$0x80]  }
0x148: {  	v19 =	vld [tilespmem:s29+$0x100]  }
0x149: {  	v18 =	vld [tilespmem:s29+$0x180]  }
0x14a: {  	v17 =	vld [tilespmem:s29+$0x200]  }
0x14b: {  	v16 =	vld [tilespmem:s29+$0x280]  }
0x14c: {  	v15 =	vld [tilespmem:s29+$0x300]  }
0x14d: {  	v14 =	vld [tilespmem:s29+$0x380]  }
0x14e: {  	v13 =	vld [tilespmem:s29+$0x400]  }
0x14f: {  	v12 =	vld [tilespmem:s29+$0x480];
	v32 =	vmax.f32 v31, v30  }
0x150: {  	v33 =	vmax.f32 v29, v28;
	v34 =	vmax.f32 v27, v26;
	v35 =	vmax.f32 v25, v24  }
0x151: {  	v36 =	vmax.f32 v23, v22;
	v37 =	vmax.f32 v21, v20;
	v38 =	vmax.f32 v19, v18  }
0x152: {  	v39 =	vmax.f32 v17, v16;
	v40 =	vmax.f32 v15, v14;
	v32 =	vmax.f32 v32, v33  }
0x153: {  	v58 =	vmax.f32 v34, v35;
	v59 =	vmax.f32 v36, v37;
	v60 =	vmax.f32 v38, v39  }
0x154: {  	v61 =	vmax.f32 v13, v12;
	v32 =	vmax.f32 v32, v58;
	v62 =	vmax.f32 v59, v60  }
0x155: {  	v63 =	vmax.f32 v40, v61;
	v32 =	vmax.f32 v32, v62  }
0x156: {  	v32 =	vmax.f32 v32, v63  }
0x157: {  	vm0 =	vgt.f32 v32, v7  }
0x158: {  	v32 =	vmpcnt.ones.xlane vm0;
	_ =	sdelay $0x1  }
0x159: {  	(v2sf) =	vpush v32, $0x0;
	_ =	sdelay $0xe  }
0x15a: {  	s4 =	spop (v2sf)  }
0x15b: {  	p1 =	slt.s32 s4, $0x1  }
.Ltmp9:
0x15c: {  	_ = 	snop;
	(pc) =	sbr.rel @p1 .LBB2_10-.Ltmp9, $1  }
0x15d: {  	_ =	sdelay $0x3  }
0x15e: {  	v32 =	vmin.f32 v11, v31  }
0x15f: {  	v11 =	vmax.f32 v11, v31;
	v59 =	vmin.f32 v10, v32  }
0x160: {  	v10 =	vmax.f32 v10, v32;
	v60 =	vmax.f32 v9, v59;
	v9 =	vmin.f32 v9, v59  }
0x161: {  	v31 =	vmax.f32 v8, v9;
	v8 =	vmin.f32 v8, v9;
	v9 =	vmin.f32 v11, v30  }
0x162: {  	v7 =	vmax.f32 v7, v8;
	v8 =	vmax.f32 v11, v30;
	v11 =	vmin.f32 v10, v9  }
0x163: {  	v9 =	vmax.f32 v10, v9;
	v10 =	vmax.f32 v60, v11;
	v11 =	vmin.f32 v60, v11  }
0x164: {  	v62 =	vmin.f32 v8, v29;
	v61 =	vmax.f32 v31, v11;
	v11 =	vmin.f32 v31, v11  }
0x165: {  	v8 =	vmax.f32 v8, v29;
	v7 =	vmax.f32 v7, v11;
	v11 =	vmin.f32 v9, v62  }
0x166: {  	v33 =	vmin.f32 v8, v28;
	v63 =	vmax.f32 v10, v11;
	v10 =	vmin.f32 v10, v11  }
0x167: {  	v9 =	vmax.f32 v9, v62;
	v11 =	vmax.f32 v61, v10;
	v10 =	vmin.f32 v61, v10  }
0x168: {  	v8 =	vmax.f32 v8, v28;
	v7 =	vmax.f32 v7, v10;
	v10 =	vmin.f32 v9, v33  }
0x169: {  	v9 =	vmax.f32 v9, v33;
	v34 =	vmax.f32 v63, v10;
	v10 =	vmin.f32 v63, v10  }
0x16a: {  	v29 =	vmax.f32 v11, v10;
	v10 =	vmin.f32 v11, v10;
	v11 =	vmin.f32 v8, v27  }
0x16b: {  	v8 =	vmax.f32 v8, v27;
	v7 =	vmax.f32 v7, v10;
	v10 =	vmin.f32 v9, v11  }
0x16c: {  	v9 =	vmax.f32 v9, v11;
	v11 =	vmax.f32 v34, v10;
	v10 =	vmin.f32 v34, v10  }
0x16d: {  	v36 =	vmin.f32 v8, v26;
	v35 =	vmax.f32 v29, v10;
	v10 =	vmin.f32 v29, v10  }
0x16e: {  	v8 =	vmax.f32 v8, v26;
	v7 =	vmax.f32 v7, v10;
	v10 =	vmin.f32 v9, v36  }
0x16f: {  	v38 =	vmin.f32 v8, v25;
	v37 =	vmax.f32 v11, v10;
	v10 =	vmin.f32 v11, v10  }
0x170: {  	v9 =	vmax.f32 v9, v36;
	v11 =	vmax.f32 v35, v10;
	v10 =	vmin.f32 v35, v10  }
0x171: {  	v8 =	vmax.f32 v8, v25;
	v7 =	vmax.f32 v7, v10;
	v10 =	vmin.f32 v9, v38  }
0x172: {  	v9 =	vmax.f32 v9, v38;
	v39 =	vmax.f32 v37, v10;
	v10 =	vmin.f32 v37, v10  }
0x173: {  	v26 =	vmax.f32 v11, v10;
	v10 =	vmin.f32 v11, v10;
	v11 =	vmin.f32 v8, v24  }
0x174: {  	v8 =	vmax.f32 v8, v24;
	v7 =	vmax.f32 v7, v10;
	v10 =	vmin.f32 v9, v11  }
0x175: {  	v9 =	vmax.f32 v9, v11;
	v11 =	vmax.f32 v39, v10;
	v10 =	vmin.f32 v39, v10  }
0x176: {  	v41 =	vmin.f32 v8, v23;
	v40 =	vmax.f32 v26, v10;
	v10 =	vmin.f32 v26, v10  }
0x177: {  	v8 =	vmax.f32 v8, v23;
	v7 =	vmax.f32 v7, v10;
	v10 =	vmin.f32 v9, v41  }
0x178: {  	v43 =	vmin.f32 v8, v22;
	v42 =	vmax.f32 v11, v10;
	v10 =	vmin.f32 v11, v10  }
0x179: {  	v9 =	vmax.f32 v9, v41;
	v11 =	vmax.f32 v40, v10;
	v10 =	vmin.f32 v40, v10  }
0x17a: {  	v8 =	vmax.f32 v8, v22;
	v7 =	vmax.f32 v7, v10;
	v10 =	vmin.f32 v9, v43  }
0x17b: {  	v9 =	vmax.f32 v9, v43;
	v44 =	vmax.f32 v42, v10;
	v10 =	vmin.f32 v42, v10  }
0x17c: {  	v23 =	vmax.f32 v11, v10;
	v10 =	vmin.f32 v11, v10;
	v11 =	vmin.f32 v8, v21  }
0x17d: {  	v8 =	vmax.f32 v8, v21;
	v7 =	vmax.f32 v7, v10;
	v10 =	vmin.f32 v9, v11  }
0x17e: {  	v9 =	vmax.f32 v9, v11;
	v11 =	vmax.f32 v44, v10;
	v10 =	vmin.f32 v44, v10  }
0x17f: {  	v46 =	vmin.f32 v8, v20;
	v45 =	vmax.f32 v23, v10;
	v10 =	vmin.f32 v23, v10  }
0x180: {  	v8 =	vmax.f32 v8, v20;
	v7 =	vmax.f32 v7, v10;
	v10 =	vmin.f32 v9, v46  }
0x181: {  	v48 =	vmin.f32 v8, v19;
	v47 =	vmax.f32 v11, v10;
	v10 =	vmin.f32 v11, v10  }
0x182: {  	v9 =	vmax.f32 v9, v46;
	v11 =	vmax.f32 v45, v10;
	v10 =	vmin.f32 v45, v10  }
0x183: {  	v8 =	vmax.f32 v8, v19;
	v7 =	vmax.f32 v7, v10;
	v10 =	vmin.f32 v9, v48  }
0x184: {  	v9 =	vmax.f32 v9, v48;
	v49 =	vmax.f32 v47, v10;
	v10 =	vmin.f32 v47, v10  }
0x185: {  	v20 =	vmax.f32 v11, v10;
	v10 =	vmin.f32 v11, v10;
	v11 =	vmin.f32 v8, v18  }
0x186: {  	v8 =	vmax.f32 v8, v18;
	v7 =	vmax.f32 v7, v10;
	v10 =	vmin.f32 v9, v11  }
0x187: {  	v9 =	vmax.f32 v9, v11;
	v11 =	vmax.f32 v49, v10;
	v10 =	vmin.f32 v49, v10  }
0x188: {  	v51 =	vmin.f32 v8, v17;
	v50 =	vmax.f32 v20, v10;
	v10 =	vmin.f32 v20, v10  }
0x189: {  	v8 =	vmax.f32 v8, v17;
	v7 =	vmax.f32 v7, v10;
	v10 =	vmin.f32 v9, v51  }
0x18a: {  	v53 =	vmin.f32 v8, v16;
	v52 =	vmax.f32 v11, v10;
	v10 =	vmin.f32 v11, v10  }
0x18b: {  	v9 =	vmax.f32 v9, v51;
	v11 =	vmax.f32 v50, v10;
	v10 =	vmin.f32 v50, v10  }
0x18c: {  	v8 =	vmax.f32 v8, v16;
	v7 =	vmax.f32 v7, v10;
	v10 =	vmin.f32 v9, v53  }
0x18d: {  	v9 =	vmax.f32 v9, v53;
	v54 =	vmax.f32 v52, v10;
	v10 =	vmin.f32 v52, v10  }
0x18e: {  	v17 =	vmax.f32 v11, v10;
	v10 =	vmin.f32 v11, v10;
	v11 =	vmin.f32 v8, v15  }
0x18f: {  	v8 =	vmax.f32 v8, v15;
	v7 =	vmax.f32 v7, v10;
	v10 =	vmin.f32 v9, v11  }
0x190: {  	v9 =	vmax.f32 v9, v11;
	v11 =	vmax.f32 v54, v10;
	v10 =	vmin.f32 v54, v10  }
0x191: {  	v56 =	vmin.f32 v8, v14;
	v55 =	vmax.f32 v17, v10;
	v10 =	vmin.f32 v17, v10  }
0x192: {  	v8 =	vmax.f32 v8, v14;
	v7 =	vmax.f32 v7, v10;
	v10 =	vmin.f32 v9, v56  }
0x193: {  	v58 =	vmin.f32 v8, v13;
	v57 =	vmax.f32 v11, v10;
	v10 =	vmin.f32 v11, v10  }
0x194: {  	v9 =	vmax.f32 v9, v56;
	v11 =	vmax.f32 v55, v10;
	v10 =	vmin.f32 v55, v10  }
0x195: {  	v8 =	vmax.f32 v8, v13;
	v7 =	vmax.f32 v7, v10;
	v10 =	vmin.f32 v9, v58  }
0x196: {  	v60 =	vmin.f32 v8, v12;
	v9 =	vmax.f32 v9, v58;
	v59 =	vmin.f32 v57, v10  }
0x197: {  	v14 =	vmax.f32 v57, v10;
	v61 =	vmin.f32 v9, v60;
	v10 =	vmin.f32 v11, v59  }
0x198: {  	v13 =	vmax.f32 v11, v59;
	v62 =	vmin.f32 v14, v61;
	v11 =	vmax.f32 v8, v12  }
0x199: {  	v7 =	vmax.f32 v7, v10;
	v10 =	vmax.f32 v9, v60;
	v63 =	vmin.f32 v13, v62  }
0x19a: {  	v9 =	vmax.f32 v14, v61;
	v8 =	vmax.f32 v13, v62;
	v7 =	vmax.f32 v7, v63  }
.LBB2_10:
0x19b: {  	v31 =	vld [tilespmem:s29+$0x500]  }
0x19c: {  	v30 =	vld [tilespmem:s29+$0x580]  }
0x19d: {  	v29 =	vld [tilespmem:s29+$0x600]  }
0x19e: {  	v28 =	vld [tilespmem:s29+$0x680]  }
0x19f: {  	v27 =	vld [tilespmem:s29+$0x700]  }
0x1a0: {  	v26 =	vld [tilespmem:s29+$0x780]  }
0x1a1: {  	v25 =	vld [tilespmem:s29+$0x800]  }
0x1a2: {  	v24 =	vld [tilespmem:s29+$0x880]  }
0x1a3: {  	v23 =	vld [tilespmem:s29+$0x900]  }
0x1a4: {  	v22 =	vld [tilespmem:s29+$0x980]  }
0x1a5: {  	v21 =	vld [tilespmem:s29+$0xA00]  }
0x1a6: {  	v20 =	vld [tilespmem:s29+$0xA80]  }
0x1a7: {  	v19 =	vld [tilespmem:s29+$0xB00]  }
0x1a8: {  	v18 =	vld [tilespmem:s29+$0xB80]  }
0x1a9: {  	v17 =	vld [tilespmem:s29+$0xC00]  }
0x1aa: {  	v16 =	vld [tilespmem:s29+$0xC80]  }
0x1ab: {  	v15 =	vld [tilespmem:s29+$0xD00]  }
0x1ac: {  	v14 =	vld [tilespmem:s29+$0xD80]  }
0x1ad: {  	v13 =	vld [tilespmem:s29+$0xE00]  }
0x1ae: {  	v12 =	vld [tilespmem:s29+$0xE80];
	v32 =	vmax.f32 v31, v30  }
0x1af: {  	v33 =	vmax.f32 v29, v28;
	v34 =	vmax.f32 v27, v26;
	v35 =	vmax.f32 v25, v24  }
0x1b0: {  	v36 =	vmax.f32 v23, v22;
	v37 =	vmax.f32 v21, v20;
	v38 =	vmax.f32 v19, v18  }
0x1b1: {  	v39 =	vmax.f32 v17, v16;
	v40 =	vmax.f32 v15, v14;
	v32 =	vmax.f32 v32, v33  }
0x1b2: {  	v58 =	vmax.f32 v34, v35;
	v59 =	vmax.f32 v36, v37;
	v60 =	vmax.f32 v38, v39  }
0x1b3: {  	v61 =	vmax.f32 v13, v12;
	v32 =	vmax.f32 v32, v58;
	v62 =	vmax.f32 v59, v60  }
0x1b4: {  	v63 =	vmax.f32 v40, v61;
	v32 =	vmax.f32 v32, v62  }
0x1b5: {  	v32 =	vmax.f32 v32, v63  }
0x1b6: {  	vm0 =	vgt.f32 v32, v7  }
0x1b7: {  	v32 =	vmpcnt.ones.xlane vm0;
	_ =	sdelay $0x1  }
0x1b8: {  	(v2sf) =	vpush v32, $0x0;
	_ =	sdelay $0xe  }
0x1b9: {  	s4 =	spop (v2sf)  }
0x1ba: {  	p1 =	slt.s32 s4, $0x1  }
.Ltmp10:
0x1bb: {  	_ = 	snop;
	(pc) =	sbr.rel @p1 .LBB2_12-.Ltmp10, $1  }
0x1bc: {  	_ =	sdelay $0x3  }
0x1bd: {  	v32 =	vmin.f32 v11, v31  }
0x1be: {  	v11 =	vmax.f32 v11, v31;
	v59 =	vmin.f32 v10, v32  }
0x1bf: {  	v10 =	vmax.f32 v10, v32;
	v60 =	vmax.f32 v9, v59;
	v9 =	vmin.f32 v9, v59  }
0x1c0: {  	v31 =	vmax.f32 v8, v9;
	v8 =	vmin.f32 v8, v9;
	v9 =	vmin.f32 v11, v30  }
0x1c1: {  	v7 =	vmax.f32 v7, v8;
	v8 =	vmax.f32 v11, v30;
	v11 =	vmin.f32 v10, v9  }
0x1c2: {  	v9 =	vmax.f32 v10, v9;
	v10 =	vmax.f32 v60, v11;
	v11 =	vmin.f32 v60, v11  }
0x1c3: {  	v62 =	vmin.f32 v8, v29;
	v61 =	vmax.f32 v31, v11;
	v11 =	vmin.f32 v31, v11  }
0x1c4: {  	v8 =	vmax.f32 v8, v29;
	v7 =	vmax.f32 v7, v11;
	v11 =	vmin.f32 v9, v62  }
0x1c5: {  	v33 =	vmin.f32 v8, v28;
	v63 =	vmax.f32 v10, v11;
	v10 =	vmin.f32 v10, v11  }
0x1c6: {  	v9 =	vmax.f32 v9, v62;
	v11 =	vmax.f32 v61, v10;
	v10 =	vmin.f32 v61, v10  }
0x1c7: {  	v8 =	vmax.f32 v8, v28;
	v7 =	vmax.f32 v7, v10;
	v10 =	vmin.f32 v9, v33  }
0x1c8: {  	v9 =	vmax.f32 v9, v33;
	v34 =	vmax.f32 v63, v10;
	v10 =	vmin.f32 v63, v10  }
0x1c9: {  	v29 =	vmax.f32 v11, v10;
	v10 =	vmin.f32 v11, v10;
	v11 =	vmin.f32 v8, v27  }
0x1ca: {  	v8 =	vmax.f32 v8, v27;
	v7 =	vmax.f32 v7, v10;
	v10 =	vmin.f32 v9, v11  }
0x1cb: {  	v9 =	vmax.f32 v9, v11;
	v11 =	vmax.f32 v34, v10;
	v10 =	vmin.f32 v34, v10  }
0x1cc: {  	v36 =	vmin.f32 v8, v26;
	v35 =	vmax.f32 v29, v10;
	v10 =	vmin.f32 v29, v10  }
0x1cd: {  	v8 =	vmax.f32 v8, v26;
	v7 =	vmax.f32 v7, v10;
	v10 =	vmin.f32 v9, v36  }
0x1ce: {  	v38 =	vmin.f32 v8, v25;
	v37 =	vmax.f32 v11, v10;
	v10 =	vmin.f32 v11, v10  }
0x1cf: {  	v9 =	vmax.f32 v9, v36;
	v11 =	vmax.f32 v35, v10;
	v10 =	vmin.f32 v35, v10  }
0x1d0: {  	v8 =	vmax.f32 v8, v25;
	v7 =	vmax.f32 v7, v10;
	v10 =	vmin.f32 v9, v38  }
0x1d1: {  	v9 =	vmax.f32 v9, v38;
	v39 =	vmax.f32 v37, v10;
	v10 =	vmin.f32 v37, v10  }
0x1d2: {  	v26 =	vmax.f32 v11, v10;
	v10 =	vmin.f32 v11, v10;
	v11 =	vmin.f32 v8, v24  }
0x1d3: {  	v8 =	vmax.f32 v8, v24;
	v7 =	vmax.f32 v7, v10;
	v10 =	vmin.f32 v9, v11  }
0x1d4: {  	v9 =	vmax.f32 v9, v11;
	v11 =	vmax.f32 v39, v10;
	v10 =	vmin.f32 v39, v10  }
0x1d5: {  	v41 =	vmin.f32 v8, v23;
	v40 =	vmax.f32 v26, v10;
	v10 =	vmin.f32 v26, v10  }
0x1d6: {  	v8 =	vmax.f32 v8, v23;
	v7 =	vmax.f32 v7, v10;
	v10 =	vmin.f32 v9, v41  }
0x1d7: {  	v43 =	vmin.f32 v8, v22;
	v42 =	vmax.f32 v11, v10;
	v10 =	vmin.f32 v11, v10  }
0x1d8: {  	v9 =	vmax.f32 v9, v41;
	v11 =	vmax.f32 v40, v10;
	v10 =	vmin.f32 v40, v10  }
0x1d9: {  	v8 =	vmax.f32 v8, v22;
	v7 =	vmax.f32 v7, v10;
	v10 =	vmin.f32 v9, v43  }
0x1da: {  	v9 =	vmax.f32 v9, v43;
	v44 =	vmax.f32 v42, v10;
	v10 =	vmin.f32 v42, v10  }
0x1db: {  	v23 =	vmax.f32 v11, v10;
	v10 =	vmin.f32 v11, v10;
	v11 =	vmin.f32 v8, v21  }
0x1dc: {  	v8 =	vmax.f32 v8, v21;
	v7 =	vmax.f32 v7, v10;
	v10 =	vmin.f32 v9, v11  }
0x1dd: {  	v9 =	vmax.f32 v9, v11;
	v11 =	vmax.f32 v44, v10;
	v10 =	vmin.f32 v44, v10  }
0x1de: {  	v46 =	vmin.f32 v8, v20;
	v45 =	vmax.f32 v23, v10;
	v10 =	vmin.f32 v23, v10  }
0x1df: {  	v8 =	vmax.f32 v8, v20;
	v7 =	vmax.f32 v7, v10;
	v10 =	vmin.f32 v9, v46  }
0x1e0: {  	v48 =	vmin.f32 v8, v19;
	v47 =	vmax.f32 v11, v10;
	v10 =	vmin.f32 v11, v10  }
0x1e1: {  	v9 =	vmax.f32 v9, v46;
	v11 =	vmax.f32 v45, v10;
	v10 =	vmin.f32 v45, v10  }
0x1e2: {  	v8 =	vmax.f32 v8, v19;
	v7 =	vmax.f32 v7, v10;
	v10 =	vmin.f32 v9, v48  }
0x1e3: {  	v9 =	vmax.f32 v9, v48;
	v49 =	vmax.f32 v47, v10;
	v10 =	vmin.f32 v47, v10  }
0x1e4: {  	v20 =	vmax.f32 v11, v10;
	v10 =	vmin.f32 v11, v10;
	v11 =	vmin.f32 v8, v18  }
0x1e5: {  	v8 =	vmax.f32 v8, v18;
	v7 =	vmax.f32 v7, v10;
	v10 =	vmin.f32 v9, v11  }
0x1e6: {  	v9 =	vmax.f32 v9, v11;
	v11 =	vmax.f32 v49, v10;
	v10 =	vmin.f32 v49, v10  }
0x1e7: {  	v51 =	vmin.f32 v8, v17;
	v50 =	vmax.f32 v20, v10;
	v10 =	vmin.f32 v20, v10  }
0x1e8: {  	v8 =	vmax.f32 v8, v17;
	v7 =	vmax.f32 v7, v10;
	v10 =	vmin.f32 v9, v51  }
0x1e9: {  	v53 =	vmin.f32 v8, v16;
	v52 =	vmax.f32 v11, v10;
	v10 =	vmin.f32 v11, v10  }
0x1ea: {  	v9 =	vmax.f32 v9, v51;
	v11 =	vmax.f32 v50, v10;
	v10 =	vmin.f32 v50, v10  }
0x1eb: {  	v8 =	vmax.f32 v8, v16;
	v7 =	vmax.f32 v7, v10;
	v10 =	vmin.f32 v9, v53  }
0x1ec: {  	v9 =	vmax.f32 v9, v53;
	v54 =	vmax.f32 v52, v10;
	v10 =	vmin.f32 v52, v10  }
0x1ed: {  	v17 =	vmax.f32 v11, v10;
	v10 =	vmin.f32 v11, v10;
	v11 =	vmin.f32 v8, v15  }
0x1ee: {  	v8 =	vmax.f32 v8, v15;
	v7 =	vmax.f32 v7, v10;
	v10 =	vmin.f32 v9, v11  }
0x1ef: {  	v9 =	vmax.f32 v9, v11;
	v11 =	vmax.f32 v54, v10;
	v10 =	vmin.f32 v54, v10  }
0x1f0: {  	v56 =	vmin.f32 v8, v14;
	v55 =	vmax.f32 v17, v10;
	v10 =	vmin.f32 v17, v10  }
0x1f1: {  	v8 =	vmax.f32 v8, v14;
	v7 =	vmax.f32 v7, v10;
	v10 =	vmin.f32 v9, v56  }
0x1f2: {  	v58 =	vmin.f32 v8, v13;
	v57 =	vmax.f32 v11, v10;
	v10 =	vmin.f32 v11, v10  }
0x1f3: {  	v9 =	vmax.f32 v9, v56;
	v11 =	vmax.f32 v55, v10;
	v10 =	vmin.f32 v55, v10  }
0x1f4: {  	v8 =	vmax.f32 v8, v13;
	v7 =	vmax.f32 v7, v10;
	v10 =	vmin.f32 v9, v58  }
0x1f5: {  	v60 =	vmin.f32 v8, v12;
	v9 =	vmax.f32 v9, v58;
	v59 =	vmin.f32 v57, v10  }
0x1f6: {  	v14 =	vmax.f32 v57, v10;
	v61 =	vmin.f32 v9, v60;
	v10 =	vmin.f32 v11, v59  }
0x1f7: {  	v13 =	vmax.f32 v11, v59;
	v62 =	vmin.f32 v14, v61;
	v11 =	vmax.f32 v8, v12  }
0x1f8: {  	v7 =	vmax.f32 v7, v10;
	v10 =	vmax.f32 v9, v60;
	v63 =	vmin.f32 v13, v62  }
0x1f9: {  	v9 =	vmax.f32 v14, v61;
	v8 =	vmax.f32 v13, v62;
	v7 =	vmax.f32 v7, v63  }
.LBB2_12:
0x1fa: {  	v31 =	vld [tilespmem:s29+$0xF00]  }
0x1fb: {  	v30 =	vld [tilespmem:s29+$0xF80]  }
0x1fc: {  	v29 =	vld [tilespmem:s29+$0x1000]  }
0x1fd: {  	v28 =	vld [tilespmem:s29+$0x1080]  }
0x1fe: {  	v27 =	vld [tilespmem:s29+$0x1100]  }
0x1ff: {  	v26 =	vld [tilespmem:s29+$0x1180]  }
0x200: {  	v25 =	vld [tilespmem:s29+$0x1200]  }
0x201: {  	v24 =	vld [tilespmem:s29+$0x1280]  }
0x202: {  	v23 =	vld [tilespmem:s29+$0x1300]  }
0x203: {  	v22 =	vld [tilespmem:s29+$0x1380]  }
0x204: {  	v21 =	vld [tilespmem:s29+$0x1400]  }
0x205: {  	v20 =	vld [tilespmem:s29+$0x1480]  }
0x206: {  	v19 =	vld [tilespmem:s29+$0x1500]  }
0x207: {  	v18 =	vld [tilespmem:s29+$0x1580]  }
0x208: {  	v17 =	vld [tilespmem:s29+$0x1600]  }
0x209: {  	v16 =	vld [tilespmem:s29+$0x1680]  }
0x20a: {  	v15 =	vld [tilespmem:s29+$0x1700]  }
0x20b: {  	v14 =	vld [tilespmem:s29+$0x1780]  }
0x20c: {  	v13 =	vld [tilespmem:s29+$0x1800]  }
0x20d: {  	v12 =	vld [tilespmem:s29+$0x1880];
	v32 =	vmax.f32 v31, v30  }
0x20e: {  	v33 =	vmax.f32 v29, v28;
	v34 =	vmax.f32 v27, v26;
	v35 =	vmax.f32 v25, v24  }
0x20f: {  	v36 =	vmax.f32 v23, v22;
	v37 =	vmax.f32 v21, v20;
	v38 =	vmax.f32 v19, v18  }
0x210: {  	v39 =	vmax.f32 v17, v16;
	v40 =	vmax.f32 v15, v14;
	v32 =	vmax.f32 v32, v33  }
0x211: {  	v58 =	vmax.f32 v34, v35;
	v59 =	vmax.f32 v36, v37;
	v60 =	vmax.f32 v38, v39  }
0x212: {  	v61 =	vmax.f32 v13, v12;
	v32 =	vmax.f32 v32, v58;
	v62 =	vmax.f32 v59, v60  }
0x213: {  	v63 =	vmax.f32 v40, v61;
	v32 =	vmax.f32 v32, v62  }
0x214: {  	v32 =	vmax.f32 v32, v63  }
0x215: {  	vm0 =	vgt.f32 v32, v7  }
0x216: {  	v32 =	vmpcnt.ones.xlane vm0;
	_ =	sdelay $0x1  }
0x217: {  	(v2sf) =	vpush v32, $0x0;
	_ =	sdelay $0xe  }
0x218: {  	s4 =	spop (v2sf)  }
0x219: {  	p1 =	slt.s32 s4, $0x1  }
.Ltmp11:
0x21a: {  	_ = 	snop;
	(pc) =	sbr.rel @p1 .LBB2_14-.Ltmp11, $1  }
0x21b: {  	_ =	sdelay $0x3  }
0x21c: {  	v32 =	vmin.f32 v11, v31  }
0x21d: {  	v11 =	vmax.f32 v11, v31;
	v59 =	vmin.f32 v10, v32  }
0x21e: {  	v10 =	vmax.f32 v10, v32;
	v60 =	vmax.f32 v9, v59;
	v9 =	vmin.f32 v9, v59  }
0x21f: {  	v31 =	vmax.f32 v8, v9;
	v8 =	vmin.f32 v8, v9;
	v9 =	vmin.f32 v11, v30  }
0x220: {  	v7 =	vmax.f32 v7, v8;
	v8 =	vmax.f32 v11, v30;
	v11 =	vmin.f32 v10, v9  }
0x221: {  	v9 =	vmax.f32 v10, v9;
	v10 =	vmax.f32 v60, v11;
	v11 =	vmin.f32 v60, v11  }
0x222: {  	v62 =	vmin.f32 v8, v29;
	v61 =	vmax.f32 v31, v11;
	v11 =	vmin.f32 v31, v11  }
0x223: {  	v8 =	vmax.f32 v8, v29;
	v7 =	vmax.f32 v7, v11;
	v11 =	vmin.f32 v9, v62  }
0x224: {  	v33 =	vmin.f32 v8, v28;
	v63 =	vmax.f32 v10, v11;
	v10 =	vmin.f32 v10, v11  }
0x225: {  	v9 =	vmax.f32 v9, v62;
	v11 =	vmax.f32 v61, v10;
	v10 =	vmin.f32 v61, v10  }
0x226: {  	v8 =	vmax.f32 v8, v28;
	v7 =	vmax.f32 v7, v10;
	v10 =	vmin.f32 v9, v33  }
0x227: {  	v9 =	vmax.f32 v9, v33;
	v34 =	vmax.f32 v63, v10;
	v10 =	vmin.f32 v63, v10  }
0x228: {  	v29 =	vmax.f32 v11, v10;
	v10 =	vmin.f32 v11, v10;
	v11 =	vmin.f32 v8, v27  }
0x229: {  	v8 =	vmax.f32 v8, v27;
	v7 =	vmax.f32 v7, v10;
	v10 =	vmin.f32 v9, v11  }
0x22a: {  	v9 =	vmax.f32 v9, v11;
	v11 =	vmax.f32 v34, v10;
	v10 =	vmin.f32 v34, v10  }
0x22b: {  	v36 =	vmin.f32 v8, v26;
	v35 =	vmax.f32 v29, v10;
	v10 =	vmin.f32 v29, v10  }
0x22c: {  	v8 =	vmax.f32 v8, v26;
	v7 =	vmax.f32 v7, v10;
	v10 =	vmin.f32 v9, v36  }
0x22d: {  	v38 =	vmin.f32 v8, v25;
	v37 =	vmax.f32 v11, v10;
	v10 =	vmin.f32 v11, v10  }
0x22e: {  	v9 =	vmax.f32 v9, v36;
	v11 =	vmax.f32 v35, v10;
	v10 =	vmin.f32 v35, v10  }
0x22f: {  	v8 =	vmax.f32 v8, v25;
	v7 =	vmax.f32 v7, v10;
	v10 =	vmin.f32 v9, v38  }
0x230: {  	v9 =	vmax.f32 v9, v38;
	v39 =	vmax.f32 v37, v10;
	v10 =	vmin.f32 v37, v10  }
0x231: {  	v26 =	vmax.f32 v11, v10;
	v10 =	vmin.f32 v11, v10;
	v11 =	vmin.f32 v8, v24  }
0x232: {  	v8 =	vmax.f32 v8, v24;
	v7 =	vmax.f32 v7, v10;
	v10 =	vmin.f32 v9, v11  }
0x233: {  	v9 =	vmax.f32 v9, v11;
	v11 =	vmax.f32 v39, v10;
	v10 =	vmin.f32 v39, v10  }
0x234: {  	v41 =	vmin.f32 v8, v23;
	v40 =	vmax.f32 v26, v10;
	v10 =	vmin.f32 v26, v10  }
0x235: {  	v8 =	vmax.f32 v8, v23;
	v7 =	vmax.f32 v7, v10;
	v10 =	vmin.f32 v9, v41  }
0x236: {  	v43 =	vmin.f32 v8, v22;
	v42 =	vmax.f32 v11, v10;
	v10 =	vmin.f32 v11, v10  }
0x237: {  	v9 =	vmax.f32 v9, v41;
	v11 =	vmax.f32 v40, v10;
	v10 =	vmin.f32 v40, v10  }
0x238: {  	v8 =	vmax.f32 v8, v22;
	v7 =	vmax.f32 v7, v10;
	v10 =	vmin.f32 v9, v43  }
0x239: {  	v9 =	vmax.f32 v9, v43;
	v44 =	vmax.f32 v42, v10;
	v10 =	vmin.f32 v42, v10  }
0x23a: {  	v23 =	vmax.f32 v11, v10;
	v10 =	vmin.f32 v11, v10;
	v11 =	vmin.f32 v8, v21  }
0x23b: {  	v8 =	vmax.f32 v8, v21;
	v7 =	vmax.f32 v7, v10;
	v10 =	vmin.f32 v9, v11  }
0x23c: {  	v9 =	vmax.f32 v9, v11;
	v11 =	vmax.f32 v44, v10;
	v10 =	vmin.f32 v44, v10  }
0x23d: {  	v46 =	vmin.f32 v8, v20;
	v45 =	vmax.f32 v23, v10;
	v10 =	vmin.f32 v23, v10  }
0x23e: {  	v8 =	vmax.f32 v8, v20;
	v7 =	vmax.f32 v7, v10;
	v10 =	vmin.f32 v9, v46  }
0x23f: {  	v48 =	vmin.f32 v8, v19;
	v47 =	vmax.f32 v11, v10;
	v10 =	vmin.f32 v11, v10  }
0x240: {  	v9 =	vmax.f32 v9, v46;
	v11 =	vmax.f32 v45, v10;
	v10 =	vmin.f32 v45, v10  }
0x241: {  	v8 =	vmax.f32 v8, v19;
	v7 =	vmax.f32 v7, v10;
	v10 =	vmin.f32 v9, v48  }
0x242: {  	v9 =	vmax.f32 v9, v48;
	v49 =	vmax.f32 v47, v10;
	v10 =	vmin.f32 v47, v10  }
0x243: {  	v20 =	vmax.f32 v11, v10;
	v10 =	vmin.f32 v11, v10;
	v11 =	vmin.f32 v8, v18  }
0x244: {  	v8 =	vmax.f32 v8, v18;
	v7 =	vmax.f32 v7, v10;
	v10 =	vmin.f32 v9, v11  }
0x245: {  	v9 =	vmax.f32 v9, v11;
	v11 =	vmax.f32 v49, v10;
	v10 =	vmin.f32 v49, v10  }
0x246: {  	v51 =	vmin.f32 v8, v17;
	v50 =	vmax.f32 v20, v10;
	v10 =	vmin.f32 v20, v10  }
0x247: {  	v8 =	vmax.f32 v8, v17;
	v7 =	vmax.f32 v7, v10;
	v10 =	vmin.f32 v9, v51  }
0x248: {  	v53 =	vmin.f32 v8, v16;
	v52 =	vmax.f32 v11, v10;
	v10 =	vmin.f32 v11, v10  }
0x249: {  	v9 =	vmax.f32 v9, v51;
	v11 =	vmax.f32 v50, v10;
	v10 =	vmin.f32 v50, v10  }
0x24a: {  	v8 =	vmax.f32 v8, v16;
	v7 =	vmax.f32 v7, v10;
	v10 =	vmin.f32 v9, v53  }
0x24b: {  	v9 =	vmax.f32 v9, v53;
	v54 =	vmax.f32 v52, v10;
	v10 =	vmin.f32 v52, v10  }
0x24c: {  	v17 =	vmax.f32 v11, v10;
	v10 =	vmin.f32 v11, v10;
	v11 =	vmin.f32 v8, v15  }
0x24d: {  	v8 =	vmax.f32 v8, v15;
	v7 =	vmax.f32 v7, v10;
	v10 =	vmin.f32 v9, v11  }
0x24e: {  	v9 =	vmax.f32 v9, v11;
	v11 =	vmax.f32 v54, v10;
	v10 =	vmin.f32 v54, v10  }
0x24f: {  	v56 =	vmin.f32 v8, v14;
	v55 =	vmax.f32 v17, v10;
	v10 =	vmin.f32 v17, v10  }
0x250: {  	v8 =	vmax.f32 v8, v14;
	v7 =	vmax.f32 v7, v10;
	v10 =	vmin.f32 v9, v56  }
0x251: {  	v58 =	vmin.f32 v8, v13;
	v57 =	vmax.f32 v11, v10;
	v10 =	vmin.f32 v11, v10  }
0x252: {  	v9 =	vmax.f32 v9, v56;
	v11 =	vmax.f32 v55, v10;
	v10 =	vmin.f32 v55, v10  }
0x253: {  	v8 =	vmax.f32 v8, v13;
	v7 =	vmax.f32 v7, v10;
	v10 =	vmin.f32 v9, v58  }
.Ltmp12:
0x254: {  	v60 =	vmin.f32 v8, v12;
	v9 =	vmax.f32 v9, v58;
	v59 =	vmin.f32 v57, v10;
	(pc) =	sbr.rel .LBB2_14-.Ltmp12, $4  }
0x255: {  	v14 =	vmax.f32 v57, v10;
	v61 =	vmin.f32 v9, v60;
	v10 =	vmin.f32 v11, v59  }
0x256: {  	v13 =	vmax.f32 v11, v59;
	v62 =	vmin.f32 v14, v61;
	v11 =	vmax.f32 v8, v12  }
0x257: {  	v7 =	vmax.f32 v7, v10;
	v10 =	vmax.f32 v9, v60;
	v63 =	vmin.f32 v13, v62  }
0x258: {  	v9 =	vmax.f32 v14, v61;
	v8 =	vmax.f32 v13, v62;
	v7 =	vmax.f32 v7, v63  }
.LBB2_15:
0x259: {  	[tilespmem:s0+$0x80] =	vst v11  }
0x25a: {  	[tilespmem:s0+$0x100] =	vst v10  }
0x25b: {  	[tilespmem:s0+$0x180] =	vst v9  }
0x25c: {  	[tilespmem:s0+$0x200] =	vst v8  }
0x25d: {  	[tilespmem:s0+$0x280] =	vst v7  }
0x25e: {  	v7 =	vld [tilespmem:s24+$0x0];
	_ =	sdelay $0x4  }
0x25f: {  	vm0 =	vgt.s32 v7, $0x0  }
0x260: {  	v7 =	vnsel vm0, $0x0, v7  }
0x261: {  	v7 =	vmin.u32 v7, $0x1869F  }
0x262: {  	vm15 =	vge.u32 v7, v5;
	vm1 =	vlt.u32 v7, v6;
	v7 =	vsub.s32 v7, v5  }
0x263: {  	vm0 =	vmand vm15, vm1;
	v7 =	vshll.u32 v7, $0x7  }
0x264: {  	v7 =	vnsel vm0, $0x0, v7  }
0x265: {  	v7 =	vor.u32 s24, v7  }
0x266: {  	v7 =	vor.u32 v4, v7;
	_ =	sdelay $0x2  }
0x267: {  	s4 =	sor.u32 $0x1, s31  }
0x268: {  	v8 =	vld [tilespmem:s0+$0x300];
	s22 =	smul.u32 $0xC00, s4  }
0x269: {  	v7 =	vld.idx.msk [tilespmem:v7+s18+$0x0], $0xffff  }
0x26a: {  	s24 =	sshra.s32 s22, $0x2  }
.Ltmp13:
0x26b: {  	v11 =	vld [tilespmem:s24+$0x80];
	(pc) =	sbr.rel .LBB2_16-.Ltmp13, $4  }
0x26c: {  	v10 =	vld [tilespmem:s24+$0x100]  }
0x26d: {  	v9 =	vld [tilespmem:s24+$0x180]  }
0x26e: {  	v7 =	vsel vm0, v7, v8;
	v8 =	vld [tilespmem:s24+$0x200]  }
0x26f: {  	s29 =	smov.u32 s30;
	s22 =	simm.s32 $0xFFFFFFFB;
	[tilespmem:s0+$0x300] =	vst v7;
	v7 =	vld [tilespmem:s24+$0x280];
	s0 =	sshll.u32 s4, $0x4  }
.LBB2_26:
0x270: {  	s4 =	sadd.s32 $0x5, s22  }
0x271: {  	p1 =	slt.u32 s4, s22  }
.Ltmp14:
0x272: {  	_ = 	snop;
	(pc) =	sbr.rel @!p1 .LBB2_27-.Ltmp14, $2  }
0x273: {  	_ =	sdelay $0x2  }
0x274: {  	s29 =	sadd.s32 $0x3200, s29;
	s22 =	smov.u32 s4  }
.LBB2_16:
0x275: {  	v31 =	vld [tilespmem:s29+$0xFFFFE700]  }
0x276: {  	v30 =	vld [tilespmem:s29+$0xFFFFE780]  }
0x277: {  	v29 =	vld [tilespmem:s29+$0xFFFFE800]  }
0x278: {  	v28 =	vld [tilespmem:s29+$0xFFFFE880]  }
0x279: {  	v27 =	vld [tilespmem:s29+$0xFFFFE900]  }
0x27a: {  	v26 =	vld [tilespmem:s29+$0xFFFFE980]  }
0x27b: {  	v25 =	vld [tilespmem:s29+$0xFFFFEA00]  }
0x27c: {  	v24 =	vld [tilespmem:s29+$0xFFFFEA80]  }
0x27d: {  	v23 =	vld [tilespmem:s29+$0xFFFFEB00]  }
0x27e: {  	v22 =	vld [tilespmem:s29+$0xFFFFEB80]  }
0x27f: {  	v21 =	vld [tilespmem:s29+$0xFFFFEC00]  }
0x280: {  	v20 =	vld [tilespmem:s29+$0xFFFFEC80]  }
0x281: {  	v19 =	vld [tilespmem:s29+$0xFFFFED00]  }
0x282: {  	v18 =	vld [tilespmem:s29+$0xFFFFED80]  }
0x283: {  	v17 =	vld [tilespmem:s29+$0xFFFFEE00]  }
0x284: {  	v16 =	vld [tilespmem:s29+$0xFFFFEE80]  }
0x285: {  	v15 =	vld [tilespmem:s29+$0xFFFFEF00]  }
0x286: {  	v14 =	vld [tilespmem:s29+$0xFFFFEF80]  }
0x287: {  	v13 =	vld [tilespmem:s29+$0xFFFFF000]  }
0x288: {  	v12 =	vld [tilespmem:s29+$0xFFFFF080];
	v32 =	vmax.f32 v31, v30  }
0x289: {  	v33 =	vmax.f32 v29, v28;
	v34 =	vmax.f32 v27, v26;
	v35 =	vmax.f32 v25, v24  }
0x28a: {  	v36 =	vmax.f32 v23, v22;
	v37 =	vmax.f32 v21, v20;
	v38 =	vmax.f32 v19, v18  }
0x28b: {  	v39 =	vmax.f32 v17, v16;
	v40 =	vmax.f32 v15, v14;
	v32 =	vmax.f32 v32, v33  }
0x28c: {  	v58 =	vmax.f32 v34, v35;
	v59 =	vmax.f32 v36, v37;
	v60 =	vmax.f32 v38, v39  }
0x28d: {  	v61 =	vmax.f32 v13, v12;
	v32 =	vmax.f32 v32, v58;
	v62 =	vmax.f32 v59, v60  }
0x28e: {  	v63 =	vmax.f32 v40, v61;
	v32 =	vmax.f32 v32, v62  }
0x28f: {  	v32 =	vmax.f32 v32, v63  }
0x290: {  	vm0 =	vgt.f32 v32, v7  }
0x291: {  	v32 =	vmpcnt.ones.xlane vm0;
	_ =	sdelay $0x1  }
0x292: {  	(v2sf) =	vpush v32, $0x0;
	_ =	sdelay $0xe  }
0x293: {  	s4 =	spop (v2sf)  }
0x294: {  	p1 =	slt.s32 s4, $0x1  }
.Ltmp15:
0x295: {  	_ = 	snop;
	(pc) =	sbr.rel @p1 .LBB2_18-.Ltmp15, $1  }
0x296: {  	_ =	sdelay $0x3  }
0x297: {  	v32 =	vmin.f32 v11, v31  }
0x298: {  	v11 =	vmax.f32 v11, v31;
	v59 =	vmin.f32 v10, v32  }
0x299: {  	v10 =	vmax.f32 v10, v32;
	v60 =	vmax.f32 v9, v59;
	v9 =	vmin.f32 v9, v59  }
0x29a: {  	v31 =	vmax.f32 v8, v9;
	v8 =	vmin.f32 v8, v9;
	v9 =	vmin.f32 v11, v30  }
0x29b: {  	v7 =	vmax.f32 v7, v8;
	v8 =	vmax.f32 v11, v30;
	v11 =	vmin.f32 v10, v9  }
0x29c: {  	v9 =	vmax.f32 v10, v9;
	v10 =	vmax.f32 v60, v11;
	v11 =	vmin.f32 v60, v11  }
0x29d: {  	v62 =	vmin.f32 v8, v29;
	v61 =	vmax.f32 v31, v11;
	v11 =	vmin.f32 v31, v11  }
0x29e: {  	v8 =	vmax.f32 v8, v29;
	v7 =	vmax.f32 v7, v11;
	v11 =	vmin.f32 v9, v62  }
0x29f: {  	v33 =	vmin.f32 v8, v28;
	v63 =	vmax.f32 v10, v11;
	v10 =	vmin.f32 v10, v11  }
0x2a0: {  	v9 =	vmax.f32 v9, v62;
	v11 =	vmax.f32 v61, v10;
	v10 =	vmin.f32 v61, v10  }
0x2a1: {  	v8 =	vmax.f32 v8, v28;
	v7 =	vmax.f32 v7, v10;
	v10 =	vmin.f32 v9, v33  }
0x2a2: {  	v9 =	vmax.f32 v9, v33;
	v34 =	vmax.f32 v63, v10;
	v10 =	vmin.f32 v63, v10  }
0x2a3: {  	v29 =	vmax.f32 v11, v10;
	v10 =	vmin.f32 v11, v10;
	v11 =	vmin.f32 v8, v27  }
0x2a4: {  	v8 =	vmax.f32 v8, v27;
	v7 =	vmax.f32 v7, v10;
	v10 =	vmin.f32 v9, v11  }
0x2a5: {  	v9 =	vmax.f32 v9, v11;
	v11 =	vmax.f32 v34, v10;
	v10 =	vmin.f32 v34, v10  }
0x2a6: {  	v36 =	vmin.f32 v8, v26;
	v35 =	vmax.f32 v29, v10;
	v10 =	vmin.f32 v29, v10  }
0x2a7: {  	v8 =	vmax.f32 v8, v26;
	v7 =	vmax.f32 v7, v10;
	v10 =	vmin.f32 v9, v36  }
0x2a8: {  	v38 =	vmin.f32 v8, v25;
	v37 =	vmax.f32 v11, v10;
	v10 =	vmin.f32 v11, v10  }
0x2a9: {  	v9 =	vmax.f32 v9, v36;
	v11 =	vmax.f32 v35, v10;
	v10 =	vmin.f32 v35, v10  }
0x2aa: {  	v8 =	vmax.f32 v8, v25;
	v7 =	vmax.f32 v7, v10;
	v10 =	vmin.f32 v9, v38  }
0x2ab: {  	v9 =	vmax.f32 v9, v38;
	v39 =	vmax.f32 v37, v10;
	v10 =	vmin.f32 v37, v10  }
0x2ac: {  	v26 =	vmax.f32 v11, v10;
	v10 =	vmin.f32 v11, v10;
	v11 =	vmin.f32 v8, v24  }
0x2ad: {  	v8 =	vmax.f32 v8, v24;
	v7 =	vmax.f32 v7, v10;
	v10 =	vmin.f32 v9, v11  }
0x2ae: {  	v9 =	vmax.f32 v9, v11;
	v11 =	vmax.f32 v39, v10;
	v10 =	vmin.f32 v39, v10  }
0x2af: {  	v41 =	vmin.f32 v8, v23;
	v40 =	vmax.f32 v26, v10;
	v10 =	vmin.f32 v26, v10  }
0x2b0: {  	v8 =	vmax.f32 v8, v23;
	v7 =	vmax.f32 v7, v10;
	v10 =	vmin.f32 v9, v41  }
0x2b1: {  	v43 =	vmin.f32 v8, v22;
	v42 =	vmax.f32 v11, v10;
	v10 =	vmin.f32 v11, v10  }
0x2b2: {  	v9 =	vmax.f32 v9, v41;
	v11 =	vmax.f32 v40, v10;
	v10 =	vmin.f32 v40, v10  }
0x2b3: {  	v8 =	vmax.f32 v8, v22;
	v7 =	vmax.f32 v7, v10;
	v10 =	vmin.f32 v9, v43  }
0x2b4: {  	v9 =	vmax.f32 v9, v43;
	v44 =	vmax.f32 v42, v10;
	v10 =	vmin.f32 v42, v10  }
0x2b5: {  	v23 =	vmax.f32 v11, v10;
	v10 =	vmin.f32 v11, v10;
	v11 =	vmin.f32 v8, v21  }
0x2b6: {  	v8 =	vmax.f32 v8, v21;
	v7 =	vmax.f32 v7, v10;
	v10 =	vmin.f32 v9, v11  }
0x2b7: {  	v9 =	vmax.f32 v9, v11;
	v11 =	vmax.f32 v44, v10;
	v10 =	vmin.f32 v44, v10  }
0x2b8: {  	v46 =	vmin.f32 v8, v20;
	v45 =	vmax.f32 v23, v10;
	v10 =	vmin.f32 v23, v10  }
0x2b9: {  	v8 =	vmax.f32 v8, v20;
	v7 =	vmax.f32 v7, v10;
	v10 =	vmin.f32 v9, v46  }
0x2ba: {  	v48 =	vmin.f32 v8, v19;
	v47 =	vmax.f32 v11, v10;
	v10 =	vmin.f32 v11, v10  }
0x2bb: {  	v9 =	vmax.f32 v9, v46;
	v11 =	vmax.f32 v45, v10;
	v10 =	vmin.f32 v45, v10  }
0x2bc: {  	v8 =	vmax.f32 v8, v19;
	v7 =	vmax.f32 v7, v10;
	v10 =	vmin.f32 v9, v48  }
0x2bd: {  	v9 =	vmax.f32 v9, v48;
	v49 =	vmax.f32 v47, v10;
	v10 =	vmin.f32 v47, v10  }
0x2be: {  	v20 =	vmax.f32 v11, v10;
	v10 =	vmin.f32 v11, v10;
	v11 =	vmin.f32 v8, v18  }
0x2bf: {  	v8 =	vmax.f32 v8, v18;
	v7 =	vmax.f32 v7, v10;
	v10 =	vmin.f32 v9, v11  }
0x2c0: {  	v9 =	vmax.f32 v9, v11;
	v11 =	vmax.f32 v49, v10;
	v10 =	vmin.f32 v49, v10  }
0x2c1: {  	v51 =	vmin.f32 v8, v17;
	v50 =	vmax.f32 v20, v10;
	v10 =	vmin.f32 v20, v10  }
0x2c2: {  	v8 =	vmax.f32 v8, v17;
	v7 =	vmax.f32 v7, v10;
	v10 =	vmin.f32 v9, v51  }
0x2c3: {  	v53 =	vmin.f32 v8, v16;
	v52 =	vmax.f32 v11, v10;
	v10 =	vmin.f32 v11, v10  }
0x2c4: {  	v9 =	vmax.f32 v9, v51;
	v11 =	vmax.f32 v50, v10;
	v10 =	vmin.f32 v50, v10  }
0x2c5: {  	v8 =	vmax.f32 v8, v16;
	v7 =	vmax.f32 v7, v10;
	v10 =	vmin.f32 v9, v53  }
0x2c6: {  	v9 =	vmax.f32 v9, v53;
	v54 =	vmax.f32 v52, v10;
	v10 =	vmin.f32 v52, v10  }
0x2c7: {  	v17 =	vmax.f32 v11, v10;
	v10 =	vmin.f32 v11, v10;
	v11 =	vmin.f32 v8, v15  }
0x2c8: {  	v8 =	vmax.f32 v8, v15;
	v7 =	vmax.f32 v7, v10;
	v10 =	vmin.f32 v9, v11  }
0x2c9: {  	v9 =	vmax.f32 v9, v11;
	v11 =	vmax.f32 v54, v10;
	v10 =	vmin.f32 v54, v10  }
0x2ca: {  	v56 =	vmin.f32 v8, v14;
	v55 =	vmax.f32 v17, v10;
	v10 =	vmin.f32 v17, v10  }
0x2cb: {  	v8 =	vmax.f32 v8, v14;
	v7 =	vmax.f32 v7, v10;
	v10 =	vmin.f32 v9, v56  }
0x2cc: {  	v58 =	vmin.f32 v8, v13;
	v57 =	vmax.f32 v11, v10;
	v10 =	vmin.f32 v11, v10  }
0x2cd: {  	v9 =	vmax.f32 v9, v56;
	v11 =	vmax.f32 v55, v10;
	v10 =	vmin.f32 v55, v10  }
0x2ce: {  	v8 =	vmax.f32 v8, v13;
	v7 =	vmax.f32 v7, v10;
	v10 =	vmin.f32 v9, v58  }
0x2cf: {  	v60 =	vmin.f32 v8, v12;
	v9 =	vmax.f32 v9, v58;
	v59 =	vmin.f32 v57, v10  }
0x2d0: {  	v14 =	vmax.f32 v57, v10;
	v61 =	vmin.f32 v9, v60;
	v10 =	vmin.f32 v11, v59  }
0x2d1: {  	v13 =	vmax.f32 v11, v59;
	v62 =	vmin.f32 v14, v61;
	v11 =	vmax.f32 v8, v12  }
0x2d2: {  	v7 =	vmax.f32 v7, v10;
	v10 =	vmax.f32 v9, v60;
	v63 =	vmin.f32 v13, v62  }
0x2d3: {  	v9 =	vmax.f32 v14, v61;
	v8 =	vmax.f32 v13, v62;
	v7 =	vmax.f32 v7, v63  }
.LBB2_18:
0x2d4: {  	v31 =	vld [tilespmem:s29+$0xFFFFF100]  }
0x2d5: {  	v30 =	vld [tilespmem:s29+$0xFFFFF180]  }
0x2d6: {  	v29 =	vld [tilespmem:s29+$0xFFFFF200]  }
0x2d7: {  	v28 =	vld [tilespmem:s29+$0xFFFFF280]  }
0x2d8: {  	v27 =	vld [tilespmem:s29+$0xFFFFF300]  }
0x2d9: {  	v26 =	vld [tilespmem:s29+$0xFFFFF380]  }
0x2da: {  	v25 =	vld [tilespmem:s29+$0xFFFFF400]  }
0x2db: {  	v24 =	vld [tilespmem:s29+$0xFFFFF480]  }
0x2dc: {  	v23 =	vld [tilespmem:s29+$0xFFFFF500]  }
0x2dd: {  	v22 =	vld [tilespmem:s29+$0xFFFFF580]  }
0x2de: {  	v21 =	vld [tilespmem:s29+$0xFFFFF600]  }
0x2df: {  	v20 =	vld [tilespmem:s29+$0xFFFFF680]  }
0x2e0: {  	v19 =	vld [tilespmem:s29+$0xFFFFF700]  }
0x2e1: {  	v18 =	vld [tilespmem:s29+$0xFFFFF780]  }
0x2e2: {  	v17 =	vld [tilespmem:s29+$0xFFFFF800]  }
0x2e3: {  	v16 =	vld [tilespmem:s29+$0xFFFFF880]  }
0x2e4: {  	v15 =	vld [tilespmem:s29+$0xFFFFF900]  }
0x2e5: {  	v14 =	vld [tilespmem:s29+$0xFFFFF980]  }
0x2e6: {  	v13 =	vld [tilespmem:s29+$0xFFFFFA00]  }
0x2e7: {  	v12 =	vld [tilespmem:s29+$0xFFFFFA80];
	v32 =	vmax.f32 v31, v30  }
0x2e8: {  	v33 =	vmax.f32 v29, v28;
	v34 =	vmax.f32 v27, v26;
	v35 =	vmax.f32 v25, v24  }
0x2e9: {  	v36 =	vmax.f32 v23, v22;
	v37 =	vmax.f32 v21, v20;
	v38 =	vmax.f32 v19, v18  }
0x2ea: {  	v39 =	vmax.f32 v17, v16;
	v40 =	vmax.f32 v15, v14;
	v32 =	vmax.f32 v32, v33  }
0x2eb: {  	v58 =	vmax.f32 v34, v35;
	v59 =	vmax.f32 v36, v37;
	v60 =	vmax.f32 v38, v39  }
0x2ec: {  	v61 =	vmax.f32 v13, v12;
	v32 =	vmax.f32 v32, v58;
	v62 =	vmax.f32 v59, v60  }
0x2ed: {  	v63 =	vmax.f32 v40, v61;
	v32 =	vmax.f32 v32, v62  }
0x2ee: {  	v32 =	vmax.f32 v32, v63  }
0x2ef: {  	vm0 =	vgt.f32 v32, v7  }
0x2f0: {  	v32 =	vmpcnt.ones.xlane vm0;
	_ =	sdelay $0x1  }
0x2f1: {  	(v2sf) =	vpush v32, $0x0;
	_ =	sdelay $0xe  }
0x2f2: {  	s4 =	spop (v2sf)  }
0x2f3: {  	p1 =	slt.s32 s4, $0x1  }
.Ltmp16:
0x2f4: {  	_ = 	snop;
	(pc) =	sbr.rel @p1 .LBB2_20-.Ltmp16, $1  }
0x2f5: {  	_ =	sdelay $0x3  }
0x2f6: {  	v32 =	vmin.f32 v11, v31  }
0x2f7: {  	v11 =	vmax.f32 v11, v31;
	v59 =	vmin.f32 v10, v32  }
0x2f8: {  	v10 =	vmax.f32 v10, v32;
	v60 =	vmax.f32 v9, v59;
	v9 =	vmin.f32 v9, v59  }
0x2f9: {  	v31 =	vmax.f32 v8, v9;
	v8 =	vmin.f32 v8, v9;
	v9 =	vmin.f32 v11, v30  }
0x2fa: {  	v7 =	vmax.f32 v7, v8;
	v8 =	vmax.f32 v11, v30;
	v11 =	vmin.f32 v10, v9  }
0x2fb: {  	v9 =	vmax.f32 v10, v9;
	v10 =	vmax.f32 v60, v11;
	v11 =	vmin.f32 v60, v11  }
0x2fc: {  	v62 =	vmin.f32 v8, v29;
	v61 =	vmax.f32 v31, v11;
	v11 =	vmin.f32 v31, v11  }
0x2fd: {  	v8 =	vmax.f32 v8, v29;
	v7 =	vmax.f32 v7, v11;
	v11 =	vmin.f32 v9, v62  }
0x2fe: {  	v33 =	vmin.f32 v8, v28;
	v63 =	vmax.f32 v10, v11;
	v10 =	vmin.f32 v10, v11  }
0x2ff: {  	v9 =	vmax.f32 v9, v62;
	v11 =	vmax.f32 v61, v10;
	v10 =	vmin.f32 v61, v10  }
0x300: {  	v8 =	vmax.f32 v8, v28;
	v7 =	vmax.f32 v7, v10;
	v10 =	vmin.f32 v9, v33  }
0x301: {  	v9 =	vmax.f32 v9, v33;
	v34 =	vmax.f32 v63, v10;
	v10 =	vmin.f32 v63, v10  }
0x302: {  	v29 =	vmax.f32 v11, v10;
	v10 =	vmin.f32 v11, v10;
	v11 =	vmin.f32 v8, v27  }
0x303: {  	v8 =	vmax.f32 v8, v27;
	v7 =	vmax.f32 v7, v10;
	v10 =	vmin.f32 v9, v11  }
0x304: {  	v9 =	vmax.f32 v9, v11;
	v11 =	vmax.f32 v34, v10;
	v10 =	vmin.f32 v34, v10  }
0x305: {  	v36 =	vmin.f32 v8, v26;
	v35 =	vmax.f32 v29, v10;
	v10 =	vmin.f32 v29, v10  }
0x306: {  	v8 =	vmax.f32 v8, v26;
	v7 =	vmax.f32 v7, v10;
	v10 =	vmin.f32 v9, v36  }
0x307: {  	v38 =	vmin.f32 v8, v25;
	v37 =	vmax.f32 v11, v10;
	v10 =	vmin.f32 v11, v10  }
0x308: {  	v9 =	vmax.f32 v9, v36;
	v11 =	vmax.f32 v35, v10;
	v10 =	vmin.f32 v35, v10  }
0x309: {  	v8 =	vmax.f32 v8, v25;
	v7 =	vmax.f32 v7, v10;
	v10 =	vmin.f32 v9, v38  }
0x30a: {  	v9 =	vmax.f32 v9, v38;
	v39 =	vmax.f32 v37, v10;
	v10 =	vmin.f32 v37, v10  }
0x30b: {  	v26 =	vmax.f32 v11, v10;
	v10 =	vmin.f32 v11, v10;
	v11 =	vmin.f32 v8, v24  }
0x30c: {  	v8 =	vmax.f32 v8, v24;
	v7 =	vmax.f32 v7, v10;
	v10 =	vmin.f32 v9, v11  }
0x30d: {  	v9 =	vmax.f32 v9, v11;
	v11 =	vmax.f32 v39, v10;
	v10 =	vmin.f32 v39, v10  }
0x30e: {  	v41 =	vmin.f32 v8, v23;
	v40 =	vmax.f32 v26, v10;
	v10 =	vmin.f32 v26, v10  }
0x30f: {  	v8 =	vmax.f32 v8, v23;
	v7 =	vmax.f32 v7, v10;
	v10 =	vmin.f32 v9, v41  }
0x310: {  	v43 =	vmin.f32 v8, v22;
	v42 =	vmax.f32 v11, v10;
	v10 =	vmin.f32 v11, v10  }
0x311: {  	v9 =	vmax.f32 v9, v41;
	v11 =	vmax.f32 v40, v10;
	v10 =	vmin.f32 v40, v10  }
0x312: {  	v8 =	vmax.f32 v8, v22;
	v7 =	vmax.f32 v7, v10;
	v10 =	vmin.f32 v9, v43  }
0x313: {  	v9 =	vmax.f32 v9, v43;
	v44 =	vmax.f32 v42, v10;
	v10 =	vmin.f32 v42, v10  }
0x314: {  	v23 =	vmax.f32 v11, v10;
	v10 =	vmin.f32 v11, v10;
	v11 =	vmin.f32 v8, v21  }
0x315: {  	v8 =	vmax.f32 v8, v21;
	v7 =	vmax.f32 v7, v10;
	v10 =	vmin.f32 v9, v11  }
0x316: {  	v9 =	vmax.f32 v9, v11;
	v11 =	vmax.f32 v44, v10;
	v10 =	vmin.f32 v44, v10  }
0x317: {  	v46 =	vmin.f32 v8, v20;
	v45 =	vmax.f32 v23, v10;
	v10 =	vmin.f32 v23, v10  }
0x318: {  	v8 =	vmax.f32 v8, v20;
	v7 =	vmax.f32 v7, v10;
	v10 =	vmin.f32 v9, v46  }
0x319: {  	v48 =	vmin.f32 v8, v19;
	v47 =	vmax.f32 v11, v10;
	v10 =	vmin.f32 v11, v10  }
0x31a: {  	v9 =	vmax.f32 v9, v46;
	v11 =	vmax.f32 v45, v10;
	v10 =	vmin.f32 v45, v10  }
0x31b: {  	v8 =	vmax.f32 v8, v19;
	v7 =	vmax.f32 v7, v10;
	v10 =	vmin.f32 v9, v48  }
0x31c: {  	v9 =	vmax.f32 v9, v48;
	v49 =	vmax.f32 v47, v10;
	v10 =	vmin.f32 v47, v10  }
0x31d: {  	v20 =	vmax.f32 v11, v10;
	v10 =	vmin.f32 v11, v10;
	v11 =	vmin.f32 v8, v18  }
0x31e: {  	v8 =	vmax.f32 v8, v18;
	v7 =	vmax.f32 v7, v10;
	v10 =	vmin.f32 v9, v11  }
0x31f: {  	v9 =	vmax.f32 v9, v11;
	v11 =	vmax.f32 v49, v10;
	v10 =	vmin.f32 v49, v10  }
0x320: {  	v51 =	vmin.f32 v8, v17;
	v50 =	vmax.f32 v20, v10;
	v10 =	vmin.f32 v20, v10  }
0x321: {  	v8 =	vmax.f32 v8, v17;
	v7 =	vmax.f32 v7, v10;
	v10 =	vmin.f32 v9, v51  }
0x322: {  	v53 =	vmin.f32 v8, v16;
	v52 =	vmax.f32 v11, v10;
	v10 =	vmin.f32 v11, v10  }
0x323: {  	v9 =	vmax.f32 v9, v51;
	v11 =	vmax.f32 v50, v10;
	v10 =	vmin.f32 v50, v10  }
0x324: {  	v8 =	vmax.f32 v8, v16;
	v7 =	vmax.f32 v7, v10;
	v10 =	vmin.f32 v9, v53  }
0x325: {  	v9 =	vmax.f32 v9, v53;
	v54 =	vmax.f32 v52, v10;
	v10 =	vmin.f32 v52, v10  }
0x326: {  	v17 =	vmax.f32 v11, v10;
	v10 =	vmin.f32 v11, v10;
	v11 =	vmin.f32 v8, v15  }
0x327: {  	v8 =	vmax.f32 v8, v15;
	v7 =	vmax.f32 v7, v10;
	v10 =	vmin.f32 v9, v11  }
0x328: {  	v9 =	vmax.f32 v9, v11;
	v11 =	vmax.f32 v54, v10;
	v10 =	vmin.f32 v54, v10  }
0x329: {  	v56 =	vmin.f32 v8, v14;
	v55 =	vmax.f32 v17, v10;
	v10 =	vmin.f32 v17, v10  }
0x32a: {  	v8 =	vmax.f32 v8, v14;
	v7 =	vmax.f32 v7, v10;
	v10 =	vmin.f32 v9, v56  }
0x32b: {  	v58 =	vmin.f32 v8, v13;
	v57 =	vmax.f32 v11, v10;
	v10 =	vmin.f32 v11, v10  }
0x32c: {  	v9 =	vmax.f32 v9, v56;
	v11 =	vmax.f32 v55, v10;
	v10 =	vmin.f32 v55, v10  }
0x32d: {  	v8 =	vmax.f32 v8, v13;
	v7 =	vmax.f32 v7, v10;
	v10 =	vmin.f32 v9, v58  }
0x32e: {  	v60 =	vmin.f32 v8, v12;
	v9 =	vmax.f32 v9, v58;
	v59 =	vmin.f32 v57, v10  }
0x32f: {  	v14 =	vmax.f32 v57, v10;
	v61 =	vmin.f32 v9, v60;
	v10 =	vmin.f32 v11, v59  }
0x330: {  	v13 =	vmax.f32 v11, v59;
	v62 =	vmin.f32 v14, v61;
	v11 =	vmax.f32 v8, v12  }
0x331: {  	v7 =	vmax.f32 v7, v10;
	v10 =	vmax.f32 v9, v60;
	v63 =	vmin.f32 v13, v62  }
0x332: {  	v9 =	vmax.f32 v14, v61;
	v8 =	vmax.f32 v13, v62;
	v7 =	vmax.f32 v7, v63  }
.LBB2_20:
0x333: {  	v31 =	vld [tilespmem:s29+$0xFFFFFB00]  }
0x334: {  	v30 =	vld [tilespmem:s29+$0xFFFFFB80]  }
0x335: {  	v29 =	vld [tilespmem:s29+$0xFFFFFC00]  }
0x336: {  	v28 =	vld [tilespmem:s29+$0xFFFFFC80]  }
0x337: {  	v27 =	vld [tilespmem:s29+$0xFFFFFD00]  }
0x338: {  	v26 =	vld [tilespmem:s29+$0xFFFFFD80]  }
0x339: {  	v25 =	vld [tilespmem:s29+$0xFFFFFE00]  }
0x33a: {  	v24 =	vld [tilespmem:s29+$0xFFFFFE80]  }
0x33b: {  	v23 =	vld [tilespmem:s29+$0xFFFFFF00]  }
0x33c: {  	v22 =	vld [tilespmem:s29+$0xFFFFFF80]  }
0x33d: {  	v21 =	vld [tilespmem:s29+$0x0]  }
0x33e: {  	v20 =	vld [tilespmem:s29+$0x80]  }
0x33f: {  	v19 =	vld [tilespmem:s29+$0x100]  }
0x340: {  	v18 =	vld [tilespmem:s29+$0x180]  }
0x341: {  	v17 =	vld [tilespmem:s29+$0x200]  }
0x342: {  	v16 =	vld [tilespmem:s29+$0x280]  }
0x343: {  	v15 =	vld [tilespmem:s29+$0x300]  }
0x344: {  	v14 =	vld [tilespmem:s29+$0x380]  }
0x345: {  	v13 =	vld [tilespmem:s29+$0x400]  }
0x346: {  	v12 =	vld [tilespmem:s29+$0x480];
	v32 =	vmax.f32 v31, v30  }
0x347: {  	v33 =	vmax.f32 v29, v28;
	v34 =	vmax.f32 v27, v26;
	v35 =	vmax.f32 v25, v24  }
0x348: {  	v36 =	vmax.f32 v23, v22;
	v37 =	vmax.f32 v21, v20;
	v38 =	vmax.f32 v19, v18  }
0x349: {  	v39 =	vmax.f32 v17, v16;
	v40 =	vmax.f32 v15, v14;
	v32 =	vmax.f32 v32, v33  }
0x34a: {  	v58 =	vmax.f32 v34, v35;
	v59 =	vmax.f32 v36, v37;
	v60 =	vmax.f32 v38, v39  }
0x34b: {  	v61 =	vmax.f32 v13, v12;
	v32 =	vmax.f32 v32, v58;
	v62 =	vmax.f32 v59, v60  }
0x34c: {  	v63 =	vmax.f32 v40, v61;
	v32 =	vmax.f32 v32, v62  }
0x34d: {  	v32 =	vmax.f32 v32, v63  }
0x34e: {  	vm0 =	vgt.f32 v32, v7  }
0x34f: {  	v32 =	vmpcnt.ones.xlane vm0;
	_ =	sdelay $0x1  }
0x350: {  	(v2sf) =	vpush v32, $0x0;
	_ =	sdelay $0xe  }
0x351: {  	s4 =	spop (v2sf)  }
0x352: {  	p1 =	slt.s32 s4, $0x1  }
.Ltmp17:
0x353: {  	_ = 	snop;
	(pc) =	sbr.rel @p1 .LBB2_22-.Ltmp17, $1  }
0x354: {  	_ =	sdelay $0x3  }
0x355: {  	v32 =	vmin.f32 v11, v31  }
0x356: {  	v11 =	vmax.f32 v11, v31;
	v59 =	vmin.f32 v10, v32  }
0x357: {  	v10 =	vmax.f32 v10, v32;
	v60 =	vmax.f32 v9, v59;
	v9 =	vmin.f32 v9, v59  }
0x358: {  	v31 =	vmax.f32 v8, v9;
	v8 =	vmin.f32 v8, v9;
	v9 =	vmin.f32 v11, v30  }
0x359: {  	v7 =	vmax.f32 v7, v8;
	v8 =	vmax.f32 v11, v30;
	v11 =	vmin.f32 v10, v9  }
0x35a: {  	v9 =	vmax.f32 v10, v9;
	v10 =	vmax.f32 v60, v11;
	v11 =	vmin.f32 v60, v11  }
0x35b: {  	v62 =	vmin.f32 v8, v29;
	v61 =	vmax.f32 v31, v11;
	v11 =	vmin.f32 v31, v11  }
0x35c: {  	v8 =	vmax.f32 v8, v29;
	v7 =	vmax.f32 v7, v11;
	v11 =	vmin.f32 v9, v62  }
0x35d: {  	v33 =	vmin.f32 v8, v28;
	v63 =	vmax.f32 v10, v11;
	v10 =	vmin.f32 v10, v11  }
0x35e: {  	v9 =	vmax.f32 v9, v62;
	v11 =	vmax.f32 v61, v10;
	v10 =	vmin.f32 v61, v10  }
0x35f: {  	v8 =	vmax.f32 v8, v28;
	v7 =	vmax.f32 v7, v10;
	v10 =	vmin.f32 v9, v33  }
0x360: {  	v9 =	vmax.f32 v9, v33;
	v34 =	vmax.f32 v63, v10;
	v10 =	vmin.f32 v63, v10  }
0x361: {  	v29 =	vmax.f32 v11, v10;
	v10 =	vmin.f32 v11, v10;
	v11 =	vmin.f32 v8, v27  }
0x362: {  	v8 =	vmax.f32 v8, v27;
	v7 =	vmax.f32 v7, v10;
	v10 =	vmin.f32 v9, v11  }
0x363: {  	v9 =	vmax.f32 v9, v11;
	v11 =	vmax.f32 v34, v10;
	v10 =	vmin.f32 v34, v10  }
0x364: {  	v36 =	vmin.f32 v8, v26;
	v35 =	vmax.f32 v29, v10;
	v10 =	vmin.f32 v29, v10  }
0x365: {  	v8 =	vmax.f32 v8, v26;
	v7 =	vmax.f32 v7, v10;
	v10 =	vmin.f32 v9, v36  }
0x366: {  	v38 =	vmin.f32 v8, v25;
	v37 =	vmax.f32 v11, v10;
	v10 =	vmin.f32 v11, v10  }
0x367: {  	v9 =	vmax.f32 v9, v36;
	v11 =	vmax.f32 v35, v10;
	v10 =	vmin.f32 v35, v10  }
0x368: {  	v8 =	vmax.f32 v8, v25;
	v7 =	vmax.f32 v7, v10;
	v10 =	vmin.f32 v9, v38  }
0x369: {  	v9 =	vmax.f32 v9, v38;
	v39 =	vmax.f32 v37, v10;
	v10 =	vmin.f32 v37, v10  }
0x36a: {  	v26 =	vmax.f32 v11, v10;
	v10 =	vmin.f32 v11, v10;
	v11 =	vmin.f32 v8, v24  }
0x36b: {  	v8 =	vmax.f32 v8, v24;
	v7 =	vmax.f32 v7, v10;
	v10 =	vmin.f32 v9, v11  }
0x36c: {  	v9 =	vmax.f32 v9, v11;
	v11 =	vmax.f32 v39, v10;
	v10 =	vmin.f32 v39, v10  }
0x36d: {  	v41 =	vmin.f32 v8, v23;
	v40 =	vmax.f32 v26, v10;
	v10 =	vmin.f32 v26, v10  }
0x36e: {  	v8 =	vmax.f32 v8, v23;
	v7 =	vmax.f32 v7, v10;
	v10 =	vmin.f32 v9, v41  }
0x36f: {  	v43 =	vmin.f32 v8, v22;
	v42 =	vmax.f32 v11, v10;
	v10 =	vmin.f32 v11, v10  }
0x370: {  	v9 =	vmax.f32 v9, v41;
	v11 =	vmax.f32 v40, v10;
	v10 =	vmin.f32 v40, v10  }
0x371: {  	v8 =	vmax.f32 v8, v22;
	v7 =	vmax.f32 v7, v10;
	v10 =	vmin.f32 v9, v43  }
0x372: {  	v9 =	vmax.f32 v9, v43;
	v44 =	vmax.f32 v42, v10;
	v10 =	vmin.f32 v42, v10  }
0x373: {  	v23 =	vmax.f32 v11, v10;
	v10 =	vmin.f32 v11, v10;
	v11 =	vmin.f32 v8, v21  }
0x374: {  	v8 =	vmax.f32 v8, v21;
	v7 =	vmax.f32 v7, v10;
	v10 =	vmin.f32 v9, v11  }
0x375: {  	v9 =	vmax.f32 v9, v11;
	v11 =	vmax.f32 v44, v10;
	v10 =	vmin.f32 v44, v10  }
0x376: {  	v46 =	vmin.f32 v8, v20;
	v45 =	vmax.f32 v23, v10;
	v10 =	vmin.f32 v23, v10  }
0x377: {  	v8 =	vmax.f32 v8, v20;
	v7 =	vmax.f32 v7, v10;
	v10 =	vmin.f32 v9, v46  }
0x378: {  	v48 =	vmin.f32 v8, v19;
	v47 =	vmax.f32 v11, v10;
	v10 =	vmin.f32 v11, v10  }
0x379: {  	v9 =	vmax.f32 v9, v46;
	v11 =	vmax.f32 v45, v10;
	v10 =	vmin.f32 v45, v10  }
0x37a: {  	v8 =	vmax.f32 v8, v19;
	v7 =	vmax.f32 v7, v10;
	v10 =	vmin.f32 v9, v48  }
0x37b: {  	v9 =	vmax.f32 v9, v48;
	v49 =	vmax.f32 v47, v10;
	v10 =	vmin.f32 v47, v10  }
0x37c: {  	v20 =	vmax.f32 v11, v10;
	v10 =	vmin.f32 v11, v10;
	v11 =	vmin.f32 v8, v18  }
0x37d: {  	v8 =	vmax.f32 v8, v18;
	v7 =	vmax.f32 v7, v10;
	v10 =	vmin.f32 v9, v11  }
0x37e: {  	v9 =	vmax.f32 v9, v11;
	v11 =	vmax.f32 v49, v10;
	v10 =	vmin.f32 v49, v10  }
0x37f: {  	v51 =	vmin.f32 v8, v17;
	v50 =	vmax.f32 v20, v10;
	v10 =	vmin.f32 v20, v10  }
0x380: {  	v8 =	vmax.f32 v8, v17;
	v7 =	vmax.f32 v7, v10;
	v10 =	vmin.f32 v9, v51  }
0x381: {  	v53 =	vmin.f32 v8, v16;
	v52 =	vmax.f32 v11, v10;
	v10 =	vmin.f32 v11, v10  }
0x382: {  	v9 =	vmax.f32 v9, v51;
	v11 =	vmax.f32 v50, v10;
	v10 =	vmin.f32 v50, v10  }
0x383: {  	v8 =	vmax.f32 v8, v16;
	v7 =	vmax.f32 v7, v10;
	v10 =	vmin.f32 v9, v53  }
0x384: {  	v9 =	vmax.f32 v9, v53;
	v54 =	vmax.f32 v52, v10;
	v10 =	vmin.f32 v52, v10  }
0x385: {  	v17 =	vmax.f32 v11, v10;
	v10 =	vmin.f32 v11, v10;
	v11 =	vmin.f32 v8, v15  }
0x386: {  	v8 =	vmax.f32 v8, v15;
	v7 =	vmax.f32 v7, v10;
	v10 =	vmin.f32 v9, v11  }
0x387: {  	v9 =	vmax.f32 v9, v11;
	v11 =	vmax.f32 v54, v10;
	v10 =	vmin.f32 v54, v10  }
0x388: {  	v56 =	vmin.f32 v8, v14;
	v55 =	vmax.f32 v17, v10;
	v10 =	vmin.f32 v17, v10  }
0x389: {  	v8 =	vmax.f32 v8, v14;
	v7 =	vmax.f32 v7, v10;
	v10 =	vmin.f32 v9, v56  }
0x38a: {  	v58 =	vmin.f32 v8, v13;
	v57 =	vmax.f32 v11, v10;
	v10 =	vmin.f32 v11, v10  }
0x38b: {  	v9 =	vmax.f32 v9, v56;
	v11 =	vmax.f32 v55, v10;
	v10 =	vmin.f32 v55, v10  }
0x38c: {  	v8 =	vmax.f32 v8, v13;
	v7 =	vmax.f32 v7, v10;
	v10 =	vmin.f32 v9, v58  }
0x38d: {  	v60 =	vmin.f32 v8, v12;
	v9 =	vmax.f32 v9, v58;
	v59 =	vmin.f32 v57, v10  }
0x38e: {  	v14 =	vmax.f32 v57, v10;
	v61 =	vmin.f32 v9, v60;
	v10 =	vmin.f32 v11, v59  }
0x38f: {  	v13 =	vmax.f32 v11, v59;
	v62 =	vmin.f32 v14, v61;
	v11 =	vmax.f32 v8, v12  }
0x390: {  	v7 =	vmax.f32 v7, v10;
	v10 =	vmax.f32 v9, v60;
	v63 =	vmin.f32 v13, v62  }
0x391: {  	v9 =	vmax.f32 v14, v61;
	v8 =	vmax.f32 v13, v62;
	v7 =	vmax.f32 v7, v63  }
.LBB2_22:
0x392: {  	v31 =	vld [tilespmem:s29+$0x500]  }
0x393: {  	v30 =	vld [tilespmem:s29+$0x580]  }
0x394: {  	v29 =	vld [tilespmem:s29+$0x600]  }
0x395: {  	v28 =	vld [tilespmem:s29+$0x680]  }
0x396: {  	v27 =	vld [tilespmem:s29+$0x700]  }
0x397: {  	v26 =	vld [tilespmem:s29+$0x780]  }
0x398: {  	v25 =	vld [tilespmem:s29+$0x800]  }
0x399: {  	v24 =	vld [tilespmem:s29+$0x880]  }
0x39a: {  	v23 =	vld [tilespmem:s29+$0x900]  }
0x39b: {  	v22 =	vld [tilespmem:s29+$0x980]  }
0x39c: {  	v21 =	vld [tilespmem:s29+$0xA00]  }
0x39d: {  	v20 =	vld [tilespmem:s29+$0xA80]  }
0x39e: {  	v19 =	vld [tilespmem:s29+$0xB00]  }
0x39f: {  	v18 =	vld [tilespmem:s29+$0xB80]  }
0x3a0: {  	v17 =	vld [tilespmem:s29+$0xC00]  }
0x3a1: {  	v16 =	vld [tilespmem:s29+$0xC80]  }
0x3a2: {  	v15 =	vld [tilespmem:s29+$0xD00]  }
0x3a3: {  	v14 =	vld [tilespmem:s29+$0xD80]  }
0x3a4: {  	v13 =	vld [tilespmem:s29+$0xE00]  }
0x3a5: {  	v12 =	vld [tilespmem:s29+$0xE80];
	v32 =	vmax.f32 v31, v30  }
0x3a6: {  	v33 =	vmax.f32 v29, v28;
	v34 =	vmax.f32 v27, v26;
	v35 =	vmax.f32 v25, v24  }
0x3a7: {  	v36 =	vmax.f32 v23, v22;
	v37 =	vmax.f32 v21, v20;
	v38 =	vmax.f32 v19, v18  }
0x3a8: {  	v39 =	vmax.f32 v17, v16;
	v40 =	vmax.f32 v15, v14;
	v32 =	vmax.f32 v32, v33  }
0x3a9: {  	v58 =	vmax.f32 v34, v35;
	v59 =	vmax.f32 v36, v37;
	v60 =	vmax.f32 v38, v39  }
0x3aa: {  	v61 =	vmax.f32 v13, v12;
	v32 =	vmax.f32 v32, v58;
	v62 =	vmax.f32 v59, v60  }
0x3ab: {  	v63 =	vmax.f32 v40, v61;
	v32 =	vmax.f32 v32, v62  }
0x3ac: {  	v32 =	vmax.f32 v32, v63  }
0x3ad: {  	vm0 =	vgt.f32 v32, v7  }
0x3ae: {  	v32 =	vmpcnt.ones.xlane vm0;
	_ =	sdelay $0x1  }
0x3af: {  	(v2sf) =	vpush v32, $0x0;
	_ =	sdelay $0xe  }
0x3b0: {  	s4 =	spop (v2sf)  }
0x3b1: {  	p1 =	slt.s32 s4, $0x1  }
.Ltmp18:
0x3b2: {  	_ = 	snop;
	(pc) =	sbr.rel @p1 .LBB2_24-.Ltmp18, $1  }
0x3b3: {  	_ =	sdelay $0x3  }
0x3b4: {  	v32 =	vmin.f32 v11, v31  }
0x3b5: {  	v11 =	vmax.f32 v11, v31;
	v59 =	vmin.f32 v10, v32  }
0x3b6: {  	v10 =	vmax.f32 v10, v32;
	v60 =	vmax.f32 v9, v59;
	v9 =	vmin.f32 v9, v59  }
0x3b7: {  	v31 =	vmax.f32 v8, v9;
	v8 =	vmin.f32 v8, v9;
	v9 =	vmin.f32 v11, v30  }
0x3b8: {  	v7 =	vmax.f32 v7, v8;
	v8 =	vmax.f32 v11, v30;
	v11 =	vmin.f32 v10, v9  }
0x3b9: {  	v9 =	vmax.f32 v10, v9;
	v10 =	vmax.f32 v60, v11;
	v11 =	vmin.f32 v60, v11  }
0x3ba: {  	v62 =	vmin.f32 v8, v29;
	v61 =	vmax.f32 v31, v11;
	v11 =	vmin.f32 v31, v11  }
0x3bb: {  	v8 =	vmax.f32 v8, v29;
	v7 =	vmax.f32 v7, v11;
	v11 =	vmin.f32 v9, v62  }
0x3bc: {  	v33 =	vmin.f32 v8, v28;
	v63 =	vmax.f32 v10, v11;
	v10 =	vmin.f32 v10, v11  }
0x3bd: {  	v9 =	vmax.f32 v9, v62;
	v11 =	vmax.f32 v61, v10;
	v10 =	vmin.f32 v61, v10  }
0x3be: {  	v8 =	vmax.f32 v8, v28;
	v7 =	vmax.f32 v7, v10;
	v10 =	vmin.f32 v9, v33  }
0x3bf: {  	v9 =	vmax.f32 v9, v33;
	v34 =	vmax.f32 v63, v10;
	v10 =	vmin.f32 v63, v10  }
0x3c0: {  	v29 =	vmax.f32 v11, v10;
	v10 =	vmin.f32 v11, v10;
	v11 =	vmin.f32 v8, v27  }
0x3c1: {  	v8 =	vmax.f32 v8, v27;
	v7 =	vmax.f32 v7, v10;
	v10 =	vmin.f32 v9, v11  }
0x3c2: {  	v9 =	vmax.f32 v9, v11;
	v11 =	vmax.f32 v34, v10;
	v10 =	vmin.f32 v34, v10  }
0x3c3: {  	v36 =	vmin.f32 v8, v26;
	v35 =	vmax.f32 v29, v10;
	v10 =	vmin.f32 v29, v10  }
0x3c4: {  	v8 =	vmax.f32 v8, v26;
	v7 =	vmax.f32 v7, v10;
	v10 =	vmin.f32 v9, v36  }
0x3c5: {  	v38 =	vmin.f32 v8, v25;
	v37 =	vmax.f32 v11, v10;
	v10 =	vmin.f32 v11, v10  }
0x3c6: {  	v9 =	vmax.f32 v9, v36;
	v11 =	vmax.f32 v35, v10;
	v10 =	vmin.f32 v35, v10  }
0x3c7: {  	v8 =	vmax.f32 v8, v25;
	v7 =	vmax.f32 v7, v10;
	v10 =	vmin.f32 v9, v38  }
0x3c8: {  	v9 =	vmax.f32 v9, v38;
	v39 =	vmax.f32 v37, v10;
	v10 =	vmin.f32 v37, v10  }
0x3c9: {  	v26 =	vmax.f32 v11, v10;
	v10 =	vmin.f32 v11, v10;
	v11 =	vmin.f32 v8, v24  }
0x3ca: {  	v8 =	vmax.f32 v8, v24;
	v7 =	vmax.f32 v7, v10;
	v10 =	vmin.f32 v9, v11  }
0x3cb: {  	v9 =	vmax.f32 v9, v11;
	v11 =	vmax.f32 v39, v10;
	v10 =	vmin.f32 v39, v10  }
0x3cc: {  	v41 =	vmin.f32 v8, v23;
	v40 =	vmax.f32 v26, v10;
	v10 =	vmin.f32 v26, v10  }
0x3cd: {  	v8 =	vmax.f32 v8, v23;
	v7 =	vmax.f32 v7, v10;
	v10 =	vmin.f32 v9, v41  }
0x3ce: {  	v43 =	vmin.f32 v8, v22;
	v42 =	vmax.f32 v11, v10;
	v10 =	vmin.f32 v11, v10  }
0x3cf: {  	v9 =	vmax.f32 v9, v41;
	v11 =	vmax.f32 v40, v10;
	v10 =	vmin.f32 v40, v10  }
0x3d0: {  	v8 =	vmax.f32 v8, v22;
	v7 =	vmax.f32 v7, v10;
	v10 =	vmin.f32 v9, v43  }
0x3d1: {  	v9 =	vmax.f32 v9, v43;
	v44 =	vmax.f32 v42, v10;
	v10 =	vmin.f32 v42, v10  }
0x3d2: {  	v23 =	vmax.f32 v11, v10;
	v10 =	vmin.f32 v11, v10;
	v11 =	vmin.f32 v8, v21  }
0x3d3: {  	v8 =	vmax.f32 v8, v21;
	v7 =	vmax.f32 v7, v10;
	v10 =	vmin.f32 v9, v11  }
0x3d4: {  	v9 =	vmax.f32 v9, v11;
	v11 =	vmax.f32 v44, v10;
	v10 =	vmin.f32 v44, v10  }
0x3d5: {  	v46 =	vmin.f32 v8, v20;
	v45 =	vmax.f32 v23, v10;
	v10 =	vmin.f32 v23, v10  }
0x3d6: {  	v8 =	vmax.f32 v8, v20;
	v7 =	vmax.f32 v7, v10;
	v10 =	vmin.f32 v9, v46  }
0x3d7: {  	v48 =	vmin.f32 v8, v19;
	v47 =	vmax.f32 v11, v10;
	v10 =	vmin.f32 v11, v10  }
0x3d8: {  	v9 =	vmax.f32 v9, v46;
	v11 =	vmax.f32 v45, v10;
	v10 =	vmin.f32 v45, v10  }
0x3d9: {  	v8 =	vmax.f32 v8, v19;
	v7 =	vmax.f32 v7, v10;
	v10 =	vmin.f32 v9, v48  }
0x3da: {  	v9 =	vmax.f32 v9, v48;
	v49 =	vmax.f32 v47, v10;
	v10 =	vmin.f32 v47, v10  }
0x3db: {  	v20 =	vmax.f32 v11, v10;
	v10 =	vmin.f32 v11, v10;
	v11 =	vmin.f32 v8, v18  }
0x3dc: {  	v8 =	vmax.f32 v8, v18;
	v7 =	vmax.f32 v7, v10;
	v10 =	vmin.f32 v9, v11  }
0x3dd: {  	v9 =	vmax.f32 v9, v11;
	v11 =	vmax.f32 v49, v10;
	v10 =	vmin.f32 v49, v10  }
0x3de: {  	v51 =	vmin.f32 v8, v17;
	v50 =	vmax.f32 v20, v10;
	v10 =	vmin.f32 v20, v10  }
0x3df: {  	v8 =	vmax.f32 v8, v17;
	v7 =	vmax.f32 v7, v10;
	v10 =	vmin.f32 v9, v51  }
0x3e0: {  	v53 =	vmin.f32 v8, v16;
	v52 =	vmax.f32 v11, v10;
	v10 =	vmin.f32 v11, v10  }
0x3e1: {  	v9 =	vmax.f32 v9, v51;
	v11 =	vmax.f32 v50, v10;
	v10 =	vmin.f32 v50, v10  }
0x3e2: {  	v8 =	vmax.f32 v8, v16;
	v7 =	vmax.f32 v7, v10;
	v10 =	vmin.f32 v9, v53  }
0x3e3: {  	v9 =	vmax.f32 v9, v53;
	v54 =	vmax.f32 v52, v10;
	v10 =	vmin.f32 v52, v10  }
0x3e4: {  	v17 =	vmax.f32 v11, v10;
	v10 =	vmin.f32 v11, v10;
	v11 =	vmin.f32 v8, v15  }
0x3e5: {  	v8 =	vmax.f32 v8, v15;
	v7 =	vmax.f32 v7, v10;
	v10 =	vmin.f32 v9, v11  }
0x3e6: {  	v9 =	vmax.f32 v9, v11;
	v11 =	vmax.f32 v54, v10;
	v10 =	vmin.f32 v54, v10  }
0x3e7: {  	v56 =	vmin.f32 v8, v14;
	v55 =	vmax.f32 v17, v10;
	v10 =	vmin.f32 v17, v10  }
0x3e8: {  	v8 =	vmax.f32 v8, v14;
	v7 =	vmax.f32 v7, v10;
	v10 =	vmin.f32 v9, v56  }
0x3e9: {  	v58 =	vmin.f32 v8, v13;
	v57 =	vmax.f32 v11, v10;
	v10 =	vmin.f32 v11, v10  }
0x3ea: {  	v9 =	vmax.f32 v9, v56;
	v11 =	vmax.f32 v55, v10;
	v10 =	vmin.f32 v55, v10  }
0x3eb: {  	v8 =	vmax.f32 v8, v13;
	v7 =	vmax.f32 v7, v10;
	v10 =	vmin.f32 v9, v58  }
0x3ec: {  	v60 =	vmin.f32 v8, v12;
	v9 =	vmax.f32 v9, v58;
	v59 =	vmin.f32 v57, v10  }
0x3ed: {  	v14 =	vmax.f32 v57, v10;
	v61 =	vmin.f32 v9, v60;
	v10 =	vmin.f32 v11, v59  }
0x3ee: {  	v13 =	vmax.f32 v11, v59;
	v62 =	vmin.f32 v14, v61;
	v11 =	vmax.f32 v8, v12  }
0x3ef: {  	v7 =	vmax.f32 v7, v10;
	v10 =	vmax.f32 v9, v60;
	v63 =	vmin.f32 v13, v62  }
0x3f0: {  	v9 =	vmax.f32 v14, v61;
	v8 =	vmax.f32 v13, v62;
	v7 =	vmax.f32 v7, v63  }
.LBB2_24:
0x3f1: {  	v31 =	vld [tilespmem:s29+$0xF00]  }
0x3f2: {  	v30 =	vld [tilespmem:s29+$0xF80]  }
0x3f3: {  	v29 =	vld [tilespmem:s29+$0x1000]  }
0x3f4: {  	v28 =	vld [tilespmem:s29+$0x1080]  }
0x3f5: {  	v27 =	vld [tilespmem:s29+$0x1100]  }
0x3f6: {  	v26 =	vld [tilespmem:s29+$0x1180]  }
0x3f7: {  	v25 =	vld [tilespmem:s29+$0x1200]  }
0x3f8: {  	v24 =	vld [tilespmem:s29+$0x1280]  }
0x3f9: {  	v23 =	vld [tilespmem:s29+$0x1300]  }
0x3fa: {  	v22 =	vld [tilespmem:s29+$0x1380]  }
0x3fb: {  	v21 =	vld [tilespmem:s29+$0x1400]  }
0x3fc: {  	v20 =	vld [tilespmem:s29+$0x1480]  }
0x3fd: {  	v19 =	vld [tilespmem:s29+$0x1500]  }
0x3fe: {  	v18 =	vld [tilespmem:s29+$0x1580]  }
0x3ff: {  	v17 =	vld [tilespmem:s29+$0x1600]  }
0x400: {  	v16 =	vld [tilespmem:s29+$0x1680]  }
0x401: {  	v15 =	vld [tilespmem:s29+$0x1700]  }
0x402: {  	v14 =	vld [tilespmem:s29+$0x1780]  }
0x403: {  	v13 =	vld [tilespmem:s29+$0x1800]  }
0x404: {  	v12 =	vld [tilespmem:s29+$0x1880];
	v32 =	vmax.f32 v31, v30  }
0x405: {  	v33 =	vmax.f32 v29, v28;
	v34 =	vmax.f32 v27, v26;
	v35 =	vmax.f32 v25, v24  }
0x406: {  	v36 =	vmax.f32 v23, v22;
	v37 =	vmax.f32 v21, v20;
	v38 =	vmax.f32 v19, v18  }
0x407: {  	v39 =	vmax.f32 v17, v16;
	v40 =	vmax.f32 v15, v14;
	v32 =	vmax.f32 v32, v33  }
0x408: {  	v58 =	vmax.f32 v34, v35;
	v59 =	vmax.f32 v36, v37;
	v60 =	vmax.f32 v38, v39  }
0x409: {  	v61 =	vmax.f32 v13, v12;
	v32 =	vmax.f32 v32, v58;
	v62 =	vmax.f32 v59, v60  }
0x40a: {  	v63 =	vmax.f32 v40, v61;
	v32 =	vmax.f32 v32, v62  }
0x40b: {  	v32 =	vmax.f32 v32, v63  }
0x40c: {  	vm0 =	vgt.f32 v32, v7  }
0x40d: {  	v32 =	vmpcnt.ones.xlane vm0;
	_ =	sdelay $0x1  }
0x40e: {  	(v2sf) =	vpush v32, $0x0;
	_ =	sdelay $0xe  }
0x40f: {  	s4 =	spop (v2sf)  }
0x410: {  	p1 =	slt.s32 s4, $0x1  }
.Ltmp19:
0x411: {  	_ = 	snop;
	(pc) =	sbr.rel @p1 .LBB2_26-.Ltmp19, $1  }
0x412: {  	_ =	sdelay $0x3  }
0x413: {  	v32 =	vmin.f32 v11, v31  }
0x414: {  	v11 =	vmax.f32 v11, v31;
	v59 =	vmin.f32 v10, v32  }
0x415: {  	v10 =	vmax.f32 v10, v32;
	v60 =	vmax.f32 v9, v59;
	v9 =	vmin.f32 v9, v59  }
0x416: {  	v31 =	vmax.f32 v8, v9;
	v8 =	vmin.f32 v8, v9;
	v9 =	vmin.f32 v11, v30  }
0x417: {  	v7 =	vmax.f32 v7, v8;
	v8 =	vmax.f32 v11, v30;
	v11 =	vmin.f32 v10, v9  }
0x418: {  	v9 =	vmax.f32 v10, v9;
	v10 =	vmax.f32 v60, v11;
	v11 =	vmin.f32 v60, v11  }
0x419: {  	v62 =	vmin.f32 v8, v29;
	v61 =	vmax.f32 v31, v11;
	v11 =	vmin.f32 v31, v11  }
0x41a: {  	v8 =	vmax.f32 v8, v29;
	v7 =	vmax.f32 v7, v11;
	v11 =	vmin.f32 v9, v62  }
0x41b: {  	v33 =	vmin.f32 v8, v28;
	v63 =	vmax.f32 v10, v11;
	v10 =	vmin.f32 v10, v11  }
0x41c: {  	v9 =	vmax.f32 v9, v62;
	v11 =	vmax.f32 v61, v10;
	v10 =	vmin.f32 v61, v10  }
0x41d: {  	v8 =	vmax.f32 v8, v28;
	v7 =	vmax.f32 v7, v10;
	v10 =	vmin.f32 v9, v33  }
0x41e: {  	v9 =	vmax.f32 v9, v33;
	v34 =	vmax.f32 v63, v10;
	v10 =	vmin.f32 v63, v10  }
0x41f: {  	v29 =	vmax.f32 v11, v10;
	v10 =	vmin.f32 v11, v10;
	v11 =	vmin.f32 v8, v27  }
0x420: {  	v8 =	vmax.f32 v8, v27;
	v7 =	vmax.f32 v7, v10;
	v10 =	vmin.f32 v9, v11  }
0x421: {  	v9 =	vmax.f32 v9, v11;
	v11 =	vmax.f32 v34, v10;
	v10 =	vmin.f32 v34, v10  }
0x422: {  	v36 =	vmin.f32 v8, v26;
	v35 =	vmax.f32 v29, v10;
	v10 =	vmin.f32 v29, v10  }
0x423: {  	v8 =	vmax.f32 v8, v26;
	v7 =	vmax.f32 v7, v10;
	v10 =	vmin.f32 v9, v36  }
0x424: {  	v38 =	vmin.f32 v8, v25;
	v37 =	vmax.f32 v11, v10;
	v10 =	vmin.f32 v11, v10  }
0x425: {  	v9 =	vmax.f32 v9, v36;
	v11 =	vmax.f32 v35, v10;
	v10 =	vmin.f32 v35, v10  }
0x426: {  	v8 =	vmax.f32 v8, v25;
	v7 =	vmax.f32 v7, v10;
	v10 =	vmin.f32 v9, v38  }
0x427: {  	v9 =	vmax.f32 v9, v38;
	v39 =	vmax.f32 v37, v10;
	v10 =	vmin.f32 v37, v10  }
0x428: {  	v26 =	vmax.f32 v11, v10;
	v10 =	vmin.f32 v11, v10;
	v11 =	vmin.f32 v8, v24  }
0x429: {  	v8 =	vmax.f32 v8, v24;
	v7 =	vmax.f32 v7, v10;
	v10 =	vmin.f32 v9, v11  }
0x42a: {  	v9 =	vmax.f32 v9, v11;
	v11 =	vmax.f32 v39, v10;
	v10 =	vmin.f32 v39, v10  }
0x42b: {  	v41 =	vmin.f32 v8, v23;
	v40 =	vmax.f32 v26, v10;
	v10 =	vmin.f32 v26, v10  }
0x42c: {  	v8 =	vmax.f32 v8, v23;
	v7 =	vmax.f32 v7, v10;
	v10 =	vmin.f32 v9, v41  }
0x42d: {  	v43 =	vmin.f32 v8, v22;
	v42 =	vmax.f32 v11, v10;
	v10 =	vmin.f32 v11, v10  }
0x42e: {  	v9 =	vmax.f32 v9, v41;
	v11 =	vmax.f32 v40, v10;
	v10 =	vmin.f32 v40, v10  }
0x42f: {  	v8 =	vmax.f32 v8, v22;
	v7 =	vmax.f32 v7, v10;
	v10 =	vmin.f32 v9, v43  }
0x430: {  	v9 =	vmax.f32 v9, v43;
	v44 =	vmax.f32 v42, v10;
	v10 =	vmin.f32 v42, v10  }
0x431: {  	v23 =	vmax.f32 v11, v10;
	v10 =	vmin.f32 v11, v10;
	v11 =	vmin.f32 v8, v21  }
0x432: {  	v8 =	vmax.f32 v8, v21;
	v7 =	vmax.f32 v7, v10;
	v10 =	vmin.f32 v9, v11  }
0x433: {  	v9 =	vmax.f32 v9, v11;
	v11 =	vmax.f32 v44, v10;
	v10 =	vmin.f32 v44, v10  }
0x434: {  	v46 =	vmin.f32 v8, v20;
	v45 =	vmax.f32 v23, v10;
	v10 =	vmin.f32 v23, v10  }
0x435: {  	v8 =	vmax.f32 v8, v20;
	v7 =	vmax.f32 v7, v10;
	v10 =	vmin.f32 v9, v46  }
0x436: {  	v48 =	vmin.f32 v8, v19;
	v47 =	vmax.f32 v11, v10;
	v10 =	vmin.f32 v11, v10  }
0x437: {  	v9 =	vmax.f32 v9, v46;
	v11 =	vmax.f32 v45, v10;
	v10 =	vmin.f32 v45, v10  }
0x438: {  	v8 =	vmax.f32 v8, v19;
	v7 =	vmax.f32 v7, v10;
	v10 =	vmin.f32 v9, v48  }
0x439: {  	v9 =	vmax.f32 v9, v48;
	v49 =	vmax.f32 v47, v10;
	v10 =	vmin.f32 v47, v10  }
0x43a: {  	v20 =	vmax.f32 v11, v10;
	v10 =	vmin.f32 v11, v10;
	v11 =	vmin.f32 v8, v18  }
0x43b: {  	v8 =	vmax.f32 v8, v18;
	v7 =	vmax.f32 v7, v10;
	v10 =	vmin.f32 v9, v11  }
0x43c: {  	v9 =	vmax.f32 v9, v11;
	v11 =	vmax.f32 v49, v10;
	v10 =	vmin.f32 v49, v10  }
0x43d: {  	v51 =	vmin.f32 v8, v17;
	v50 =	vmax.f32 v20, v10;
	v10 =	vmin.f32 v20, v10  }
0x43e: {  	v8 =	vmax.f32 v8, v17;
	v7 =	vmax.f32 v7, v10;
	v10 =	vmin.f32 v9, v51  }
0x43f: {  	v53 =	vmin.f32 v8, v16;
	v52 =	vmax.f32 v11, v10;
	v10 =	vmin.f32 v11, v10  }
0x440: {  	v9 =	vmax.f32 v9, v51;
	v11 =	vmax.f32 v50, v10;
	v10 =	vmin.f32 v50, v10  }
0x441: {  	v8 =	vmax.f32 v8, v16;
	v7 =	vmax.f32 v7, v10;
	v10 =	vmin.f32 v9, v53  }
0x442: {  	v9 =	vmax.f32 v9, v53;
	v54 =	vmax.f32 v52, v10;
	v10 =	vmin.f32 v52, v10  }
0x443: {  	v17 =	vmax.f32 v11, v10;
	v10 =	vmin.f32 v11, v10;
	v11 =	vmin.f32 v8, v15  }
0x444: {  	v8 =	vmax.f32 v8, v15;
	v7 =	vmax.f32 v7, v10;
	v10 =	vmin.f32 v9, v11  }
0x445: {  	v9 =	vmax.f32 v9, v11;
	v11 =	vmax.f32 v54, v10;
	v10 =	vmin.f32 v54, v10  }
0x446: {  	v56 =	vmin.f32 v8, v14;
	v55 =	vmax.f32 v17, v10;
	v10 =	vmin.f32 v17, v10  }
0x447: {  	v8 =	vmax.f32 v8, v14;
	v7 =	vmax.f32 v7, v10;
	v10 =	vmin.f32 v9, v56  }
0x448: {  	v58 =	vmin.f32 v8, v13;
	v57 =	vmax.f32 v11, v10;
	v10 =	vmin.f32 v11, v10  }
0x449: {  	v9 =	vmax.f32 v9, v56;
	v11 =	vmax.f32 v55, v10;
	v10 =	vmin.f32 v55, v10  }
0x44a: {  	v8 =	vmax.f32 v8, v13;
	v7 =	vmax.f32 v7, v10;
	v10 =	vmin.f32 v9, v58  }
.Ltmp20:
0x44b: {  	v60 =	vmin.f32 v8, v12;
	v9 =	vmax.f32 v9, v58;
	v59 =	vmin.f32 v57, v10;
	(pc) =	sbr.rel .LBB2_26-.Ltmp20, $4  }
0x44c: {  	v14 =	vmax.f32 v57, v10;
	v61 =	vmin.f32 v9, v60;
	v10 =	vmin.f32 v11, v59  }
0x44d: {  	v13 =	vmax.f32 v11, v59;
	v62 =	vmin.f32 v14, v61;
	v11 =	vmax.f32 v8, v12  }
0x44e: {  	v7 =	vmax.f32 v7, v10;
	v10 =	vmax.f32 v9, v60;
	v63 =	vmin.f32 v13, v62  }
0x44f: {  	v9 =	vmax.f32 v14, v61;
	v8 =	vmax.f32 v13, v62;
	v7 =	vmax.f32 v7, v63  }
.LBB2_28:
0x450: {  	s0 =	sadd.s32 s28, s9  }
0x451: {  	s0 =	sshll.u32 s0, $0x7  }
0x452: {  	s0 =	sand.u32 $0x1FFFFF80, s0  }
.Ltmp21:
0x453: {  	s0 =	sadd.s32 s1, s0;
	(pc) =	sbr.rel .LBB2_29-.Ltmp21, $4  }
0x454: {  	[tilespmem:s18], [sflag:$0x1] =	stream.strided.gather [hbm4b:s0+s16], $0x6400, s17, s16, $0x38;
	[tilespmem:$0xFF80] =	vst v63  }
0x455: {  	s24 =	sadd.s32 s28, s10;
	_ =	swait.ge [sflag:s21], $0x6400  }
0x456: {  	s31 =	simm.s32 $0x0;
	s4 =	sadd.s32 $0xC8, s24;
	[sflag:s21] =	ssyncset.done $0x0  }
0x457: {  	s29 =	simm.s32 $0xB180;
	s30 =	simm.s32 $0xB190;
	v5 =	vmov s24;
	v6 =	vmov s4;
	[sflag:s21] =	ssyncadd.s32 $0xFFFF9C00  }
.LBB2_53:
0x458: {  	[tilespmem:s24+$0x80] =	vst v11  }
0x459: {  	[tilespmem:s24+$0x100] =	vst v10  }
0x45a: {  	[tilespmem:s24+$0x180] =	vst v9  }
0x45b: {  	[tilespmem:s24+$0x200] =	vst v8  }
0x45c: {  	[tilespmem:s24+$0x280] =	vst v7  }
0x45d: {  	v7 =	vld [tilespmem:s0+$0x0];
	_ =	sdelay $0x4  }
0x45e: {  	vm0 =	vgt.s32 v7, $0x0  }
0x45f: {  	v7 =	vnsel vm0, $0x0, v7  }
0x460: {  	v7 =	vmin.u32 v7, $0x1869F  }
0x461: {  	vm15 =	vge.u32 v7, v5;
	vm1 =	vlt.u32 v7, v6;
	v7 =	vsub.s32 v7, v5  }
0x462: {  	vm0 =	vmand vm15, vm1;
	v7 =	vshll.u32 v7, $0x7  }
0x463: {  	v7 =	vnsel vm0, $0x0, v7  }
0x464: {  	v7 =	vor.u32 s0, v7  }
0x465: {  	v7 =	vor.u32 v4, v7;
	_ =	sdelay $0x3  }
0x466: {  	v8 =	vld [tilespmem:s24+$0x300]  }
0x467: {  	v7 =	vld.idx.msk [tilespmem:v7+s19+$0x0], $0xffff  }
0x468: {  	p1 =	slt.u32 s31, $0x6  }
.Ltmp22:
0x469: {  	_ = 	snop;
	(pc) =	sbr.rel @!p1 .LBB2_54-.Ltmp22, $3  }
0x46a: {  	_ =	sdelay $0x1  }
0x46b: {  	s22 =	sadd.s32 $0x2, s31;
	v7 =	vsel vm0, v7, v8  }
0x46c: {  	s29 =	sadd.s32 $0x20, s29;
	s30 =	sadd.s32 $0x20, s30;
	s31 =	smov.u32 s22;
	[tilespmem:s24+$0x300] =	vst v7  }
.LBB2_29:
0x46d: {  	s0 =	smul.u32 $0xC00, s31;
	_ =	sdelay $0x1  }
0x46e: {  	s0 =	sshra.s32 s0, $0x2  }
.Ltmp23:
0x46f: {  	v11 =	vld [tilespmem:s0+$0x80];
	(pc) =	sbr.rel .LBB2_30-.Ltmp23, $4  }
0x470: {  	v10 =	vld [tilespmem:s0+$0x100]  }
0x471: {  	v9 =	vld [tilespmem:s0+$0x180]  }
0x472: {  	v8 =	vld [tilespmem:s0+$0x200]  }
0x473: {  	s24 =	sshll.u32 s31, $0x4;
	s22 =	simm.s32 $0xFFFFFFFB;
	s13 =	smov.u32 s29;
	v7 =	vld [tilespmem:s0+$0x280]  }
.LBB2_40:
0x474: {  	s4 =	sadd.s32 $0x5, s22  }
0x475: {  	p1 =	slt.u32 s4, s22  }
.Ltmp24:
0x476: {  	_ = 	snop;
	(pc) =	sbr.rel @!p1 .LBB2_41-.Ltmp24, $2  }
0x477: {  	_ =	sdelay $0x2  }
0x478: {  	s13 =	sadd.s32 $0x3200, s13;
	s22 =	smov.u32 s4  }
.LBB2_30:
0x479: {  	v31 =	vld [tilespmem:s13+$0xFFFFE700]  }
0x47a: {  	v30 =	vld [tilespmem:s13+$0xFFFFE780]  }
0x47b: {  	v29 =	vld [tilespmem:s13+$0xFFFFE800]  }
0x47c: {  	v28 =	vld [tilespmem:s13+$0xFFFFE880]  }
0x47d: {  	v27 =	vld [tilespmem:s13+$0xFFFFE900]  }
0x47e: {  	v26 =	vld [tilespmem:s13+$0xFFFFE980]  }
0x47f: {  	v25 =	vld [tilespmem:s13+$0xFFFFEA00]  }
0x480: {  	v24 =	vld [tilespmem:s13+$0xFFFFEA80]  }
0x481: {  	v23 =	vld [tilespmem:s13+$0xFFFFEB00]  }
0x482: {  	v22 =	vld [tilespmem:s13+$0xFFFFEB80]  }
0x483: {  	v21 =	vld [tilespmem:s13+$0xFFFFEC00]  }
0x484: {  	v20 =	vld [tilespmem:s13+$0xFFFFEC80]  }
0x485: {  	v19 =	vld [tilespmem:s13+$0xFFFFED00]  }
0x486: {  	v18 =	vld [tilespmem:s13+$0xFFFFED80]  }
0x487: {  	v17 =	vld [tilespmem:s13+$0xFFFFEE00]  }
0x488: {  	v16 =	vld [tilespmem:s13+$0xFFFFEE80]  }
0x489: {  	v15 =	vld [tilespmem:s13+$0xFFFFEF00]  }
0x48a: {  	v14 =	vld [tilespmem:s13+$0xFFFFEF80]  }
0x48b: {  	v13 =	vld [tilespmem:s13+$0xFFFFF000]  }
0x48c: {  	v12 =	vld [tilespmem:s13+$0xFFFFF080];
	v32 =	vmax.f32 v31, v30  }
0x48d: {  	v33 =	vmax.f32 v29, v28;
	v34 =	vmax.f32 v27, v26;
	v35 =	vmax.f32 v25, v24  }
0x48e: {  	v36 =	vmax.f32 v23, v22;
	v37 =	vmax.f32 v21, v20;
	v38 =	vmax.f32 v19, v18  }
0x48f: {  	v39 =	vmax.f32 v17, v16;
	v40 =	vmax.f32 v15, v14;
	v32 =	vmax.f32 v32, v33  }
0x490: {  	v58 =	vmax.f32 v34, v35;
	v59 =	vmax.f32 v36, v37;
	v60 =	vmax.f32 v38, v39  }
0x491: {  	v61 =	vmax.f32 v13, v12;
	v32 =	vmax.f32 v32, v58;
	v62 =	vmax.f32 v59, v60  }
0x492: {  	v63 =	vmax.f32 v40, v61;
	v32 =	vmax.f32 v32, v62  }
0x493: {  	v32 =	vmax.f32 v32, v63  }
0x494: {  	vm0 =	vgt.f32 v32, v7  }
0x495: {  	v32 =	vmpcnt.ones.xlane vm0;
	_ =	sdelay $0x1  }
0x496: {  	(v2sf) =	vpush v32, $0x0;
	_ =	sdelay $0xe  }
0x497: {  	s4 =	spop (v2sf)  }
0x498: {  	p1 =	slt.s32 s4, $0x1  }
.Ltmp25:
0x499: {  	_ = 	snop;
	(pc) =	sbr.rel @p1 .LBB2_32-.Ltmp25, $1  }
0x49a: {  	_ =	sdelay $0x3  }
0x49b: {  	v32 =	vmin.f32 v11, v31  }
0x49c: {  	v11 =	vmax.f32 v11, v31;
	v59 =	vmin.f32 v10, v32  }
0x49d: {  	v10 =	vmax.f32 v10, v32;
	v60 =	vmax.f32 v9, v59;
	v9 =	vmin.f32 v9, v59  }
0x49e: {  	v31 =	vmax.f32 v8, v9;
	v8 =	vmin.f32 v8, v9;
	v9 =	vmin.f32 v11, v30  }
0x49f: {  	v7 =	vmax.f32 v7, v8;
	v8 =	vmax.f32 v11, v30;
	v11 =	vmin.f32 v10, v9  }
0x4a0: {  	v9 =	vmax.f32 v10, v9;
	v10 =	vmax.f32 v60, v11;
	v11 =	vmin.f32 v60, v11  }
0x4a1: {  	v62 =	vmin.f32 v8, v29;
	v61 =	vmax.f32 v31, v11;
	v11 =	vmin.f32 v31, v11  }
0x4a2: {  	v8 =	vmax.f32 v8, v29;
	v7 =	vmax.f32 v7, v11;
	v11 =	vmin.f32 v9, v62  }
0x4a3: {  	v33 =	vmin.f32 v8, v28;
	v63 =	vmax.f32 v10, v11;
	v10 =	vmin.f32 v10, v11  }
0x4a4: {  	v9 =	vmax.f32 v9, v62;
	v11 =	vmax.f32 v61, v10;
	v10 =	vmin.f32 v61, v10  }
0x4a5: {  	v8 =	vmax.f32 v8, v28;
	v7 =	vmax.f32 v7, v10;
	v10 =	vmin.f32 v9, v33  }
0x4a6: {  	v9 =	vmax.f32 v9, v33;
	v34 =	vmax.f32 v63, v10;
	v10 =	vmin.f32 v63, v10  }
0x4a7: {  	v29 =	vmax.f32 v11, v10;
	v10 =	vmin.f32 v11, v10;
	v11 =	vmin.f32 v8, v27  }
0x4a8: {  	v8 =	vmax.f32 v8, v27;
	v7 =	vmax.f32 v7, v10;
	v10 =	vmin.f32 v9, v11  }
0x4a9: {  	v9 =	vmax.f32 v9, v11;
	v11 =	vmax.f32 v34, v10;
	v10 =	vmin.f32 v34, v10  }
0x4aa: {  	v36 =	vmin.f32 v8, v26;
	v35 =	vmax.f32 v29, v10;
	v10 =	vmin.f32 v29, v10  }
0x4ab: {  	v8 =	vmax.f32 v8, v26;
	v7 =	vmax.f32 v7, v10;
	v10 =	vmin.f32 v9, v36  }
0x4ac: {  	v38 =	vmin.f32 v8, v25;
	v37 =	vmax.f32 v11, v10;
	v10 =	vmin.f32 v11, v10  }
0x4ad: {  	v9 =	vmax.f32 v9, v36;
	v11 =	vmax.f32 v35, v10;
	v10 =	vmin.f32 v35, v10  }
0x4ae: {  	v8 =	vmax.f32 v8, v25;
	v7 =	vmax.f32 v7, v10;
	v10 =	vmin.f32 v9, v38  }
0x4af: {  	v9 =	vmax.f32 v9, v38;
	v39 =	vmax.f32 v37, v10;
	v10 =	vmin.f32 v37, v10  }
0x4b0: {  	v26 =	vmax.f32 v11, v10;
	v10 =	vmin.f32 v11, v10;
	v11 =	vmin.f32 v8, v24  }
0x4b1: {  	v8 =	vmax.f32 v8, v24;
	v7 =	vmax.f32 v7, v10;
	v10 =	vmin.f32 v9, v11  }
0x4b2: {  	v9 =	vmax.f32 v9, v11;
	v11 =	vmax.f32 v39, v10;
	v10 =	vmin.f32 v39, v10  }
0x4b3: {  	v41 =	vmin.f32 v8, v23;
	v40 =	vmax.f32 v26, v10;
	v10 =	vmin.f32 v26, v10  }
0x4b4: {  	v8 =	vmax.f32 v8, v23;
	v7 =	vmax.f32 v7, v10;
	v10 =	vmin.f32 v9, v41  }
0x4b5: {  	v43 =	vmin.f32 v8, v22;
	v42 =	vmax.f32 v11, v10;
	v10 =	vmin.f32 v11, v10  }
0x4b6: {  	v9 =	vmax.f32 v9, v41;
	v11 =	vmax.f32 v40, v10;
	v10 =	vmin.f32 v40, v10  }
0x4b7: {  	v8 =	vmax.f32 v8, v22;
	v7 =	vmax.f32 v7, v10;
	v10 =	vmin.f32 v9, v43  }
0x4b8: {  	v9 =	vmax.f32 v9, v43;
	v44 =	vmax.f32 v42, v10;
	v10 =	vmin.f32 v42, v10  }
0x4b9: {  	v23 =	vmax.f32 v11, v10;
	v10 =	vmin.f32 v11, v10;
	v11 =	vmin.f32 v8, v21  }
0x4ba: {  	v8 =	vmax.f32 v8, v21;
	v7 =	vmax.f32 v7, v10;
	v10 =	vmin.f32 v9, v11  }
0x4bb: {  	v9 =	vmax.f32 v9, v11;
	v11 =	vmax.f32 v44, v10;
	v10 =	vmin.f32 v44, v10  }
0x4bc: {  	v46 =	vmin.f32 v8, v20;
	v45 =	vmax.f32 v23, v10;
	v10 =	vmin.f32 v23, v10  }
0x4bd: {  	v8 =	vmax.f32 v8, v20;
	v7 =	vmax.f32 v7, v10;
	v10 =	vmin.f32 v9, v46  }
0x4be: {  	v48 =	vmin.f32 v8, v19;
	v47 =	vmax.f32 v11, v10;
	v10 =	vmin.f32 v11, v10  }
0x4bf: {  	v9 =	vmax.f32 v9, v46;
	v11 =	vmax.f32 v45, v10;
	v10 =	vmin.f32 v45, v10  }
0x4c0: {  	v8 =	vmax.f32 v8, v19;
	v7 =	vmax.f32 v7, v10;
	v10 =	vmin.f32 v9, v48  }
0x4c1: {  	v9 =	vmax.f32 v9, v48;
	v49 =	vmax.f32 v47, v10;
	v10 =	vmin.f32 v47, v10  }
0x4c2: {  	v20 =	vmax.f32 v11, v10;
	v10 =	vmin.f32 v11, v10;
	v11 =	vmin.f32 v8, v18  }
0x4c3: {  	v8 =	vmax.f32 v8, v18;
	v7 =	vmax.f32 v7, v10;
	v10 =	vmin.f32 v9, v11  }
0x4c4: {  	v9 =	vmax.f32 v9, v11;
	v11 =	vmax.f32 v49, v10;
	v10 =	vmin.f32 v49, v10  }
0x4c5: {  	v51 =	vmin.f32 v8, v17;
	v50 =	vmax.f32 v20, v10;
	v10 =	vmin.f32 v20, v10  }
0x4c6: {  	v8 =	vmax.f32 v8, v17;
	v7 =	vmax.f32 v7, v10;
	v10 =	vmin.f32 v9, v51  }
0x4c7: {  	v53 =	vmin.f32 v8, v16;
	v52 =	vmax.f32 v11, v10;
	v10 =	vmin.f32 v11, v10  }
0x4c8: {  	v9 =	vmax.f32 v9, v51;
	v11 =	vmax.f32 v50, v10;
	v10 =	vmin.f32 v50, v10  }
0x4c9: {  	v8 =	vmax.f32 v8, v16;
	v7 =	vmax.f32 v7, v10;
	v10 =	vmin.f32 v9, v53  }
0x4ca: {  	v9 =	vmax.f32 v9, v53;
	v54 =	vmax.f32 v52, v10;
	v10 =	vmin.f32 v52, v10  }
0x4cb: {  	v17 =	vmax.f32 v11, v10;
	v10 =	vmin.f32 v11, v10;
	v11 =	vmin.f32 v8, v15  }
0x4cc: {  	v8 =	vmax.f32 v8, v15;
	v7 =	vmax.f32 v7, v10;
	v10 =	vmin.f32 v9, v11  }
0x4cd: {  	v9 =	vmax.f32 v9, v11;
	v11 =	vmax.f32 v54, v10;
	v10 =	vmin.f32 v54, v10  }
0x4ce: {  	v56 =	vmin.f32 v8, v14;
	v55 =	vmax.f32 v17, v10;
	v10 =	vmin.f32 v17, v10  }
0x4cf: {  	v8 =	vmax.f32 v8, v14;
	v7 =	vmax.f32 v7, v10;
	v10 =	vmin.f32 v9, v56  }
0x4d0: {  	v58 =	vmin.f32 v8, v13;
	v57 =	vmax.f32 v11, v10;
	v10 =	vmin.f32 v11, v10  }
0x4d1: {  	v9 =	vmax.f32 v9, v56;
	v11 =	vmax.f32 v55, v10;
	v10 =	vmin.f32 v55, v10  }
0x4d2: {  	v8 =	vmax.f32 v8, v13;
	v7 =	vmax.f32 v7, v10;
	v10 =	vmin.f32 v9, v58  }
0x4d3: {  	v60 =	vmin.f32 v8, v12;
	v9 =	vmax.f32 v9, v58;
	v59 =	vmin.f32 v57, v10  }
0x4d4: {  	v14 =	vmax.f32 v57, v10;
	v61 =	vmin.f32 v9, v60;
	v10 =	vmin.f32 v11, v59  }
0x4d5: {  	v13 =	vmax.f32 v11, v59;
	v62 =	vmin.f32 v14, v61;
	v11 =	vmax.f32 v8, v12  }
0x4d6: {  	v7 =	vmax.f32 v7, v10;
	v10 =	vmax.f32 v9, v60;
	v63 =	vmin.f32 v13, v62  }
0x4d7: {  	v9 =	vmax.f32 v14, v61;
	v8 =	vmax.f32 v13, v62;
	v7 =	vmax.f32 v7, v63  }
.LBB2_32:
0x4d8: {  	v31 =	vld [tilespmem:s13+$0xFFFFF100]  }
0x4d9: {  	v30 =	vld [tilespmem:s13+$0xFFFFF180]  }
0x4da: {  	v29 =	vld [tilespmem:s13+$0xFFFFF200]  }
0x4db: {  	v28 =	vld [tilespmem:s13+$0xFFFFF280]  }
0x4dc: {  	v27 =	vld [tilespmem:s13+$0xFFFFF300]  }
0x4dd: {  	v26 =	vld [tilespmem:s13+$0xFFFFF380]  }
0x4de: {  	v25 =	vld [tilespmem:s13+$0xFFFFF400]  }
0x4df: {  	v24 =	vld [tilespmem:s13+$0xFFFFF480]  }
0x4e0: {  	v23 =	vld [tilespmem:s13+$0xFFFFF500]  }
0x4e1: {  	v22 =	vld [tilespmem:s13+$0xFFFFF580]  }
0x4e2: {  	v21 =	vld [tilespmem:s13+$0xFFFFF600]  }
0x4e3: {  	v20 =	vld [tilespmem:s13+$0xFFFFF680]  }
0x4e4: {  	v19 =	vld [tilespmem:s13+$0xFFFFF700]  }
0x4e5: {  	v18 =	vld [tilespmem:s13+$0xFFFFF780]  }
0x4e6: {  	v17 =	vld [tilespmem:s13+$0xFFFFF800]  }
0x4e7: {  	v16 =	vld [tilespmem:s13+$0xFFFFF880]  }
0x4e8: {  	v15 =	vld [tilespmem:s13+$0xFFFFF900]  }
0x4e9: {  	v14 =	vld [tilespmem:s13+$0xFFFFF980]  }
0x4ea: {  	v13 =	vld [tilespmem:s13+$0xFFFFFA00]  }
0x4eb: {  	v12 =	vld [tilespmem:s13+$0xFFFFFA80];
	v32 =	vmax.f32 v31, v30  }
0x4ec: {  	v33 =	vmax.f32 v29, v28;
	v34 =	vmax.f32 v27, v26;
	v35 =	vmax.f32 v25, v24  }
0x4ed: {  	v36 =	vmax.f32 v23, v22;
	v37 =	vmax.f32 v21, v20;
	v38 =	vmax.f32 v19, v18  }
0x4ee: {  	v39 =	vmax.f32 v17, v16;
	v40 =	vmax.f32 v15, v14;
	v32 =	vmax.f32 v32, v33  }
0x4ef: {  	v58 =	vmax.f32 v34, v35;
	v59 =	vmax.f32 v36, v37;
	v60 =	vmax.f32 v38, v39  }
0x4f0: {  	v61 =	vmax.f32 v13, v12;
	v32 =	vmax.f32 v32, v58;
	v62 =	vmax.f32 v59, v60  }
0x4f1: {  	v63 =	vmax.f32 v40, v61;
	v32 =	vmax.f32 v32, v62  }
0x4f2: {  	v32 =	vmax.f32 v32, v63  }
0x4f3: {  	vm0 =	vgt.f32 v32, v7  }
0x4f4: {  	v32 =	vmpcnt.ones.xlane vm0;
	_ =	sdelay $0x1  }
0x4f5: {  	(v2sf) =	vpush v32, $0x0;
	_ =	sdelay $0xe  }
0x4f6: {  	s4 =	spop (v2sf)  }
0x4f7: {  	p1 =	slt.s32 s4, $0x1  }
.Ltmp26:
0x4f8: {  	_ = 	snop;
	(pc) =	sbr.rel @p1 .LBB2_34-.Ltmp26, $1  }
0x4f9: {  	_ =	sdelay $0x3  }
0x4fa: {  	v32 =	vmin.f32 v11, v31  }
0x4fb: {  	v11 =	vmax.f32 v11, v31;
	v59 =	vmin.f32 v10, v32  }
0x4fc: {  	v10 =	vmax.f32 v10, v32;
	v60 =	vmax.f32 v9, v59;
	v9 =	vmin.f32 v9, v59  }
0x4fd: {  	v31 =	vmax.f32 v8, v9;
	v8 =	vmin.f32 v8, v9;
	v9 =	vmin.f32 v11, v30  }
0x4fe: {  	v7 =	vmax.f32 v7, v8;
	v8 =	vmax.f32 v11, v30;
	v11 =	vmin.f32 v10, v9  }
0x4ff: {  	v9 =	vmax.f32 v10, v9;
	v10 =	vmax.f32 v60, v11;
	v11 =	vmin.f32 v60, v11  }
0x500: {  	v62 =	vmin.f32 v8, v29;
	v61 =	vmax.f32 v31, v11;
	v11 =	vmin.f32 v31, v11  }
0x501: {  	v8 =	vmax.f32 v8, v29;
	v7 =	vmax.f32 v7, v11;
	v11 =	vmin.f32 v9, v62  }
0x502: {  	v33 =	vmin.f32 v8, v28;
	v63 =	vmax.f32 v10, v11;
	v10 =	vmin.f32 v10, v11  }
0x503: {  	v9 =	vmax.f32 v9, v62;
	v11 =	vmax.f32 v61, v10;
	v10 =	vmin.f32 v61, v10  }
0x504: {  	v8 =	vmax.f32 v8, v28;
	v7 =	vmax.f32 v7, v10;
	v10 =	vmin.f32 v9, v33  }
0x505: {  	v9 =	vmax.f32 v9, v33;
	v34 =	vmax.f32 v63, v10;
	v10 =	vmin.f32 v63, v10  }
0x506: {  	v29 =	vmax.f32 v11, v10;
	v10 =	vmin.f32 v11, v10;
	v11 =	vmin.f32 v8, v27  }
0x507: {  	v8 =	vmax.f32 v8, v27;
	v7 =	vmax.f32 v7, v10;
	v10 =	vmin.f32 v9, v11  }
0x508: {  	v9 =	vmax.f32 v9, v11;
	v11 =	vmax.f32 v34, v10;
	v10 =	vmin.f32 v34, v10  }
0x509: {  	v36 =	vmin.f32 v8, v26;
	v35 =	vmax.f32 v29, v10;
	v10 =	vmin.f32 v29, v10  }
0x50a: {  	v8 =	vmax.f32 v8, v26;
	v7 =	vmax.f32 v7, v10;
	v10 =	vmin.f32 v9, v36  }
0x50b: {  	v38 =	vmin.f32 v8, v25;
	v37 =	vmax.f32 v11, v10;
	v10 =	vmin.f32 v11, v10  }
0x50c: {  	v9 =	vmax.f32 v9, v36;
	v11 =	vmax.f32 v35, v10;
	v10 =	vmin.f32 v35, v10  }
0x50d: {  	v8 =	vmax.f32 v8, v25;
	v7 =	vmax.f32 v7, v10;
	v10 =	vmin.f32 v9, v38  }
0x50e: {  	v9 =	vmax.f32 v9, v38;
	v39 =	vmax.f32 v37, v10;
	v10 =	vmin.f32 v37, v10  }
0x50f: {  	v26 =	vmax.f32 v11, v10;
	v10 =	vmin.f32 v11, v10;
	v11 =	vmin.f32 v8, v24  }
0x510: {  	v8 =	vmax.f32 v8, v24;
	v7 =	vmax.f32 v7, v10;
	v10 =	vmin.f32 v9, v11  }
0x511: {  	v9 =	vmax.f32 v9, v11;
	v11 =	vmax.f32 v39, v10;
	v10 =	vmin.f32 v39, v10  }
0x512: {  	v41 =	vmin.f32 v8, v23;
	v40 =	vmax.f32 v26, v10;
	v10 =	vmin.f32 v26, v10  }
0x513: {  	v8 =	vmax.f32 v8, v23;
	v7 =	vmax.f32 v7, v10;
	v10 =	vmin.f32 v9, v41  }
0x514: {  	v43 =	vmin.f32 v8, v22;
	v42 =	vmax.f32 v11, v10;
	v10 =	vmin.f32 v11, v10  }
0x515: {  	v9 =	vmax.f32 v9, v41;
	v11 =	vmax.f32 v40, v10;
	v10 =	vmin.f32 v40, v10  }
0x516: {  	v8 =	vmax.f32 v8, v22;
	v7 =	vmax.f32 v7, v10;
	v10 =	vmin.f32 v9, v43  }
0x517: {  	v9 =	vmax.f32 v9, v43;
	v44 =	vmax.f32 v42, v10;
	v10 =	vmin.f32 v42, v10  }
0x518: {  	v23 =	vmax.f32 v11, v10;
	v10 =	vmin.f32 v11, v10;
	v11 =	vmin.f32 v8, v21  }
0x519: {  	v8 =	vmax.f32 v8, v21;
	v7 =	vmax.f32 v7, v10;
	v10 =	vmin.f32 v9, v11  }
0x51a: {  	v9 =	vmax.f32 v9, v11;
	v11 =	vmax.f32 v44, v10;
	v10 =	vmin.f32 v44, v10  }
0x51b: {  	v46 =	vmin.f32 v8, v20;
	v45 =	vmax.f32 v23, v10;
	v10 =	vmin.f32 v23, v10  }
0x51c: {  	v8 =	vmax.f32 v8, v20;
	v7 =	vmax.f32 v7, v10;
	v10 =	vmin.f32 v9, v46  }
0x51d: {  	v48 =	vmin.f32 v8, v19;
	v47 =	vmax.f32 v11, v10;
	v10 =	vmin.f32 v11, v10  }
0x51e: {  	v9 =	vmax.f32 v9, v46;
	v11 =	vmax.f32 v45, v10;
	v10 =	vmin.f32 v45, v10  }
0x51f: {  	v8 =	vmax.f32 v8, v19;
	v7 =	vmax.f32 v7, v10;
	v10 =	vmin.f32 v9, v48  }
0x520: {  	v9 =	vmax.f32 v9, v48;
	v49 =	vmax.f32 v47, v10;
	v10 =	vmin.f32 v47, v10  }
0x521: {  	v20 =	vmax.f32 v11, v10;
	v10 =	vmin.f32 v11, v10;
	v11 =	vmin.f32 v8, v18  }
0x522: {  	v8 =	vmax.f32 v8, v18;
	v7 =	vmax.f32 v7, v10;
	v10 =	vmin.f32 v9, v11  }
0x523: {  	v9 =	vmax.f32 v9, v11;
	v11 =	vmax.f32 v49, v10;
	v10 =	vmin.f32 v49, v10  }
0x524: {  	v51 =	vmin.f32 v8, v17;
	v50 =	vmax.f32 v20, v10;
	v10 =	vmin.f32 v20, v10  }
0x525: {  	v8 =	vmax.f32 v8, v17;
	v7 =	vmax.f32 v7, v10;
	v10 =	vmin.f32 v9, v51  }
0x526: {  	v53 =	vmin.f32 v8, v16;
	v52 =	vmax.f32 v11, v10;
	v10 =	vmin.f32 v11, v10  }
0x527: {  	v9 =	vmax.f32 v9, v51;
	v11 =	vmax.f32 v50, v10;
	v10 =	vmin.f32 v50, v10  }
0x528: {  	v8 =	vmax.f32 v8, v16;
	v7 =	vmax.f32 v7, v10;
	v10 =	vmin.f32 v9, v53  }
0x529: {  	v9 =	vmax.f32 v9, v53;
	v54 =	vmax.f32 v52, v10;
	v10 =	vmin.f32 v52, v10  }
0x52a: {  	v17 =	vmax.f32 v11, v10;
	v10 =	vmin.f32 v11, v10;
	v11 =	vmin.f32 v8, v15  }
0x52b: {  	v8 =	vmax.f32 v8, v15;
	v7 =	vmax.f32 v7, v10;
	v10 =	vmin.f32 v9, v11  }
0x52c: {  	v9 =	vmax.f32 v9, v11;
	v11 =	vmax.f32 v54, v10;
	v10 =	vmin.f32 v54, v10  }
0x52d: {  	v56 =	vmin.f32 v8, v14;
	v55 =	vmax.f32 v17, v10;
	v10 =	vmin.f32 v17, v10  }
0x52e: {  	v8 =	vmax.f32 v8, v14;
	v7 =	vmax.f32 v7, v10;
	v10 =	vmin.f32 v9, v56  }
0x52f: {  	v58 =	vmin.f32 v8, v13;
	v57 =	vmax.f32 v11, v10;
	v10 =	vmin.f32 v11, v10  }
0x530: {  	v9 =	vmax.f32 v9, v56;
	v11 =	vmax.f32 v55, v10;
	v10 =	vmin.f32 v55, v10  }
0x531: {  	v8 =	vmax.f32 v8, v13;
	v7 =	vmax.f32 v7, v10;
	v10 =	vmin.f32 v9, v58  }
0x532: {  	v60 =	vmin.f32 v8, v12;
	v9 =	vmax.f32 v9, v58;
	v59 =	vmin.f32 v57, v10  }
0x533: {  	v14 =	vmax.f32 v57, v10;
	v61 =	vmin.f32 v9, v60;
	v10 =	vmin.f32 v11, v59  }
0x534: {  	v13 =	vmax.f32 v11, v59;
	v62 =	vmin.f32 v14, v61;
	v11 =	vmax.f32 v8, v12  }
0x535: {  	v7 =	vmax.f32 v7, v10;
	v10 =	vmax.f32 v9, v60;
	v63 =	vmin.f32 v13, v62  }
0x536: {  	v9 =	vmax.f32 v14, v61;
	v8 =	vmax.f32 v13, v62;
	v7 =	vmax.f32 v7, v63  }
.LBB2_34:
0x537: {  	v31 =	vld [tilespmem:s13+$0xFFFFFB00]  }
0x538: {  	v30 =	vld [tilespmem:s13+$0xFFFFFB80]  }
0x539: {  	v29 =	vld [tilespmem:s13+$0xFFFFFC00]  }
0x53a: {  	v28 =	vld [tilespmem:s13+$0xFFFFFC80]  }
0x53b: {  	v27 =	vld [tilespmem:s13+$0xFFFFFD00]  }
0x53c: {  	v26 =	vld [tilespmem:s13+$0xFFFFFD80]  }
0x53d: {  	v25 =	vld [tilespmem:s13+$0xFFFFFE00]  }
0x53e: {  	v24 =	vld [tilespmem:s13+$0xFFFFFE80]  }
0x53f: {  	v23 =	vld [tilespmem:s13+$0xFFFFFF00]  }
0x540: {  	v22 =	vld [tilespmem:s13+$0xFFFFFF80]  }
0x541: {  	v21 =	vld [tilespmem:s13+$0x0]  }
0x542: {  	v20 =	vld [tilespmem:s13+$0x80]  }
0x543: {  	v19 =	vld [tilespmem:s13+$0x100]  }
0x544: {  	v18 =	vld [tilespmem:s13+$0x180]  }
0x545: {  	v17 =	vld [tilespmem:s13+$0x200]  }
0x546: {  	v16 =	vld [tilespmem:s13+$0x280]  }
0x547: {  	v15 =	vld [tilespmem:s13+$0x300]  }
0x548: {  	v14 =	vld [tilespmem:s13+$0x380]  }
0x549: {  	v13 =	vld [tilespmem:s13+$0x400]  }
0x54a: {  	v12 =	vld [tilespmem:s13+$0x480];
	v32 =	vmax.f32 v31, v30  }
0x54b: {  	v33 =	vmax.f32 v29, v28;
	v34 =	vmax.f32 v27, v26;
	v35 =	vmax.f32 v25, v24  }
0x54c: {  	v36 =	vmax.f32 v23, v22;
	v37 =	vmax.f32 v21, v20;
	v38 =	vmax.f32 v19, v18  }
0x54d: {  	v39 =	vmax.f32 v17, v16;
	v40 =	vmax.f32 v15, v14;
	v32 =	vmax.f32 v32, v33  }
0x54e: {  	v58 =	vmax.f32 v34, v35;
	v59 =	vmax.f32 v36, v37;
	v60 =	vmax.f32 v38, v39  }
0x54f: {  	v61 =	vmax.f32 v13, v12;
	v32 =	vmax.f32 v32, v58;
	v62 =	vmax.f32 v59, v60  }
0x550: {  	v63 =	vmax.f32 v40, v61;
	v32 =	vmax.f32 v32, v62  }
0x551: {  	v32 =	vmax.f32 v32, v63  }
0x552: {  	vm0 =	vgt.f32 v32, v7  }
0x553: {  	v32 =	vmpcnt.ones.xlane vm0;
	_ =	sdelay $0x1  }
0x554: {  	(v2sf) =	vpush v32, $0x0;
	_ =	sdelay $0xe  }
0x555: {  	s4 =	spop (v2sf)  }
0x556: {  	p1 =	slt.s32 s4, $0x1  }
.Ltmp27:
0x557: {  	_ = 	snop;
	(pc) =	sbr.rel @p1 .LBB2_36-.Ltmp27, $1  }
0x558: {  	_ =	sdelay $0x3  }
0x559: {  	v32 =	vmin.f32 v11, v31  }
0x55a: {  	v11 =	vmax.f32 v11, v31;
	v59 =	vmin.f32 v10, v32  }
0x55b: {  	v10 =	vmax.f32 v10, v32;
	v60 =	vmax.f32 v9, v59;
	v9 =	vmin.f32 v9, v59  }
0x55c: {  	v31 =	vmax.f32 v8, v9;
	v8 =	vmin.f32 v8, v9;
	v9 =	vmin.f32 v11, v30  }
0x55d: {  	v7 =	vmax.f32 v7, v8;
	v8 =	vmax.f32 v11, v30;
	v11 =	vmin.f32 v10, v9  }
0x55e: {  	v9 =	vmax.f32 v10, v9;
	v10 =	vmax.f32 v60, v11;
	v11 =	vmin.f32 v60, v11  }
0x55f: {  	v62 =	vmin.f32 v8, v29;
	v61 =	vmax.f32 v31, v11;
	v11 =	vmin.f32 v31, v11  }
0x560: {  	v8 =	vmax.f32 v8, v29;
	v7 =	vmax.f32 v7, v11;
	v11 =	vmin.f32 v9, v62  }
0x561: {  	v33 =	vmin.f32 v8, v28;
	v63 =	vmax.f32 v10, v11;
	v10 =	vmin.f32 v10, v11  }
0x562: {  	v9 =	vmax.f32 v9, v62;
	v11 =	vmax.f32 v61, v10;
	v10 =	vmin.f32 v61, v10  }
0x563: {  	v8 =	vmax.f32 v8, v28;
	v7 =	vmax.f32 v7, v10;
	v10 =	vmin.f32 v9, v33  }
0x564: {  	v9 =	vmax.f32 v9, v33;
	v34 =	vmax.f32 v63, v10;
	v10 =	vmin.f32 v63, v10  }
0x565: {  	v29 =	vmax.f32 v11, v10;
	v10 =	vmin.f32 v11, v10;
	v11 =	vmin.f32 v8, v27  }
0x566: {  	v8 =	vmax.f32 v8, v27;
	v7 =	vmax.f32 v7, v10;
	v10 =	vmin.f32 v9, v11  }
0x567: {  	v9 =	vmax.f32 v9, v11;
	v11 =	vmax.f32 v34, v10;
	v10 =	vmin.f32 v34, v10  }
0x568: {  	v36 =	vmin.f32 v8, v26;
	v35 =	vmax.f32 v29, v10;
	v10 =	vmin.f32 v29, v10  }
0x569: {  	v8 =	vmax.f32 v8, v26;
	v7 =	vmax.f32 v7, v10;
	v10 =	vmin.f32 v9, v36  }
0x56a: {  	v38 =	vmin.f32 v8, v25;
	v37 =	vmax.f32 v11, v10;
	v10 =	vmin.f32 v11, v10  }
0x56b: {  	v9 =	vmax.f32 v9, v36;
	v11 =	vmax.f32 v35, v10;
	v10 =	vmin.f32 v35, v10  }
0x56c: {  	v8 =	vmax.f32 v8, v25;
	v7 =	vmax.f32 v7, v10;
	v10 =	vmin.f32 v9, v38  }
0x56d: {  	v9 =	vmax.f32 v9, v38;
	v39 =	vmax.f32 v37, v10;
	v10 =	vmin.f32 v37, v10  }
0x56e: {  	v26 =	vmax.f32 v11, v10;
	v10 =	vmin.f32 v11, v10;
	v11 =	vmin.f32 v8, v24  }
0x56f: {  	v8 =	vmax.f32 v8, v24;
	v7 =	vmax.f32 v7, v10;
	v10 =	vmin.f32 v9, v11  }
0x570: {  	v9 =	vmax.f32 v9, v11;
	v11 =	vmax.f32 v39, v10;
	v10 =	vmin.f32 v39, v10  }
0x571: {  	v41 =	vmin.f32 v8, v23;
	v40 =	vmax.f32 v26, v10;
	v10 =	vmin.f32 v26, v10  }
0x572: {  	v8 =	vmax.f32 v8, v23;
	v7 =	vmax.f32 v7, v10;
	v10 =	vmin.f32 v9, v41  }
0x573: {  	v43 =	vmin.f32 v8, v22;
	v42 =	vmax.f32 v11, v10;
	v10 =	vmin.f32 v11, v10  }
0x574: {  	v9 =	vmax.f32 v9, v41;
	v11 =	vmax.f32 v40, v10;
	v10 =	vmin.f32 v40, v10  }
0x575: {  	v8 =	vmax.f32 v8, v22;
	v7 =	vmax.f32 v7, v10;
	v10 =	vmin.f32 v9, v43  }
0x576: {  	v9 =	vmax.f32 v9, v43;
	v44 =	vmax.f32 v42, v10;
	v10 =	vmin.f32 v42, v10  }
0x577: {  	v23 =	vmax.f32 v11, v10;
	v10 =	vmin.f32 v11, v10;
	v11 =	vmin.f32 v8, v21  }
0x578: {  	v8 =	vmax.f32 v8, v21;
	v7 =	vmax.f32 v7, v10;
	v10 =	vmin.f32 v9, v11  }
0x579: {  	v9 =	vmax.f32 v9, v11;
	v11 =	vmax.f32 v44, v10;
	v10 =	vmin.f32 v44, v10  }
0x57a: {  	v46 =	vmin.f32 v8, v20;
	v45 =	vmax.f32 v23, v10;
	v10 =	vmin.f32 v23, v10  }
0x57b: {  	v8 =	vmax.f32 v8, v20;
	v7 =	vmax.f32 v7, v10;
	v10 =	vmin.f32 v9, v46  }
0x57c: {  	v48 =	vmin.f32 v8, v19;
	v47 =	vmax.f32 v11, v10;
	v10 =	vmin.f32 v11, v10  }
0x57d: {  	v9 =	vmax.f32 v9, v46;
	v11 =	vmax.f32 v45, v10;
	v10 =	vmin.f32 v45, v10  }
0x57e: {  	v8 =	vmax.f32 v8, v19;
	v7 =	vmax.f32 v7, v10;
	v10 =	vmin.f32 v9, v48  }
0x57f: {  	v9 =	vmax.f32 v9, v48;
	v49 =	vmax.f32 v47, v10;
	v10 =	vmin.f32 v47, v10  }
0x580: {  	v20 =	vmax.f32 v11, v10;
	v10 =	vmin.f32 v11, v10;
	v11 =	vmin.f32 v8, v18  }
0x581: {  	v8 =	vmax.f32 v8, v18;
	v7 =	vmax.f32 v7, v10;
	v10 =	vmin.f32 v9, v11  }
0x582: {  	v9 =	vmax.f32 v9, v11;
	v11 =	vmax.f32 v49, v10;
	v10 =	vmin.f32 v49, v10  }
0x583: {  	v51 =	vmin.f32 v8, v17;
	v50 =	vmax.f32 v20, v10;
	v10 =	vmin.f32 v20, v10  }
0x584: {  	v8 =	vmax.f32 v8, v17;
	v7 =	vmax.f32 v7, v10;
	v10 =	vmin.f32 v9, v51  }
0x585: {  	v53 =	vmin.f32 v8, v16;
	v52 =	vmax.f32 v11, v10;
	v10 =	vmin.f32 v11, v10  }
0x586: {  	v9 =	vmax.f32 v9, v51;
	v11 =	vmax.f32 v50, v10;
	v10 =	vmin.f32 v50, v10  }
0x587: {  	v8 =	vmax.f32 v8, v16;
	v7 =	vmax.f32 v7, v10;
	v10 =	vmin.f32 v9, v53  }
0x588: {  	v9 =	vmax.f32 v9, v53;
	v54 =	vmax.f32 v52, v10;
	v10 =	vmin.f32 v52, v10  }
0x589: {  	v17 =	vmax.f32 v11, v10;
	v10 =	vmin.f32 v11, v10;
	v11 =	vmin.f32 v8, v15  }
0x58a: {  	v8 =	vmax.f32 v8, v15;
	v7 =	vmax.f32 v7, v10;
	v10 =	vmin.f32 v9, v11  }
0x58b: {  	v9 =	vmax.f32 v9, v11;
	v11 =	vmax.f32 v54, v10;
	v10 =	vmin.f32 v54, v10  }
0x58c: {  	v56 =	vmin.f32 v8, v14;
	v55 =	vmax.f32 v17, v10;
	v10 =	vmin.f32 v17, v10  }
0x58d: {  	v8 =	vmax.f32 v8, v14;
	v7 =	vmax.f32 v7, v10;
	v10 =	vmin.f32 v9, v56  }
0x58e: {  	v58 =	vmin.f32 v8, v13;
	v57 =	vmax.f32 v11, v10;
	v10 =	vmin.f32 v11, v10  }
0x58f: {  	v9 =	vmax.f32 v9, v56;
	v11 =	vmax.f32 v55, v10;
	v10 =	vmin.f32 v55, v10  }
0x590: {  	v8 =	vmax.f32 v8, v13;
	v7 =	vmax.f32 v7, v10;
	v10 =	vmin.f32 v9, v58  }
0x591: {  	v60 =	vmin.f32 v8, v12;
	v9 =	vmax.f32 v9, v58;
	v59 =	vmin.f32 v57, v10  }
0x592: {  	v14 =	vmax.f32 v57, v10;
	v61 =	vmin.f32 v9, v60;
	v10 =	vmin.f32 v11, v59  }
0x593: {  	v13 =	vmax.f32 v11, v59;
	v62 =	vmin.f32 v14, v61;
	v11 =	vmax.f32 v8, v12  }
0x594: {  	v7 =	vmax.f32 v7, v10;
	v10 =	vmax.f32 v9, v60;
	v63 =	vmin.f32 v13, v62  }
0x595: {  	v9 =	vmax.f32 v14, v61;
	v8 =	vmax.f32 v13, v62;
	v7 =	vmax.f32 v7, v63  }
.LBB2_36:
0x596: {  	v31 =	vld [tilespmem:s13+$0x500]  }
0x597: {  	v30 =	vld [tilespmem:s13+$0x580]  }
0x598: {  	v29 =	vld [tilespmem:s13+$0x600]  }
0x599: {  	v28 =	vld [tilespmem:s13+$0x680]  }
0x59a: {  	v27 =	vld [tilespmem:s13+$0x700]  }
0x59b: {  	v26 =	vld [tilespmem:s13+$0x780]  }
0x59c: {  	v25 =	vld [tilespmem:s13+$0x800]  }
0x59d: {  	v24 =	vld [tilespmem:s13+$0x880]  }
0x59e: {  	v23 =	vld [tilespmem:s13+$0x900]  }
0x59f: {  	v22 =	vld [tilespmem:s13+$0x980]  }
0x5a0: {  	v21 =	vld [tilespmem:s13+$0xA00]  }
0x5a1: {  	v20 =	vld [tilespmem:s13+$0xA80]  }
0x5a2: {  	v19 =	vld [tilespmem:s13+$0xB00]  }
0x5a3: {  	v18 =	vld [tilespmem:s13+$0xB80]  }
0x5a4: {  	v17 =	vld [tilespmem:s13+$0xC00]  }
0x5a5: {  	v16 =	vld [tilespmem:s13+$0xC80]  }
0x5a6: {  	v15 =	vld [tilespmem:s13+$0xD00]  }
0x5a7: {  	v14 =	vld [tilespmem:s13+$0xD80]  }
0x5a8: {  	v13 =	vld [tilespmem:s13+$0xE00]  }
0x5a9: {  	v12 =	vld [tilespmem:s13+$0xE80];
	v32 =	vmax.f32 v31, v30  }
0x5aa: {  	v33 =	vmax.f32 v29, v28;
	v34 =	vmax.f32 v27, v26;
	v35 =	vmax.f32 v25, v24  }
0x5ab: {  	v36 =	vmax.f32 v23, v22;
	v37 =	vmax.f32 v21, v20;
	v38 =	vmax.f32 v19, v18  }
0x5ac: {  	v39 =	vmax.f32 v17, v16;
	v40 =	vmax.f32 v15, v14;
	v32 =	vmax.f32 v32, v33  }
0x5ad: {  	v58 =	vmax.f32 v34, v35;
	v59 =	vmax.f32 v36, v37;
	v60 =	vmax.f32 v38, v39  }
0x5ae: {  	v61 =	vmax.f32 v13, v12;
	v32 =	vmax.f32 v32, v58;
	v62 =	vmax.f32 v59, v60  }
0x5af: {  	v63 =	vmax.f32 v40, v61;
	v32 =	vmax.f32 v32, v62  }
0x5b0: {  	v32 =	vmax.f32 v32, v63  }
0x5b1: {  	vm0 =	vgt.f32 v32, v7  }
0x5b2: {  	v32 =	vmpcnt.ones.xlane vm0;
	_ =	sdelay $0x1  }
0x5b3: {  	(v2sf) =	vpush v32, $0x0;
	_ =	sdelay $0xe  }
0x5b4: {  	s4 =	spop (v2sf)  }
0x5b5: {  	p1 =	slt.s32 s4, $0x1  }
.Ltmp28:
0x5b6: {  	_ = 	snop;
	(pc) =	sbr.rel @p1 .LBB2_38-.Ltmp28, $1  }
0x5b7: {  	_ =	sdelay $0x3  }
0x5b8: {  	v32 =	vmin.f32 v11, v31  }
0x5b9: {  	v11 =	vmax.f32 v11, v31;
	v59 =	vmin.f32 v10, v32  }
0x5ba: {  	v10 =	vmax.f32 v10, v32;
	v60 =	vmax.f32 v9, v59;
	v9 =	vmin.f32 v9, v59  }
0x5bb: {  	v31 =	vmax.f32 v8, v9;
	v8 =	vmin.f32 v8, v9;
	v9 =	vmin.f32 v11, v30  }
0x5bc: {  	v7 =	vmax.f32 v7, v8;
	v8 =	vmax.f32 v11, v30;
	v11 =	vmin.f32 v10, v9  }
0x5bd: {  	v9 =	vmax.f32 v10, v9;
	v10 =	vmax.f32 v60, v11;
	v11 =	vmin.f32 v60, v11  }
0x5be: {  	v62 =	vmin.f32 v8, v29;
	v61 =	vmax.f32 v31, v11;
	v11 =	vmin.f32 v31, v11  }
0x5bf: {  	v8 =	vmax.f32 v8, v29;
	v7 =	vmax.f32 v7, v11;
	v11 =	vmin.f32 v9, v62  }
0x5c0: {  	v33 =	vmin.f32 v8, v28;
	v63 =	vmax.f32 v10, v11;
	v10 =	vmin.f32 v10, v11  }
0x5c1: {  	v9 =	vmax.f32 v9, v62;
	v11 =	vmax.f32 v61, v10;
	v10 =	vmin.f32 v61, v10  }
0x5c2: {  	v8 =	vmax.f32 v8, v28;
	v7 =	vmax.f32 v7, v10;
	v10 =	vmin.f32 v9, v33  }
0x5c3: {  	v9 =	vmax.f32 v9, v33;
	v34 =	vmax.f32 v63, v10;
	v10 =	vmin.f32 v63, v10  }
0x5c4: {  	v29 =	vmax.f32 v11, v10;
	v10 =	vmin.f32 v11, v10;
	v11 =	vmin.f32 v8, v27  }
0x5c5: {  	v8 =	vmax.f32 v8, v27;
	v7 =	vmax.f32 v7, v10;
	v10 =	vmin.f32 v9, v11  }
0x5c6: {  	v9 =	vmax.f32 v9, v11;
	v11 =	vmax.f32 v34, v10;
	v10 =	vmin.f32 v34, v10  }
0x5c7: {  	v36 =	vmin.f32 v8, v26;
	v35 =	vmax.f32 v29, v10;
	v10 =	vmin.f32 v29, v10  }
0x5c8: {  	v8 =	vmax.f32 v8, v26;
	v7 =	vmax.f32 v7, v10;
	v10 =	vmin.f32 v9, v36  }
0x5c9: {  	v38 =	vmin.f32 v8, v25;
	v37 =	vmax.f32 v11, v10;
	v10 =	vmin.f32 v11, v10  }
0x5ca: {  	v9 =	vmax.f32 v9, v36;
	v11 =	vmax.f32 v35, v10;
	v10 =	vmin.f32 v35, v10  }
0x5cb: {  	v8 =	vmax.f32 v8, v25;
	v7 =	vmax.f32 v7, v10;
	v10 =	vmin.f32 v9, v38  }
0x5cc: {  	v9 =	vmax.f32 v9, v38;
	v39 =	vmax.f32 v37, v10;
	v10 =	vmin.f32 v37, v10  }
0x5cd: {  	v26 =	vmax.f32 v11, v10;
	v10 =	vmin.f32 v11, v10;
	v11 =	vmin.f32 v8, v24  }
0x5ce: {  	v8 =	vmax.f32 v8, v24;
	v7 =	vmax.f32 v7, v10;
	v10 =	vmin.f32 v9, v11  }
0x5cf: {  	v9 =	vmax.f32 v9, v11;
	v11 =	vmax.f32 v39, v10;
	v10 =	vmin.f32 v39, v10  }
0x5d0: {  	v41 =	vmin.f32 v8, v23;
	v40 =	vmax.f32 v26, v10;
	v10 =	vmin.f32 v26, v10  }
0x5d1: {  	v8 =	vmax.f32 v8, v23;
	v7 =	vmax.f32 v7, v10;
	v10 =	vmin.f32 v9, v41  }
0x5d2: {  	v43 =	vmin.f32 v8, v22;
	v42 =	vmax.f32 v11, v10;
	v10 =	vmin.f32 v11, v10  }
0x5d3: {  	v9 =	vmax.f32 v9, v41;
	v11 =	vmax.f32 v40, v10;
	v10 =	vmin.f32 v40, v10  }
0x5d4: {  	v8 =	vmax.f32 v8, v22;
	v7 =	vmax.f32 v7, v10;
	v10 =	vmin.f32 v9, v43  }
0x5d5: {  	v9 =	vmax.f32 v9, v43;
	v44 =	vmax.f32 v42, v10;
	v10 =	vmin.f32 v42, v10  }
0x5d6: {  	v23 =	vmax.f32 v11, v10;
	v10 =	vmin.f32 v11, v10;
	v11 =	vmin.f32 v8, v21  }
0x5d7: {  	v8 =	vmax.f32 v8, v21;
	v7 =	vmax.f32 v7, v10;
	v10 =	vmin.f32 v9, v11  }
0x5d8: {  	v9 =	vmax.f32 v9, v11;
	v11 =	vmax.f32 v44, v10;
	v10 =	vmin.f32 v44, v10  }
0x5d9: {  	v46 =	vmin.f32 v8, v20;
	v45 =	vmax.f32 v23, v10;
	v10 =	vmin.f32 v23, v10  }
0x5da: {  	v8 =	vmax.f32 v8, v20;
	v7 =	vmax.f32 v7, v10;
	v10 =	vmin.f32 v9, v46  }
0x5db: {  	v48 =	vmin.f32 v8, v19;
	v47 =	vmax.f32 v11, v10;
	v10 =	vmin.f32 v11, v10  }
0x5dc: {  	v9 =	vmax.f32 v9, v46;
	v11 =	vmax.f32 v45, v10;
	v10 =	vmin.f32 v45, v10  }
0x5dd: {  	v8 =	vmax.f32 v8, v19;
	v7 =	vmax.f32 v7, v10;
	v10 =	vmin.f32 v9, v48  }
0x5de: {  	v9 =	vmax.f32 v9, v48;
	v49 =	vmax.f32 v47, v10;
	v10 =	vmin.f32 v47, v10  }
0x5df: {  	v20 =	vmax.f32 v11, v10;
	v10 =	vmin.f32 v11, v10;
	v11 =	vmin.f32 v8, v18  }
0x5e0: {  	v8 =	vmax.f32 v8, v18;
	v7 =	vmax.f32 v7, v10;
	v10 =	vmin.f32 v9, v11  }
0x5e1: {  	v9 =	vmax.f32 v9, v11;
	v11 =	vmax.f32 v49, v10;
	v10 =	vmin.f32 v49, v10  }
0x5e2: {  	v51 =	vmin.f32 v8, v17;
	v50 =	vmax.f32 v20, v10;
	v10 =	vmin.f32 v20, v10  }
0x5e3: {  	v8 =	vmax.f32 v8, v17;
	v7 =	vmax.f32 v7, v10;
	v10 =	vmin.f32 v9, v51  }
0x5e4: {  	v53 =	vmin.f32 v8, v16;
	v52 =	vmax.f32 v11, v10;
	v10 =	vmin.f32 v11, v10  }
0x5e5: {  	v9 =	vmax.f32 v9, v51;
	v11 =	vmax.f32 v50, v10;
	v10 =	vmin.f32 v50, v10  }
0x5e6: {  	v8 =	vmax.f32 v8, v16;
	v7 =	vmax.f32 v7, v10;
	v10 =	vmin.f32 v9, v53  }
0x5e7: {  	v9 =	vmax.f32 v9, v53;
	v54 =	vmax.f32 v52, v10;
	v10 =	vmin.f32 v52, v10  }
0x5e8: {  	v17 =	vmax.f32 v11, v10;
	v10 =	vmin.f32 v11, v10;
	v11 =	vmin.f32 v8, v15  }
0x5e9: {  	v8 =	vmax.f32 v8, v15;
	v7 =	vmax.f32 v7, v10;
	v10 =	vmin.f32 v9, v11  }
0x5ea: {  	v9 =	vmax.f32 v9, v11;
	v11 =	vmax.f32 v54, v10;
	v10 =	vmin.f32 v54, v10  }
0x5eb: {  	v56 =	vmin.f32 v8, v14;
	v55 =	vmax.f32 v17, v10;
	v10 =	vmin.f32 v17, v10  }
0x5ec: {  	v8 =	vmax.f32 v8, v14;
	v7 =	vmax.f32 v7, v10;
	v10 =	vmin.f32 v9, v56  }
0x5ed: {  	v58 =	vmin.f32 v8, v13;
	v57 =	vmax.f32 v11, v10;
	v10 =	vmin.f32 v11, v10  }
0x5ee: {  	v9 =	vmax.f32 v9, v56;
	v11 =	vmax.f32 v55, v10;
	v10 =	vmin.f32 v55, v10  }
0x5ef: {  	v8 =	vmax.f32 v8, v13;
	v7 =	vmax.f32 v7, v10;
	v10 =	vmin.f32 v9, v58  }
0x5f0: {  	v60 =	vmin.f32 v8, v12;
	v9 =	vmax.f32 v9, v58;
	v59 =	vmin.f32 v57, v10  }
0x5f1: {  	v14 =	vmax.f32 v57, v10;
	v61 =	vmin.f32 v9, v60;
	v10 =	vmin.f32 v11, v59  }
0x5f2: {  	v13 =	vmax.f32 v11, v59;
	v62 =	vmin.f32 v14, v61;
	v11 =	vmax.f32 v8, v12  }
0x5f3: {  	v7 =	vmax.f32 v7, v10;
	v10 =	vmax.f32 v9, v60;
	v63 =	vmin.f32 v13, v62  }
0x5f4: {  	v9 =	vmax.f32 v14, v61;
	v8 =	vmax.f32 v13, v62;
	v7 =	vmax.f32 v7, v63  }
.LBB2_38:
0x5f5: {  	v31 =	vld [tilespmem:s13+$0xF00]  }
0x5f6: {  	v30 =	vld [tilespmem:s13+$0xF80]  }
0x5f7: {  	v29 =	vld [tilespmem:s13+$0x1000]  }
0x5f8: {  	v28 =	vld [tilespmem:s13+$0x1080]  }
0x5f9: {  	v27 =	vld [tilespmem:s13+$0x1100]  }
0x5fa: {  	v26 =	vld [tilespmem:s13+$0x1180]  }
0x5fb: {  	v25 =	vld [tilespmem:s13+$0x1200]  }
0x5fc: {  	v24 =	vld [tilespmem:s13+$0x1280]  }
0x5fd: {  	v23 =	vld [tilespmem:s13+$0x1300]  }
0x5fe: {  	v22 =	vld [tilespmem:s13+$0x1380]  }
0x5ff: {  	v21 =	vld [tilespmem:s13+$0x1400]  }
0x600: {  	v20 =	vld [tilespmem:s13+$0x1480]  }
0x601: {  	v19 =	vld [tilespmem:s13+$0x1500]  }
0x602: {  	v18 =	vld [tilespmem:s13+$0x1580]  }
0x603: {  	v17 =	vld [tilespmem:s13+$0x1600]  }
0x604: {  	v16 =	vld [tilespmem:s13+$0x1680]  }
0x605: {  	v15 =	vld [tilespmem:s13+$0x1700]  }
0x606: {  	v14 =	vld [tilespmem:s13+$0x1780]  }
0x607: {  	v13 =	vld [tilespmem:s13+$0x1800]  }
0x608: {  	v12 =	vld [tilespmem:s13+$0x1880];
	v32 =	vmax.f32 v31, v30  }
0x609: {  	v33 =	vmax.f32 v29, v28;
	v34 =	vmax.f32 v27, v26;
	v35 =	vmax.f32 v25, v24  }
0x60a: {  	v36 =	vmax.f32 v23, v22;
	v37 =	vmax.f32 v21, v20;
	v38 =	vmax.f32 v19, v18  }
0x60b: {  	v39 =	vmax.f32 v17, v16;
	v40 =	vmax.f32 v15, v14;
	v32 =	vmax.f32 v32, v33  }
0x60c: {  	v58 =	vmax.f32 v34, v35;
	v59 =	vmax.f32 v36, v37;
	v60 =	vmax.f32 v38, v39  }
0x60d: {  	v61 =	vmax.f32 v13, v12;
	v32 =	vmax.f32 v32, v58;
	v62 =	vmax.f32 v59, v60  }
0x60e: {  	v63 =	vmax.f32 v40, v61;
	v32 =	vmax.f32 v32, v62  }
0x60f: {  	v32 =	vmax.f32 v32, v63  }
0x610: {  	vm0 =	vgt.f32 v32, v7  }
0x611: {  	v32 =	vmpcnt.ones.xlane vm0;
	_ =	sdelay $0x1  }
0x612: {  	(v2sf) =	vpush v32, $0x0;
	_ =	sdelay $0xe  }
0x613: {  	s4 =	spop (v2sf)  }
0x614: {  	p1 =	slt.s32 s4, $0x1  }
.Ltmp29:
0x615: {  	_ = 	snop;
	(pc) =	sbr.rel @p1 .LBB2_40-.Ltmp29, $1  }
0x616: {  	_ =	sdelay $0x3  }
0x617: {  	v32 =	vmin.f32 v11, v31  }
0x618: {  	v11 =	vmax.f32 v11, v31;
	v59 =	vmin.f32 v10, v32  }
0x619: {  	v10 =	vmax.f32 v10, v32;
	v60 =	vmax.f32 v9, v59;
	v9 =	vmin.f32 v9, v59  }
0x61a: {  	v31 =	vmax.f32 v8, v9;
	v8 =	vmin.f32 v8, v9;
	v9 =	vmin.f32 v11, v30  }
0x61b: {  	v7 =	vmax.f32 v7, v8;
	v8 =	vmax.f32 v11, v30;
	v11 =	vmin.f32 v10, v9  }
0x61c: {  	v9 =	vmax.f32 v10, v9;
	v10 =	vmax.f32 v60, v11;
	v11 =	vmin.f32 v60, v11  }
0x61d: {  	v62 =	vmin.f32 v8, v29;
	v61 =	vmax.f32 v31, v11;
	v11 =	vmin.f32 v31, v11  }
0x61e: {  	v8 =	vmax.f32 v8, v29;
	v7 =	vmax.f32 v7, v11;
	v11 =	vmin.f32 v9, v62  }
0x61f: {  	v33 =	vmin.f32 v8, v28;
	v63 =	vmax.f32 v10, v11;
	v10 =	vmin.f32 v10, v11  }
0x620: {  	v9 =	vmax.f32 v9, v62;
	v11 =	vmax.f32 v61, v10;
	v10 =	vmin.f32 v61, v10  }
0x621: {  	v8 =	vmax.f32 v8, v28;
	v7 =	vmax.f32 v7, v10;
	v10 =	vmin.f32 v9, v33  }
0x622: {  	v9 =	vmax.f32 v9, v33;
	v34 =	vmax.f32 v63, v10;
	v10 =	vmin.f32 v63, v10  }
0x623: {  	v29 =	vmax.f32 v11, v10;
	v10 =	vmin.f32 v11, v10;
	v11 =	vmin.f32 v8, v27  }
0x624: {  	v8 =	vmax.f32 v8, v27;
	v7 =	vmax.f32 v7, v10;
	v10 =	vmin.f32 v9, v11  }
0x625: {  	v9 =	vmax.f32 v9, v11;
	v11 =	vmax.f32 v34, v10;
	v10 =	vmin.f32 v34, v10  }
0x626: {  	v36 =	vmin.f32 v8, v26;
	v35 =	vmax.f32 v29, v10;
	v10 =	vmin.f32 v29, v10  }
0x627: {  	v8 =	vmax.f32 v8, v26;
	v7 =	vmax.f32 v7, v10;
	v10 =	vmin.f32 v9, v36  }
0x628: {  	v38 =	vmin.f32 v8, v25;
	v37 =	vmax.f32 v11, v10;
	v10 =	vmin.f32 v11, v10  }
0x629: {  	v9 =	vmax.f32 v9, v36;
	v11 =	vmax.f32 v35, v10;
	v10 =	vmin.f32 v35, v10  }
0x62a: {  	v8 =	vmax.f32 v8, v25;
	v7 =	vmax.f32 v7, v10;
	v10 =	vmin.f32 v9, v38  }
0x62b: {  	v9 =	vmax.f32 v9, v38;
	v39 =	vmax.f32 v37, v10;
	v10 =	vmin.f32 v37, v10  }
0x62c: {  	v26 =	vmax.f32 v11, v10;
	v10 =	vmin.f32 v11, v10;
	v11 =	vmin.f32 v8, v24  }
0x62d: {  	v8 =	vmax.f32 v8, v24;
	v7 =	vmax.f32 v7, v10;
	v10 =	vmin.f32 v9, v11  }
0x62e: {  	v9 =	vmax.f32 v9, v11;
	v11 =	vmax.f32 v39, v10;
	v10 =	vmin.f32 v39, v10  }
0x62f: {  	v41 =	vmin.f32 v8, v23;
	v40 =	vmax.f32 v26, v10;
	v10 =	vmin.f32 v26, v10  }
0x630: {  	v8 =	vmax.f32 v8, v23;
	v7 =	vmax.f32 v7, v10;
	v10 =	vmin.f32 v9, v41  }
0x631: {  	v43 =	vmin.f32 v8, v22;
	v42 =	vmax.f32 v11, v10;
	v10 =	vmin.f32 v11, v10  }
0x632: {  	v9 =	vmax.f32 v9, v41;
	v11 =	vmax.f32 v40, v10;
	v10 =	vmin.f32 v40, v10  }
0x633: {  	v8 =	vmax.f32 v8, v22;
	v7 =	vmax.f32 v7, v10;
	v10 =	vmin.f32 v9, v43  }
0x634: {  	v9 =	vmax.f32 v9, v43;
	v44 =	vmax.f32 v42, v10;
	v10 =	vmin.f32 v42, v10  }
0x635: {  	v23 =	vmax.f32 v11, v10;
	v10 =	vmin.f32 v11, v10;
	v11 =	vmin.f32 v8, v21  }
0x636: {  	v8 =	vmax.f32 v8, v21;
	v7 =	vmax.f32 v7, v10;
	v10 =	vmin.f32 v9, v11  }
0x637: {  	v9 =	vmax.f32 v9, v11;
	v11 =	vmax.f32 v44, v10;
	v10 =	vmin.f32 v44, v10  }
0x638: {  	v46 =	vmin.f32 v8, v20;
	v45 =	vmax.f32 v23, v10;
	v10 =	vmin.f32 v23, v10  }
0x639: {  	v8 =	vmax.f32 v8, v20;
	v7 =	vmax.f32 v7, v10;
	v10 =	vmin.f32 v9, v46  }
0x63a: {  	v48 =	vmin.f32 v8, v19;
	v47 =	vmax.f32 v11, v10;
	v10 =	vmin.f32 v11, v10  }
0x63b: {  	v9 =	vmax.f32 v9, v46;
	v11 =	vmax.f32 v45, v10;
	v10 =	vmin.f32 v45, v10  }
0x63c: {  	v8 =	vmax.f32 v8, v19;
	v7 =	vmax.f32 v7, v10;
	v10 =	vmin.f32 v9, v48  }
0x63d: {  	v9 =	vmax.f32 v9, v48;
	v49 =	vmax.f32 v47, v10;
	v10 =	vmin.f32 v47, v10  }
0x63e: {  	v20 =	vmax.f32 v11, v10;
	v10 =	vmin.f32 v11, v10;
	v11 =	vmin.f32 v8, v18  }
0x63f: {  	v8 =	vmax.f32 v8, v18;
	v7 =	vmax.f32 v7, v10;
	v10 =	vmin.f32 v9, v11  }
0x640: {  	v9 =	vmax.f32 v9, v11;
	v11 =	vmax.f32 v49, v10;
	v10 =	vmin.f32 v49, v10  }
0x641: {  	v51 =	vmin.f32 v8, v17;
	v50 =	vmax.f32 v20, v10;
	v10 =	vmin.f32 v20, v10  }
0x642: {  	v8 =	vmax.f32 v8, v17;
	v7 =	vmax.f32 v7, v10;
	v10 =	vmin.f32 v9, v51  }
0x643: {  	v53 =	vmin.f32 v8, v16;
	v52 =	vmax.f32 v11, v10;
	v10 =	vmin.f32 v11, v10  }
0x644: {  	v9 =	vmax.f32 v9, v51;
	v11 =	vmax.f32 v50, v10;
	v10 =	vmin.f32 v50, v10  }
0x645: {  	v8 =	vmax.f32 v8, v16;
	v7 =	vmax.f32 v7, v10;
	v10 =	vmin.f32 v9, v53  }
0x646: {  	v9 =	vmax.f32 v9, v53;
	v54 =	vmax.f32 v52, v10;
	v10 =	vmin.f32 v52, v10  }
0x647: {  	v17 =	vmax.f32 v11, v10;
	v10 =	vmin.f32 v11, v10;
	v11 =	vmin.f32 v8, v15  }
0x648: {  	v8 =	vmax.f32 v8, v15;
	v7 =	vmax.f32 v7, v10;
	v10 =	vmin.f32 v9, v11  }
0x649: {  	v9 =	vmax.f32 v9, v11;
	v11 =	vmax.f32 v54, v10;
	v10 =	vmin.f32 v54, v10  }
0x64a: {  	v56 =	vmin.f32 v8, v14;
	v55 =	vmax.f32 v17, v10;
	v10 =	vmin.f32 v17, v10  }
0x64b: {  	v8 =	vmax.f32 v8, v14;
	v7 =	vmax.f32 v7, v10;
	v10 =	vmin.f32 v9, v56  }
0x64c: {  	v58 =	vmin.f32 v8, v13;
	v57 =	vmax.f32 v11, v10;
	v10 =	vmin.f32 v11, v10  }
0x64d: {  	v9 =	vmax.f32 v9, v56;
	v11 =	vmax.f32 v55, v10;
	v10 =	vmin.f32 v55, v10  }
0x64e: {  	v8 =	vmax.f32 v8, v13;
	v7 =	vmax.f32 v7, v10;
	v10 =	vmin.f32 v9, v58  }
.Ltmp30:
0x64f: {  	v60 =	vmin.f32 v8, v12;
	v9 =	vmax.f32 v9, v58;
	v59 =	vmin.f32 v57, v10;
	(pc) =	sbr.rel .LBB2_40-.Ltmp30, $4  }
0x650: {  	v14 =	vmax.f32 v57, v10;
	v61 =	vmin.f32 v9, v60;
	v10 =	vmin.f32 v11, v59  }
0x651: {  	v13 =	vmax.f32 v11, v59;
	v62 =	vmin.f32 v14, v61;
	v11 =	vmax.f32 v8, v12  }
0x652: {  	v7 =	vmax.f32 v7, v10;
	v10 =	vmax.f32 v9, v60;
	v63 =	vmin.f32 v13, v62  }
0x653: {  	v9 =	vmax.f32 v14, v61;
	v8 =	vmax.f32 v13, v62;
	v7 =	vmax.f32 v7, v63  }
.LBB2_41:
0x654: {  	[tilespmem:s0+$0x80] =	vst v11  }
0x655: {  	[tilespmem:s0+$0x100] =	vst v10  }
0x656: {  	[tilespmem:s0+$0x180] =	vst v9  }
0x657: {  	[tilespmem:s0+$0x200] =	vst v8  }
0x658: {  	[tilespmem:s0+$0x280] =	vst v7  }
0x659: {  	v7 =	vld [tilespmem:s24+$0x0];
	_ =	sdelay $0x4  }
0x65a: {  	vm0 =	vgt.s32 v7, $0x0  }
0x65b: {  	v7 =	vnsel vm0, $0x0, v7  }
0x65c: {  	v7 =	vmin.u32 v7, $0x1869F  }
0x65d: {  	vm15 =	vge.u32 v7, v5;
	vm1 =	vlt.u32 v7, v6;
	v7 =	vsub.s32 v7, v5  }
0x65e: {  	vm0 =	vmand vm15, vm1;
	v7 =	vshll.u32 v7, $0x7  }
0x65f: {  	v7 =	vnsel vm0, $0x0, v7  }
0x660: {  	v7 =	vor.u32 s24, v7  }
0x661: {  	v7 =	vor.u32 v4, v7;
	_ =	sdelay $0x2  }
0x662: {  	s4 =	sor.u32 $0x1, s31  }
0x663: {  	v8 =	vld [tilespmem:s0+$0x300];
	s13 =	smul.u32 $0xC00, s4  }
0x664: {  	v7 =	vld.idx.msk [tilespmem:v7+s19+$0x0], $0xffff  }
0x665: {  	s24 =	sshra.s32 s13, $0x2  }
.Ltmp31:
0x666: {  	v11 =	vld [tilespmem:s24+$0x80];
	(pc) =	sbr.rel .LBB2_42-.Ltmp31, $4  }
0x667: {  	v10 =	vld [tilespmem:s24+$0x100]  }
0x668: {  	v9 =	vld [tilespmem:s24+$0x180]  }
0x669: {  	v7 =	vsel vm0, v7, v8;
	v8 =	vld [tilespmem:s24+$0x200]  }
0x66a: {  	s22 =	simm.s32 $0xFFFFFFFB;
	s13 =	smov.u32 s30;
	[tilespmem:s0+$0x300] =	vst v7;
	v7 =	vld [tilespmem:s24+$0x280];
	s0 =	sshll.u32 s4, $0x4  }
.LBB2_52:
0x66b: {  	s4 =	sadd.s32 $0x5, s22  }
0x66c: {  	p1 =	slt.u32 s4, s22  }
.Ltmp32:
0x66d: {  	_ = 	snop;
	(pc) =	sbr.rel @!p1 .LBB2_53-.Ltmp32, $2  }
0x66e: {  	_ =	sdelay $0x2  }
0x66f: {  	s13 =	sadd.s32 $0x3200, s13;
	s22 =	smov.u32 s4  }
.LBB2_42:
0x670: {  	v31 =	vld [tilespmem:s13+$0xFFFFE700]  }
0x671: {  	v30 =	vld [tilespmem:s13+$0xFFFFE780]  }
0x672: {  	v29 =	vld [tilespmem:s13+$0xFFFFE800]  }
0x673: {  	v28 =	vld [tilespmem:s13+$0xFFFFE880]  }
0x674: {  	v27 =	vld [tilespmem:s13+$0xFFFFE900]  }
0x675: {  	v26 =	vld [tilespmem:s13+$0xFFFFE980]  }
0x676: {  	v25 =	vld [tilespmem:s13+$0xFFFFEA00]  }
0x677: {  	v24 =	vld [tilespmem:s13+$0xFFFFEA80]  }
0x678: {  	v23 =	vld [tilespmem:s13+$0xFFFFEB00]  }
0x679: {  	v22 =	vld [tilespmem:s13+$0xFFFFEB80]  }
0x67a: {  	v21 =	vld [tilespmem:s13+$0xFFFFEC00]  }
0x67b: {  	v20 =	vld [tilespmem:s13+$0xFFFFEC80]  }
0x67c: {  	v19 =	vld [tilespmem:s13+$0xFFFFED00]  }
0x67d: {  	v18 =	vld [tilespmem:s13+$0xFFFFED80]  }
0x67e: {  	v17 =	vld [tilespmem:s13+$0xFFFFEE00]  }
0x67f: {  	v16 =	vld [tilespmem:s13+$0xFFFFEE80]  }
0x680: {  	v15 =	vld [tilespmem:s13+$0xFFFFEF00]  }
0x681: {  	v14 =	vld [tilespmem:s13+$0xFFFFEF80]  }
0x682: {  	v13 =	vld [tilespmem:s13+$0xFFFFF000]  }
0x683: {  	v12 =	vld [tilespmem:s13+$0xFFFFF080];
	v32 =	vmax.f32 v31, v30  }
0x684: {  	v33 =	vmax.f32 v29, v28;
	v34 =	vmax.f32 v27, v26;
	v35 =	vmax.f32 v25, v24  }
0x685: {  	v36 =	vmax.f32 v23, v22;
	v37 =	vmax.f32 v21, v20;
	v38 =	vmax.f32 v19, v18  }
0x686: {  	v39 =	vmax.f32 v17, v16;
	v40 =	vmax.f32 v15, v14;
	v32 =	vmax.f32 v32, v33  }
0x687: {  	v58 =	vmax.f32 v34, v35;
	v59 =	vmax.f32 v36, v37;
	v60 =	vmax.f32 v38, v39  }
0x688: {  	v61 =	vmax.f32 v13, v12;
	v32 =	vmax.f32 v32, v58;
	v62 =	vmax.f32 v59, v60  }
0x689: {  	v63 =	vmax.f32 v40, v61;
	v32 =	vmax.f32 v32, v62  }
0x68a: {  	v32 =	vmax.f32 v32, v63  }
0x68b: {  	vm0 =	vgt.f32 v32, v7  }
0x68c: {  	v32 =	vmpcnt.ones.xlane vm0;
	_ =	sdelay $0x1  }
0x68d: {  	(v2sf) =	vpush v32, $0x0;
	_ =	sdelay $0xe  }
0x68e: {  	s4 =	spop (v2sf)  }
0x68f: {  	p1 =	slt.s32 s4, $0x1  }
.Ltmp33:
0x690: {  	_ = 	snop;
	(pc) =	sbr.rel @p1 .LBB2_44-.Ltmp33, $1  }
0x691: {  	_ =	sdelay $0x3  }
0x692: {  	v32 =	vmin.f32 v11, v31  }
0x693: {  	v11 =	vmax.f32 v11, v31;
	v59 =	vmin.f32 v10, v32  }
0x694: {  	v10 =	vmax.f32 v10, v32;
	v60 =	vmax.f32 v9, v59;
	v9 =	vmin.f32 v9, v59  }
0x695: {  	v31 =	vmax.f32 v8, v9;
	v8 =	vmin.f32 v8, v9;
	v9 =	vmin.f32 v11, v30  }
0x696: {  	v7 =	vmax.f32 v7, v8;
	v8 =	vmax.f32 v11, v30;
	v11 =	vmin.f32 v10, v9  }
0x697: {  	v9 =	vmax.f32 v10, v9;
	v10 =	vmax.f32 v60, v11;
	v11 =	vmin.f32 v60, v11  }
0x698: {  	v62 =	vmin.f32 v8, v29;
	v61 =	vmax.f32 v31, v11;
	v11 =	vmin.f32 v31, v11  }
0x699: {  	v8 =	vmax.f32 v8, v29;
	v7 =	vmax.f32 v7, v11;
	v11 =	vmin.f32 v9, v62  }
0x69a: {  	v33 =	vmin.f32 v8, v28;
	v63 =	vmax.f32 v10, v11;
	v10 =	vmin.f32 v10, v11  }
0x69b: {  	v9 =	vmax.f32 v9, v62;
	v11 =	vmax.f32 v61, v10;
	v10 =	vmin.f32 v61, v10  }
0x69c: {  	v8 =	vmax.f32 v8, v28;
	v7 =	vmax.f32 v7, v10;
	v10 =	vmin.f32 v9, v33  }
0x69d: {  	v9 =	vmax.f32 v9, v33;
	v34 =	vmax.f32 v63, v10;
	v10 =	vmin.f32 v63, v10  }
0x69e: {  	v29 =	vmax.f32 v11, v10;
	v10 =	vmin.f32 v11, v10;
	v11 =	vmin.f32 v8, v27  }
0x69f: {  	v8 =	vmax.f32 v8, v27;
	v7 =	vmax.f32 v7, v10;
	v10 =	vmin.f32 v9, v11  }
0x6a0: {  	v9 =	vmax.f32 v9, v11;
	v11 =	vmax.f32 v34, v10;
	v10 =	vmin.f32 v34, v10  }
0x6a1: {  	v36 =	vmin.f32 v8, v26;
	v35 =	vmax.f32 v29, v10;
	v10 =	vmin.f32 v29, v10  }
0x6a2: {  	v8 =	vmax.f32 v8, v26;
	v7 =	vmax.f32 v7, v10;
	v10 =	vmin.f32 v9, v36  }
0x6a3: {  	v38 =	vmin.f32 v8, v25;
	v37 =	vmax.f32 v11, v10;
	v10 =	vmin.f32 v11, v10  }
0x6a4: {  	v9 =	vmax.f32 v9, v36;
	v11 =	vmax.f32 v35, v10;
	v10 =	vmin.f32 v35, v10  }
0x6a5: {  	v8 =	vmax.f32 v8, v25;
	v7 =	vmax.f32 v7, v10;
	v10 =	vmin.f32 v9, v38  }
0x6a6: {  	v9 =	vmax.f32 v9, v38;
	v39 =	vmax.f32 v37, v10;
	v10 =	vmin.f32 v37, v10  }
0x6a7: {  	v26 =	vmax.f32 v11, v10;
	v10 =	vmin.f32 v11, v10;
	v11 =	vmin.f32 v8, v24  }
0x6a8: {  	v8 =	vmax.f32 v8, v24;
	v7 =	vmax.f32 v7, v10;
	v10 =	vmin.f32 v9, v11  }
0x6a9: {  	v9 =	vmax.f32 v9, v11;
	v11 =	vmax.f32 v39, v10;
	v10 =	vmin.f32 v39, v10  }
0x6aa: {  	v41 =	vmin.f32 v8, v23;
	v40 =	vmax.f32 v26, v10;
	v10 =	vmin.f32 v26, v10  }
0x6ab: {  	v8 =	vmax.f32 v8, v23;
	v7 =	vmax.f32 v7, v10;
	v10 =	vmin.f32 v9, v41  }
0x6ac: {  	v43 =	vmin.f32 v8, v22;
	v42 =	vmax.f32 v11, v10;
	v10 =	vmin.f32 v11, v10  }
0x6ad: {  	v9 =	vmax.f32 v9, v41;
	v11 =	vmax.f32 v40, v10;
	v10 =	vmin.f32 v40, v10  }
0x6ae: {  	v8 =	vmax.f32 v8, v22;
	v7 =	vmax.f32 v7, v10;
	v10 =	vmin.f32 v9, v43  }
0x6af: {  	v9 =	vmax.f32 v9, v43;
	v44 =	vmax.f32 v42, v10;
	v10 =	vmin.f32 v42, v10  }
0x6b0: {  	v23 =	vmax.f32 v11, v10;
	v10 =	vmin.f32 v11, v10;
	v11 =	vmin.f32 v8, v21  }
0x6b1: {  	v8 =	vmax.f32 v8, v21;
	v7 =	vmax.f32 v7, v10;
	v10 =	vmin.f32 v9, v11  }
0x6b2: {  	v9 =	vmax.f32 v9, v11;
	v11 =	vmax.f32 v44, v10;
	v10 =	vmin.f32 v44, v10  }
0x6b3: {  	v46 =	vmin.f32 v8, v20;
	v45 =	vmax.f32 v23, v10;
	v10 =	vmin.f32 v23, v10  }
0x6b4: {  	v8 =	vmax.f32 v8, v20;
	v7 =	vmax.f32 v7, v10;
	v10 =	vmin.f32 v9, v46  }
0x6b5: {  	v48 =	vmin.f32 v8, v19;
	v47 =	vmax.f32 v11, v10;
	v10 =	vmin.f32 v11, v10  }
0x6b6: {  	v9 =	vmax.f32 v9, v46;
	v11 =	vmax.f32 v45, v10;
	v10 =	vmin.f32 v45, v10  }
0x6b7: {  	v8 =	vmax.f32 v8, v19;
	v7 =	vmax.f32 v7, v10;
	v10 =	vmin.f32 v9, v48  }
0x6b8: {  	v9 =	vmax.f32 v9, v48;
	v49 =	vmax.f32 v47, v10;
	v10 =	vmin.f32 v47, v10  }
0x6b9: {  	v20 =	vmax.f32 v11, v10;
	v10 =	vmin.f32 v11, v10;
	v11 =	vmin.f32 v8, v18  }
0x6ba: {  	v8 =	vmax.f32 v8, v18;
	v7 =	vmax.f32 v7, v10;
	v10 =	vmin.f32 v9, v11  }
0x6bb: {  	v9 =	vmax.f32 v9, v11;
	v11 =	vmax.f32 v49, v10;
	v10 =	vmin.f32 v49, v10  }
0x6bc: {  	v51 =	vmin.f32 v8, v17;
	v50 =	vmax.f32 v20, v10;
	v10 =	vmin.f32 v20, v10  }
0x6bd: {  	v8 =	vmax.f32 v8, v17;
	v7 =	vmax.f32 v7, v10;
	v10 =	vmin.f32 v9, v51  }
0x6be: {  	v53 =	vmin.f32 v8, v16;
	v52 =	vmax.f32 v11, v10;
	v10 =	vmin.f32 v11, v10  }
0x6bf: {  	v9 =	vmax.f32 v9, v51;
	v11 =	vmax.f32 v50, v10;
	v10 =	vmin.f32 v50, v10  }
0x6c0: {  	v8 =	vmax.f32 v8, v16;
	v7 =	vmax.f32 v7, v10;
	v10 =	vmin.f32 v9, v53  }
0x6c1: {  	v9 =	vmax.f32 v9, v53;
	v54 =	vmax.f32 v52, v10;
	v10 =	vmin.f32 v52, v10  }
0x6c2: {  	v17 =	vmax.f32 v11, v10;
	v10 =	vmin.f32 v11, v10;
	v11 =	vmin.f32 v8, v15  }
0x6c3: {  	v8 =	vmax.f32 v8, v15;
	v7 =	vmax.f32 v7, v10;
	v10 =	vmin.f32 v9, v11  }
0x6c4: {  	v9 =	vmax.f32 v9, v11;
	v11 =	vmax.f32 v54, v10;
	v10 =	vmin.f32 v54, v10  }
0x6c5: {  	v56 =	vmin.f32 v8, v14;
	v55 =	vmax.f32 v17, v10;
	v10 =	vmin.f32 v17, v10  }
0x6c6: {  	v8 =	vmax.f32 v8, v14;
	v7 =	vmax.f32 v7, v10;
	v10 =	vmin.f32 v9, v56  }
0x6c7: {  	v58 =	vmin.f32 v8, v13;
	v57 =	vmax.f32 v11, v10;
	v10 =	vmin.f32 v11, v10  }
0x6c8: {  	v9 =	vmax.f32 v9, v56;
	v11 =	vmax.f32 v55, v10;
	v10 =	vmin.f32 v55, v10  }
0x6c9: {  	v8 =	vmax.f32 v8, v13;
	v7 =	vmax.f32 v7, v10;
	v10 =	vmin.f32 v9, v58  }
0x6ca: {  	v60 =	vmin.f32 v8, v12;
	v9 =	vmax.f32 v9, v58;
	v59 =	vmin.f32 v57, v10  }
0x6cb: {  	v14 =	vmax.f32 v57, v10;
	v61 =	vmin.f32 v9, v60;
	v10 =	vmin.f32 v11, v59  }
0x6cc: {  	v13 =	vmax.f32 v11, v59;
	v62 =	vmin.f32 v14, v61;
	v11 =	vmax.f32 v8, v12  }
0x6cd: {  	v7 =	vmax.f32 v7, v10;
	v10 =	vmax.f32 v9, v60;
	v63 =	vmin.f32 v13, v62  }
0x6ce: {  	v9 =	vmax.f32 v14, v61;
	v8 =	vmax.f32 v13, v62;
	v7 =	vmax.f32 v7, v63  }
.LBB2_44:
0x6cf: {  	v31 =	vld [tilespmem:s13+$0xFFFFF100]  }
0x6d0: {  	v30 =	vld [tilespmem:s13+$0xFFFFF180]  }
0x6d1: {  	v29 =	vld [tilespmem:s13+$0xFFFFF200]  }
0x6d2: {  	v28 =	vld [tilespmem:s13+$0xFFFFF280]  }
0x6d3: {  	v27 =	vld [tilespmem:s13+$0xFFFFF300]  }
0x6d4: {  	v26 =	vld [tilespmem:s13+$0xFFFFF380]  }
0x6d5: {  	v25 =	vld [tilespmem:s13+$0xFFFFF400]  }
0x6d6: {  	v24 =	vld [tilespmem:s13+$0xFFFFF480]  }
0x6d7: {  	v23 =	vld [tilespmem:s13+$0xFFFFF500]  }
0x6d8: {  	v22 =	vld [tilespmem:s13+$0xFFFFF580]  }
0x6d9: {  	v21 =	vld [tilespmem:s13+$0xFFFFF600]  }
0x6da: {  	v20 =	vld [tilespmem:s13+$0xFFFFF680]  }
0x6db: {  	v19 =	vld [tilespmem:s13+$0xFFFFF700]  }
0x6dc: {  	v18 =	vld [tilespmem:s13+$0xFFFFF780]  }
0x6dd: {  	v17 =	vld [tilespmem:s13+$0xFFFFF800]  }
0x6de: {  	v16 =	vld [tilespmem:s13+$0xFFFFF880]  }
0x6df: {  	v15 =	vld [tilespmem:s13+$0xFFFFF900]  }
0x6e0: {  	v14 =	vld [tilespmem:s13+$0xFFFFF980]  }
0x6e1: {  	v13 =	vld [tilespmem:s13+$0xFFFFFA00]  }
0x6e2: {  	v12 =	vld [tilespmem:s13+$0xFFFFFA80];
	v32 =	vmax.f32 v31, v30  }
0x6e3: {  	v33 =	vmax.f32 v29, v28;
	v34 =	vmax.f32 v27, v26;
	v35 =	vmax.f32 v25, v24  }
0x6e4: {  	v36 =	vmax.f32 v23, v22;
	v37 =	vmax.f32 v21, v20;
	v38 =	vmax.f32 v19, v18  }
0x6e5: {  	v39 =	vmax.f32 v17, v16;
	v40 =	vmax.f32 v15, v14;
	v32 =	vmax.f32 v32, v33  }
0x6e6: {  	v58 =	vmax.f32 v34, v35;
	v59 =	vmax.f32 v36, v37;
	v60 =	vmax.f32 v38, v39  }
0x6e7: {  	v61 =	vmax.f32 v13, v12;
	v32 =	vmax.f32 v32, v58;
	v62 =	vmax.f32 v59, v60  }
0x6e8: {  	v63 =	vmax.f32 v40, v61;
	v32 =	vmax.f32 v32, v62  }
0x6e9: {  	v32 =	vmax.f32 v32, v63  }
0x6ea: {  	vm0 =	vgt.f32 v32, v7  }
0x6eb: {  	v32 =	vmpcnt.ones.xlane vm0;
	_ =	sdelay $0x1  }
0x6ec: {  	(v2sf) =	vpush v32, $0x0;
	_ =	sdelay $0xe  }
0x6ed: {  	s4 =	spop (v2sf)  }
0x6ee: {  	p1 =	slt.s32 s4, $0x1  }
.Ltmp34:
0x6ef: {  	_ = 	snop;
	(pc) =	sbr.rel @p1 .LBB2_46-.Ltmp34, $1  }
0x6f0: {  	_ =	sdelay $0x3  }
0x6f1: {  	v32 =	vmin.f32 v11, v31  }
0x6f2: {  	v11 =	vmax.f32 v11, v31;
	v59 =	vmin.f32 v10, v32  }
0x6f3: {  	v10 =	vmax.f32 v10, v32;
	v60 =	vmax.f32 v9, v59;
	v9 =	vmin.f32 v9, v59  }
0x6f4: {  	v31 =	vmax.f32 v8, v9;
	v8 =	vmin.f32 v8, v9;
	v9 =	vmin.f32 v11, v30  }
0x6f5: {  	v7 =	vmax.f32 v7, v8;
	v8 =	vmax.f32 v11, v30;
	v11 =	vmin.f32 v10, v9  }
0x6f6: {  	v9 =	vmax.f32 v10, v9;
	v10 =	vmax.f32 v60, v11;
	v11 =	vmin.f32 v60, v11  }
0x6f7: {  	v62 =	vmin.f32 v8, v29;
	v61 =	vmax.f32 v31, v11;
	v11 =	vmin.f32 v31, v11  }
0x6f8: {  	v8 =	vmax.f32 v8, v29;
	v7 =	vmax.f32 v7, v11;
	v11 =	vmin.f32 v9, v62  }
0x6f9: {  	v33 =	vmin.f32 v8, v28;
	v63 =	vmax.f32 v10, v11;
	v10 =	vmin.f32 v10, v11  }
0x6fa: {  	v9 =	vmax.f32 v9, v62;
	v11 =	vmax.f32 v61, v10;
	v10 =	vmin.f32 v61, v10  }
0x6fb: {  	v8 =	vmax.f32 v8, v28;
	v7 =	vmax.f32 v7, v10;
	v10 =	vmin.f32 v9, v33  }
0x6fc: {  	v9 =	vmax.f32 v9, v33;
	v34 =	vmax.f32 v63, v10;
	v10 =	vmin.f32 v63, v10  }
0x6fd: {  	v29 =	vmax.f32 v11, v10;
	v10 =	vmin.f32 v11, v10;
	v11 =	vmin.f32 v8, v27  }
0x6fe: {  	v8 =	vmax.f32 v8, v27;
	v7 =	vmax.f32 v7, v10;
	v10 =	vmin.f32 v9, v11  }
0x6ff: {  	v9 =	vmax.f32 v9, v11;
	v11 =	vmax.f32 v34, v10;
	v10 =	vmin.f32 v34, v10  }
0x700: {  	v36 =	vmin.f32 v8, v26;
	v35 =	vmax.f32 v29, v10;
	v10 =	vmin.f32 v29, v10  }
0x701: {  	v8 =	vmax.f32 v8, v26;
	v7 =	vmax.f32 v7, v10;
	v10 =	vmin.f32 v9, v36  }
0x702: {  	v38 =	vmin.f32 v8, v25;
	v37 =	vmax.f32 v11, v10;
	v10 =	vmin.f32 v11, v10  }
0x703: {  	v9 =	vmax.f32 v9, v36;
	v11 =	vmax.f32 v35, v10;
	v10 =	vmin.f32 v35, v10  }
0x704: {  	v8 =	vmax.f32 v8, v25;
	v7 =	vmax.f32 v7, v10;
	v10 =	vmin.f32 v9, v38  }
0x705: {  	v9 =	vmax.f32 v9, v38;
	v39 =	vmax.f32 v37, v10;
	v10 =	vmin.f32 v37, v10  }
0x706: {  	v26 =	vmax.f32 v11, v10;
	v10 =	vmin.f32 v11, v10;
	v11 =	vmin.f32 v8, v24  }
0x707: {  	v8 =	vmax.f32 v8, v24;
	v7 =	vmax.f32 v7, v10;
	v10 =	vmin.f32 v9, v11  }
0x708: {  	v9 =	vmax.f32 v9, v11;
	v11 =	vmax.f32 v39, v10;
	v10 =	vmin.f32 v39, v10  }
0x709: {  	v41 =	vmin.f32 v8, v23;
	v40 =	vmax.f32 v26, v10;
	v10 =	vmin.f32 v26, v10  }
0x70a: {  	v8 =	vmax.f32 v8, v23;
	v7 =	vmax.f32 v7, v10;
	v10 =	vmin.f32 v9, v41  }
0x70b: {  	v43 =	vmin.f32 v8, v22;
	v42 =	vmax.f32 v11, v10;
	v10 =	vmin.f32 v11, v10  }
0x70c: {  	v9 =	vmax.f32 v9, v41;
	v11 =	vmax.f32 v40, v10;
	v10 =	vmin.f32 v40, v10  }
0x70d: {  	v8 =	vmax.f32 v8, v22;
	v7 =	vmax.f32 v7, v10;
	v10 =	vmin.f32 v9, v43  }
0x70e: {  	v9 =	vmax.f32 v9, v43;
	v44 =	vmax.f32 v42, v10;
	v10 =	vmin.f32 v42, v10  }
0x70f: {  	v23 =	vmax.f32 v11, v10;
	v10 =	vmin.f32 v11, v10;
	v11 =	vmin.f32 v8, v21  }
0x710: {  	v8 =	vmax.f32 v8, v21;
	v7 =	vmax.f32 v7, v10;
	v10 =	vmin.f32 v9, v11  }
0x711: {  	v9 =	vmax.f32 v9, v11;
	v11 =	vmax.f32 v44, v10;
	v10 =	vmin.f32 v44, v10  }
0x712: {  	v46 =	vmin.f32 v8, v20;
	v45 =	vmax.f32 v23, v10;
	v10 =	vmin.f32 v23, v10  }
0x713: {  	v8 =	vmax.f32 v8, v20;
	v7 =	vmax.f32 v7, v10;
	v10 =	vmin.f32 v9, v46  }
0x714: {  	v48 =	vmin.f32 v8, v19;
	v47 =	vmax.f32 v11, v10;
	v10 =	vmin.f32 v11, v10  }
0x715: {  	v9 =	vmax.f32 v9, v46;
	v11 =	vmax.f32 v45, v10;
	v10 =	vmin.f32 v45, v10  }
0x716: {  	v8 =	vmax.f32 v8, v19;
	v7 =	vmax.f32 v7, v10;
	v10 =	vmin.f32 v9, v48  }
0x717: {  	v9 =	vmax.f32 v9, v48;
	v49 =	vmax.f32 v47, v10;
	v10 =	vmin.f32 v47, v10  }
0x718: {  	v20 =	vmax.f32 v11, v10;
	v10 =	vmin.f32 v11, v10;
	v11 =	vmin.f32 v8, v18  }
0x719: {  	v8 =	vmax.f32 v8, v18;
	v7 =	vmax.f32 v7, v10;
	v10 =	vmin.f32 v9, v11  }
0x71a: {  	v9 =	vmax.f32 v9, v11;
	v11 =	vmax.f32 v49, v10;
	v10 =	vmin.f32 v49, v10  }
0x71b: {  	v51 =	vmin.f32 v8, v17;
	v50 =	vmax.f32 v20, v10;
	v10 =	vmin.f32 v20, v10  }
0x71c: {  	v8 =	vmax.f32 v8, v17;
	v7 =	vmax.f32 v7, v10;
	v10 =	vmin.f32 v9, v51  }
0x71d: {  	v53 =	vmin.f32 v8, v16;
	v52 =	vmax.f32 v11, v10;
	v10 =	vmin.f32 v11, v10  }
0x71e: {  	v9 =	vmax.f32 v9, v51;
	v11 =	vmax.f32 v50, v10;
	v10 =	vmin.f32 v50, v10  }
0x71f: {  	v8 =	vmax.f32 v8, v16;
	v7 =	vmax.f32 v7, v10;
	v10 =	vmin.f32 v9, v53  }
0x720: {  	v9 =	vmax.f32 v9, v53;
	v54 =	vmax.f32 v52, v10;
	v10 =	vmin.f32 v52, v10  }
0x721: {  	v17 =	vmax.f32 v11, v10;
	v10 =	vmin.f32 v11, v10;
	v11 =	vmin.f32 v8, v15  }
0x722: {  	v8 =	vmax.f32 v8, v15;
	v7 =	vmax.f32 v7, v10;
	v10 =	vmin.f32 v9, v11  }
0x723: {  	v9 =	vmax.f32 v9, v11;
	v11 =	vmax.f32 v54, v10;
	v10 =	vmin.f32 v54, v10  }
0x724: {  	v56 =	vmin.f32 v8, v14;
	v55 =	vmax.f32 v17, v10;
	v10 =	vmin.f32 v17, v10  }
0x725: {  	v8 =	vmax.f32 v8, v14;
	v7 =	vmax.f32 v7, v10;
	v10 =	vmin.f32 v9, v56  }
0x726: {  	v58 =	vmin.f32 v8, v13;
	v57 =	vmax.f32 v11, v10;
	v10 =	vmin.f32 v11, v10  }
0x727: {  	v9 =	vmax.f32 v9, v56;
	v11 =	vmax.f32 v55, v10;
	v10 =	vmin.f32 v55, v10  }
0x728: {  	v8 =	vmax.f32 v8, v13;
	v7 =	vmax.f32 v7, v10;
	v10 =	vmin.f32 v9, v58  }
0x729: {  	v60 =	vmin.f32 v8, v12;
	v9 =	vmax.f32 v9, v58;
	v59 =	vmin.f32 v57, v10  }
0x72a: {  	v14 =	vmax.f32 v57, v10;
	v61 =	vmin.f32 v9, v60;
	v10 =	vmin.f32 v11, v59  }
0x72b: {  	v13 =	vmax.f32 v11, v59;
	v62 =	vmin.f32 v14, v61;
	v11 =	vmax.f32 v8, v12  }
0x72c: {  	v7 =	vmax.f32 v7, v10;
	v10 =	vmax.f32 v9, v60;
	v63 =	vmin.f32 v13, v62  }
0x72d: {  	v9 =	vmax.f32 v14, v61;
	v8 =	vmax.f32 v13, v62;
	v7 =	vmax.f32 v7, v63  }
.LBB2_46:
0x72e: {  	v31 =	vld [tilespmem:s13+$0xFFFFFB00]  }
0x72f: {  	v30 =	vld [tilespmem:s13+$0xFFFFFB80]  }
0x730: {  	v29 =	vld [tilespmem:s13+$0xFFFFFC00]  }
0x731: {  	v28 =	vld [tilespmem:s13+$0xFFFFFC80]  }
0x732: {  	v27 =	vld [tilespmem:s13+$0xFFFFFD00]  }
0x733: {  	v26 =	vld [tilespmem:s13+$0xFFFFFD80]  }
0x734: {  	v25 =	vld [tilespmem:s13+$0xFFFFFE00]  }
0x735: {  	v24 =	vld [tilespmem:s13+$0xFFFFFE80]  }
0x736: {  	v23 =	vld [tilespmem:s13+$0xFFFFFF00]  }
0x737: {  	v22 =	vld [tilespmem:s13+$0xFFFFFF80]  }
0x738: {  	v21 =	vld [tilespmem:s13+$0x0]  }
0x739: {  	v20 =	vld [tilespmem:s13+$0x80]  }
0x73a: {  	v19 =	vld [tilespmem:s13+$0x100]  }
0x73b: {  	v18 =	vld [tilespmem:s13+$0x180]  }
0x73c: {  	v17 =	vld [tilespmem:s13+$0x200]  }
0x73d: {  	v16 =	vld [tilespmem:s13+$0x280]  }
0x73e: {  	v15 =	vld [tilespmem:s13+$0x300]  }
0x73f: {  	v14 =	vld [tilespmem:s13+$0x380]  }
0x740: {  	v13 =	vld [tilespmem:s13+$0x400]  }
0x741: {  	v12 =	vld [tilespmem:s13+$0x480];
	v32 =	vmax.f32 v31, v30  }
0x742: {  	v33 =	vmax.f32 v29, v28;
	v34 =	vmax.f32 v27, v26;
	v35 =	vmax.f32 v25, v24  }
0x743: {  	v36 =	vmax.f32 v23, v22;
	v37 =	vmax.f32 v21, v20;
	v38 =	vmax.f32 v19, v18  }
0x744: {  	v39 =	vmax.f32 v17, v16;
	v40 =	vmax.f32 v15, v14;
	v32 =	vmax.f32 v32, v33  }
0x745: {  	v58 =	vmax.f32 v34, v35;
	v59 =	vmax.f32 v36, v37;
	v60 =	vmax.f32 v38, v39  }
0x746: {  	v61 =	vmax.f32 v13, v12;
	v32 =	vmax.f32 v32, v58;
	v62 =	vmax.f32 v59, v60  }
0x747: {  	v63 =	vmax.f32 v40, v61;
	v32 =	vmax.f32 v32, v62  }
0x748: {  	v32 =	vmax.f32 v32, v63  }
0x749: {  	vm0 =	vgt.f32 v32, v7  }
0x74a: {  	v32 =	vmpcnt.ones.xlane vm0;
	_ =	sdelay $0x1  }
0x74b: {  	(v2sf) =	vpush v32, $0x0;
	_ =	sdelay $0xe  }
0x74c: {  	s4 =	spop (v2sf)  }
0x74d: {  	p1 =	slt.s32 s4, $0x1  }
.Ltmp35:
0x74e: {  	_ = 	snop;
	(pc) =	sbr.rel @p1 .LBB2_48-.Ltmp35, $1  }
0x74f: {  	_ =	sdelay $0x3  }
0x750: {  	v32 =	vmin.f32 v11, v31  }
0x751: {  	v11 =	vmax.f32 v11, v31;
	v59 =	vmin.f32 v10, v32  }
0x752: {  	v10 =	vmax.f32 v10, v32;
	v60 =	vmax.f32 v9, v59;
	v9 =	vmin.f32 v9, v59  }
0x753: {  	v31 =	vmax.f32 v8, v9;
	v8 =	vmin.f32 v8, v9;
	v9 =	vmin.f32 v11, v30  }
0x754: {  	v7 =	vmax.f32 v7, v8;
	v8 =	vmax.f32 v11, v30;
	v11 =	vmin.f32 v10, v9  }
0x755: {  	v9 =	vmax.f32 v10, v9;
	v10 =	vmax.f32 v60, v11;
	v11 =	vmin.f32 v60, v11  }
0x756: {  	v62 =	vmin.f32 v8, v29;
	v61 =	vmax.f32 v31, v11;
	v11 =	vmin.f32 v31, v11  }
0x757: {  	v8 =	vmax.f32 v8, v29;
	v7 =	vmax.f32 v7, v11;
	v11 =	vmin.f32 v9, v62  }
0x758: {  	v33 =	vmin.f32 v8, v28;
	v63 =	vmax.f32 v10, v11;
	v10 =	vmin.f32 v10, v11  }
0x759: {  	v9 =	vmax.f32 v9, v62;
	v11 =	vmax.f32 v61, v10;
	v10 =	vmin.f32 v61, v10  }
0x75a: {  	v8 =	vmax.f32 v8, v28;
	v7 =	vmax.f32 v7, v10;
	v10 =	vmin.f32 v9, v33  }
0x75b: {  	v9 =	vmax.f32 v9, v33;
	v34 =	vmax.f32 v63, v10;
	v10 =	vmin.f32 v63, v10  }
0x75c: {  	v29 =	vmax.f32 v11, v10;
	v10 =	vmin.f32 v11, v10;
	v11 =	vmin.f32 v8, v27  }
0x75d: {  	v8 =	vmax.f32 v8, v27;
	v7 =	vmax.f32 v7, v10;
	v10 =	vmin.f32 v9, v11  }
0x75e: {  	v9 =	vmax.f32 v9, v11;
	v11 =	vmax.f32 v34, v10;
	v10 =	vmin.f32 v34, v10  }
0x75f: {  	v36 =	vmin.f32 v8, v26;
	v35 =	vmax.f32 v29, v10;
	v10 =	vmin.f32 v29, v10  }
0x760: {  	v8 =	vmax.f32 v8, v26;
	v7 =	vmax.f32 v7, v10;
	v10 =	vmin.f32 v9, v36  }
0x761: {  	v38 =	vmin.f32 v8, v25;
	v37 =	vmax.f32 v11, v10;
	v10 =	vmin.f32 v11, v10  }
0x762: {  	v9 =	vmax.f32 v9, v36;
	v11 =	vmax.f32 v35, v10;
	v10 =	vmin.f32 v35, v10  }
0x763: {  	v8 =	vmax.f32 v8, v25;
	v7 =	vmax.f32 v7, v10;
	v10 =	vmin.f32 v9, v38  }
0x764: {  	v9 =	vmax.f32 v9, v38;
	v39 =	vmax.f32 v37, v10;
	v10 =	vmin.f32 v37, v10  }
0x765: {  	v26 =	vmax.f32 v11, v10;
	v10 =	vmin.f32 v11, v10;
	v11 =	vmin.f32 v8, v24  }
0x766: {  	v8 =	vmax.f32 v8, v24;
	v7 =	vmax.f32 v7, v10;
	v10 =	vmin.f32 v9, v11  }
0x767: {  	v9 =	vmax.f32 v9, v11;
	v11 =	vmax.f32 v39, v10;
	v10 =	vmin.f32 v39, v10  }
0x768: {  	v41 =	vmin.f32 v8, v23;
	v40 =	vmax.f32 v26, v10;
	v10 =	vmin.f32 v26, v10  }
0x769: {  	v8 =	vmax.f32 v8, v23;
	v7 =	vmax.f32 v7, v10;
	v10 =	vmin.f32 v9, v41  }
0x76a: {  	v43 =	vmin.f32 v8, v22;
	v42 =	vmax.f32 v11, v10;
	v10 =	vmin.f32 v11, v10  }
0x76b: {  	v9 =	vmax.f32 v9, v41;
	v11 =	vmax.f32 v40, v10;
	v10 =	vmin.f32 v40, v10  }
0x76c: {  	v8 =	vmax.f32 v8, v22;
	v7 =	vmax.f32 v7, v10;
	v10 =	vmin.f32 v9, v43  }
0x76d: {  	v9 =	vmax.f32 v9, v43;
	v44 =	vmax.f32 v42, v10;
	v10 =	vmin.f32 v42, v10  }
0x76e: {  	v23 =	vmax.f32 v11, v10;
	v10 =	vmin.f32 v11, v10;
	v11 =	vmin.f32 v8, v21  }
0x76f: {  	v8 =	vmax.f32 v8, v21;
	v7 =	vmax.f32 v7, v10;
	v10 =	vmin.f32 v9, v11  }
0x770: {  	v9 =	vmax.f32 v9, v11;
	v11 =	vmax.f32 v44, v10;
	v10 =	vmin.f32 v44, v10  }
0x771: {  	v46 =	vmin.f32 v8, v20;
	v45 =	vmax.f32 v23, v10;
	v10 =	vmin.f32 v23, v10  }
0x772: {  	v8 =	vmax.f32 v8, v20;
	v7 =	vmax.f32 v7, v10;
	v10 =	vmin.f32 v9, v46  }
0x773: {  	v48 =	vmin.f32 v8, v19;
	v47 =	vmax.f32 v11, v10;
	v10 =	vmin.f32 v11, v10  }
0x774: {  	v9 =	vmax.f32 v9, v46;
	v11 =	vmax.f32 v45, v10;
	v10 =	vmin.f32 v45, v10  }
0x775: {  	v8 =	vmax.f32 v8, v19;
	v7 =	vmax.f32 v7, v10;
	v10 =	vmin.f32 v9, v48  }
0x776: {  	v9 =	vmax.f32 v9, v48;
	v49 =	vmax.f32 v47, v10;
	v10 =	vmin.f32 v47, v10  }
0x777: {  	v20 =	vmax.f32 v11, v10;
	v10 =	vmin.f32 v11, v10;
	v11 =	vmin.f32 v8, v18  }
0x778: {  	v8 =	vmax.f32 v8, v18;
	v7 =	vmax.f32 v7, v10;
	v10 =	vmin.f32 v9, v11  }
0x779: {  	v9 =	vmax.f32 v9, v11;
	v11 =	vmax.f32 v49, v10;
	v10 =	vmin.f32 v49, v10  }
0x77a: {  	v51 =	vmin.f32 v8, v17;
	v50 =	vmax.f32 v20, v10;
	v10 =	vmin.f32 v20, v10  }
0x77b: {  	v8 =	vmax.f32 v8, v17;
	v7 =	vmax.f32 v7, v10;
	v10 =	vmin.f32 v9, v51  }
0x77c: {  	v53 =	vmin.f32 v8, v16;
	v52 =	vmax.f32 v11, v10;
	v10 =	vmin.f32 v11, v10  }
0x77d: {  	v9 =	vmax.f32 v9, v51;
	v11 =	vmax.f32 v50, v10;
	v10 =	vmin.f32 v50, v10  }
0x77e: {  	v8 =	vmax.f32 v8, v16;
	v7 =	vmax.f32 v7, v10;
	v10 =	vmin.f32 v9, v53  }
0x77f: {  	v9 =	vmax.f32 v9, v53;
	v54 =	vmax.f32 v52, v10;
	v10 =	vmin.f32 v52, v10  }
0x780: {  	v17 =	vmax.f32 v11, v10;
	v10 =	vmin.f32 v11, v10;
	v11 =	vmin.f32 v8, v15  }
0x781: {  	v8 =	vmax.f32 v8, v15;
	v7 =	vmax.f32 v7, v10;
	v10 =	vmin.f32 v9, v11  }
0x782: {  	v9 =	vmax.f32 v9, v11;
	v11 =	vmax.f32 v54, v10;
	v10 =	vmin.f32 v54, v10  }
0x783: {  	v56 =	vmin.f32 v8, v14;
	v55 =	vmax.f32 v17, v10;
	v10 =	vmin.f32 v17, v10  }
0x784: {  	v8 =	vmax.f32 v8, v14;
	v7 =	vmax.f32 v7, v10;
	v10 =	vmin.f32 v9, v56  }
0x785: {  	v58 =	vmin.f32 v8, v13;
	v57 =	vmax.f32 v11, v10;
	v10 =	vmin.f32 v11, v10  }
0x786: {  	v9 =	vmax.f32 v9, v56;
	v11 =	vmax.f32 v55, v10;
	v10 =	vmin.f32 v55, v10  }
0x787: {  	v8 =	vmax.f32 v8, v13;
	v7 =	vmax.f32 v7, v10;
	v10 =	vmin.f32 v9, v58  }
0x788: {  	v60 =	vmin.f32 v8, v12;
	v9 =	vmax.f32 v9, v58;
	v59 =	vmin.f32 v57, v10  }
0x789: {  	v14 =	vmax.f32 v57, v10;
	v61 =	vmin.f32 v9, v60;
	v10 =	vmin.f32 v11, v59  }
0x78a: {  	v13 =	vmax.f32 v11, v59;
	v62 =	vmin.f32 v14, v61;
	v11 =	vmax.f32 v8, v12  }
0x78b: {  	v7 =	vmax.f32 v7, v10;
	v10 =	vmax.f32 v9, v60;
	v63 =	vmin.f32 v13, v62  }
0x78c: {  	v9 =	vmax.f32 v14, v61;
	v8 =	vmax.f32 v13, v62;
	v7 =	vmax.f32 v7, v63  }
.LBB2_48:
0x78d: {  	v31 =	vld [tilespmem:s13+$0x500]  }
0x78e: {  	v30 =	vld [tilespmem:s13+$0x580]  }
0x78f: {  	v29 =	vld [tilespmem:s13+$0x600]  }
0x790: {  	v28 =	vld [tilespmem:s13+$0x680]  }
0x791: {  	v27 =	vld [tilespmem:s13+$0x700]  }
0x792: {  	v26 =	vld [tilespmem:s13+$0x780]  }
0x793: {  	v25 =	vld [tilespmem:s13+$0x800]  }
0x794: {  	v24 =	vld [tilespmem:s13+$0x880]  }
0x795: {  	v23 =	vld [tilespmem:s13+$0x900]  }
0x796: {  	v22 =	vld [tilespmem:s13+$0x980]  }
0x797: {  	v21 =	vld [tilespmem:s13+$0xA00]  }
0x798: {  	v20 =	vld [tilespmem:s13+$0xA80]  }
0x799: {  	v19 =	vld [tilespmem:s13+$0xB00]  }
0x79a: {  	v18 =	vld [tilespmem:s13+$0xB80]  }
0x79b: {  	v17 =	vld [tilespmem:s13+$0xC00]  }
0x79c: {  	v16 =	vld [tilespmem:s13+$0xC80]  }
0x79d: {  	v15 =	vld [tilespmem:s13+$0xD00]  }
0x79e: {  	v14 =	vld [tilespmem:s13+$0xD80]  }
0x79f: {  	v13 =	vld [tilespmem:s13+$0xE00]  }
0x7a0: {  	v12 =	vld [tilespmem:s13+$0xE80];
	v32 =	vmax.f32 v31, v30  }
0x7a1: {  	v33 =	vmax.f32 v29, v28;
	v34 =	vmax.f32 v27, v26;
	v35 =	vmax.f32 v25, v24  }
0x7a2: {  	v36 =	vmax.f32 v23, v22;
	v37 =	vmax.f32 v21, v20;
	v38 =	vmax.f32 v19, v18  }
0x7a3: {  	v39 =	vmax.f32 v17, v16;
	v40 =	vmax.f32 v15, v14;
	v32 =	vmax.f32 v32, v33  }
0x7a4: {  	v58 =	vmax.f32 v34, v35;
	v59 =	vmax.f32 v36, v37;
	v60 =	vmax.f32 v38, v39  }
0x7a5: {  	v61 =	vmax.f32 v13, v12;
	v32 =	vmax.f32 v32, v58;
	v62 =	vmax.f32 v59, v60  }
0x7a6: {  	v63 =	vmax.f32 v40, v61;
	v32 =	vmax.f32 v32, v62  }
0x7a7: {  	v32 =	vmax.f32 v32, v63  }
0x7a8: {  	vm0 =	vgt.f32 v32, v7  }
0x7a9: {  	v32 =	vmpcnt.ones.xlane vm0;
	_ =	sdelay $0x1  }
0x7aa: {  	(v2sf) =	vpush v32, $0x0;
	_ =	sdelay $0xe  }
0x7ab: {  	s4 =	spop (v2sf)  }
0x7ac: {  	p1 =	slt.s32 s4, $0x1  }
.Ltmp36:
0x7ad: {  	_ = 	snop;
	(pc) =	sbr.rel @p1 .LBB2_50-.Ltmp36, $1  }
0x7ae: {  	_ =	sdelay $0x3  }
0x7af: {  	v32 =	vmin.f32 v11, v31  }
0x7b0: {  	v11 =	vmax.f32 v11, v31;
	v59 =	vmin.f32 v10, v32  }
0x7b1: {  	v10 =	vmax.f32 v10, v32;
	v60 =	vmax.f32 v9, v59;
	v9 =	vmin.f32 v9, v59  }
0x7b2: {  	v31 =	vmax.f32 v8, v9;
	v8 =	vmin.f32 v8, v9;
	v9 =	vmin.f32 v11, v30  }
0x7b3: {  	v7 =	vmax.f32 v7, v8;
	v8 =	vmax.f32 v11, v30;
	v11 =	vmin.f32 v10, v9  }
0x7b4: {  	v9 =	vmax.f32 v10, v9;
	v10 =	vmax.f32 v60, v11;
	v11 =	vmin.f32 v60, v11  }
0x7b5: {  	v62 =	vmin.f32 v8, v29;
	v61 =	vmax.f32 v31, v11;
	v11 =	vmin.f32 v31, v11  }
0x7b6: {  	v8 =	vmax.f32 v8, v29;
	v7 =	vmax.f32 v7, v11;
	v11 =	vmin.f32 v9, v62  }
0x7b7: {  	v33 =	vmin.f32 v8, v28;
	v63 =	vmax.f32 v10, v11;
	v10 =	vmin.f32 v10, v11  }
0x7b8: {  	v9 =	vmax.f32 v9, v62;
	v11 =	vmax.f32 v61, v10;
	v10 =	vmin.f32 v61, v10  }
0x7b9: {  	v8 =	vmax.f32 v8, v28;
	v7 =	vmax.f32 v7, v10;
	v10 =	vmin.f32 v9, v33  }
0x7ba: {  	v9 =	vmax.f32 v9, v33;
	v34 =	vmax.f32 v63, v10;
	v10 =	vmin.f32 v63, v10  }
0x7bb: {  	v29 =	vmax.f32 v11, v10;
	v10 =	vmin.f32 v11, v10;
	v11 =	vmin.f32 v8, v27  }
0x7bc: {  	v8 =	vmax.f32 v8, v27;
	v7 =	vmax.f32 v7, v10;
	v10 =	vmin.f32 v9, v11  }
0x7bd: {  	v9 =	vmax.f32 v9, v11;
	v11 =	vmax.f32 v34, v10;
	v10 =	vmin.f32 v34, v10  }
0x7be: {  	v36 =	vmin.f32 v8, v26;
	v35 =	vmax.f32 v29, v10;
	v10 =	vmin.f32 v29, v10  }
0x7bf: {  	v8 =	vmax.f32 v8, v26;
	v7 =	vmax.f32 v7, v10;
	v10 =	vmin.f32 v9, v36  }
0x7c0: {  	v38 =	vmin.f32 v8, v25;
	v37 =	vmax.f32 v11, v10;
	v10 =	vmin.f32 v11, v10  }
0x7c1: {  	v9 =	vmax.f32 v9, v36;
	v11 =	vmax.f32 v35, v10;
	v10 =	vmin.f32 v35, v10  }
0x7c2: {  	v8 =	vmax.f32 v8, v25;
	v7 =	vmax.f32 v7, v10;
	v10 =	vmin.f32 v9, v38  }
0x7c3: {  	v9 =	vmax.f32 v9, v38;
	v39 =	vmax.f32 v37, v10;
	v10 =	vmin.f32 v37, v10  }
0x7c4: {  	v26 =	vmax.f32 v11, v10;
	v10 =	vmin.f32 v11, v10;
	v11 =	vmin.f32 v8, v24  }
0x7c5: {  	v8 =	vmax.f32 v8, v24;
	v7 =	vmax.f32 v7, v10;
	v10 =	vmin.f32 v9, v11  }
0x7c6: {  	v9 =	vmax.f32 v9, v11;
	v11 =	vmax.f32 v39, v10;
	v10 =	vmin.f32 v39, v10  }
0x7c7: {  	v41 =	vmin.f32 v8, v23;
	v40 =	vmax.f32 v26, v10;
	v10 =	vmin.f32 v26, v10  }
0x7c8: {  	v8 =	vmax.f32 v8, v23;
	v7 =	vmax.f32 v7, v10;
	v10 =	vmin.f32 v9, v41  }
0x7c9: {  	v43 =	vmin.f32 v8, v22;
	v42 =	vmax.f32 v11, v10;
	v10 =	vmin.f32 v11, v10  }
0x7ca: {  	v9 =	vmax.f32 v9, v41;
	v11 =	vmax.f32 v40, v10;
	v10 =	vmin.f32 v40, v10  }
0x7cb: {  	v8 =	vmax.f32 v8, v22;
	v7 =	vmax.f32 v7, v10;
	v10 =	vmin.f32 v9, v43  }
0x7cc: {  	v9 =	vmax.f32 v9, v43;
	v44 =	vmax.f32 v42, v10;
	v10 =	vmin.f32 v42, v10  }
0x7cd: {  	v23 =	vmax.f32 v11, v10;
	v10 =	vmin.f32 v11, v10;
	v11 =	vmin.f32 v8, v21  }
0x7ce: {  	v8 =	vmax.f32 v8, v21;
	v7 =	vmax.f32 v7, v10;
	v10 =	vmin.f32 v9, v11  }
0x7cf: {  	v9 =	vmax.f32 v9, v11;
	v11 =	vmax.f32 v44, v10;
	v10 =	vmin.f32 v44, v10  }
0x7d0: {  	v46 =	vmin.f32 v8, v20;
	v45 =	vmax.f32 v23, v10;
	v10 =	vmin.f32 v23, v10  }
0x7d1: {  	v8 =	vmax.f32 v8, v20;
	v7 =	vmax.f32 v7, v10;
	v10 =	vmin.f32 v9, v46  }
0x7d2: {  	v48 =	vmin.f32 v8, v19;
	v47 =	vmax.f32 v11, v10;
	v10 =	vmin.f32 v11, v10  }
0x7d3: {  	v9 =	vmax.f32 v9, v46;
	v11 =	vmax.f32 v45, v10;
	v10 =	vmin.f32 v45, v10  }
0x7d4: {  	v8 =	vmax.f32 v8, v19;
	v7 =	vmax.f32 v7, v10;
	v10 =	vmin.f32 v9, v48  }
0x7d5: {  	v9 =	vmax.f32 v9, v48;
	v49 =	vmax.f32 v47, v10;
	v10 =	vmin.f32 v47, v10  }
0x7d6: {  	v20 =	vmax.f32 v11, v10;
	v10 =	vmin.f32 v11, v10;
	v11 =	vmin.f32 v8, v18  }
0x7d7: {  	v8 =	vmax.f32 v8, v18;
	v7 =	vmax.f32 v7, v10;
	v10 =	vmin.f32 v9, v11  }
0x7d8: {  	v9 =	vmax.f32 v9, v11;
	v11 =	vmax.f32 v49, v10;
	v10 =	vmin.f32 v49, v10  }
0x7d9: {  	v51 =	vmin.f32 v8, v17;
	v50 =	vmax.f32 v20, v10;
	v10 =	vmin.f32 v20, v10  }
0x7da: {  	v8 =	vmax.f32 v8, v17;
	v7 =	vmax.f32 v7, v10;
	v10 =	vmin.f32 v9, v51  }
0x7db: {  	v53 =	vmin.f32 v8, v16;
	v52 =	vmax.f32 v11, v10;
	v10 =	vmin.f32 v11, v10  }
0x7dc: {  	v9 =	vmax.f32 v9, v51;
	v11 =	vmax.f32 v50, v10;
	v10 =	vmin.f32 v50, v10  }
0x7dd: {  	v8 =	vmax.f32 v8, v16;
	v7 =	vmax.f32 v7, v10;
	v10 =	vmin.f32 v9, v53  }
0x7de: {  	v9 =	vmax.f32 v9, v53;
	v54 =	vmax.f32 v52, v10;
	v10 =	vmin.f32 v52, v10  }
0x7df: {  	v17 =	vmax.f32 v11, v10;
	v10 =	vmin.f32 v11, v10;
	v11 =	vmin.f32 v8, v15  }
0x7e0: {  	v8 =	vmax.f32 v8, v15;
	v7 =	vmax.f32 v7, v10;
	v10 =	vmin.f32 v9, v11  }
0x7e1: {  	v9 =	vmax.f32 v9, v11;
	v11 =	vmax.f32 v54, v10;
	v10 =	vmin.f32 v54, v10  }
0x7e2: {  	v56 =	vmin.f32 v8, v14;
	v55 =	vmax.f32 v17, v10;
	v10 =	vmin.f32 v17, v10  }
0x7e3: {  	v8 =	vmax.f32 v8, v14;
	v7 =	vmax.f32 v7, v10;
	v10 =	vmin.f32 v9, v56  }
0x7e4: {  	v58 =	vmin.f32 v8, v13;
	v57 =	vmax.f32 v11, v10;
	v10 =	vmin.f32 v11, v10  }
0x7e5: {  	v9 =	vmax.f32 v9, v56;
	v11 =	vmax.f32 v55, v10;
	v10 =	vmin.f32 v55, v10  }
0x7e6: {  	v8 =	vmax.f32 v8, v13;
	v7 =	vmax.f32 v7, v10;
	v10 =	vmin.f32 v9, v58  }
0x7e7: {  	v60 =	vmin.f32 v8, v12;
	v9 =	vmax.f32 v9, v58;
	v59 =	vmin.f32 v57, v10  }
0x7e8: {  	v14 =	vmax.f32 v57, v10;
	v61 =	vmin.f32 v9, v60;
	v10 =	vmin.f32 v11, v59  }
0x7e9: {  	v13 =	vmax.f32 v11, v59;
	v62 =	vmin.f32 v14, v61;
	v11 =	vmax.f32 v8, v12  }
0x7ea: {  	v7 =	vmax.f32 v7, v10;
	v10 =	vmax.f32 v9, v60;
	v63 =	vmin.f32 v13, v62  }
0x7eb: {  	v9 =	vmax.f32 v14, v61;
	v8 =	vmax.f32 v13, v62;
	v7 =	vmax.f32 v7, v63  }
.LBB2_50:
0x7ec: {  	v31 =	vld [tilespmem:s13+$0xF00]  }
0x7ed: {  	v30 =	vld [tilespmem:s13+$0xF80]  }
0x7ee: {  	v29 =	vld [tilespmem:s13+$0x1000]  }
0x7ef: {  	v28 =	vld [tilespmem:s13+$0x1080]  }
0x7f0: {  	v27 =	vld [tilespmem:s13+$0x1100]  }
0x7f1: {  	v26 =	vld [tilespmem:s13+$0x1180]  }
0x7f2: {  	v25 =	vld [tilespmem:s13+$0x1200]  }
0x7f3: {  	v24 =	vld [tilespmem:s13+$0x1280]  }
0x7f4: {  	v23 =	vld [tilespmem:s13+$0x1300]  }
0x7f5: {  	v22 =	vld [tilespmem:s13+$0x1380]  }
0x7f6: {  	v21 =	vld [tilespmem:s13+$0x1400]  }
0x7f7: {  	v20 =	vld [tilespmem:s13+$0x1480]  }
0x7f8: {  	v19 =	vld [tilespmem:s13+$0x1500]  }
0x7f9: {  	v18 =	vld [tilespmem:s13+$0x1580]  }
0x7fa: {  	v17 =	vld [tilespmem:s13+$0x1600]  }
0x7fb: {  	v16 =	vld [tilespmem:s13+$0x1680]  }
0x7fc: {  	v15 =	vld [tilespmem:s13+$0x1700]  }
0x7fd: {  	v14 =	vld [tilespmem:s13+$0x1780]  }
0x7fe: {  	v13 =	vld [tilespmem:s13+$0x1800]  }
0x7ff: {  	v12 =	vld [tilespmem:s13+$0x1880];
	v32 =	vmax.f32 v31, v30  }
0x800: {  	v33 =	vmax.f32 v29, v28;
	v34 =	vmax.f32 v27, v26;
	v35 =	vmax.f32 v25, v24  }
0x801: {  	v36 =	vmax.f32 v23, v22;
	v37 =	vmax.f32 v21, v20;
	v38 =	vmax.f32 v19, v18  }
0x802: {  	v39 =	vmax.f32 v17, v16;
	v40 =	vmax.f32 v15, v14;
	v32 =	vmax.f32 v32, v33  }
0x803: {  	v58 =	vmax.f32 v34, v35;
	v59 =	vmax.f32 v36, v37;
	v60 =	vmax.f32 v38, v39  }
0x804: {  	v61 =	vmax.f32 v13, v12;
	v32 =	vmax.f32 v32, v58;
	v62 =	vmax.f32 v59, v60  }
0x805: {  	v63 =	vmax.f32 v40, v61;
	v32 =	vmax.f32 v32, v62  }
0x806: {  	v32 =	vmax.f32 v32, v63  }
0x807: {  	vm0 =	vgt.f32 v32, v7  }
0x808: {  	v32 =	vmpcnt.ones.xlane vm0;
	_ =	sdelay $0x1  }
0x809: {  	(v2sf) =	vpush v32, $0x0;
	_ =	sdelay $0xe  }
0x80a: {  	s4 =	spop (v2sf)  }
0x80b: {  	p1 =	slt.s32 s4, $0x1  }
.Ltmp37:
0x80c: {  	_ = 	snop;
	(pc) =	sbr.rel @p1 .LBB2_52-.Ltmp37, $1  }
0x80d: {  	_ =	sdelay $0x3  }
0x80e: {  	v32 =	vmin.f32 v11, v31  }
0x80f: {  	v11 =	vmax.f32 v11, v31;
	v59 =	vmin.f32 v10, v32  }
0x810: {  	v10 =	vmax.f32 v10, v32;
	v60 =	vmax.f32 v9, v59;
	v9 =	vmin.f32 v9, v59  }
0x811: {  	v31 =	vmax.f32 v8, v9;
	v8 =	vmin.f32 v8, v9;
	v9 =	vmin.f32 v11, v30  }
0x812: {  	v7 =	vmax.f32 v7, v8;
	v8 =	vmax.f32 v11, v30;
	v11 =	vmin.f32 v10, v9  }
0x813: {  	v9 =	vmax.f32 v10, v9;
	v10 =	vmax.f32 v60, v11;
	v11 =	vmin.f32 v60, v11  }
0x814: {  	v62 =	vmin.f32 v8, v29;
	v61 =	vmax.f32 v31, v11;
	v11 =	vmin.f32 v31, v11  }
0x815: {  	v8 =	vmax.f32 v8, v29;
	v7 =	vmax.f32 v7, v11;
	v11 =	vmin.f32 v9, v62  }
0x816: {  	v33 =	vmin.f32 v8, v28;
	v63 =	vmax.f32 v10, v11;
	v10 =	vmin.f32 v10, v11  }
0x817: {  	v9 =	vmax.f32 v9, v62;
	v11 =	vmax.f32 v61, v10;
	v10 =	vmin.f32 v61, v10  }
0x818: {  	v8 =	vmax.f32 v8, v28;
	v7 =	vmax.f32 v7, v10;
	v10 =	vmin.f32 v9, v33  }
0x819: {  	v9 =	vmax.f32 v9, v33;
	v34 =	vmax.f32 v63, v10;
	v10 =	vmin.f32 v63, v10  }
0x81a: {  	v29 =	vmax.f32 v11, v10;
	v10 =	vmin.f32 v11, v10;
	v11 =	vmin.f32 v8, v27  }
0x81b: {  	v8 =	vmax.f32 v8, v27;
	v7 =	vmax.f32 v7, v10;
	v10 =	vmin.f32 v9, v11  }
0x81c: {  	v9 =	vmax.f32 v9, v11;
	v11 =	vmax.f32 v34, v10;
	v10 =	vmin.f32 v34, v10  }
0x81d: {  	v36 =	vmin.f32 v8, v26;
	v35 =	vmax.f32 v29, v10;
	v10 =	vmin.f32 v29, v10  }
0x81e: {  	v8 =	vmax.f32 v8, v26;
	v7 =	vmax.f32 v7, v10;
	v10 =	vmin.f32 v9, v36  }
0x81f: {  	v38 =	vmin.f32 v8, v25;
	v37 =	vmax.f32 v11, v10;
	v10 =	vmin.f32 v11, v10  }
0x820: {  	v9 =	vmax.f32 v9, v36;
	v11 =	vmax.f32 v35, v10;
	v10 =	vmin.f32 v35, v10  }
0x821: {  	v8 =	vmax.f32 v8, v25;
	v7 =	vmax.f32 v7, v10;
	v10 =	vmin.f32 v9, v38  }
0x822: {  	v9 =	vmax.f32 v9, v38;
	v39 =	vmax.f32 v37, v10;
	v10 =	vmin.f32 v37, v10  }
0x823: {  	v26 =	vmax.f32 v11, v10;
	v10 =	vmin.f32 v11, v10;
	v11 =	vmin.f32 v8, v24  }
0x824: {  	v8 =	vmax.f32 v8, v24;
	v7 =	vmax.f32 v7, v10;
	v10 =	vmin.f32 v9, v11  }
0x825: {  	v9 =	vmax.f32 v9, v11;
	v11 =	vmax.f32 v39, v10;
	v10 =	vmin.f32 v39, v10  }
0x826: {  	v41 =	vmin.f32 v8, v23;
	v40 =	vmax.f32 v26, v10;
	v10 =	vmin.f32 v26, v10  }
0x827: {  	v8 =	vmax.f32 v8, v23;
	v7 =	vmax.f32 v7, v10;
	v10 =	vmin.f32 v9, v41  }
0x828: {  	v43 =	vmin.f32 v8, v22;
	v42 =	vmax.f32 v11, v10;
	v10 =	vmin.f32 v11, v10  }
0x829: {  	v9 =	vmax.f32 v9, v41;
	v11 =	vmax.f32 v40, v10;
	v10 =	vmin.f32 v40, v10  }
0x82a: {  	v8 =	vmax.f32 v8, v22;
	v7 =	vmax.f32 v7, v10;
	v10 =	vmin.f32 v9, v43  }
0x82b: {  	v9 =	vmax.f32 v9, v43;
	v44 =	vmax.f32 v42, v10;
	v10 =	vmin.f32 v42, v10  }
0x82c: {  	v23 =	vmax.f32 v11, v10;
	v10 =	vmin.f32 v11, v10;
	v11 =	vmin.f32 v8, v21  }
0x82d: {  	v8 =	vmax.f32 v8, v21;
	v7 =	vmax.f32 v7, v10;
	v10 =	vmin.f32 v9, v11  }
0x82e: {  	v9 =	vmax.f32 v9, v11;
	v11 =	vmax.f32 v44, v10;
	v10 =	vmin.f32 v44, v10  }
0x82f: {  	v46 =	vmin.f32 v8, v20;
	v45 =	vmax.f32 v23, v10;
	v10 =	vmin.f32 v23, v10  }
0x830: {  	v8 =	vmax.f32 v8, v20;
	v7 =	vmax.f32 v7, v10;
	v10 =	vmin.f32 v9, v46  }
0x831: {  	v48 =	vmin.f32 v8, v19;
	v47 =	vmax.f32 v11, v10;
	v10 =	vmin.f32 v11, v10  }
0x832: {  	v9 =	vmax.f32 v9, v46;
	v11 =	vmax.f32 v45, v10;
	v10 =	vmin.f32 v45, v10  }
0x833: {  	v8 =	vmax.f32 v8, v19;
	v7 =	vmax.f32 v7, v10;
	v10 =	vmin.f32 v9, v48  }
0x834: {  	v9 =	vmax.f32 v9, v48;
	v49 =	vmax.f32 v47, v10;
	v10 =	vmin.f32 v47, v10  }
0x835: {  	v20 =	vmax.f32 v11, v10;
	v10 =	vmin.f32 v11, v10;
	v11 =	vmin.f32 v8, v18  }
0x836: {  	v8 =	vmax.f32 v8, v18;
	v7 =	vmax.f32 v7, v10;
	v10 =	vmin.f32 v9, v11  }
0x837: {  	v9 =	vmax.f32 v9, v11;
	v11 =	vmax.f32 v49, v10;
	v10 =	vmin.f32 v49, v10  }
0x838: {  	v51 =	vmin.f32 v8, v17;
	v50 =	vmax.f32 v20, v10;
	v10 =	vmin.f32 v20, v10  }
0x839: {  	v8 =	vmax.f32 v8, v17;
	v7 =	vmax.f32 v7, v10;
	v10 =	vmin.f32 v9, v51  }
0x83a: {  	v53 =	vmin.f32 v8, v16;
	v52 =	vmax.f32 v11, v10;
	v10 =	vmin.f32 v11, v10  }
0x83b: {  	v9 =	vmax.f32 v9, v51;
	v11 =	vmax.f32 v50, v10;
	v10 =	vmin.f32 v50, v10  }
0x83c: {  	v8 =	vmax.f32 v8, v16;
	v7 =	vmax.f32 v7, v10;
	v10 =	vmin.f32 v9, v53  }
0x83d: {  	v9 =	vmax.f32 v9, v53;
	v54 =	vmax.f32 v52, v10;
	v10 =	vmin.f32 v52, v10  }
0x83e: {  	v17 =	vmax.f32 v11, v10;
	v10 =	vmin.f32 v11, v10;
	v11 =	vmin.f32 v8, v15  }
0x83f: {  	v8 =	vmax.f32 v8, v15;
	v7 =	vmax.f32 v7, v10;
	v10 =	vmin.f32 v9, v11  }
0x840: {  	v9 =	vmax.f32 v9, v11;
	v11 =	vmax.f32 v54, v10;
	v10 =	vmin.f32 v54, v10  }
0x841: {  	v56 =	vmin.f32 v8, v14;
	v55 =	vmax.f32 v17, v10;
	v10 =	vmin.f32 v17, v10  }
0x842: {  	v8 =	vmax.f32 v8, v14;
	v7 =	vmax.f32 v7, v10;
	v10 =	vmin.f32 v9, v56  }
0x843: {  	v58 =	vmin.f32 v8, v13;
	v57 =	vmax.f32 v11, v10;
	v10 =	vmin.f32 v11, v10  }
0x844: {  	v9 =	vmax.f32 v9, v56;
	v11 =	vmax.f32 v55, v10;
	v10 =	vmin.f32 v55, v10  }
0x845: {  	v8 =	vmax.f32 v8, v13;
	v7 =	vmax.f32 v7, v10;
	v10 =	vmin.f32 v9, v58  }
.Ltmp38:
0x846: {  	v60 =	vmin.f32 v8, v12;
	v9 =	vmax.f32 v9, v58;
	v59 =	vmin.f32 v57, v10;
	(pc) =	sbr.rel .LBB2_52-.Ltmp38, $4  }
0x847: {  	v14 =	vmax.f32 v57, v10;
	v61 =	vmin.f32 v9, v60;
	v10 =	vmin.f32 v11, v59  }
0x848: {  	v13 =	vmax.f32 v11, v59;
	v62 =	vmin.f32 v14, v61;
	v11 =	vmax.f32 v8, v12  }
0x849: {  	v7 =	vmax.f32 v7, v10;
	v10 =	vmax.f32 v9, v60;
	v63 =	vmin.f32 v13, v62  }
0x84a: {  	v9 =	vmax.f32 v14, v61;
	v8 =	vmax.f32 v13, v62;
	v7 =	vmax.f32 v7, v63  }
.LBB2_54:
0x84b: {  	p1 =	seq.s32 s26, $0x3D  }
.Ltmp39:
0x84c: {  	_ = 	snop;
	(pc) =	sbr.rel @p1 .LBB2_56-.Ltmp39, $1  }
0x84d: {  	_ =	sdelay $0x3  }
.Ltmp40:
0x84e: {  	s0 =	sadd.s32 s28, s11;
	(pc) =	sbr.rel .LBB2_2-.Ltmp40, $4  }
0x84f: {  	s0 =	sshll.u32 s0, $0x7  }
0x850: {  	s0 =	sand.u32 $0x1FFFFF80, s0  }
0x851: {  	s26 =	sadd.s32 $0x1, s26;
	s0 =	sadd.s32 s1, s0  }
0x852: {  	[tilespmem:s19], [sflag:$0x2] =	stream.strided.gather [hbm4b:s0+s16], $0x6400, s17, s16, $0x38;
	[tilespmem:$0xFF80] =	vst v63  }
.LBB2_56:
.Ltmp41:
0x853: {  	(pc) =	sbr.rel .LBB2_57-.Ltmp41, $4  }
0x854: {  	_ = 	snop  }
0x855: {  	_ =	swait.ge [sflag:s20], $0x6400  }
0x856: {  	s29 =	simm.s32 $0x0;
	[sflag:s20] =	ssyncset.done $0x0  }
0x857: {  	s26 =	simm.s32 $0x4D80;
	s28 =	simm.s32 $0x4D90;
	[sflag:s20] =	ssyncadd.s32 $0xFFFF9C00  }
.LBB2_81:
0x858: {  	[tilespmem:s24+$0x80] =	vst v9  }
0x859: {  	[tilespmem:s24+$0x100] =	vst v8  }
0x85a: {  	[tilespmem:s24+$0x180] =	vst v7  }
0x85b: {  	[tilespmem:s24+$0x200] =	vst v6  }
0x85c: {  	[tilespmem:s24+$0x280] =	vst v5  }
0x85d: {  	v5 =	vld [tilespmem:s0+$0x0];
	_ =	sdelay $0x4  }
0x85e: {  	vm0 =	vgt.s32 v5, $0x0  }
0x85f: {  	v5 =	vnsel vm0, $0x0, v5  }
0x860: {  	v5 =	vmin.u32 v5, $0x1869F  }
0x861: {  	vm15 =	vge.u32 v5, v0;
	vm1 =	vlt.u32 v5, v1;
	v5 =	vsub.s32 v5, v0  }
0x862: {  	vm0 =	vmand vm15, vm1;
	v5 =	vshll.u32 v5, $0x7  }
0x863: {  	v5 =	vnsel vm0, $0x0, v5  }
0x864: {  	v5 =	vor.u32 s0, v5  }
0x865: {  	v5 =	vor.u32 v4, v5;
	_ =	sdelay $0x3  }
0x866: {  	v6 =	vld [tilespmem:s24+$0x300]  }
0x867: {  	v5 =	vld.idx.msk [tilespmem:v5+s18+$0x0], $0xffff  }
0x868: {  	p1 =	slt.u32 s29, $0x6  }
.Ltmp42:
0x869: {  	_ = 	snop;
	(pc) =	sbr.rel @!p1 .LBB2_82-.Ltmp42, $3  }
0x86a: {  	_ =	sdelay $0x1  }
0x86b: {  	s31 =	sadd.s32 $0x2, s29;
	v5 =	vsel vm0, v5, v6  }
0x86c: {  	s26 =	sadd.s32 $0x20, s26;
	s28 =	sadd.s32 $0x20, s28;
	s29 =	smov.u32 s31;
	[tilespmem:s24+$0x300] =	vst v5  }
.LBB2_57:
0x86d: {  	s0 =	smul.u32 $0xC00, s29;
	_ =	sdelay $0x1  }
0x86e: {  	s0 =	sshra.s32 s0, $0x2  }
.Ltmp43:
0x86f: {  	v9 =	vld [tilespmem:s0+$0x80];
	(pc) =	sbr.rel .LBB2_58-.Ltmp43, $4  }
0x870: {  	v8 =	vld [tilespmem:s0+$0x100]  }
0x871: {  	v7 =	vld [tilespmem:s0+$0x180]  }
0x872: {  	v6 =	vld [tilespmem:s0+$0x200]  }
0x873: {  	s24 =	sshll.u32 s29, $0x4;
	s22 =	simm.s32 $0xFFFFFFFB;
	s13 =	smov.u32 s26;
	v5 =	vld [tilespmem:s0+$0x280]  }
.LBB2_68:
0x874: {  	s4 =	sadd.s32 $0x5, s22  }
0x875: {  	p1 =	slt.u32 s4, s22  }
.Ltmp44:
0x876: {  	_ = 	snop;
	(pc) =	sbr.rel @!p1 .LBB2_69-.Ltmp44, $2  }
0x877: {  	_ =	sdelay $0x2  }
0x878: {  	s13 =	sadd.s32 $0x3200, s13;
	s22 =	smov.u32 s4  }
.LBB2_58:
0x879: {  	v29 =	vld [tilespmem:s13+$0xFFFFE700]  }
0x87a: {  	v28 =	vld [tilespmem:s13+$0xFFFFE780]  }
0x87b: {  	v27 =	vld [tilespmem:s13+$0xFFFFE800]  }
0x87c: {  	v26 =	vld [tilespmem:s13+$0xFFFFE880]  }
0x87d: {  	v25 =	vld [tilespmem:s13+$0xFFFFE900]  }
0x87e: {  	v24 =	vld [tilespmem:s13+$0xFFFFE980]  }
0x87f: {  	v23 =	vld [tilespmem:s13+$0xFFFFEA00]  }
0x880: {  	v22 =	vld [tilespmem:s13+$0xFFFFEA80]  }
0x881: {  	v21 =	vld [tilespmem:s13+$0xFFFFEB00]  }
0x882: {  	v20 =	vld [tilespmem:s13+$0xFFFFEB80]  }
0x883: {  	v19 =	vld [tilespmem:s13+$0xFFFFEC00]  }
0x884: {  	v18 =	vld [tilespmem:s13+$0xFFFFEC80]  }
0x885: {  	v17 =	vld [tilespmem:s13+$0xFFFFED00]  }
0x886: {  	v16 =	vld [tilespmem:s13+$0xFFFFED80]  }
0x887: {  	v15 =	vld [tilespmem:s13+$0xFFFFEE00]  }
0x888: {  	v14 =	vld [tilespmem:s13+$0xFFFFEE80]  }
0x889: {  	v13 =	vld [tilespmem:s13+$0xFFFFEF00]  }
0x88a: {  	v12 =	vld [tilespmem:s13+$0xFFFFEF80]  }
0x88b: {  	v11 =	vld [tilespmem:s13+$0xFFFFF000]  }
0x88c: {  	v10 =	vld [tilespmem:s13+$0xFFFFF080];
	v30 =	vmax.f32 v29, v28  }
0x88d: {  	v31 =	vmax.f32 v27, v26;
	v32 =	vmax.f32 v25, v24;
	v33 =	vmax.f32 v23, v22  }
0x88e: {  	v34 =	vmax.f32 v21, v20;
	v35 =	vmax.f32 v19, v18;
	v36 =	vmax.f32 v17, v16  }
0x88f: {  	v37 =	vmax.f32 v15, v14;
	v38 =	vmax.f32 v13, v12;
	v30 =	vmax.f32 v30, v31  }
0x890: {  	v31 =	vmax.f32 v32, v33;
	v60 =	vmax.f32 v34, v35;
	v61 =	vmax.f32 v36, v37  }
0x891: {  	v62 =	vmax.f32 v11, v10;
	v30 =	vmax.f32 v30, v31;
	v31 =	vmax.f32 v60, v61  }
0x892: {  	v63 =	vmax.f32 v38, v62;
	v30 =	vmax.f32 v30, v31  }
0x893: {  	v30 =	vmax.f32 v30, v63  }
0x894: {  	vm0 =	vgt.f32 v30, v5  }
0x895: {  	v30 =	vmpcnt.ones.xlane vm0;
	_ =	sdelay $0x1  }
0x896: {  	(v2sf) =	vpush v30, $0x0;
	_ =	sdelay $0xe  }
0x897: {  	s4 =	spop (v2sf)  }
0x898: {  	p1 =	slt.s32 s4, $0x1  }
.Ltmp45:
0x899: {  	_ = 	snop;
	(pc) =	sbr.rel @p1 .LBB2_60-.Ltmp45, $1  }
0x89a: {  	_ =	sdelay $0x3  }
0x89b: {  	v30 =	vmin.f32 v9, v29  }
0x89c: {  	v9 =	vmax.f32 v9, v29;
	v62 =	vmin.f32 v8, v30  }
0x89d: {  	v8 =	vmax.f32 v8, v30;
	v63 =	vmax.f32 v7, v62;
	v7 =	vmin.f32 v7, v62  }
0x89e: {  	v29 =	vmax.f32 v6, v7;
	v6 =	vmin.f32 v6, v7;
	v7 =	vmin.f32 v9, v28  }
0x89f: {  	v5 =	vmax.f32 v5, v6;
	v6 =	vmax.f32 v9, v28;
	v9 =	vmin.f32 v8, v7  }
0x8a0: {  	v7 =	vmax.f32 v8, v7;
	v8 =	vmax.f32 v63, v9;
	v9 =	vmin.f32 v63, v9  }
0x8a1: {  	v33 =	vmin.f32 v6, v27;
	v32 =	vmax.f32 v29, v9;
	v9 =	vmin.f32 v29, v9  }
0x8a2: {  	v6 =	vmax.f32 v6, v27;
	v5 =	vmax.f32 v5, v9;
	v9 =	vmin.f32 v7, v33  }
0x8a3: {  	v35 =	vmin.f32 v6, v26;
	v34 =	vmax.f32 v8, v9;
	v8 =	vmin.f32 v8, v9  }
0x8a4: {  	v7 =	vmax.f32 v7, v33;
	v9 =	vmax.f32 v32, v8;
	v8 =	vmin.f32 v32, v8  }
0x8a5: {  	v6 =	vmax.f32 v6, v26;
	v5 =	vmax.f32 v5, v8;
	v8 =	vmin.f32 v7, v35  }
0x8a6: {  	v7 =	vmax.f32 v7, v35;
	v36 =	vmax.f32 v34, v8;
	v8 =	vmin.f32 v34, v8  }
0x8a7: {  	v27 =	vmax.f32 v9, v8;
	v8 =	vmin.f32 v9, v8;
	v9 =	vmin.f32 v6, v25  }
0x8a8: {  	v6 =	vmax.f32 v6, v25;
	v5 =	vmax.f32 v5, v8;
	v8 =	vmin.f32 v7, v9  }
0x8a9: {  	v7 =	vmax.f32 v7, v9;
	v9 =	vmax.f32 v36, v8;
	v8 =	vmin.f32 v36, v8  }
0x8aa: {  	v38 =	vmin.f32 v6, v24;
	v37 =	vmax.f32 v27, v8;
	v8 =	vmin.f32 v27, v8  }
0x8ab: {  	v6 =	vmax.f32 v6, v24;
	v5 =	vmax.f32 v5, v8;
	v8 =	vmin.f32 v7, v38  }
0x8ac: {  	v40 =	vmin.f32 v6, v23;
	v39 =	vmax.f32 v9, v8;
	v8 =	vmin.f32 v9, v8  }
0x8ad: {  	v7 =	vmax.f32 v7, v38;
	v9 =	vmax.f32 v37, v8;
	v8 =	vmin.f32 v37, v8  }
0x8ae: {  	v6 =	vmax.f32 v6, v23;
	v5 =	vmax.f32 v5, v8;
	v8 =	vmin.f32 v7, v40  }
0x8af: {  	v7 =	vmax.f32 v7, v40;
	v41 =	vmax.f32 v39, v8;
	v8 =	vmin.f32 v39, v8  }
0x8b0: {  	v24 =	vmax.f32 v9, v8;
	v8 =	vmin.f32 v9, v8;
	v9 =	vmin.f32 v6, v22  }
0x8b1: {  	v6 =	vmax.f32 v6, v22;
	v5 =	vmax.f32 v5, v8;
	v8 =	vmin.f32 v7, v9  }
0x8b2: {  	v7 =	vmax.f32 v7, v9;
	v9 =	vmax.f32 v41, v8;
	v8 =	vmin.f32 v41, v8  }
0x8b3: {  	v43 =	vmin.f32 v6, v21;
	v42 =	vmax.f32 v24, v8;
	v8 =	vmin.f32 v24, v8  }
0x8b4: {  	v6 =	vmax.f32 v6, v21;
	v5 =	vmax.f32 v5, v8;
	v8 =	vmin.f32 v7, v43  }
0x8b5: {  	v45 =	vmin.f32 v6, v20;
	v44 =	vmax.f32 v9, v8;
	v8 =	vmin.f32 v9, v8  }
0x8b6: {  	v7 =	vmax.f32 v7, v43;
	v9 =	vmax.f32 v42, v8;
	v8 =	vmin.f32 v42, v8  }
0x8b7: {  	v6 =	vmax.f32 v6, v20;
	v5 =	vmax.f32 v5, v8;
	v8 =	vmin.f32 v7, v45  }
0x8b8: {  	v7 =	vmax.f32 v7, v45;
	v46 =	vmax.f32 v44, v8;
	v8 =	vmin.f32 v44, v8  }
0x8b9: {  	v21 =	vmax.f32 v9, v8;
	v8 =	vmin.f32 v9, v8;
	v9 =	vmin.f32 v6, v19  }
0x8ba: {  	v6 =	vmax.f32 v6, v19;
	v5 =	vmax.f32 v5, v8;
	v8 =	vmin.f32 v7, v9  }
0x8bb: {  	v7 =	vmax.f32 v7, v9;
	v9 =	vmax.f32 v46, v8;
	v8 =	vmin.f32 v46, v8  }
0x8bc: {  	v48 =	vmin.f32 v6, v18;
	v47 =	vmax.f32 v21, v8;
	v8 =	vmin.f32 v21, v8  }
0x8bd: {  	v6 =	vmax.f32 v6, v18;
	v5 =	vmax.f32 v5, v8;
	v8 =	vmin.f32 v7, v48  }
0x8be: {  	v50 =	vmin.f32 v6, v17;
	v49 =	vmax.f32 v9, v8;
	v8 =	vmin.f32 v9, v8  }
0x8bf: {  	v7 =	vmax.f32 v7, v48;
	v9 =	vmax.f32 v47, v8;
	v8 =	vmin.f32 v47, v8  }
0x8c0: {  	v6 =	vmax.f32 v6, v17;
	v5 =	vmax.f32 v5, v8;
	v8 =	vmin.f32 v7, v50  }
0x8c1: {  	v7 =	vmax.f32 v7, v50;
	v51 =	vmax.f32 v49, v8;
	v8 =	vmin.f32 v49, v8  }
0x8c2: {  	v18 =	vmax.f32 v9, v8;
	v8 =	vmin.f32 v9, v8;
	v9 =	vmin.f32 v6, v16  }
0x8c3: {  	v6 =	vmax.f32 v6, v16;
	v5 =	vmax.f32 v5, v8;
	v8 =	vmin.f32 v7, v9  }
0x8c4: {  	v7 =	vmax.f32 v7, v9;
	v9 =	vmax.f32 v51, v8;
	v8 =	vmin.f32 v51, v8  }
0x8c5: {  	v53 =	vmin.f32 v6, v15;
	v52 =	vmax.f32 v18, v8;
	v8 =	vmin.f32 v18, v8  }
0x8c6: {  	v6 =	vmax.f32 v6, v15;
	v5 =	vmax.f32 v5, v8;
	v8 =	vmin.f32 v7, v53  }
0x8c7: {  	v55 =	vmin.f32 v6, v14;
	v54 =	vmax.f32 v9, v8;
	v8 =	vmin.f32 v9, v8  }
0x8c8: {  	v7 =	vmax.f32 v7, v53;
	v9 =	vmax.f32 v52, v8;
	v8 =	vmin.f32 v52, v8  }
0x8c9: {  	v6 =	vmax.f32 v6, v14;
	v5 =	vmax.f32 v5, v8;
	v8 =	vmin.f32 v7, v55  }
0x8ca: {  	v7 =	vmax.f32 v7, v55;
	v56 =	vmax.f32 v54, v8;
	v8 =	vmin.f32 v54, v8  }
0x8cb: {  	v15 =	vmax.f32 v9, v8;
	v8 =	vmin.f32 v9, v8;
	v9 =	vmin.f32 v6, v13  }
0x8cc: {  	v6 =	vmax.f32 v6, v13;
	v5 =	vmax.f32 v5, v8;
	v8 =	vmin.f32 v7, v9  }
0x8cd: {  	v7 =	vmax.f32 v7, v9;
	v9 =	vmax.f32 v56, v8;
	v8 =	vmin.f32 v56, v8  }
0x8ce: {  	v58 =	vmin.f32 v6, v12;
	v57 =	vmax.f32 v15, v8;
	v8 =	vmin.f32 v15, v8  }
0x8cf: {  	v6 =	vmax.f32 v6, v12;
	v5 =	vmax.f32 v5, v8;
	v8 =	vmin.f32 v7, v58  }
0x8d0: {  	v60 =	vmin.f32 v6, v11;
	v59 =	vmax.f32 v9, v8;
	v8 =	vmin.f32 v9, v8  }
0x8d1: {  	v7 =	vmax.f32 v7, v58;
	v9 =	vmax.f32 v57, v8;
	v8 =	vmin.f32 v57, v8  }
0x8d2: {  	v6 =	vmax.f32 v6, v11;
	v5 =	vmax.f32 v5, v8;
	v8 =	vmin.f32 v7, v60  }
0x8d3: {  	v61 =	vmin.f32 v6, v10;
	v7 =	vmax.f32 v7, v60;
	v11 =	vmin.f32 v59, v8  }
0x8d4: {  	v12 =	vmax.f32 v59, v8;
	v62 =	vmin.f32 v7, v61;
	v8 =	vmin.f32 v9, v11  }
0x8d5: {  	v11 =	vmax.f32 v9, v11;
	v63 =	vmin.f32 v12, v62;
	v9 =	vmax.f32 v6, v10  }
0x8d6: {  	v5 =	vmax.f32 v5, v8;
	v8 =	vmax.f32 v7, v61;
	v10 =	vmin.f32 v11, v63  }
0x8d7: {  	v7 =	vmax.f32 v12, v62;
	v6 =	vmax.f32 v11, v63;
	v5 =	vmax.f32 v5, v10  }
.LBB2_60:
0x8d8: {  	v29 =	vld [tilespmem:s13+$0xFFFFF100]  }
0x8d9: {  	v28 =	vld [tilespmem:s13+$0xFFFFF180]  }
0x8da: {  	v27 =	vld [tilespmem:s13+$0xFFFFF200]  }
0x8db: {  	v26 =	vld [tilespmem:s13+$0xFFFFF280]  }
0x8dc: {  	v25 =	vld [tilespmem:s13+$0xFFFFF300]  }
0x8dd: {  	v24 =	vld [tilespmem:s13+$0xFFFFF380]  }
0x8de: {  	v23 =	vld [tilespmem:s13+$0xFFFFF400]  }
0x8df: {  	v22 =	vld [tilespmem:s13+$0xFFFFF480]  }
0x8e0: {  	v21 =	vld [tilespmem:s13+$0xFFFFF500]  }
0x8e1: {  	v20 =	vld [tilespmem:s13+$0xFFFFF580]  }
0x8e2: {  	v19 =	vld [tilespmem:s13+$0xFFFFF600]  }
0x8e3: {  	v18 =	vld [tilespmem:s13+$0xFFFFF680]  }
0x8e4: {  	v17 =	vld [tilespmem:s13+$0xFFFFF700]  }
0x8e5: {  	v16 =	vld [tilespmem:s13+$0xFFFFF780]  }
0x8e6: {  	v15 =	vld [tilespmem:s13+$0xFFFFF800]  }
0x8e7: {  	v14 =	vld [tilespmem:s13+$0xFFFFF880]  }
0x8e8: {  	v13 =	vld [tilespmem:s13+$0xFFFFF900]  }
0x8e9: {  	v12 =	vld [tilespmem:s13+$0xFFFFF980]  }
0x8ea: {  	v11 =	vld [tilespmem:s13+$0xFFFFFA00]  }
0x8eb: {  	v10 =	vld [tilespmem:s13+$0xFFFFFA80];
	v30 =	vmax.f32 v29, v28  }
0x8ec: {  	v31 =	vmax.f32 v27, v26;
	v32 =	vmax.f32 v25, v24;
	v33 =	vmax.f32 v23, v22  }
0x8ed: {  	v34 =	vmax.f32 v21, v20;
	v35 =	vmax.f32 v19, v18;
	v36 =	vmax.f32 v17, v16  }
0x8ee: {  	v37 =	vmax.f32 v15, v14;
	v38 =	vmax.f32 v13, v12;
	v30 =	vmax.f32 v30, v31  }
0x8ef: {  	v31 =	vmax.f32 v32, v33;
	v60 =	vmax.f32 v34, v35;
	v61 =	vmax.f32 v36, v37  }
0x8f0: {  	v62 =	vmax.f32 v11, v10;
	v30 =	vmax.f32 v30, v31;
	v31 =	vmax.f32 v60, v61  }
0x8f1: {  	v63 =	vmax.f32 v38, v62;
	v30 =	vmax.f32 v30, v31  }
0x8f2: {  	v30 =	vmax.f32 v30, v63  }
0x8f3: {  	vm0 =	vgt.f32 v30, v5  }
0x8f4: {  	v30 =	vmpcnt.ones.xlane vm0;
	_ =	sdelay $0x1  }
0x8f5: {  	(v2sf) =	vpush v30, $0x0;
	_ =	sdelay $0xe  }
0x8f6: {  	s4 =	spop (v2sf)  }
0x8f7: {  	p1 =	slt.s32 s4, $0x1  }
.Ltmp46:
0x8f8: {  	_ = 	snop;
	(pc) =	sbr.rel @p1 .LBB2_62-.Ltmp46, $1  }
0x8f9: {  	_ =	sdelay $0x3  }
0x8fa: {  	v30 =	vmin.f32 v9, v29  }
0x8fb: {  	v9 =	vmax.f32 v9, v29;
	v62 =	vmin.f32 v8, v30  }
0x8fc: {  	v8 =	vmax.f32 v8, v30;
	v63 =	vmax.f32 v7, v62;
	v7 =	vmin.f32 v7, v62  }
0x8fd: {  	v29 =	vmax.f32 v6, v7;
	v6 =	vmin.f32 v6, v7;
	v7 =	vmin.f32 v9, v28  }
0x8fe: {  	v5 =	vmax.f32 v5, v6;
	v6 =	vmax.f32 v9, v28;
	v9 =	vmin.f32 v8, v7  }
0x8ff: {  	v7 =	vmax.f32 v8, v7;
	v8 =	vmax.f32 v63, v9;
	v9 =	vmin.f32 v63, v9  }
0x900: {  	v33 =	vmin.f32 v6, v27;
	v32 =	vmax.f32 v29, v9;
	v9 =	vmin.f32 v29, v9  }
0x901: {  	v6 =	vmax.f32 v6, v27;
	v5 =	vmax.f32 v5, v9;
	v9 =	vmin.f32 v7, v33  }
0x902: {  	v35 =	vmin.f32 v6, v26;
	v34 =	vmax.f32 v8, v9;
	v8 =	vmin.f32 v8, v9  }
0x903: {  	v7 =	vmax.f32 v7, v33;
	v9 =	vmax.f32 v32, v8;
	v8 =	vmin.f32 v32, v8  }
0x904: {  	v6 =	vmax.f32 v6, v26;
	v5 =	vmax.f32 v5, v8;
	v8 =	vmin.f32 v7, v35  }
0x905: {  	v7 =	vmax.f32 v7, v35;
	v36 =	vmax.f32 v34, v8;
	v8 =	vmin.f32 v34, v8  }
0x906: {  	v27 =	vmax.f32 v9, v8;
	v8 =	vmin.f32 v9, v8;
	v9 =	vmin.f32 v6, v25  }
0x907: {  	v6 =	vmax.f32 v6, v25;
	v5 =	vmax.f32 v5, v8;
	v8 =	vmin.f32 v7, v9  }
0x908: {  	v7 =	vmax.f32 v7, v9;
	v9 =	vmax.f32 v36, v8;
	v8 =	vmin.f32 v36, v8  }
0x909: {  	v38 =	vmin.f32 v6, v24;
	v37 =	vmax.f32 v27, v8;
	v8 =	vmin.f32 v27, v8  }
0x90a: {  	v6 =	vmax.f32 v6, v24;
	v5 =	vmax.f32 v5, v8;
	v8 =	vmin.f32 v7, v38  }
0x90b: {  	v40 =	vmin.f32 v6, v23;
	v39 =	vmax.f32 v9, v8;
	v8 =	vmin.f32 v9, v8  }
0x90c: {  	v7 =	vmax.f32 v7, v38;
	v9 =	vmax.f32 v37, v8;
	v8 =	vmin.f32 v37, v8  }
0x90d: {  	v6 =	vmax.f32 v6, v23;
	v5 =	vmax.f32 v5, v8;
	v8 =	vmin.f32 v7, v40  }
0x90e: {  	v7 =	vmax.f32 v7, v40;
	v41 =	vmax.f32 v39, v8;
	v8 =	vmin.f32 v39, v8  }
0x90f: {  	v24 =	vmax.f32 v9, v8;
	v8 =	vmin.f32 v9, v8;
	v9 =	vmin.f32 v6, v22  }
0x910: {  	v6 =	vmax.f32 v6, v22;
	v5 =	vmax.f32 v5, v8;
	v8 =	vmin.f32 v7, v9  }
0x911: {  	v7 =	vmax.f32 v7, v9;
	v9 =	vmax.f32 v41, v8;
	v8 =	vmin.f32 v41, v8  }
0x912: {  	v43 =	vmin.f32 v6, v21;
	v42 =	vmax.f32 v24, v8;
	v8 =	vmin.f32 v24, v8  }
0x913: {  	v6 =	vmax.f32 v6, v21;
	v5 =	vmax.f32 v5, v8;
	v8 =	vmin.f32 v7, v43  }
0x914: {  	v45 =	vmin.f32 v6, v20;
	v44 =	vmax.f32 v9, v8;
	v8 =	vmin.f32 v9, v8  }
0x915: {  	v7 =	vmax.f32 v7, v43;
	v9 =	vmax.f32 v42, v8;
	v8 =	vmin.f32 v42, v8  }
0x916: {  	v6 =	vmax.f32 v6, v20;
	v5 =	vmax.f32 v5, v8;
	v8 =	vmin.f32 v7, v45  }
0x917: {  	v7 =	vmax.f32 v7, v45;
	v46 =	vmax.f32 v44, v8;
	v8 =	vmin.f32 v44, v8  }
0x918: {  	v21 =	vmax.f32 v9, v8;
	v8 =	vmin.f32 v9, v8;
	v9 =	vmin.f32 v6, v19  }
0x919: {  	v6 =	vmax.f32 v6, v19;
	v5 =	vmax.f32 v5, v8;
	v8 =	vmin.f32 v7, v9  }
0x91a: {  	v7 =	vmax.f32 v7, v9;
	v9 =	vmax.f32 v46, v8;
	v8 =	vmin.f32 v46, v8  }
0x91b: {  	v48 =	vmin.f32 v6, v18;
	v47 =	vmax.f32 v21, v8;
	v8 =	vmin.f32 v21, v8  }
0x91c: {  	v6 =	vmax.f32 v6, v18;
	v5 =	vmax.f32 v5, v8;
	v8 =	vmin.f32 v7, v48  }
0x91d: {  	v50 =	vmin.f32 v6, v17;
	v49 =	vmax.f32 v9, v8;
	v8 =	vmin.f32 v9, v8  }
0x91e: {  	v7 =	vmax.f32 v7, v48;
	v9 =	vmax.f32 v47, v8;
	v8 =	vmin.f32 v47, v8  }
0x91f: {  	v6 =	vmax.f32 v6, v17;
	v5 =	vmax.f32 v5, v8;
	v8 =	vmin.f32 v7, v50  }
0x920: {  	v7 =	vmax.f32 v7, v50;
	v51 =	vmax.f32 v49, v8;
	v8 =	vmin.f32 v49, v8  }
0x921: {  	v18 =	vmax.f32 v9, v8;
	v8 =	vmin.f32 v9, v8;
	v9 =	vmin.f32 v6, v16  }
0x922: {  	v6 =	vmax.f32 v6, v16;
	v5 =	vmax.f32 v5, v8;
	v8 =	vmin.f32 v7, v9  }
0x923: {  	v7 =	vmax.f32 v7, v9;
	v9 =	vmax.f32 v51, v8;
	v8 =	vmin.f32 v51, v8  }
0x924: {  	v53 =	vmin.f32 v6, v15;
	v52 =	vmax.f32 v18, v8;
	v8 =	vmin.f32 v18, v8  }
0x925: {  	v6 =	vmax.f32 v6, v15;
	v5 =	vmax.f32 v5, v8;
	v8 =	vmin.f32 v7, v53  }
0x926: {  	v55 =	vmin.f32 v6, v14;
	v54 =	vmax.f32 v9, v8;
	v8 =	vmin.f32 v9, v8  }
0x927: {  	v7 =	vmax.f32 v7, v53;
	v9 =	vmax.f32 v52, v8;
	v8 =	vmin.f32 v52, v8  }
0x928: {  	v6 =	vmax.f32 v6, v14;
	v5 =	vmax.f32 v5, v8;
	v8 =	vmin.f32 v7, v55  }
0x929: {  	v7 =	vmax.f32 v7, v55;
	v56 =	vmax.f32 v54, v8;
	v8 =	vmin.f32 v54, v8  }
0x92a: {  	v15 =	vmax.f32 v9, v8;
	v8 =	vmin.f32 v9, v8;
	v9 =	vmin.f32 v6, v13  }
0x92b: {  	v6 =	vmax.f32 v6, v13;
	v5 =	vmax.f32 v5, v8;
	v8 =	vmin.f32 v7, v9  }
0x92c: {  	v7 =	vmax.f32 v7, v9;
	v9 =	vmax.f32 v56, v8;
	v8 =	vmin.f32 v56, v8  }
0x92d: {  	v58 =	vmin.f32 v6, v12;
	v57 =	vmax.f32 v15, v8;
	v8 =	vmin.f32 v15, v8  }
0x92e: {  	v6 =	vmax.f32 v6, v12;
	v5 =	vmax.f32 v5, v8;
	v8 =	vmin.f32 v7, v58  }
0x92f: {  	v60 =	vmin.f32 v6, v11;
	v59 =	vmax.f32 v9, v8;
	v8 =	vmin.f32 v9, v8  }
0x930: {  	v7 =	vmax.f32 v7, v58;
	v9 =	vmax.f32 v57, v8;
	v8 =	vmin.f32 v57, v8  }
0x931: {  	v6 =	vmax.f32 v6, v11;
	v5 =	vmax.f32 v5, v8;
	v8 =	vmin.f32 v7, v60  }
0x932: {  	v61 =	vmin.f32 v6, v10;
	v7 =	vmax.f32 v7, v60;
	v11 =	vmin.f32 v59, v8  }
0x933: {  	v12 =	vmax.f32 v59, v8;
	v62 =	vmin.f32 v7, v61;
	v8 =	vmin.f32 v9, v11  }
0x934: {  	v11 =	vmax.f32 v9, v11;
	v63 =	vmin.f32 v12, v62;
	v9 =	vmax.f32 v6, v10  }
0x935: {  	v5 =	vmax.f32 v5, v8;
	v8 =	vmax.f32 v7, v61;
	v10 =	vmin.f32 v11, v63  }
0x936: {  	v7 =	vmax.f32 v12, v62;
	v6 =	vmax.f32 v11, v63;
	v5 =	vmax.f32 v5, v10  }
.LBB2_62:
0x937: {  	v29 =	vld [tilespmem:s13+$0xFFFFFB00]  }
0x938: {  	v28 =	vld [tilespmem:s13+$0xFFFFFB80]  }
0x939: {  	v27 =	vld [tilespmem:s13+$0xFFFFFC00]  }
0x93a: {  	v26 =	vld [tilespmem:s13+$0xFFFFFC80]  }
0x93b: {  	v25 =	vld [tilespmem:s13+$0xFFFFFD00]  }
0x93c: {  	v24 =	vld [tilespmem:s13+$0xFFFFFD80]  }
0x93d: {  	v23 =	vld [tilespmem:s13+$0xFFFFFE00]  }
0x93e: {  	v22 =	vld [tilespmem:s13+$0xFFFFFE80]  }
0x93f: {  	v21 =	vld [tilespmem:s13+$0xFFFFFF00]  }
0x940: {  	v20 =	vld [tilespmem:s13+$0xFFFFFF80]  }
0x941: {  	v19 =	vld [tilespmem:s13+$0x0]  }
0x942: {  	v18 =	vld [tilespmem:s13+$0x80]  }
0x943: {  	v17 =	vld [tilespmem:s13+$0x100]  }
0x944: {  	v16 =	vld [tilespmem:s13+$0x180]  }
0x945: {  	v15 =	vld [tilespmem:s13+$0x200]  }
0x946: {  	v14 =	vld [tilespmem:s13+$0x280]  }
0x947: {  	v13 =	vld [tilespmem:s13+$0x300]  }
0x948: {  	v12 =	vld [tilespmem:s13+$0x380]  }
0x949: {  	v11 =	vld [tilespmem:s13+$0x400]  }
0x94a: {  	v10 =	vld [tilespmem:s13+$0x480];
	v30 =	vmax.f32 v29, v28  }
0x94b: {  	v31 =	vmax.f32 v27, v26;
	v32 =	vmax.f32 v25, v24;
	v33 =	vmax.f32 v23, v22  }
0x94c: {  	v34 =	vmax.f32 v21, v20;
	v35 =	vmax.f32 v19, v18;
	v36 =	vmax.f32 v17, v16  }
0x94d: {  	v37 =	vmax.f32 v15, v14;
	v38 =	vmax.f32 v13, v12;
	v30 =	vmax.f32 v30, v31  }
0x94e: {  	v31 =	vmax.f32 v32, v33;
	v60 =	vmax.f32 v34, v35;
	v61 =	vmax.f32 v36, v37  }
0x94f: {  	v62 =	vmax.f32 v11, v10;
	v30 =	vmax.f32 v30, v31;
	v31 =	vmax.f32 v60, v61  }
0x950: {  	v63 =	vmax.f32 v38, v62;
	v30 =	vmax.f32 v30, v31  }
0x951: {  	v30 =	vmax.f32 v30, v63  }
0x952: {  	vm0 =	vgt.f32 v30, v5  }
0x953: {  	v30 =	vmpcnt.ones.xlane vm0;
	_ =	sdelay $0x1  }
0x954: {  	(v2sf) =	vpush v30, $0x0;
	_ =	sdelay $0xe  }
0x955: {  	s4 =	spop (v2sf)  }
0x956: {  	p1 =	slt.s32 s4, $0x1  }
.Ltmp47:
0x957: {  	_ = 	snop;
	(pc) =	sbr.rel @p1 .LBB2_64-.Ltmp47, $1  }
0x958: {  	_ =	sdelay $0x3  }
0x959: {  	v30 =	vmin.f32 v9, v29  }
0x95a: {  	v9 =	vmax.f32 v9, v29;
	v62 =	vmin.f32 v8, v30  }
0x95b: {  	v8 =	vmax.f32 v8, v30;
	v63 =	vmax.f32 v7, v62;
	v7 =	vmin.f32 v7, v62  }
0x95c: {  	v29 =	vmax.f32 v6, v7;
	v6 =	vmin.f32 v6, v7;
	v7 =	vmin.f32 v9, v28  }
0x95d: {  	v5 =	vmax.f32 v5, v6;
	v6 =	vmax.f32 v9, v28;
	v9 =	vmin.f32 v8, v7  }
0x95e: {  	v7 =	vmax.f32 v8, v7;
	v8 =	vmax.f32 v63, v9;
	v9 =	vmin.f32 v63, v9  }
0x95f: {  	v33 =	vmin.f32 v6, v27;
	v32 =	vmax.f32 v29, v9;
	v9 =	vmin.f32 v29, v9  }
0x960: {  	v6 =	vmax.f32 v6, v27;
	v5 =	vmax.f32 v5, v9;
	v9 =	vmin.f32 v7, v33  }
0x961: {  	v35 =	vmin.f32 v6, v26;
	v34 =	vmax.f32 v8, v9;
	v8 =	vmin.f32 v8, v9  }
0x962: {  	v7 =	vmax.f32 v7, v33;
	v9 =	vmax.f32 v32, v8;
	v8 =	vmin.f32 v32, v8  }
0x963: {  	v6 =	vmax.f32 v6, v26;
	v5 =	vmax.f32 v5, v8;
	v8 =	vmin.f32 v7, v35  }
0x964: {  	v7 =	vmax.f32 v7, v35;
	v36 =	vmax.f32 v34, v8;
	v8 =	vmin.f32 v34, v8  }
0x965: {  	v27 =	vmax.f32 v9, v8;
	v8 =	vmin.f32 v9, v8;
	v9 =	vmin.f32 v6, v25  }
0x966: {  	v6 =	vmax.f32 v6, v25;
	v5 =	vmax.f32 v5, v8;
	v8 =	vmin.f32 v7, v9  }
0x967: {  	v7 =	vmax.f32 v7, v9;
	v9 =	vmax.f32 v36, v8;
	v8 =	vmin.f32 v36, v8  }
0x968: {  	v38 =	vmin.f32 v6, v24;
	v37 =	vmax.f32 v27, v8;
	v8 =	vmin.f32 v27, v8  }
0x969: {  	v6 =	vmax.f32 v6, v24;
	v5 =	vmax.f32 v5, v8;
	v8 =	vmin.f32 v7, v38  }
0x96a: {  	v40 =	vmin.f32 v6, v23;
	v39 =	vmax.f32 v9, v8;
	v8 =	vmin.f32 v9, v8  }
0x96b: {  	v7 =	vmax.f32 v7, v38;
	v9 =	vmax.f32 v37, v8;
	v8 =	vmin.f32 v37, v8  }
0x96c: {  	v6 =	vmax.f32 v6, v23;
	v5 =	vmax.f32 v5, v8;
	v8 =	vmin.f32 v7, v40  }
0x96d: {  	v7 =	vmax.f32 v7, v40;
	v41 =	vmax.f32 v39, v8;
	v8 =	vmin.f32 v39, v8  }
0x96e: {  	v24 =	vmax.f32 v9, v8;
	v8 =	vmin.f32 v9, v8;
	v9 =	vmin.f32 v6, v22  }
0x96f: {  	v6 =	vmax.f32 v6, v22;
	v5 =	vmax.f32 v5, v8;
	v8 =	vmin.f32 v7, v9  }
0x970: {  	v7 =	vmax.f32 v7, v9;
	v9 =	vmax.f32 v41, v8;
	v8 =	vmin.f32 v41, v8  }
0x971: {  	v43 =	vmin.f32 v6, v21;
	v42 =	vmax.f32 v24, v8;
	v8 =	vmin.f32 v24, v8  }
0x972: {  	v6 =	vmax.f32 v6, v21;
	v5 =	vmax.f32 v5, v8;
	v8 =	vmin.f32 v7, v43  }
0x973: {  	v45 =	vmin.f32 v6, v20;
	v44 =	vmax.f32 v9, v8;
	v8 =	vmin.f32 v9, v8  }
0x974: {  	v7 =	vmax.f32 v7, v43;
	v9 =	vmax.f32 v42, v8;
	v8 =	vmin.f32 v42, v8  }
0x975: {  	v6 =	vmax.f32 v6, v20;
	v5 =	vmax.f32 v5, v8;
	v8 =	vmin.f32 v7, v45  }
0x976: {  	v7 =	vmax.f32 v7, v45;
	v46 =	vmax.f32 v44, v8;
	v8 =	vmin.f32 v44, v8  }
0x977: {  	v21 =	vmax.f32 v9, v8;
	v8 =	vmin.f32 v9, v8;
	v9 =	vmin.f32 v6, v19  }
0x978: {  	v6 =	vmax.f32 v6, v19;
	v5 =	vmax.f32 v5, v8;
	v8 =	vmin.f32 v7, v9  }
0x979: {  	v7 =	vmax.f32 v7, v9;
	v9 =	vmax.f32 v46, v8;
	v8 =	vmin.f32 v46, v8  }
0x97a: {  	v48 =	vmin.f32 v6, v18;
	v47 =	vmax.f32 v21, v8;
	v8 =	vmin.f32 v21, v8  }
0x97b: {  	v6 =	vmax.f32 v6, v18;
	v5 =	vmax.f32 v5, v8;
	v8 =	vmin.f32 v7, v48  }
0x97c: {  	v50 =	vmin.f32 v6, v17;
	v49 =	vmax.f32 v9, v8;
	v8 =	vmin.f32 v9, v8  }
0x97d: {  	v7 =	vmax.f32 v7, v48;
	v9 =	vmax.f32 v47, v8;
	v8 =	vmin.f32 v47, v8  }
0x97e: {  	v6 =	vmax.f32 v6, v17;
	v5 =	vmax.f32 v5, v8;
	v8 =	vmin.f32 v7, v50  }
0x97f: {  	v7 =	vmax.f32 v7, v50;
	v51 =	vmax.f32 v49, v8;
	v8 =	vmin.f32 v49, v8  }
0x980: {  	v18 =	vmax.f32 v9, v8;
	v8 =	vmin.f32 v9, v8;
	v9 =	vmin.f32 v6, v16  }
0x981: {  	v6 =	vmax.f32 v6, v16;
	v5 =	vmax.f32 v5, v8;
	v8 =	vmin.f32 v7, v9  }
0x982: {  	v7 =	vmax.f32 v7, v9;
	v9 =	vmax.f32 v51, v8;
	v8 =	vmin.f32 v51, v8  }
0x983: {  	v53 =	vmin.f32 v6, v15;
	v52 =	vmax.f32 v18, v8;
	v8 =	vmin.f32 v18, v8  }
0x984: {  	v6 =	vmax.f32 v6, v15;
	v5 =	vmax.f32 v5, v8;
	v8 =	vmin.f32 v7, v53  }
0x985: {  	v55 =	vmin.f32 v6, v14;
	v54 =	vmax.f32 v9, v8;
	v8 =	vmin.f32 v9, v8  }
0x986: {  	v7 =	vmax.f32 v7, v53;
	v9 =	vmax.f32 v52, v8;
	v8 =	vmin.f32 v52, v8  }
0x987: {  	v6 =	vmax.f32 v6, v14;
	v5 =	vmax.f32 v5, v8;
	v8 =	vmin.f32 v7, v55  }
0x988: {  	v7 =	vmax.f32 v7, v55;
	v56 =	vmax.f32 v54, v8;
	v8 =	vmin.f32 v54, v8  }
0x989: {  	v15 =	vmax.f32 v9, v8;
	v8 =	vmin.f32 v9, v8;
	v9 =	vmin.f32 v6, v13  }
0x98a: {  	v6 =	vmax.f32 v6, v13;
	v5 =	vmax.f32 v5, v8;
	v8 =	vmin.f32 v7, v9  }
0x98b: {  	v7 =	vmax.f32 v7, v9;
	v9 =	vmax.f32 v56, v8;
	v8 =	vmin.f32 v56, v8  }
0x98c: {  	v58 =	vmin.f32 v6, v12;
	v57 =	vmax.f32 v15, v8;
	v8 =	vmin.f32 v15, v8  }
0x98d: {  	v6 =	vmax.f32 v6, v12;
	v5 =	vmax.f32 v5, v8;
	v8 =	vmin.f32 v7, v58  }
0x98e: {  	v60 =	vmin.f32 v6, v11;
	v59 =	vmax.f32 v9, v8;
	v8 =	vmin.f32 v9, v8  }
0x98f: {  	v7 =	vmax.f32 v7, v58;
	v9 =	vmax.f32 v57, v8;
	v8 =	vmin.f32 v57, v8  }
0x990: {  	v6 =	vmax.f32 v6, v11;
	v5 =	vmax.f32 v5, v8;
	v8 =	vmin.f32 v7, v60  }
0x991: {  	v61 =	vmin.f32 v6, v10;
	v7 =	vmax.f32 v7, v60;
	v11 =	vmin.f32 v59, v8  }
0x992: {  	v12 =	vmax.f32 v59, v8;
	v62 =	vmin.f32 v7, v61;
	v8 =	vmin.f32 v9, v11  }
0x993: {  	v11 =	vmax.f32 v9, v11;
	v63 =	vmin.f32 v12, v62;
	v9 =	vmax.f32 v6, v10  }
0x994: {  	v5 =	vmax.f32 v5, v8;
	v8 =	vmax.f32 v7, v61;
	v10 =	vmin.f32 v11, v63  }
0x995: {  	v7 =	vmax.f32 v12, v62;
	v6 =	vmax.f32 v11, v63;
	v5 =	vmax.f32 v5, v10  }
.LBB2_64:
0x996: {  	v29 =	vld [tilespmem:s13+$0x500]  }
0x997: {  	v28 =	vld [tilespmem:s13+$0x580]  }
0x998: {  	v27 =	vld [tilespmem:s13+$0x600]  }
0x999: {  	v26 =	vld [tilespmem:s13+$0x680]  }
0x99a: {  	v25 =	vld [tilespmem:s13+$0x700]  }
0x99b: {  	v24 =	vld [tilespmem:s13+$0x780]  }
0x99c: {  	v23 =	vld [tilespmem:s13+$0x800]  }
0x99d: {  	v22 =	vld [tilespmem:s13+$0x880]  }
0x99e: {  	v21 =	vld [tilespmem:s13+$0x900]  }
0x99f: {  	v20 =	vld [tilespmem:s13+$0x980]  }
0x9a0: {  	v19 =	vld [tilespmem:s13+$0xA00]  }
0x9a1: {  	v18 =	vld [tilespmem:s13+$0xA80]  }
0x9a2: {  	v17 =	vld [tilespmem:s13+$0xB00]  }
0x9a3: {  	v16 =	vld [tilespmem:s13+$0xB80]  }
0x9a4: {  	v15 =	vld [tilespmem:s13+$0xC00]  }
0x9a5: {  	v14 =	vld [tilespmem:s13+$0xC80]  }
0x9a6: {  	v13 =	vld [tilespmem:s13+$0xD00]  }
0x9a7: {  	v12 =	vld [tilespmem:s13+$0xD80]  }
0x9a8: {  	v11 =	vld [tilespmem:s13+$0xE00]  }
0x9a9: {  	v10 =	vld [tilespmem:s13+$0xE80];
	v30 =	vmax.f32 v29, v28  }
0x9aa: {  	v31 =	vmax.f32 v27, v26;
	v32 =	vmax.f32 v25, v24;
	v33 =	vmax.f32 v23, v22  }
0x9ab: {  	v34 =	vmax.f32 v21, v20;
	v35 =	vmax.f32 v19, v18;
	v36 =	vmax.f32 v17, v16  }
0x9ac: {  	v37 =	vmax.f32 v15, v14;
	v38 =	vmax.f32 v13, v12;
	v30 =	vmax.f32 v30, v31  }
0x9ad: {  	v31 =	vmax.f32 v32, v33;
	v60 =	vmax.f32 v34, v35;
	v61 =	vmax.f32 v36, v37  }
0x9ae: {  	v62 =	vmax.f32 v11, v10;
	v30 =	vmax.f32 v30, v31;
	v31 =	vmax.f32 v60, v61  }
0x9af: {  	v63 =	vmax.f32 v38, v62;
	v30 =	vmax.f32 v30, v31  }
0x9b0: {  	v30 =	vmax.f32 v30, v63  }
0x9b1: {  	vm0 =	vgt.f32 v30, v5  }
0x9b2: {  	v30 =	vmpcnt.ones.xlane vm0;
	_ =	sdelay $0x1  }
0x9b3: {  	(v2sf) =	vpush v30, $0x0;
	_ =	sdelay $0xe  }
0x9b4: {  	s4 =	spop (v2sf)  }
0x9b5: {  	p1 =	slt.s32 s4, $0x1  }
.Ltmp48:
0x9b6: {  	_ = 	snop;
	(pc) =	sbr.rel @p1 .LBB2_66-.Ltmp48, $1  }
0x9b7: {  	_ =	sdelay $0x3  }
0x9b8: {  	v30 =	vmin.f32 v9, v29  }
0x9b9: {  	v9 =	vmax.f32 v9, v29;
	v62 =	vmin.f32 v8, v30  }
0x9ba: {  	v8 =	vmax.f32 v8, v30;
	v63 =	vmax.f32 v7, v62;
	v7 =	vmin.f32 v7, v62  }
0x9bb: {  	v29 =	vmax.f32 v6, v7;
	v6 =	vmin.f32 v6, v7;
	v7 =	vmin.f32 v9, v28  }
0x9bc: {  	v5 =	vmax.f32 v5, v6;
	v6 =	vmax.f32 v9, v28;
	v9 =	vmin.f32 v8, v7  }
0x9bd: {  	v7 =	vmax.f32 v8, v7;
	v8 =	vmax.f32 v63, v9;
	v9 =	vmin.f32 v63, v9  }
0x9be: {  	v33 =	vmin.f32 v6, v27;
	v32 =	vmax.f32 v29, v9;
	v9 =	vmin.f32 v29, v9  }
0x9bf: {  	v6 =	vmax.f32 v6, v27;
	v5 =	vmax.f32 v5, v9;
	v9 =	vmin.f32 v7, v33  }
0x9c0: {  	v35 =	vmin.f32 v6, v26;
	v34 =	vmax.f32 v8, v9;
	v8 =	vmin.f32 v8, v9  }
0x9c1: {  	v7 =	vmax.f32 v7, v33;
	v9 =	vmax.f32 v32, v8;
	v8 =	vmin.f32 v32, v8  }
0x9c2: {  	v6 =	vmax.f32 v6, v26;
	v5 =	vmax.f32 v5, v8;
	v8 =	vmin.f32 v7, v35  }
0x9c3: {  	v7 =	vmax.f32 v7, v35;
	v36 =	vmax.f32 v34, v8;
	v8 =	vmin.f32 v34, v8  }
0x9c4: {  	v27 =	vmax.f32 v9, v8;
	v8 =	vmin.f32 v9, v8;
	v9 =	vmin.f32 v6, v25  }
0x9c5: {  	v6 =	vmax.f32 v6, v25;
	v5 =	vmax.f32 v5, v8;
	v8 =	vmin.f32 v7, v9  }
0x9c6: {  	v7 =	vmax.f32 v7, v9;
	v9 =	vmax.f32 v36, v8;
	v8 =	vmin.f32 v36, v8  }
0x9c7: {  	v38 =	vmin.f32 v6, v24;
	v37 =	vmax.f32 v27, v8;
	v8 =	vmin.f32 v27, v8  }
0x9c8: {  	v6 =	vmax.f32 v6, v24;
	v5 =	vmax.f32 v5, v8;
	v8 =	vmin.f32 v7, v38  }
0x9c9: {  	v40 =	vmin.f32 v6, v23;
	v39 =	vmax.f32 v9, v8;
	v8 =	vmin.f32 v9, v8  }
0x9ca: {  	v7 =	vmax.f32 v7, v38;
	v9 =	vmax.f32 v37, v8;
	v8 =	vmin.f32 v37, v8  }
0x9cb: {  	v6 =	vmax.f32 v6, v23;
	v5 =	vmax.f32 v5, v8;
	v8 =	vmin.f32 v7, v40  }
0x9cc: {  	v7 =	vmax.f32 v7, v40;
	v41 =	vmax.f32 v39, v8;
	v8 =	vmin.f32 v39, v8  }
0x9cd: {  	v24 =	vmax.f32 v9, v8;
	v8 =	vmin.f32 v9, v8;
	v9 =	vmin.f32 v6, v22  }
0x9ce: {  	v6 =	vmax.f32 v6, v22;
	v5 =	vmax.f32 v5, v8;
	v8 =	vmin.f32 v7, v9  }
0x9cf: {  	v7 =	vmax.f32 v7, v9;
	v9 =	vmax.f32 v41, v8;
	v8 =	vmin.f32 v41, v8  }
0x9d0: {  	v43 =	vmin.f32 v6, v21;
	v42 =	vmax.f32 v24, v8;
	v8 =	vmin.f32 v24, v8  }
0x9d1: {  	v6 =	vmax.f32 v6, v21;
	v5 =	vmax.f32 v5, v8;
	v8 =	vmin.f32 v7, v43  }
0x9d2: {  	v45 =	vmin.f32 v6, v20;
	v44 =	vmax.f32 v9, v8;
	v8 =	vmin.f32 v9, v8  }
0x9d3: {  	v7 =	vmax.f32 v7, v43;
	v9 =	vmax.f32 v42, v8;
	v8 =	vmin.f32 v42, v8  }
0x9d4: {  	v6 =	vmax.f32 v6, v20;
	v5 =	vmax.f32 v5, v8;
	v8 =	vmin.f32 v7, v45  }
0x9d5: {  	v7 =	vmax.f32 v7, v45;
	v46 =	vmax.f32 v44, v8;
	v8 =	vmin.f32 v44, v8  }
0x9d6: {  	v21 =	vmax.f32 v9, v8;
	v8 =	vmin.f32 v9, v8;
	v9 =	vmin.f32 v6, v19  }
0x9d7: {  	v6 =	vmax.f32 v6, v19;
	v5 =	vmax.f32 v5, v8;
	v8 =	vmin.f32 v7, v9  }
0x9d8: {  	v7 =	vmax.f32 v7, v9;
	v9 =	vmax.f32 v46, v8;
	v8 =	vmin.f32 v46, v8  }
0x9d9: {  	v48 =	vmin.f32 v6, v18;
	v47 =	vmax.f32 v21, v8;
	v8 =	vmin.f32 v21, v8  }
0x9da: {  	v6 =	vmax.f32 v6, v18;
	v5 =	vmax.f32 v5, v8;
	v8 =	vmin.f32 v7, v48  }
0x9db: {  	v50 =	vmin.f32 v6, v17;
	v49 =	vmax.f32 v9, v8;
	v8 =	vmin.f32 v9, v8  }
0x9dc: {  	v7 =	vmax.f32 v7, v48;
	v9 =	vmax.f32 v47, v8;
	v8 =	vmin.f32 v47, v8  }
0x9dd: {  	v6 =	vmax.f32 v6, v17;
	v5 =	vmax.f32 v5, v8;
	v8 =	vmin.f32 v7, v50  }
0x9de: {  	v7 =	vmax.f32 v7, v50;
	v51 =	vmax.f32 v49, v8;
	v8 =	vmin.f32 v49, v8  }
0x9df: {  	v18 =	vmax.f32 v9, v8;
	v8 =	vmin.f32 v9, v8;
	v9 =	vmin.f32 v6, v16  }
0x9e0: {  	v6 =	vmax.f32 v6, v16;
	v5 =	vmax.f32 v5, v8;
	v8 =	vmin.f32 v7, v9  }
0x9e1: {  	v7 =	vmax.f32 v7, v9;
	v9 =	vmax.f32 v51, v8;
	v8 =	vmin.f32 v51, v8  }
0x9e2: {  	v53 =	vmin.f32 v6, v15;
	v52 =	vmax.f32 v18, v8;
	v8 =	vmin.f32 v18, v8  }
0x9e3: {  	v6 =	vmax.f32 v6, v15;
	v5 =	vmax.f32 v5, v8;
	v8 =	vmin.f32 v7, v53  }
0x9e4: {  	v55 =	vmin.f32 v6, v14;
	v54 =	vmax.f32 v9, v8;
	v8 =	vmin.f32 v9, v8  }
0x9e5: {  	v7 =	vmax.f32 v7, v53;
	v9 =	vmax.f32 v52, v8;
	v8 =	vmin.f32 v52, v8  }
0x9e6: {  	v6 =	vmax.f32 v6, v14;
	v5 =	vmax.f32 v5, v8;
	v8 =	vmin.f32 v7, v55  }
0x9e7: {  	v7 =	vmax.f32 v7, v55;
	v56 =	vmax.f32 v54, v8;
	v8 =	vmin.f32 v54, v8  }
0x9e8: {  	v15 =	vmax.f32 v9, v8;
	v8 =	vmin.f32 v9, v8;
	v9 =	vmin.f32 v6, v13  }
0x9e9: {  	v6 =	vmax.f32 v6, v13;
	v5 =	vmax.f32 v5, v8;
	v8 =	vmin.f32 v7, v9  }
0x9ea: {  	v7 =	vmax.f32 v7, v9;
	v9 =	vmax.f32 v56, v8;
	v8 =	vmin.f32 v56, v8  }
0x9eb: {  	v58 =	vmin.f32 v6, v12;
	v57 =	vmax.f32 v15, v8;
	v8 =	vmin.f32 v15, v8  }
0x9ec: {  	v6 =	vmax.f32 v6, v12;
	v5 =	vmax.f32 v5, v8;
	v8 =	vmin.f32 v7, v58  }
0x9ed: {  	v60 =	vmin.f32 v6, v11;
	v59 =	vmax.f32 v9, v8;
	v8 =	vmin.f32 v9, v8  }
0x9ee: {  	v7 =	vmax.f32 v7, v58;
	v9 =	vmax.f32 v57, v8;
	v8 =	vmin.f32 v57, v8  }
0x9ef: {  	v6 =	vmax.f32 v6, v11;
	v5 =	vmax.f32 v5, v8;
	v8 =	vmin.f32 v7, v60  }
0x9f0: {  	v61 =	vmin.f32 v6, v10;
	v7 =	vmax.f32 v7, v60;
	v11 =	vmin.f32 v59, v8  }
0x9f1: {  	v12 =	vmax.f32 v59, v8;
	v62 =	vmin.f32 v7, v61;
	v8 =	vmin.f32 v9, v11  }
0x9f2: {  	v11 =	vmax.f32 v9, v11;
	v63 =	vmin.f32 v12, v62;
	v9 =	vmax.f32 v6, v10  }
0x9f3: {  	v5 =	vmax.f32 v5, v8;
	v8 =	vmax.f32 v7, v61;
	v10 =	vmin.f32 v11, v63  }
0x9f4: {  	v7 =	vmax.f32 v12, v62;
	v6 =	vmax.f32 v11, v63;
	v5 =	vmax.f32 v5, v10  }
.LBB2_66:
0x9f5: {  	v29 =	vld [tilespmem:s13+$0xF00]  }
0x9f6: {  	v28 =	vld [tilespmem:s13+$0xF80]  }
0x9f7: {  	v27 =	vld [tilespmem:s13+$0x1000]  }
0x9f8: {  	v26 =	vld [tilespmem:s13+$0x1080]  }
0x9f9: {  	v25 =	vld [tilespmem:s13+$0x1100]  }
0x9fa: {  	v24 =	vld [tilespmem:s13+$0x1180]  }
0x9fb: {  	v23 =	vld [tilespmem:s13+$0x1200]  }
0x9fc: {  	v22 =	vld [tilespmem:s13+$0x1280]  }
0x9fd: {  	v21 =	vld [tilespmem:s13+$0x1300]  }
0x9fe: {  	v20 =	vld [tilespmem:s13+$0x1380]  }
0x9ff: {  	v19 =	vld [tilespmem:s13+$0x1400]  }
0xa00: {  	v18 =	vld [tilespmem:s13+$0x1480]  }
0xa01: {  	v17 =	vld [tilespmem:s13+$0x1500]  }
0xa02: {  	v16 =	vld [tilespmem:s13+$0x1580]  }
0xa03: {  	v15 =	vld [tilespmem:s13+$0x1600]  }
0xa04: {  	v14 =	vld [tilespmem:s13+$0x1680]  }
0xa05: {  	v13 =	vld [tilespmem:s13+$0x1700]  }
0xa06: {  	v12 =	vld [tilespmem:s13+$0x1780]  }
0xa07: {  	v11 =	vld [tilespmem:s13+$0x1800]  }
0xa08: {  	v10 =	vld [tilespmem:s13+$0x1880];
	v30 =	vmax.f32 v29, v28  }
0xa09: {  	v31 =	vmax.f32 v27, v26;
	v32 =	vmax.f32 v25, v24;
	v33 =	vmax.f32 v23, v22  }
0xa0a: {  	v34 =	vmax.f32 v21, v20;
	v35 =	vmax.f32 v19, v18;
	v36 =	vmax.f32 v17, v16  }
0xa0b: {  	v37 =	vmax.f32 v15, v14;
	v38 =	vmax.f32 v13, v12;
	v30 =	vmax.f32 v30, v31  }
0xa0c: {  	v31 =	vmax.f32 v32, v33;
	v60 =	vmax.f32 v34, v35;
	v61 =	vmax.f32 v36, v37  }
0xa0d: {  	v62 =	vmax.f32 v11, v10;
	v30 =	vmax.f32 v30, v31;
	v31 =	vmax.f32 v60, v61  }
0xa0e: {  	v63 =	vmax.f32 v38, v62;
	v30 =	vmax.f32 v30, v31  }
0xa0f: {  	v30 =	vmax.f32 v30, v63  }
0xa10: {  	vm0 =	vgt.f32 v30, v5  }
0xa11: {  	v30 =	vmpcnt.ones.xlane vm0;
	_ =	sdelay $0x1  }
0xa12: {  	(v2sf) =	vpush v30, $0x0;
	_ =	sdelay $0xe  }
0xa13: {  	s4 =	spop (v2sf)  }
0xa14: {  	p1 =	slt.s32 s4, $0x1  }
.Ltmp49:
0xa15: {  	_ = 	snop;
	(pc) =	sbr.rel @p1 .LBB2_68-.Ltmp49, $1  }
0xa16: {  	_ =	sdelay $0x3  }
0xa17: {  	v30 =	vmin.f32 v9, v29  }
0xa18: {  	v9 =	vmax.f32 v9, v29;
	v62 =	vmin.f32 v8, v30  }
0xa19: {  	v8 =	vmax.f32 v8, v30;
	v63 =	vmax.f32 v7, v62;
	v7 =	vmin.f32 v7, v62  }
0xa1a: {  	v29 =	vmax.f32 v6, v7;
	v6 =	vmin.f32 v6, v7;
	v7 =	vmin.f32 v9, v28  }
0xa1b: {  	v5 =	vmax.f32 v5, v6;
	v6 =	vmax.f32 v9, v28;
	v9 =	vmin.f32 v8, v7  }
0xa1c: {  	v7 =	vmax.f32 v8, v7;
	v8 =	vmax.f32 v63, v9;
	v9 =	vmin.f32 v63, v9  }
0xa1d: {  	v33 =	vmin.f32 v6, v27;
	v32 =	vmax.f32 v29, v9;
	v9 =	vmin.f32 v29, v9  }
0xa1e: {  	v6 =	vmax.f32 v6, v27;
	v5 =	vmax.f32 v5, v9;
	v9 =	vmin.f32 v7, v33  }
0xa1f: {  	v35 =	vmin.f32 v6, v26;
	v34 =	vmax.f32 v8, v9;
	v8 =	vmin.f32 v8, v9  }
0xa20: {  	v7 =	vmax.f32 v7, v33;
	v9 =	vmax.f32 v32, v8;
	v8 =	vmin.f32 v32, v8  }
0xa21: {  	v6 =	vmax.f32 v6, v26;
	v5 =	vmax.f32 v5, v8;
	v8 =	vmin.f32 v7, v35  }
0xa22: {  	v7 =	vmax.f32 v7, v35;
	v36 =	vmax.f32 v34, v8;
	v8 =	vmin.f32 v34, v8  }
0xa23: {  	v27 =	vmax.f32 v9, v8;
	v8 =	vmin.f32 v9, v8;
	v9 =	vmin.f32 v6, v25  }
0xa24: {  	v6 =	vmax.f32 v6, v25;
	v5 =	vmax.f32 v5, v8;
	v8 =	vmin.f32 v7, v9  }
0xa25: {  	v7 =	vmax.f32 v7, v9;
	v9 =	vmax.f32 v36, v8;
	v8 =	vmin.f32 v36, v8  }
0xa26: {  	v38 =	vmin.f32 v6, v24;
	v37 =	vmax.f32 v27, v8;
	v8 =	vmin.f32 v27, v8  }
0xa27: {  	v6 =	vmax.f32 v6, v24;
	v5 =	vmax.f32 v5, v8;
	v8 =	vmin.f32 v7, v38  }
0xa28: {  	v40 =	vmin.f32 v6, v23;
	v39 =	vmax.f32 v9, v8;
	v8 =	vmin.f32 v9, v8  }
0xa29: {  	v7 =	vmax.f32 v7, v38;
	v9 =	vmax.f32 v37, v8;
	v8 =	vmin.f32 v37, v8  }
0xa2a: {  	v6 =	vmax.f32 v6, v23;
	v5 =	vmax.f32 v5, v8;
	v8 =	vmin.f32 v7, v40  }
0xa2b: {  	v7 =	vmax.f32 v7, v40;
	v41 =	vmax.f32 v39, v8;
	v8 =	vmin.f32 v39, v8  }
0xa2c: {  	v24 =	vmax.f32 v9, v8;
	v8 =	vmin.f32 v9, v8;
	v9 =	vmin.f32 v6, v22  }
0xa2d: {  	v6 =	vmax.f32 v6, v22;
	v5 =	vmax.f32 v5, v8;
	v8 =	vmin.f32 v7, v9  }
0xa2e: {  	v7 =	vmax.f32 v7, v9;
	v9 =	vmax.f32 v41, v8;
	v8 =	vmin.f32 v41, v8  }
0xa2f: {  	v43 =	vmin.f32 v6, v21;
	v42 =	vmax.f32 v24, v8;
	v8 =	vmin.f32 v24, v8  }
0xa30: {  	v6 =	vmax.f32 v6, v21;
	v5 =	vmax.f32 v5, v8;
	v8 =	vmin.f32 v7, v43  }
0xa31: {  	v45 =	vmin.f32 v6, v20;
	v44 =	vmax.f32 v9, v8;
	v8 =	vmin.f32 v9, v8  }
0xa32: {  	v7 =	vmax.f32 v7, v43;
	v9 =	vmax.f32 v42, v8;
	v8 =	vmin.f32 v42, v8  }
0xa33: {  	v6 =	vmax.f32 v6, v20;
	v5 =	vmax.f32 v5, v8;
	v8 =	vmin.f32 v7, v45  }
0xa34: {  	v7 =	vmax.f32 v7, v45;
	v46 =	vmax.f32 v44, v8;
	v8 =	vmin.f32 v44, v8  }
0xa35: {  	v21 =	vmax.f32 v9, v8;
	v8 =	vmin.f32 v9, v8;
	v9 =	vmin.f32 v6, v19  }
0xa36: {  	v6 =	vmax.f32 v6, v19;
	v5 =	vmax.f32 v5, v8;
	v8 =	vmin.f32 v7, v9  }
0xa37: {  	v7 =	vmax.f32 v7, v9;
	v9 =	vmax.f32 v46, v8;
	v8 =	vmin.f32 v46, v8  }
0xa38: {  	v48 =	vmin.f32 v6, v18;
	v47 =	vmax.f32 v21, v8;
	v8 =	vmin.f32 v21, v8  }
0xa39: {  	v6 =	vmax.f32 v6, v18;
	v5 =	vmax.f32 v5, v8;
	v8 =	vmin.f32 v7, v48  }
0xa3a: {  	v50 =	vmin.f32 v6, v17;
	v49 =	vmax.f32 v9, v8;
	v8 =	vmin.f32 v9, v8  }
0xa3b: {  	v7 =	vmax.f32 v7, v48;
	v9 =	vmax.f32 v47, v8;
	v8 =	vmin.f32 v47, v8  }
0xa3c: {  	v6 =	vmax.f32 v6, v17;
	v5 =	vmax.f32 v5, v8;
	v8 =	vmin.f32 v7, v50  }
0xa3d: {  	v7 =	vmax.f32 v7, v50;
	v51 =	vmax.f32 v49, v8;
	v8 =	vmin.f32 v49, v8  }
0xa3e: {  	v18 =	vmax.f32 v9, v8;
	v8 =	vmin.f32 v9, v8;
	v9 =	vmin.f32 v6, v16  }
0xa3f: {  	v6 =	vmax.f32 v6, v16;
	v5 =	vmax.f32 v5, v8;
	v8 =	vmin.f32 v7, v9  }
0xa40: {  	v7 =	vmax.f32 v7, v9;
	v9 =	vmax.f32 v51, v8;
	v8 =	vmin.f32 v51, v8  }
0xa41: {  	v53 =	vmin.f32 v6, v15;
	v52 =	vmax.f32 v18, v8;
	v8 =	vmin.f32 v18, v8  }
0xa42: {  	v6 =	vmax.f32 v6, v15;
	v5 =	vmax.f32 v5, v8;
	v8 =	vmin.f32 v7, v53  }
0xa43: {  	v55 =	vmin.f32 v6, v14;
	v54 =	vmax.f32 v9, v8;
	v8 =	vmin.f32 v9, v8  }
0xa44: {  	v7 =	vmax.f32 v7, v53;
	v9 =	vmax.f32 v52, v8;
	v8 =	vmin.f32 v52, v8  }
0xa45: {  	v6 =	vmax.f32 v6, v14;
	v5 =	vmax.f32 v5, v8;
	v8 =	vmin.f32 v7, v55  }
0xa46: {  	v7 =	vmax.f32 v7, v55;
	v56 =	vmax.f32 v54, v8;
	v8 =	vmin.f32 v54, v8  }
0xa47: {  	v15 =	vmax.f32 v9, v8;
	v8 =	vmin.f32 v9, v8;
	v9 =	vmin.f32 v6, v13  }
0xa48: {  	v6 =	vmax.f32 v6, v13;
	v5 =	vmax.f32 v5, v8;
	v8 =	vmin.f32 v7, v9  }
0xa49: {  	v7 =	vmax.f32 v7, v9;
	v9 =	vmax.f32 v56, v8;
	v8 =	vmin.f32 v56, v8  }
0xa4a: {  	v58 =	vmin.f32 v6, v12;
	v57 =	vmax.f32 v15, v8;
	v8 =	vmin.f32 v15, v8  }
0xa4b: {  	v6 =	vmax.f32 v6, v12;
	v5 =	vmax.f32 v5, v8;
	v8 =	vmin.f32 v7, v58  }
0xa4c: {  	v60 =	vmin.f32 v6, v11;
	v59 =	vmax.f32 v9, v8;
	v8 =	vmin.f32 v9, v8  }
0xa4d: {  	v7 =	vmax.f32 v7, v58;
	v9 =	vmax.f32 v57, v8;
	v8 =	vmin.f32 v57, v8  }
0xa4e: {  	v6 =	vmax.f32 v6, v11;
	v5 =	vmax.f32 v5, v8;
	v8 =	vmin.f32 v7, v60  }
.Ltmp50:
0xa4f: {  	v61 =	vmin.f32 v6, v10;
	v7 =	vmax.f32 v7, v60;
	v11 =	vmin.f32 v59, v8;
	(pc) =	sbr.rel .LBB2_68-.Ltmp50, $4  }
0xa50: {  	v12 =	vmax.f32 v59, v8;
	v62 =	vmin.f32 v7, v61;
	v8 =	vmin.f32 v9, v11  }
0xa51: {  	v11 =	vmax.f32 v9, v11;
	v63 =	vmin.f32 v12, v62;
	v9 =	vmax.f32 v6, v10  }
0xa52: {  	v5 =	vmax.f32 v5, v8;
	v8 =	vmax.f32 v7, v61;
	v10 =	vmin.f32 v11, v63  }
0xa53: {  	v7 =	vmax.f32 v12, v62;
	v6 =	vmax.f32 v11, v63;
	v5 =	vmax.f32 v5, v10  }
.LBB2_69:
0xa54: {  	[tilespmem:s0+$0x80] =	vst v9  }
0xa55: {  	[tilespmem:s0+$0x100] =	vst v8  }
0xa56: {  	[tilespmem:s0+$0x180] =	vst v7  }
0xa57: {  	[tilespmem:s0+$0x200] =	vst v6  }
0xa58: {  	[tilespmem:s0+$0x280] =	vst v5  }
0xa59: {  	v5 =	vld [tilespmem:s24+$0x0];
	_ =	sdelay $0x4  }
0xa5a: {  	vm0 =	vgt.s32 v5, $0x0  }
0xa5b: {  	v5 =	vnsel vm0, $0x0, v5  }
0xa5c: {  	v5 =	vmin.u32 v5, $0x1869F  }
0xa5d: {  	vm15 =	vge.u32 v5, v0;
	vm1 =	vlt.u32 v5, v1;
	v5 =	vsub.s32 v5, v0  }
0xa5e: {  	vm0 =	vmand vm15, vm1;
	v5 =	vshll.u32 v5, $0x7  }
0xa5f: {  	v5 =	vnsel vm0, $0x0, v5  }
0xa60: {  	v5 =	vor.u32 s24, v5  }
0xa61: {  	v5 =	vor.u32 v4, v5;
	_ =	sdelay $0x2  }
0xa62: {  	s4 =	sor.u32 $0x1, s29  }
0xa63: {  	v6 =	vld [tilespmem:s0+$0x300];
	s13 =	smul.u32 $0xC00, s4  }
0xa64: {  	v5 =	vld.idx.msk [tilespmem:v5+s18+$0x0], $0xffff  }
0xa65: {  	s24 =	sshra.s32 s13, $0x2  }
.Ltmp51:
0xa66: {  	v9 =	vld [tilespmem:s24+$0x80];
	(pc) =	sbr.rel .LBB2_70-.Ltmp51, $4  }
0xa67: {  	v8 =	vld [tilespmem:s24+$0x100]  }
0xa68: {  	v7 =	vld [tilespmem:s24+$0x180]  }
0xa69: {  	v5 =	vsel vm0, v5, v6;
	v6 =	vld [tilespmem:s24+$0x200]  }
0xa6a: {  	s22 =	simm.s32 $0xFFFFFFFB;
	s13 =	smov.u32 s28;
	[tilespmem:s0+$0x300] =	vst v5;
	v5 =	vld [tilespmem:s24+$0x280];
	s0 =	sshll.u32 s4, $0x4  }
.LBB2_80:
0xa6b: {  	s4 =	sadd.s32 $0x5, s22  }
0xa6c: {  	p1 =	slt.u32 s4, s22  }
.Ltmp52:
0xa6d: {  	_ = 	snop;
	(pc) =	sbr.rel @!p1 .LBB2_81-.Ltmp52, $2  }
0xa6e: {  	_ =	sdelay $0x2  }
0xa6f: {  	s13 =	sadd.s32 $0x3200, s13;
	s22 =	smov.u32 s4  }
.LBB2_70:
0xa70: {  	v29 =	vld [tilespmem:s13+$0xFFFFE700]  }
0xa71: {  	v28 =	vld [tilespmem:s13+$0xFFFFE780]  }
0xa72: {  	v27 =	vld [tilespmem:s13+$0xFFFFE800]  }
0xa73: {  	v26 =	vld [tilespmem:s13+$0xFFFFE880]  }
0xa74: {  	v25 =	vld [tilespmem:s13+$0xFFFFE900]  }
0xa75: {  	v24 =	vld [tilespmem:s13+$0xFFFFE980]  }
0xa76: {  	v23 =	vld [tilespmem:s13+$0xFFFFEA00]  }
0xa77: {  	v22 =	vld [tilespmem:s13+$0xFFFFEA80]  }
0xa78: {  	v21 =	vld [tilespmem:s13+$0xFFFFEB00]  }
0xa79: {  	v20 =	vld [tilespmem:s13+$0xFFFFEB80]  }
0xa7a: {  	v19 =	vld [tilespmem:s13+$0xFFFFEC00]  }
0xa7b: {  	v18 =	vld [tilespmem:s13+$0xFFFFEC80]  }
0xa7c: {  	v17 =	vld [tilespmem:s13+$0xFFFFED00]  }
0xa7d: {  	v16 =	vld [tilespmem:s13+$0xFFFFED80]  }
0xa7e: {  	v15 =	vld [tilespmem:s13+$0xFFFFEE00]  }
0xa7f: {  	v14 =	vld [tilespmem:s13+$0xFFFFEE80]  }
0xa80: {  	v13 =	vld [tilespmem:s13+$0xFFFFEF00]  }
0xa81: {  	v12 =	vld [tilespmem:s13+$0xFFFFEF80]  }
0xa82: {  	v11 =	vld [tilespmem:s13+$0xFFFFF000]  }
0xa83: {  	v10 =	vld [tilespmem:s13+$0xFFFFF080];
	v30 =	vmax.f32 v29, v28  }
0xa84: {  	v31 =	vmax.f32 v27, v26;
	v32 =	vmax.f32 v25, v24;
	v33 =	vmax.f32 v23, v22  }
0xa85: {  	v34 =	vmax.f32 v21, v20;
	v35 =	vmax.f32 v19, v18;
	v36 =	vmax.f32 v17, v16  }
0xa86: {  	v37 =	vmax.f32 v15, v14;
	v38 =	vmax.f32 v13, v12;
	v30 =	vmax.f32 v30, v31  }
0xa87: {  	v31 =	vmax.f32 v32, v33;
	v60 =	vmax.f32 v34, v35;
	v61 =	vmax.f32 v36, v37  }
0xa88: {  	v62 =	vmax.f32 v11, v10;
	v30 =	vmax.f32 v30, v31;
	v31 =	vmax.f32 v60, v61  }
0xa89: {  	v63 =	vmax.f32 v38, v62;
	v30 =	vmax.f32 v30, v31  }
0xa8a: {  	v30 =	vmax.f32 v30, v63  }
0xa8b: {  	vm0 =	vgt.f32 v30, v5  }
0xa8c: {  	v30 =	vmpcnt.ones.xlane vm0;
	_ =	sdelay $0x1  }
0xa8d: {  	(v2sf) =	vpush v30, $0x0;
	_ =	sdelay $0xe  }
0xa8e: {  	s4 =	spop (v2sf)  }
0xa8f: {  	p1 =	slt.s32 s4, $0x1  }
.Ltmp53:
0xa90: {  	_ = 	snop;
	(pc) =	sbr.rel @p1 .LBB2_72-.Ltmp53, $1  }
0xa91: {  	_ =	sdelay $0x3  }
0xa92: {  	v30 =	vmin.f32 v9, v29  }
0xa93: {  	v9 =	vmax.f32 v9, v29;
	v62 =	vmin.f32 v8, v30  }
0xa94: {  	v8 =	vmax.f32 v8, v30;
	v63 =	vmax.f32 v7, v62;
	v7 =	vmin.f32 v7, v62  }
0xa95: {  	v29 =	vmax.f32 v6, v7;
	v6 =	vmin.f32 v6, v7;
	v7 =	vmin.f32 v9, v28  }
0xa96: {  	v5 =	vmax.f32 v5, v6;
	v6 =	vmax.f32 v9, v28;
	v9 =	vmin.f32 v8, v7  }
0xa97: {  	v7 =	vmax.f32 v8, v7;
	v8 =	vmax.f32 v63, v9;
	v9 =	vmin.f32 v63, v9  }
0xa98: {  	v33 =	vmin.f32 v6, v27;
	v32 =	vmax.f32 v29, v9;
	v9 =	vmin.f32 v29, v9  }
0xa99: {  	v6 =	vmax.f32 v6, v27;
	v5 =	vmax.f32 v5, v9;
	v9 =	vmin.f32 v7, v33  }
0xa9a: {  	v35 =	vmin.f32 v6, v26;
	v34 =	vmax.f32 v8, v9;
	v8 =	vmin.f32 v8, v9  }
0xa9b: {  	v7 =	vmax.f32 v7, v33;
	v9 =	vmax.f32 v32, v8;
	v8 =	vmin.f32 v32, v8  }
0xa9c: {  	v6 =	vmax.f32 v6, v26;
	v5 =	vmax.f32 v5, v8;
	v8 =	vmin.f32 v7, v35  }
0xa9d: {  	v7 =	vmax.f32 v7, v35;
	v36 =	vmax.f32 v34, v8;
	v8 =	vmin.f32 v34, v8  }
0xa9e: {  	v27 =	vmax.f32 v9, v8;
	v8 =	vmin.f32 v9, v8;
	v9 =	vmin.f32 v6, v25  }
0xa9f: {  	v6 =	vmax.f32 v6, v25;
	v5 =	vmax.f32 v5, v8;
	v8 =	vmin.f32 v7, v9  }
0xaa0: {  	v7 =	vmax.f32 v7, v9;
	v9 =	vmax.f32 v36, v8;
	v8 =	vmin.f32 v36, v8  }
0xaa1: {  	v38 =	vmin.f32 v6, v24;
	v37 =	vmax.f32 v27, v8;
	v8 =	vmin.f32 v27, v8  }
0xaa2: {  	v6 =	vmax.f32 v6, v24;
	v5 =	vmax.f32 v5, v8;
	v8 =	vmin.f32 v7, v38  }
0xaa3: {  	v40 =	vmin.f32 v6, v23;
	v39 =	vmax.f32 v9, v8;
	v8 =	vmin.f32 v9, v8  }
0xaa4: {  	v7 =	vmax.f32 v7, v38;
	v9 =	vmax.f32 v37, v8;
	v8 =	vmin.f32 v37, v8  }
0xaa5: {  	v6 =	vmax.f32 v6, v23;
	v5 =	vmax.f32 v5, v8;
	v8 =	vmin.f32 v7, v40  }
0xaa6: {  	v7 =	vmax.f32 v7, v40;
	v41 =	vmax.f32 v39, v8;
	v8 =	vmin.f32 v39, v8  }
0xaa7: {  	v24 =	vmax.f32 v9, v8;
	v8 =	vmin.f32 v9, v8;
	v9 =	vmin.f32 v6, v22  }
0xaa8: {  	v6 =	vmax.f32 v6, v22;
	v5 =	vmax.f32 v5, v8;
	v8 =	vmin.f32 v7, v9  }
0xaa9: {  	v7 =	vmax.f32 v7, v9;
	v9 =	vmax.f32 v41, v8;
	v8 =	vmin.f32 v41, v8  }
0xaaa: {  	v43 =	vmin.f32 v6, v21;
	v42 =	vmax.f32 v24, v8;
	v8 =	vmin.f32 v24, v8  }
0xaab: {  	v6 =	vmax.f32 v6, v21;
	v5 =	vmax.f32 v5, v8;
	v8 =	vmin.f32 v7, v43  }
0xaac: {  	v45 =	vmin.f32 v6, v20;
	v44 =	vmax.f32 v9, v8;
	v8 =	vmin.f32 v9, v8  }
0xaad: {  	v7 =	vmax.f32 v7, v43;
	v9 =	vmax.f32 v42, v8;
	v8 =	vmin.f32 v42, v8  }
0xaae: {  	v6 =	vmax.f32 v6, v20;
	v5 =	vmax.f32 v5, v8;
	v8 =	vmin.f32 v7, v45  }
0xaaf: {  	v7 =	vmax.f32 v7, v45;
	v46 =	vmax.f32 v44, v8;
	v8 =	vmin.f32 v44, v8  }
0xab0: {  	v21 =	vmax.f32 v9, v8;
	v8 =	vmin.f32 v9, v8;
	v9 =	vmin.f32 v6, v19  }
0xab1: {  	v6 =	vmax.f32 v6, v19;
	v5 =	vmax.f32 v5, v8;
	v8 =	vmin.f32 v7, v9  }
0xab2: {  	v7 =	vmax.f32 v7, v9;
	v9 =	vmax.f32 v46, v8;
	v8 =	vmin.f32 v46, v8  }
0xab3: {  	v48 =	vmin.f32 v6, v18;
	v47 =	vmax.f32 v21, v8;
	v8 =	vmin.f32 v21, v8  }
0xab4: {  	v6 =	vmax.f32 v6, v18;
	v5 =	vmax.f32 v5, v8;
	v8 =	vmin.f32 v7, v48  }
0xab5: {  	v50 =	vmin.f32 v6, v17;
	v49 =	vmax.f32 v9, v8;
	v8 =	vmin.f32 v9, v8  }
0xab6: {  	v7 =	vmax.f32 v7, v48;
	v9 =	vmax.f32 v47, v8;
	v8 =	vmin.f32 v47, v8  }
0xab7: {  	v6 =	vmax.f32 v6, v17;
	v5 =	vmax.f32 v5, v8;
	v8 =	vmin.f32 v7, v50  }
0xab8: {  	v7 =	vmax.f32 v7, v50;
	v51 =	vmax.f32 v49, v8;
	v8 =	vmin.f32 v49, v8  }
0xab9: {  	v18 =	vmax.f32 v9, v8;
	v8 =	vmin.f32 v9, v8;
	v9 =	vmin.f32 v6, v16  }
0xaba: {  	v6 =	vmax.f32 v6, v16;
	v5 =	vmax.f32 v5, v8;
	v8 =	vmin.f32 v7, v9  }
0xabb: {  	v7 =	vmax.f32 v7, v9;
	v9 =	vmax.f32 v51, v8;
	v8 =	vmin.f32 v51, v8  }
0xabc: {  	v53 =	vmin.f32 v6, v15;
	v52 =	vmax.f32 v18, v8;
	v8 =	vmin.f32 v18, v8  }
0xabd: {  	v6 =	vmax.f32 v6, v15;
	v5 =	vmax.f32 v5, v8;
	v8 =	vmin.f32 v7, v53  }
0xabe: {  	v55 =	vmin.f32 v6, v14;
	v54 =	vmax.f32 v9, v8;
	v8 =	vmin.f32 v9, v8  }
0xabf: {  	v7 =	vmax.f32 v7, v53;
	v9 =	vmax.f32 v52, v8;
	v8 =	vmin.f32 v52, v8  }
0xac0: {  	v6 =	vmax.f32 v6, v14;
	v5 =	vmax.f32 v5, v8;
	v8 =	vmin.f32 v7, v55  }
0xac1: {  	v7 =	vmax.f32 v7, v55;
	v56 =	vmax.f32 v54, v8;
	v8 =	vmin.f32 v54, v8  }
0xac2: {  	v15 =	vmax.f32 v9, v8;
	v8 =	vmin.f32 v9, v8;
	v9 =	vmin.f32 v6, v13  }
0xac3: {  	v6 =	vmax.f32 v6, v13;
	v5 =	vmax.f32 v5, v8;
	v8 =	vmin.f32 v7, v9  }
0xac4: {  	v7 =	vmax.f32 v7, v9;
	v9 =	vmax.f32 v56, v8;
	v8 =	vmin.f32 v56, v8  }
0xac5: {  	v58 =	vmin.f32 v6, v12;
	v57 =	vmax.f32 v15, v8;
	v8 =	vmin.f32 v15, v8  }
0xac6: {  	v6 =	vmax.f32 v6, v12;
	v5 =	vmax.f32 v5, v8;
	v8 =	vmin.f32 v7, v58  }
0xac7: {  	v60 =	vmin.f32 v6, v11;
	v59 =	vmax.f32 v9, v8;
	v8 =	vmin.f32 v9, v8  }
0xac8: {  	v7 =	vmax.f32 v7, v58;
	v9 =	vmax.f32 v57, v8;
	v8 =	vmin.f32 v57, v8  }
0xac9: {  	v6 =	vmax.f32 v6, v11;
	v5 =	vmax.f32 v5, v8;
	v8 =	vmin.f32 v7, v60  }
0xaca: {  	v61 =	vmin.f32 v6, v10;
	v7 =	vmax.f32 v7, v60;
	v11 =	vmin.f32 v59, v8  }
0xacb: {  	v12 =	vmax.f32 v59, v8;
	v62 =	vmin.f32 v7, v61;
	v8 =	vmin.f32 v9, v11  }
0xacc: {  	v11 =	vmax.f32 v9, v11;
	v63 =	vmin.f32 v12, v62;
	v9 =	vmax.f32 v6, v10  }
0xacd: {  	v5 =	vmax.f32 v5, v8;
	v8 =	vmax.f32 v7, v61;
	v10 =	vmin.f32 v11, v63  }
0xace: {  	v7 =	vmax.f32 v12, v62;
	v6 =	vmax.f32 v11, v63;
	v5 =	vmax.f32 v5, v10  }
.LBB2_72:
0xacf: {  	v29 =	vld [tilespmem:s13+$0xFFFFF100]  }
0xad0: {  	v28 =	vld [tilespmem:s13+$0xFFFFF180]  }
0xad1: {  	v27 =	vld [tilespmem:s13+$0xFFFFF200]  }
0xad2: {  	v26 =	vld [tilespmem:s13+$0xFFFFF280]  }
0xad3: {  	v25 =	vld [tilespmem:s13+$0xFFFFF300]  }
0xad4: {  	v24 =	vld [tilespmem:s13+$0xFFFFF380]  }
0xad5: {  	v23 =	vld [tilespmem:s13+$0xFFFFF400]  }
0xad6: {  	v22 =	vld [tilespmem:s13+$0xFFFFF480]  }
0xad7: {  	v21 =	vld [tilespmem:s13+$0xFFFFF500]  }
0xad8: {  	v20 =	vld [tilespmem:s13+$0xFFFFF580]  }
0xad9: {  	v19 =	vld [tilespmem:s13+$0xFFFFF600]  }
0xada: {  	v18 =	vld [tilespmem:s13+$0xFFFFF680]  }
0xadb: {  	v17 =	vld [tilespmem:s13+$0xFFFFF700]  }
0xadc: {  	v16 =	vld [tilespmem:s13+$0xFFFFF780]  }
0xadd: {  	v15 =	vld [tilespmem:s13+$0xFFFFF800]  }
0xade: {  	v14 =	vld [tilespmem:s13+$0xFFFFF880]  }
0xadf: {  	v13 =	vld [tilespmem:s13+$0xFFFFF900]  }
0xae0: {  	v12 =	vld [tilespmem:s13+$0xFFFFF980]  }
0xae1: {  	v11 =	vld [tilespmem:s13+$0xFFFFFA00]  }
0xae2: {  	v10 =	vld [tilespmem:s13+$0xFFFFFA80];
	v30 =	vmax.f32 v29, v28  }
0xae3: {  	v31 =	vmax.f32 v27, v26;
	v32 =	vmax.f32 v25, v24;
	v33 =	vmax.f32 v23, v22  }
0xae4: {  	v34 =	vmax.f32 v21, v20;
	v35 =	vmax.f32 v19, v18;
	v36 =	vmax.f32 v17, v16  }
0xae5: {  	v37 =	vmax.f32 v15, v14;
	v38 =	vmax.f32 v13, v12;
	v30 =	vmax.f32 v30, v31  }
0xae6: {  	v31 =	vmax.f32 v32, v33;
	v60 =	vmax.f32 v34, v35;
	v61 =	vmax.f32 v36, v37  }
0xae7: {  	v62 =	vmax.f32 v11, v10;
	v30 =	vmax.f32 v30, v31;
	v31 =	vmax.f32 v60, v61  }
0xae8: {  	v63 =	vmax.f32 v38, v62;
	v30 =	vmax.f32 v30, v31  }
0xae9: {  	v30 =	vmax.f32 v30, v63  }
0xaea: {  	vm0 =	vgt.f32 v30, v5  }
0xaeb: {  	v30 =	vmpcnt.ones.xlane vm0;
	_ =	sdelay $0x1  }
0xaec: {  	(v2sf) =	vpush v30, $0x0;
	_ =	sdelay $0xe  }
0xaed: {  	s4 =	spop (v2sf)  }
0xaee: {  	p1 =	slt.s32 s4, $0x1  }
.Ltmp54:
0xaef: {  	_ = 	snop;
	(pc) =	sbr.rel @p1 .LBB2_74-.Ltmp54, $1  }
0xaf0: {  	_ =	sdelay $0x3  }
0xaf1: {  	v30 =	vmin.f32 v9, v29  }
0xaf2: {  	v9 =	vmax.f32 v9, v29;
	v62 =	vmin.f32 v8, v30  }
0xaf3: {  	v8 =	vmax.f32 v8, v30;
	v63 =	vmax.f32 v7, v62;
	v7 =	vmin.f32 v7, v62  }
0xaf4: {  	v29 =	vmax.f32 v6, v7;
	v6 =	vmin.f32 v6, v7;
	v7 =	vmin.f32 v9, v28  }
0xaf5: {  	v5 =	vmax.f32 v5, v6;
	v6 =	vmax.f32 v9, v28;
	v9 =	vmin.f32 v8, v7  }
0xaf6: {  	v7 =	vmax.f32 v8, v7;
	v8 =	vmax.f32 v63, v9;
	v9 =	vmin.f32 v63, v9  }
0xaf7: {  	v33 =	vmin.f32 v6, v27;
	v32 =	vmax.f32 v29, v9;
	v9 =	vmin.f32 v29, v9  }
0xaf8: {  	v6 =	vmax.f32 v6, v27;
	v5 =	vmax.f32 v5, v9;
	v9 =	vmin.f32 v7, v33  }
0xaf9: {  	v35 =	vmin.f32 v6, v26;
	v34 =	vmax.f32 v8, v9;
	v8 =	vmin.f32 v8, v9  }
0xafa: {  	v7 =	vmax.f32 v7, v33;
	v9 =	vmax.f32 v32, v8;
	v8 =	vmin.f32 v32, v8  }
0xafb: {  	v6 =	vmax.f32 v6, v26;
	v5 =	vmax.f32 v5, v8;
	v8 =	vmin.f32 v7, v35  }
0xafc: {  	v7 =	vmax.f32 v7, v35;
	v36 =	vmax.f32 v34, v8;
	v8 =	vmin.f32 v34, v8  }
0xafd: {  	v27 =	vmax.f32 v9, v8;
	v8 =	vmin.f32 v9, v8;
	v9 =	vmin.f32 v6, v25  }
0xafe: {  	v6 =	vmax.f32 v6, v25;
	v5 =	vmax.f32 v5, v8;
	v8 =	vmin.f32 v7, v9  }
0xaff: {  	v7 =	vmax.f32 v7, v9;
	v9 =	vmax.f32 v36, v8;
	v8 =	vmin.f32 v36, v8  }
0xb00: {  	v38 =	vmin.f32 v6, v24;
	v37 =	vmax.f32 v27, v8;
	v8 =	vmin.f32 v27, v8  }
0xb01: {  	v6 =	vmax.f32 v6, v24;
	v5 =	vmax.f32 v5, v8;
	v8 =	vmin.f32 v7, v38  }
0xb02: {  	v40 =	vmin.f32 v6, v23;
	v39 =	vmax.f32 v9, v8;
	v8 =	vmin.f32 v9, v8  }
0xb03: {  	v7 =	vmax.f32 v7, v38;
	v9 =	vmax.f32 v37, v8;
	v8 =	vmin.f32 v37, v8  }
0xb04: {  	v6 =	vmax.f32 v6, v23;
	v5 =	vmax.f32 v5, v8;
	v8 =	vmin.f32 v7, v40  }
0xb05: {  	v7 =	vmax.f32 v7, v40;
	v41 =	vmax.f32 v39, v8;
	v8 =	vmin.f32 v39, v8  }
0xb06: {  	v24 =	vmax.f32 v9, v8;
	v8 =	vmin.f32 v9, v8;
	v9 =	vmin.f32 v6, v22  }
0xb07: {  	v6 =	vmax.f32 v6, v22;
	v5 =	vmax.f32 v5, v8;
	v8 =	vmin.f32 v7, v9  }
0xb08: {  	v7 =	vmax.f32 v7, v9;
	v9 =	vmax.f32 v41, v8;
	v8 =	vmin.f32 v41, v8  }
0xb09: {  	v43 =	vmin.f32 v6, v21;
	v42 =	vmax.f32 v24, v8;
	v8 =	vmin.f32 v24, v8  }
0xb0a: {  	v6 =	vmax.f32 v6, v21;
	v5 =	vmax.f32 v5, v8;
	v8 =	vmin.f32 v7, v43  }
0xb0b: {  	v45 =	vmin.f32 v6, v20;
	v44 =	vmax.f32 v9, v8;
	v8 =	vmin.f32 v9, v8  }
0xb0c: {  	v7 =	vmax.f32 v7, v43;
	v9 =	vmax.f32 v42, v8;
	v8 =	vmin.f32 v42, v8  }
0xb0d: {  	v6 =	vmax.f32 v6, v20;
	v5 =	vmax.f32 v5, v8;
	v8 =	vmin.f32 v7, v45  }
0xb0e: {  	v7 =	vmax.f32 v7, v45;
	v46 =	vmax.f32 v44, v8;
	v8 =	vmin.f32 v44, v8  }
0xb0f: {  	v21 =	vmax.f32 v9, v8;
	v8 =	vmin.f32 v9, v8;
	v9 =	vmin.f32 v6, v19  }
0xb10: {  	v6 =	vmax.f32 v6, v19;
	v5 =	vmax.f32 v5, v8;
	v8 =	vmin.f32 v7, v9  }
0xb11: {  	v7 =	vmax.f32 v7, v9;
	v9 =	vmax.f32 v46, v8;
	v8 =	vmin.f32 v46, v8  }
0xb12: {  	v48 =	vmin.f32 v6, v18;
	v47 =	vmax.f32 v21, v8;
	v8 =	vmin.f32 v21, v8  }
0xb13: {  	v6 =	vmax.f32 v6, v18;
	v5 =	vmax.f32 v5, v8;
	v8 =	vmin.f32 v7, v48  }
0xb14: {  	v50 =	vmin.f32 v6, v17;
	v49 =	vmax.f32 v9, v8;
	v8 =	vmin.f32 v9, v8  }
0xb15: {  	v7 =	vmax.f32 v7, v48;
	v9 =	vmax.f32 v47, v8;
	v8 =	vmin.f32 v47, v8  }
0xb16: {  	v6 =	vmax.f32 v6, v17;
	v5 =	vmax.f32 v5, v8;
	v8 =	vmin.f32 v7, v50  }
0xb17: {  	v7 =	vmax.f32 v7, v50;
	v51 =	vmax.f32 v49, v8;
	v8 =	vmin.f32 v49, v8  }
0xb18: {  	v18 =	vmax.f32 v9, v8;
	v8 =	vmin.f32 v9, v8;
	v9 =	vmin.f32 v6, v16  }
0xb19: {  	v6 =	vmax.f32 v6, v16;
	v5 =	vmax.f32 v5, v8;
	v8 =	vmin.f32 v7, v9  }
0xb1a: {  	v7 =	vmax.f32 v7, v9;
	v9 =	vmax.f32 v51, v8;
	v8 =	vmin.f32 v51, v8  }
0xb1b: {  	v53 =	vmin.f32 v6, v15;
	v52 =	vmax.f32 v18, v8;
	v8 =	vmin.f32 v18, v8  }
0xb1c: {  	v6 =	vmax.f32 v6, v15;
	v5 =	vmax.f32 v5, v8;
	v8 =	vmin.f32 v7, v53  }
0xb1d: {  	v55 =	vmin.f32 v6, v14;
	v54 =	vmax.f32 v9, v8;
	v8 =	vmin.f32 v9, v8  }
0xb1e: {  	v7 =	vmax.f32 v7, v53;
	v9 =	vmax.f32 v52, v8;
	v8 =	vmin.f32 v52, v8  }
0xb1f: {  	v6 =	vmax.f32 v6, v14;
	v5 =	vmax.f32 v5, v8;
	v8 =	vmin.f32 v7, v55  }
0xb20: {  	v7 =	vmax.f32 v7, v55;
	v56 =	vmax.f32 v54, v8;
	v8 =	vmin.f32 v54, v8  }
0xb21: {  	v15 =	vmax.f32 v9, v8;
	v8 =	vmin.f32 v9, v8;
	v9 =	vmin.f32 v6, v13  }
0xb22: {  	v6 =	vmax.f32 v6, v13;
	v5 =	vmax.f32 v5, v8;
	v8 =	vmin.f32 v7, v9  }
0xb23: {  	v7 =	vmax.f32 v7, v9;
	v9 =	vmax.f32 v56, v8;
	v8 =	vmin.f32 v56, v8  }
0xb24: {  	v58 =	vmin.f32 v6, v12;
	v57 =	vmax.f32 v15, v8;
	v8 =	vmin.f32 v15, v8  }
0xb25: {  	v6 =	vmax.f32 v6, v12;
	v5 =	vmax.f32 v5, v8;
	v8 =	vmin.f32 v7, v58  }
0xb26: {  	v60 =	vmin.f32 v6, v11;
	v59 =	vmax.f32 v9, v8;
	v8 =	vmin.f32 v9, v8  }
0xb27: {  	v7 =	vmax.f32 v7, v58;
	v9 =	vmax.f32 v57, v8;
	v8 =	vmin.f32 v57, v8  }
0xb28: {  	v6 =	vmax.f32 v6, v11;
	v5 =	vmax.f32 v5, v8;
	v8 =	vmin.f32 v7, v60  }
0xb29: {  	v61 =	vmin.f32 v6, v10;
	v7 =	vmax.f32 v7, v60;
	v11 =	vmin.f32 v59, v8  }
0xb2a: {  	v12 =	vmax.f32 v59, v8;
	v62 =	vmin.f32 v7, v61;
	v8 =	vmin.f32 v9, v11  }
0xb2b: {  	v11 =	vmax.f32 v9, v11;
	v63 =	vmin.f32 v12, v62;
	v9 =	vmax.f32 v6, v10  }
0xb2c: {  	v5 =	vmax.f32 v5, v8;
	v8 =	vmax.f32 v7, v61;
	v10 =	vmin.f32 v11, v63  }
0xb2d: {  	v7 =	vmax.f32 v12, v62;
	v6 =	vmax.f32 v11, v63;
	v5 =	vmax.f32 v5, v10  }
.LBB2_74:
0xb2e: {  	v29 =	vld [tilespmem:s13+$0xFFFFFB00]  }
0xb2f: {  	v28 =	vld [tilespmem:s13+$0xFFFFFB80]  }
0xb30: {  	v27 =	vld [tilespmem:s13+$0xFFFFFC00]  }
0xb31: {  	v26 =	vld [tilespmem:s13+$0xFFFFFC80]  }
0xb32: {  	v25 =	vld [tilespmem:s13+$0xFFFFFD00]  }
0xb33: {  	v24 =	vld [tilespmem:s13+$0xFFFFFD80]  }
0xb34: {  	v23 =	vld [tilespmem:s13+$0xFFFFFE00]  }
0xb35: {  	v22 =	vld [tilespmem:s13+$0xFFFFFE80]  }
0xb36: {  	v21 =	vld [tilespmem:s13+$0xFFFFFF00]  }
0xb37: {  	v20 =	vld [tilespmem:s13+$0xFFFFFF80]  }
0xb38: {  	v19 =	vld [tilespmem:s13+$0x0]  }
0xb39: {  	v18 =	vld [tilespmem:s13+$0x80]  }
0xb3a: {  	v17 =	vld [tilespmem:s13+$0x100]  }
0xb3b: {  	v16 =	vld [tilespmem:s13+$0x180]  }
0xb3c: {  	v15 =	vld [tilespmem:s13+$0x200]  }
0xb3d: {  	v14 =	vld [tilespmem:s13+$0x280]  }
0xb3e: {  	v13 =	vld [tilespmem:s13+$0x300]  }
0xb3f: {  	v12 =	vld [tilespmem:s13+$0x380]  }
0xb40: {  	v11 =	vld [tilespmem:s13+$0x400]  }
0xb41: {  	v10 =	vld [tilespmem:s13+$0x480];
	v30 =	vmax.f32 v29, v28  }
0xb42: {  	v31 =	vmax.f32 v27, v26;
	v32 =	vmax.f32 v25, v24;
	v33 =	vmax.f32 v23, v22  }
0xb43: {  	v34 =	vmax.f32 v21, v20;
	v35 =	vmax.f32 v19, v18;
	v36 =	vmax.f32 v17, v16  }
0xb44: {  	v37 =	vmax.f32 v15, v14;
	v38 =	vmax.f32 v13, v12;
	v30 =	vmax.f32 v30, v31  }
0xb45: {  	v31 =	vmax.f32 v32, v33;
	v60 =	vmax.f32 v34, v35;
	v61 =	vmax.f32 v36, v37  }
0xb46: {  	v62 =	vmax.f32 v11, v10;
	v30 =	vmax.f32 v30, v31;
	v31 =	vmax.f32 v60, v61  }
0xb47: {  	v63 =	vmax.f32 v38, v62;
	v30 =	vmax.f32 v30, v31  }
0xb48: {  	v30 =	vmax.f32 v30, v63  }
0xb49: {  	vm0 =	vgt.f32 v30, v5  }
0xb4a: {  	v30 =	vmpcnt.ones.xlane vm0;
	_ =	sdelay $0x1  }
0xb4b: {  	(v2sf) =	vpush v30, $0x0;
	_ =	sdelay $0xe  }
0xb4c: {  	s4 =	spop (v2sf)  }
0xb4d: {  	p1 =	slt.s32 s4, $0x1  }
.Ltmp55:
0xb4e: {  	_ = 	snop;
	(pc) =	sbr.rel @p1 .LBB2_76-.Ltmp55, $1  }
0xb4f: {  	_ =	sdelay $0x3  }
0xb50: {  	v30 =	vmin.f32 v9, v29  }
0xb51: {  	v9 =	vmax.f32 v9, v29;
	v62 =	vmin.f32 v8, v30  }
0xb52: {  	v8 =	vmax.f32 v8, v30;
	v63 =	vmax.f32 v7, v62;
	v7 =	vmin.f32 v7, v62  }
0xb53: {  	v29 =	vmax.f32 v6, v7;
	v6 =	vmin.f32 v6, v7;
	v7 =	vmin.f32 v9, v28  }
0xb54: {  	v5 =	vmax.f32 v5, v6;
	v6 =	vmax.f32 v9, v28;
	v9 =	vmin.f32 v8, v7  }
0xb55: {  	v7 =	vmax.f32 v8, v7;
	v8 =	vmax.f32 v63, v9;
	v9 =	vmin.f32 v63, v9  }
0xb56: {  	v33 =	vmin.f32 v6, v27;
	v32 =	vmax.f32 v29, v9;
	v9 =	vmin.f32 v29, v9  }
0xb57: {  	v6 =	vmax.f32 v6, v27;
	v5 =	vmax.f32 v5, v9;
	v9 =	vmin.f32 v7, v33  }
0xb58: {  	v35 =	vmin.f32 v6, v26;
	v34 =	vmax.f32 v8, v9;
	v8 =	vmin.f32 v8, v9  }
0xb59: {  	v7 =	vmax.f32 v7, v33;
	v9 =	vmax.f32 v32, v8;
	v8 =	vmin.f32 v32, v8  }
0xb5a: {  	v6 =	vmax.f32 v6, v26;
	v5 =	vmax.f32 v5, v8;
	v8 =	vmin.f32 v7, v35  }
0xb5b: {  	v7 =	vmax.f32 v7, v35;
	v36 =	vmax.f32 v34, v8;
	v8 =	vmin.f32 v34, v8  }
0xb5c: {  	v27 =	vmax.f32 v9, v8;
	v8 =	vmin.f32 v9, v8;
	v9 =	vmin.f32 v6, v25  }
0xb5d: {  	v6 =	vmax.f32 v6, v25;
	v5 =	vmax.f32 v5, v8;
	v8 =	vmin.f32 v7, v9  }
0xb5e: {  	v7 =	vmax.f32 v7, v9;
	v9 =	vmax.f32 v36, v8;
	v8 =	vmin.f32 v36, v8  }
0xb5f: {  	v38 =	vmin.f32 v6, v24;
	v37 =	vmax.f32 v27, v8;
	v8 =	vmin.f32 v27, v8  }
0xb60: {  	v6 =	vmax.f32 v6, v24;
	v5 =	vmax.f32 v5, v8;
	v8 =	vmin.f32 v7, v38  }
0xb61: {  	v40 =	vmin.f32 v6, v23;
	v39 =	vmax.f32 v9, v8;
	v8 =	vmin.f32 v9, v8  }
0xb62: {  	v7 =	vmax.f32 v7, v38;
	v9 =	vmax.f32 v37, v8;
	v8 =	vmin.f32 v37, v8  }
0xb63: {  	v6 =	vmax.f32 v6, v23;
	v5 =	vmax.f32 v5, v8;
	v8 =	vmin.f32 v7, v40  }
0xb64: {  	v7 =	vmax.f32 v7, v40;
	v41 =	vmax.f32 v39, v8;
	v8 =	vmin.f32 v39, v8  }
0xb65: {  	v24 =	vmax.f32 v9, v8;
	v8 =	vmin.f32 v9, v8;
	v9 =	vmin.f32 v6, v22  }
0xb66: {  	v6 =	vmax.f32 v6, v22;
	v5 =	vmax.f32 v5, v8;
	v8 =	vmin.f32 v7, v9  }
0xb67: {  	v7 =	vmax.f32 v7, v9;
	v9 =	vmax.f32 v41, v8;
	v8 =	vmin.f32 v41, v8  }
0xb68: {  	v43 =	vmin.f32 v6, v21;
	v42 =	vmax.f32 v24, v8;
	v8 =	vmin.f32 v24, v8  }
0xb69: {  	v6 =	vmax.f32 v6, v21;
	v5 =	vmax.f32 v5, v8;
	v8 =	vmin.f32 v7, v43  }
0xb6a: {  	v45 =	vmin.f32 v6, v20;
	v44 =	vmax.f32 v9, v8;
	v8 =	vmin.f32 v9, v8  }
0xb6b: {  	v7 =	vmax.f32 v7, v43;
	v9 =	vmax.f32 v42, v8;
	v8 =	vmin.f32 v42, v8  }
0xb6c: {  	v6 =	vmax.f32 v6, v20;
	v5 =	vmax.f32 v5, v8;
	v8 =	vmin.f32 v7, v45  }
0xb6d: {  	v7 =	vmax.f32 v7, v45;
	v46 =	vmax.f32 v44, v8;
	v8 =	vmin.f32 v44, v8  }
0xb6e: {  	v21 =	vmax.f32 v9, v8;
	v8 =	vmin.f32 v9, v8;
	v9 =	vmin.f32 v6, v19  }
0xb6f: {  	v6 =	vmax.f32 v6, v19;
	v5 =	vmax.f32 v5, v8;
	v8 =	vmin.f32 v7, v9  }
0xb70: {  	v7 =	vmax.f32 v7, v9;
	v9 =	vmax.f32 v46, v8;
	v8 =	vmin.f32 v46, v8  }
0xb71: {  	v48 =	vmin.f32 v6, v18;
	v47 =	vmax.f32 v21, v8;
	v8 =	vmin.f32 v21, v8  }
0xb72: {  	v6 =	vmax.f32 v6, v18;
	v5 =	vmax.f32 v5, v8;
	v8 =	vmin.f32 v7, v48  }
0xb73: {  	v50 =	vmin.f32 v6, v17;
	v49 =	vmax.f32 v9, v8;
	v8 =	vmin.f32 v9, v8  }
0xb74: {  	v7 =	vmax.f32 v7, v48;
	v9 =	vmax.f32 v47, v8;
	v8 =	vmin.f32 v47, v8  }
0xb75: {  	v6 =	vmax.f32 v6, v17;
	v5 =	vmax.f32 v5, v8;
	v8 =	vmin.f32 v7, v50  }
0xb76: {  	v7 =	vmax.f32 v7, v50;
	v51 =	vmax.f32 v49, v8;
	v8 =	vmin.f32 v49, v8  }
0xb77: {  	v18 =	vmax.f32 v9, v8;
	v8 =	vmin.f32 v9, v8;
	v9 =	vmin.f32 v6, v16  }
0xb78: {  	v6 =	vmax.f32 v6, v16;
	v5 =	vmax.f32 v5, v8;
	v8 =	vmin.f32 v7, v9  }
0xb79: {  	v7 =	vmax.f32 v7, v9;
	v9 =	vmax.f32 v51, v8;
	v8 =	vmin.f32 v51, v8  }
0xb7a: {  	v53 =	vmin.f32 v6, v15;
	v52 =	vmax.f32 v18, v8;
	v8 =	vmin.f32 v18, v8  }
0xb7b: {  	v6 =	vmax.f32 v6, v15;
	v5 =	vmax.f32 v5, v8;
	v8 =	vmin.f32 v7, v53  }
0xb7c: {  	v55 =	vmin.f32 v6, v14;
	v54 =	vmax.f32 v9, v8;
	v8 =	vmin.f32 v9, v8  }
0xb7d: {  	v7 =	vmax.f32 v7, v53;
	v9 =	vmax.f32 v52, v8;
	v8 =	vmin.f32 v52, v8  }
0xb7e: {  	v6 =	vmax.f32 v6, v14;
	v5 =	vmax.f32 v5, v8;
	v8 =	vmin.f32 v7, v55  }
0xb7f: {  	v7 =	vmax.f32 v7, v55;
	v56 =	vmax.f32 v54, v8;
	v8 =	vmin.f32 v54, v8  }
0xb80: {  	v15 =	vmax.f32 v9, v8;
	v8 =	vmin.f32 v9, v8;
	v9 =	vmin.f32 v6, v13  }
0xb81: {  	v6 =	vmax.f32 v6, v13;
	v5 =	vmax.f32 v5, v8;
	v8 =	vmin.f32 v7, v9  }
0xb82: {  	v7 =	vmax.f32 v7, v9;
	v9 =	vmax.f32 v56, v8;
	v8 =	vmin.f32 v56, v8  }
0xb83: {  	v58 =	vmin.f32 v6, v12;
	v57 =	vmax.f32 v15, v8;
	v8 =	vmin.f32 v15, v8  }
0xb84: {  	v6 =	vmax.f32 v6, v12;
	v5 =	vmax.f32 v5, v8;
	v8 =	vmin.f32 v7, v58  }
0xb85: {  	v60 =	vmin.f32 v6, v11;
	v59 =	vmax.f32 v9, v8;
	v8 =	vmin.f32 v9, v8  }
0xb86: {  	v7 =	vmax.f32 v7, v58;
	v9 =	vmax.f32 v57, v8;
	v8 =	vmin.f32 v57, v8  }
0xb87: {  	v6 =	vmax.f32 v6, v11;
	v5 =	vmax.f32 v5, v8;
	v8 =	vmin.f32 v7, v60  }
0xb88: {  	v61 =	vmin.f32 v6, v10;
	v7 =	vmax.f32 v7, v60;
	v11 =	vmin.f32 v59, v8  }
0xb89: {  	v12 =	vmax.f32 v59, v8;
	v62 =	vmin.f32 v7, v61;
	v8 =	vmin.f32 v9, v11  }
0xb8a: {  	v11 =	vmax.f32 v9, v11;
	v63 =	vmin.f32 v12, v62;
	v9 =	vmax.f32 v6, v10  }
0xb8b: {  	v5 =	vmax.f32 v5, v8;
	v8 =	vmax.f32 v7, v61;
	v10 =	vmin.f32 v11, v63  }
0xb8c: {  	v7 =	vmax.f32 v12, v62;
	v6 =	vmax.f32 v11, v63;
	v5 =	vmax.f32 v5, v10  }
.LBB2_76:
0xb8d: {  	v29 =	vld [tilespmem:s13+$0x500]  }
0xb8e: {  	v28 =	vld [tilespmem:s13+$0x580]  }
0xb8f: {  	v27 =	vld [tilespmem:s13+$0x600]  }
0xb90: {  	v26 =	vld [tilespmem:s13+$0x680]  }
0xb91: {  	v25 =	vld [tilespmem:s13+$0x700]  }
0xb92: {  	v24 =	vld [tilespmem:s13+$0x780]  }
0xb93: {  	v23 =	vld [tilespmem:s13+$0x800]  }
0xb94: {  	v22 =	vld [tilespmem:s13+$0x880]  }
0xb95: {  	v21 =	vld [tilespmem:s13+$0x900]  }
0xb96: {  	v20 =	vld [tilespmem:s13+$0x980]  }
0xb97: {  	v19 =	vld [tilespmem:s13+$0xA00]  }
0xb98: {  	v18 =	vld [tilespmem:s13+$0xA80]  }
0xb99: {  	v17 =	vld [tilespmem:s13+$0xB00]  }
0xb9a: {  	v16 =	vld [tilespmem:s13+$0xB80]  }
0xb9b: {  	v15 =	vld [tilespmem:s13+$0xC00]  }
0xb9c: {  	v14 =	vld [tilespmem:s13+$0xC80]  }
0xb9d: {  	v13 =	vld [tilespmem:s13+$0xD00]  }
0xb9e: {  	v12 =	vld [tilespmem:s13+$0xD80]  }
0xb9f: {  	v11 =	vld [tilespmem:s13+$0xE00]  }
0xba0: {  	v10 =	vld [tilespmem:s13+$0xE80];
	v30 =	vmax.f32 v29, v28  }
0xba1: {  	v31 =	vmax.f32 v27, v26;
	v32 =	vmax.f32 v25, v24;
	v33 =	vmax.f32 v23, v22  }
0xba2: {  	v34 =	vmax.f32 v21, v20;
	v35 =	vmax.f32 v19, v18;
	v36 =	vmax.f32 v17, v16  }
0xba3: {  	v37 =	vmax.f32 v15, v14;
	v38 =	vmax.f32 v13, v12;
	v30 =	vmax.f32 v30, v31  }
0xba4: {  	v31 =	vmax.f32 v32, v33;
	v60 =	vmax.f32 v34, v35;
	v61 =	vmax.f32 v36, v37  }
0xba5: {  	v62 =	vmax.f32 v11, v10;
	v30 =	vmax.f32 v30, v31;
	v31 =	vmax.f32 v60, v61  }
0xba6: {  	v63 =	vmax.f32 v38, v62;
	v30 =	vmax.f32 v30, v31  }
0xba7: {  	v30 =	vmax.f32 v30, v63  }
0xba8: {  	vm0 =	vgt.f32 v30, v5  }
0xba9: {  	v30 =	vmpcnt.ones.xlane vm0;
	_ =	sdelay $0x1  }
0xbaa: {  	(v2sf) =	vpush v30, $0x0;
	_ =	sdelay $0xe  }
0xbab: {  	s4 =	spop (v2sf)  }
0xbac: {  	p1 =	slt.s32 s4, $0x1  }
.Ltmp56:
0xbad: {  	_ = 	snop;
	(pc) =	sbr.rel @p1 .LBB2_78-.Ltmp56, $1  }
0xbae: {  	_ =	sdelay $0x3  }
0xbaf: {  	v30 =	vmin.f32 v9, v29  }
0xbb0: {  	v9 =	vmax.f32 v9, v29;
	v62 =	vmin.f32 v8, v30  }
0xbb1: {  	v8 =	vmax.f32 v8, v30;
	v63 =	vmax.f32 v7, v62;
	v7 =	vmin.f32 v7, v62  }
0xbb2: {  	v29 =	vmax.f32 v6, v7;
	v6 =	vmin.f32 v6, v7;
	v7 =	vmin.f32 v9, v28  }
0xbb3: {  	v5 =	vmax.f32 v5, v6;
	v6 =	vmax.f32 v9, v28;
	v9 =	vmin.f32 v8, v7  }
0xbb4: {  	v7 =	vmax.f32 v8, v7;
	v8 =	vmax.f32 v63, v9;
	v9 =	vmin.f32 v63, v9  }
0xbb5: {  	v33 =	vmin.f32 v6, v27;
	v32 =	vmax.f32 v29, v9;
	v9 =	vmin.f32 v29, v9  }
0xbb6: {  	v6 =	vmax.f32 v6, v27;
	v5 =	vmax.f32 v5, v9;
	v9 =	vmin.f32 v7, v33  }
0xbb7: {  	v35 =	vmin.f32 v6, v26;
	v34 =	vmax.f32 v8, v9;
	v8 =	vmin.f32 v8, v9  }
0xbb8: {  	v7 =	vmax.f32 v7, v33;
	v9 =	vmax.f32 v32, v8;
	v8 =	vmin.f32 v32, v8  }
0xbb9: {  	v6 =	vmax.f32 v6, v26;
	v5 =	vmax.f32 v5, v8;
	v8 =	vmin.f32 v7, v35  }
0xbba: {  	v7 =	vmax.f32 v7, v35;
	v36 =	vmax.f32 v34, v8;
	v8 =	vmin.f32 v34, v8  }
0xbbb: {  	v27 =	vmax.f32 v9, v8;
	v8 =	vmin.f32 v9, v8;
	v9 =	vmin.f32 v6, v25  }
0xbbc: {  	v6 =	vmax.f32 v6, v25;
	v5 =	vmax.f32 v5, v8;
	v8 =	vmin.f32 v7, v9  }
0xbbd: {  	v7 =	vmax.f32 v7, v9;
	v9 =	vmax.f32 v36, v8;
	v8 =	vmin.f32 v36, v8  }
0xbbe: {  	v38 =	vmin.f32 v6, v24;
	v37 =	vmax.f32 v27, v8;
	v8 =	vmin.f32 v27, v8  }
0xbbf: {  	v6 =	vmax.f32 v6, v24;
	v5 =	vmax.f32 v5, v8;
	v8 =	vmin.f32 v7, v38  }
0xbc0: {  	v40 =	vmin.f32 v6, v23;
	v39 =	vmax.f32 v9, v8;
	v8 =	vmin.f32 v9, v8  }
0xbc1: {  	v7 =	vmax.f32 v7, v38;
	v9 =	vmax.f32 v37, v8;
	v8 =	vmin.f32 v37, v8  }
0xbc2: {  	v6 =	vmax.f32 v6, v23;
	v5 =	vmax.f32 v5, v8;
	v8 =	vmin.f32 v7, v40  }
0xbc3: {  	v7 =	vmax.f32 v7, v40;
	v41 =	vmax.f32 v39, v8;
	v8 =	vmin.f32 v39, v8  }
0xbc4: {  	v24 =	vmax.f32 v9, v8;
	v8 =	vmin.f32 v9, v8;
	v9 =	vmin.f32 v6, v22  }
0xbc5: {  	v6 =	vmax.f32 v6, v22;
	v5 =	vmax.f32 v5, v8;
	v8 =	vmin.f32 v7, v9  }
0xbc6: {  	v7 =	vmax.f32 v7, v9;
	v9 =	vmax.f32 v41, v8;
	v8 =	vmin.f32 v41, v8  }
0xbc7: {  	v43 =	vmin.f32 v6, v21;
	v42 =	vmax.f32 v24, v8;
	v8 =	vmin.f32 v24, v8  }
0xbc8: {  	v6 =	vmax.f32 v6, v21;
	v5 =	vmax.f32 v5, v8;
	v8 =	vmin.f32 v7, v43  }
0xbc9: {  	v45 =	vmin.f32 v6, v20;
	v44 =	vmax.f32 v9, v8;
	v8 =	vmin.f32 v9, v8  }
0xbca: {  	v7 =	vmax.f32 v7, v43;
	v9 =	vmax.f32 v42, v8;
	v8 =	vmin.f32 v42, v8  }
0xbcb: {  	v6 =	vmax.f32 v6, v20;
	v5 =	vmax.f32 v5, v8;
	v8 =	vmin.f32 v7, v45  }
0xbcc: {  	v7 =	vmax.f32 v7, v45;
	v46 =	vmax.f32 v44, v8;
	v8 =	vmin.f32 v44, v8  }
0xbcd: {  	v21 =	vmax.f32 v9, v8;
	v8 =	vmin.f32 v9, v8;
	v9 =	vmin.f32 v6, v19  }
0xbce: {  	v6 =	vmax.f32 v6, v19;
	v5 =	vmax.f32 v5, v8;
	v8 =	vmin.f32 v7, v9  }
0xbcf: {  	v7 =	vmax.f32 v7, v9;
	v9 =	vmax.f32 v46, v8;
	v8 =	vmin.f32 v46, v8  }
0xbd0: {  	v48 =	vmin.f32 v6, v18;
	v47 =	vmax.f32 v21, v8;
	v8 =	vmin.f32 v21, v8  }
0xbd1: {  	v6 =	vmax.f32 v6, v18;
	v5 =	vmax.f32 v5, v8;
	v8 =	vmin.f32 v7, v48  }
0xbd2: {  	v50 =	vmin.f32 v6, v17;
	v49 =	vmax.f32 v9, v8;
	v8 =	vmin.f32 v9, v8  }
0xbd3: {  	v7 =	vmax.f32 v7, v48;
	v9 =	vmax.f32 v47, v8;
	v8 =	vmin.f32 v47, v8  }
0xbd4: {  	v6 =	vmax.f32 v6, v17;
	v5 =	vmax.f32 v5, v8;
	v8 =	vmin.f32 v7, v50  }
0xbd5: {  	v7 =	vmax.f32 v7, v50;
	v51 =	vmax.f32 v49, v8;
	v8 =	vmin.f32 v49, v8  }
0xbd6: {  	v18 =	vmax.f32 v9, v8;
	v8 =	vmin.f32 v9, v8;
	v9 =	vmin.f32 v6, v16  }
0xbd7: {  	v6 =	vmax.f32 v6, v16;
	v5 =	vmax.f32 v5, v8;
	v8 =	vmin.f32 v7, v9  }
0xbd8: {  	v7 =	vmax.f32 v7, v9;
	v9 =	vmax.f32 v51, v8;
	v8 =	vmin.f32 v51, v8  }
0xbd9: {  	v53 =	vmin.f32 v6, v15;
	v52 =	vmax.f32 v18, v8;
	v8 =	vmin.f32 v18, v8  }
0xbda: {  	v6 =	vmax.f32 v6, v15;
	v5 =	vmax.f32 v5, v8;
	v8 =	vmin.f32 v7, v53  }
0xbdb: {  	v55 =	vmin.f32 v6, v14;
	v54 =	vmax.f32 v9, v8;
	v8 =	vmin.f32 v9, v8  }
0xbdc: {  	v7 =	vmax.f32 v7, v53;
	v9 =	vmax.f32 v52, v8;
	v8 =	vmin.f32 v52, v8  }
0xbdd: {  	v6 =	vmax.f32 v6, v14;
	v5 =	vmax.f32 v5, v8;
	v8 =	vmin.f32 v7, v55  }
0xbde: {  	v7 =	vmax.f32 v7, v55;
	v56 =	vmax.f32 v54, v8;
	v8 =	vmin.f32 v54, v8  }
0xbdf: {  	v15 =	vmax.f32 v9, v8;
	v8 =	vmin.f32 v9, v8;
	v9 =	vmin.f32 v6, v13  }
0xbe0: {  	v6 =	vmax.f32 v6, v13;
	v5 =	vmax.f32 v5, v8;
	v8 =	vmin.f32 v7, v9  }
0xbe1: {  	v7 =	vmax.f32 v7, v9;
	v9 =	vmax.f32 v56, v8;
	v8 =	vmin.f32 v56, v8  }
0xbe2: {  	v58 =	vmin.f32 v6, v12;
	v57 =	vmax.f32 v15, v8;
	v8 =	vmin.f32 v15, v8  }
0xbe3: {  	v6 =	vmax.f32 v6, v12;
	v5 =	vmax.f32 v5, v8;
	v8 =	vmin.f32 v7, v58  }
0xbe4: {  	v60 =	vmin.f32 v6, v11;
	v59 =	vmax.f32 v9, v8;
	v8 =	vmin.f32 v9, v8  }
0xbe5: {  	v7 =	vmax.f32 v7, v58;
	v9 =	vmax.f32 v57, v8;
	v8 =	vmin.f32 v57, v8  }
0xbe6: {  	v6 =	vmax.f32 v6, v11;
	v5 =	vmax.f32 v5, v8;
	v8 =	vmin.f32 v7, v60  }
0xbe7: {  	v61 =	vmin.f32 v6, v10;
	v7 =	vmax.f32 v7, v60;
	v11 =	vmin.f32 v59, v8  }
0xbe8: {  	v12 =	vmax.f32 v59, v8;
	v62 =	vmin.f32 v7, v61;
	v8 =	vmin.f32 v9, v11  }
0xbe9: {  	v11 =	vmax.f32 v9, v11;
	v63 =	vmin.f32 v12, v62;
	v9 =	vmax.f32 v6, v10  }
0xbea: {  	v5 =	vmax.f32 v5, v8;
	v8 =	vmax.f32 v7, v61;
	v10 =	vmin.f32 v11, v63  }
0xbeb: {  	v7 =	vmax.f32 v12, v62;
	v6 =	vmax.f32 v11, v63;
	v5 =	vmax.f32 v5, v10  }
.LBB2_78:
0xbec: {  	v29 =	vld [tilespmem:s13+$0xF00]  }
0xbed: {  	v28 =	vld [tilespmem:s13+$0xF80]  }
0xbee: {  	v27 =	vld [tilespmem:s13+$0x1000]  }
0xbef: {  	v26 =	vld [tilespmem:s13+$0x1080]  }
0xbf0: {  	v25 =	vld [tilespmem:s13+$0x1100]  }
0xbf1: {  	v24 =	vld [tilespmem:s13+$0x1180]  }
0xbf2: {  	v23 =	vld [tilespmem:s13+$0x1200]  }
0xbf3: {  	v22 =	vld [tilespmem:s13+$0x1280]  }
0xbf4: {  	v21 =	vld [tilespmem:s13+$0x1300]  }
0xbf5: {  	v20 =	vld [tilespmem:s13+$0x1380]  }
0xbf6: {  	v19 =	vld [tilespmem:s13+$0x1400]  }
0xbf7: {  	v18 =	vld [tilespmem:s13+$0x1480]  }
0xbf8: {  	v17 =	vld [tilespmem:s13+$0x1500]  }
0xbf9: {  	v16 =	vld [tilespmem:s13+$0x1580]  }
0xbfa: {  	v15 =	vld [tilespmem:s13+$0x1600]  }
0xbfb: {  	v14 =	vld [tilespmem:s13+$0x1680]  }
0xbfc: {  	v13 =	vld [tilespmem:s13+$0x1700]  }
0xbfd: {  	v12 =	vld [tilespmem:s13+$0x1780]  }
0xbfe: {  	v11 =	vld [tilespmem:s13+$0x1800]  }
0xbff: {  	v10 =	vld [tilespmem:s13+$0x1880];
	v30 =	vmax.f32 v29, v28  }
0xc00: {  	v31 =	vmax.f32 v27, v26;
	v32 =	vmax.f32 v25, v24;
	v33 =	vmax.f32 v23, v22  }
0xc01: {  	v34 =	vmax.f32 v21, v20;
	v35 =	vmax.f32 v19, v18;
	v36 =	vmax.f32 v17, v16  }
0xc02: {  	v37 =	vmax.f32 v15, v14;
	v38 =	vmax.f32 v13, v12;
	v30 =	vmax.f32 v30, v31  }
0xc03: {  	v31 =	vmax.f32 v32, v33;
	v60 =	vmax.f32 v34, v35;
	v61 =	vmax.f32 v36, v37  }
0xc04: {  	v62 =	vmax.f32 v11, v10;
	v30 =	vmax.f32 v30, v31;
	v31 =	vmax.f32 v60, v61  }
0xc05: {  	v63 =	vmax.f32 v38, v62;
	v30 =	vmax.f32 v30, v31  }
0xc06: {  	v30 =	vmax.f32 v30, v63  }
0xc07: {  	vm0 =	vgt.f32 v30, v5  }
0xc08: {  	v30 =	vmpcnt.ones.xlane vm0;
	_ =	sdelay $0x1  }
0xc09: {  	(v2sf) =	vpush v30, $0x0;
	_ =	sdelay $0xe  }
0xc0a: {  	s4 =	spop (v2sf)  }
0xc0b: {  	p1 =	slt.s32 s4, $0x1  }
.Ltmp57:
0xc0c: {  	_ = 	snop;
	(pc) =	sbr.rel @p1 .LBB2_80-.Ltmp57, $1  }
0xc0d: {  	_ =	sdelay $0x3  }
0xc0e: {  	v30 =	vmin.f32 v9, v29  }
0xc0f: {  	v9 =	vmax.f32 v9, v29;
	v62 =	vmin.f32 v8, v30  }
0xc10: {  	v8 =	vmax.f32 v8, v30;
	v63 =	vmax.f32 v7, v62;
	v7 =	vmin.f32 v7, v62  }
0xc11: {  	v29 =	vmax.f32 v6, v7;
	v6 =	vmin.f32 v6, v7;
	v7 =	vmin.f32 v9, v28  }
0xc12: {  	v5 =	vmax.f32 v5, v6;
	v6 =	vmax.f32 v9, v28;
	v9 =	vmin.f32 v8, v7  }
0xc13: {  	v7 =	vmax.f32 v8, v7;
	v8 =	vmax.f32 v63, v9;
	v9 =	vmin.f32 v63, v9  }
0xc14: {  	v33 =	vmin.f32 v6, v27;
	v32 =	vmax.f32 v29, v9;
	v9 =	vmin.f32 v29, v9  }
0xc15: {  	v6 =	vmax.f32 v6, v27;
	v5 =	vmax.f32 v5, v9;
	v9 =	vmin.f32 v7, v33  }
0xc16: {  	v35 =	vmin.f32 v6, v26;
	v34 =	vmax.f32 v8, v9;
	v8 =	vmin.f32 v8, v9  }
0xc17: {  	v7 =	vmax.f32 v7, v33;
	v9 =	vmax.f32 v32, v8;
	v8 =	vmin.f32 v32, v8  }
0xc18: {  	v6 =	vmax.f32 v6, v26;
	v5 =	vmax.f32 v5, v8;
	v8 =	vmin.f32 v7, v35  }
0xc19: {  	v7 =	vmax.f32 v7, v35;
	v36 =	vmax.f32 v34, v8;
	v8 =	vmin.f32 v34, v8  }
0xc1a: {  	v27 =	vmax.f32 v9, v8;
	v8 =	vmin.f32 v9, v8;
	v9 =	vmin.f32 v6, v25  }
0xc1b: {  	v6 =	vmax.f32 v6, v25;
	v5 =	vmax.f32 v5, v8;
	v8 =	vmin.f32 v7, v9  }
0xc1c: {  	v7 =	vmax.f32 v7, v9;
	v9 =	vmax.f32 v36, v8;
	v8 =	vmin.f32 v36, v8  }
0xc1d: {  	v38 =	vmin.f32 v6, v24;
	v37 =	vmax.f32 v27, v8;
	v8 =	vmin.f32 v27, v8  }
0xc1e: {  	v6 =	vmax.f32 v6, v24;
	v5 =	vmax.f32 v5, v8;
	v8 =	vmin.f32 v7, v38  }
0xc1f: {  	v40 =	vmin.f32 v6, v23;
	v39 =	vmax.f32 v9, v8;
	v8 =	vmin.f32 v9, v8  }
0xc20: {  	v7 =	vmax.f32 v7, v38;
	v9 =	vmax.f32 v37, v8;
	v8 =	vmin.f32 v37, v8  }
0xc21: {  	v6 =	vmax.f32 v6, v23;
	v5 =	vmax.f32 v5, v8;
	v8 =	vmin.f32 v7, v40  }
0xc22: {  	v7 =	vmax.f32 v7, v40;
	v41 =	vmax.f32 v39, v8;
	v8 =	vmin.f32 v39, v8  }
0xc23: {  	v24 =	vmax.f32 v9, v8;
	v8 =	vmin.f32 v9, v8;
	v9 =	vmin.f32 v6, v22  }
0xc24: {  	v6 =	vmax.f32 v6, v22;
	v5 =	vmax.f32 v5, v8;
	v8 =	vmin.f32 v7, v9  }
0xc25: {  	v7 =	vmax.f32 v7, v9;
	v9 =	vmax.f32 v41, v8;
	v8 =	vmin.f32 v41, v8  }
0xc26: {  	v43 =	vmin.f32 v6, v21;
	v42 =	vmax.f32 v24, v8;
	v8 =	vmin.f32 v24, v8  }
0xc27: {  	v6 =	vmax.f32 v6, v21;
	v5 =	vmax.f32 v5, v8;
	v8 =	vmin.f32 v7, v43  }
0xc28: {  	v45 =	vmin.f32 v6, v20;
	v44 =	vmax.f32 v9, v8;
	v8 =	vmin.f32 v9, v8  }
0xc29: {  	v7 =	vmax.f32 v7, v43;
	v9 =	vmax.f32 v42, v8;
	v8 =	vmin.f32 v42, v8  }
0xc2a: {  	v6 =	vmax.f32 v6, v20;
	v5 =	vmax.f32 v5, v8;
	v8 =	vmin.f32 v7, v45  }
0xc2b: {  	v7 =	vmax.f32 v7, v45;
	v46 =	vmax.f32 v44, v8;
	v8 =	vmin.f32 v44, v8  }
0xc2c: {  	v21 =	vmax.f32 v9, v8;
	v8 =	vmin.f32 v9, v8;
	v9 =	vmin.f32 v6, v19  }
0xc2d: {  	v6 =	vmax.f32 v6, v19;
	v5 =	vmax.f32 v5, v8;
	v8 =	vmin.f32 v7, v9  }
0xc2e: {  	v7 =	vmax.f32 v7, v9;
	v9 =	vmax.f32 v46, v8;
	v8 =	vmin.f32 v46, v8  }
0xc2f: {  	v48 =	vmin.f32 v6, v18;
	v47 =	vmax.f32 v21, v8;
	v8 =	vmin.f32 v21, v8  }
0xc30: {  	v6 =	vmax.f32 v6, v18;
	v5 =	vmax.f32 v5, v8;
	v8 =	vmin.f32 v7, v48  }
0xc31: {  	v50 =	vmin.f32 v6, v17;
	v49 =	vmax.f32 v9, v8;
	v8 =	vmin.f32 v9, v8  }
0xc32: {  	v7 =	vmax.f32 v7, v48;
	v9 =	vmax.f32 v47, v8;
	v8 =	vmin.f32 v47, v8  }
0xc33: {  	v6 =	vmax.f32 v6, v17;
	v5 =	vmax.f32 v5, v8;
	v8 =	vmin.f32 v7, v50  }
0xc34: {  	v7 =	vmax.f32 v7, v50;
	v51 =	vmax.f32 v49, v8;
	v8 =	vmin.f32 v49, v8  }
0xc35: {  	v18 =	vmax.f32 v9, v8;
	v8 =	vmin.f32 v9, v8;
	v9 =	vmin.f32 v6, v16  }
0xc36: {  	v6 =	vmax.f32 v6, v16;
	v5 =	vmax.f32 v5, v8;
	v8 =	vmin.f32 v7, v9  }
0xc37: {  	v7 =	vmax.f32 v7, v9;
	v9 =	vmax.f32 v51, v8;
	v8 =	vmin.f32 v51, v8  }
0xc38: {  	v53 =	vmin.f32 v6, v15;
	v52 =	vmax.f32 v18, v8;
	v8 =	vmin.f32 v18, v8  }
0xc39: {  	v6 =	vmax.f32 v6, v15;
	v5 =	vmax.f32 v5, v8;
	v8 =	vmin.f32 v7, v53  }
0xc3a: {  	v55 =	vmin.f32 v6, v14;
	v54 =	vmax.f32 v9, v8;
	v8 =	vmin.f32 v9, v8  }
0xc3b: {  	v7 =	vmax.f32 v7, v53;
	v9 =	vmax.f32 v52, v8;
	v8 =	vmin.f32 v52, v8  }
0xc3c: {  	v6 =	vmax.f32 v6, v14;
	v5 =	vmax.f32 v5, v8;
	v8 =	vmin.f32 v7, v55  }
0xc3d: {  	v7 =	vmax.f32 v7, v55;
	v56 =	vmax.f32 v54, v8;
	v8 =	vmin.f32 v54, v8  }
0xc3e: {  	v15 =	vmax.f32 v9, v8;
	v8 =	vmin.f32 v9, v8;
	v9 =	vmin.f32 v6, v13  }
0xc3f: {  	v6 =	vmax.f32 v6, v13;
	v5 =	vmax.f32 v5, v8;
	v8 =	vmin.f32 v7, v9  }
0xc40: {  	v7 =	vmax.f32 v7, v9;
	v9 =	vmax.f32 v56, v8;
	v8 =	vmin.f32 v56, v8  }
0xc41: {  	v58 =	vmin.f32 v6, v12;
	v57 =	vmax.f32 v15, v8;
	v8 =	vmin.f32 v15, v8  }
0xc42: {  	v6 =	vmax.f32 v6, v12;
	v5 =	vmax.f32 v5, v8;
	v8 =	vmin.f32 v7, v58  }
0xc43: {  	v60 =	vmin.f32 v6, v11;
	v59 =	vmax.f32 v9, v8;
	v8 =	vmin.f32 v9, v8  }
0xc44: {  	v7 =	vmax.f32 v7, v58;
	v9 =	vmax.f32 v57, v8;
	v8 =	vmin.f32 v57, v8  }
0xc45: {  	v6 =	vmax.f32 v6, v11;
	v5 =	vmax.f32 v5, v8;
	v8 =	vmin.f32 v7, v60  }
.Ltmp58:
0xc46: {  	v61 =	vmin.f32 v6, v10;
	v7 =	vmax.f32 v7, v60;
	v11 =	vmin.f32 v59, v8;
	(pc) =	sbr.rel .LBB2_80-.Ltmp58, $4  }
0xc47: {  	v12 =	vmax.f32 v59, v8;
	v62 =	vmin.f32 v7, v61;
	v8 =	vmin.f32 v9, v11  }
0xc48: {  	v11 =	vmax.f32 v9, v11;
	v63 =	vmin.f32 v12, v62;
	v9 =	vmax.f32 v6, v10  }
0xc49: {  	v5 =	vmax.f32 v5, v8;
	v8 =	vmax.f32 v7, v61;
	v10 =	vmin.f32 v11, v63  }
0xc4a: {  	v7 =	vmax.f32 v12, v62;
	v6 =	vmax.f32 v11, v63;
	v5 =	vmax.f32 v5, v10  }
.LBB2_83:
0xc4b: {  	[tilespmem:$0x3380] =	vst v3  }
0xc4c: {  	[tilespmem:$0x3400] =	vst v3  }
0xc4d: {  	[tilespmem:$0x3390] =	vst v3  }
0xc4e: {  	[tilespmem:$0x3410] =	vst v3  }
0xc4f: {  	[tilespmem:$0x33A0] =	vst v3  }
0xc50: {  	[tilespmem:$0x3420] =	vst v3  }
0xc51: {  	[tilespmem:$0x33B0] =	vst v3  }
0xc52: {  	[tilespmem:$0x3430] =	vst v3  }
0xc53: {  	[tilespmem:$0x33C0] =	vst v3  }
0xc54: {  	[tilespmem:$0x3440] =	vst v3  }
0xc55: {  	[tilespmem:$0x33D0] =	vst v3  }
0xc56: {  	[tilespmem:$0x3450] =	vst v3  }
0xc57: {  	[tilespmem:$0x33E0] =	vst v3  }
0xc58: {  	[tilespmem:$0x3460] =	vst v3  }
0xc59: {  	[tilespmem:$0x33F0] =	vst v3  }
0xc5a: {  	[tilespmem:$0x3470] =	vst v3;
	s0 =	simm.s32 $0x1  }
.LBB2_84:
0xc5b: {  	s4 =	sadd.s32 s2, s0  }
0xc5c: {  	s4 =	smul.u32 $0x6000, s4;
	_ =	sdelay $0x1  }
0xc5d: {  	s4 =	sshra.s32 s4, $0x2  }
0xc5e: {  	s4 =	sadd.s32 s4, s3  }
0xc5f: {  	[tilespmem:s23], [sflag:$0x3] =	stream.linear.gather [spmem:s4], $0x1800, $0x38;
	[tilespmem:$0xFF80] =	vst v63  }
0xc60: {  	_ =	swait.ge [sflag:s15], $0x1800  }
0xc61: {  	[sflag:s15] =	ssyncset.done $0x0  }
0xc62: {  	s13 =	simm.s32 $0x0;
	[sflag:s15] =	ssyncadd.s32 $0xFFFFE800  }
0xc63: {  	v5 =	vld [tilespmem:s13+$0x1B00]  }
0xc64: {  	v7 =	vld [tilespmem:s13+$0x1900]  }
0xc65: {  	v8 =	vld [tilespmem:s13+$0x300]  }
0xc66: {  	v9 =	vld [tilespmem:s13+$0x80]  }
0xc67: {  	v10 =	vld [tilespmem:s13+$0x1880]  }
0xc68: {  	v6 =	vld [tilespmem:s13+$0x100]  }
0xc69: {  	v11 =	vld [tilespmem:s13+$0x1980]  }
0xc6a: {  	v14 =	vld [tilespmem:s13+$0x1A00];
	v8 =	vadd.f32 v5, v8  }
0xc6b: {  	v5 =	vld [tilespmem:s13+$0x1A80]  }
0xc6c: {  	[tilespmem:s13+$0x300] =	vst v8;
	v8 =	vmax.f32 v9, v10;
	v10 =	vmin.f32 v9, v10;
	v9 =	vld [tilespmem:s13+$0x180]  }
0xc6d: {  	v13 =	vmax.f32 v6, v10;
	v12 =	vmax.f32 v8, v7;
	v15 =	vmin.f32 v8, v7  }
0xc6e: {  	v8 =	vld [tilespmem:s13+$0x200];
	v16 =	vmax.f32 v13, v15;
	v18 =	vmax.f32 v12, v11;
	v17 =	vmin.f32 v12, v11  }
0xc6f: {  	s22 =	simm.s32 $0xC00;
	v7 =	vld [tilespmem:s13+$0x280];
	v12 =	vmax.f32 v16, v17;
	v11 =	vmax.f32 v18, v14;
	v14 =	vmin.f32 v18, v14  }
.LBB2_85:
0xc70: {  	s24 =	sshra.s32 s22, $0x2;
	p1 =	sne.s32 s22, $0x5400;
	s22 =	sadd.s32 $0xC00, s22;
	v6 =	vmin.f32 v6, v10;
	v10 =	vmin.f32 v13, v15;
	v13 =	vmin.f32 v16, v17  }
0xc71: {  	v15 =	vld [tilespmem:s24+$0x1A80];
	v16 =	vmax.f32 v9, v6;
	v6 =	vmin.f32 v9, v6;
	v9 =	vmin.f32 v11, v5  }
0xc72: {  	v17 =	vld [tilespmem:s24+$0x1B00];
	v18 =	vmax.f32 v16, v10;
	v10 =	vmin.f32 v16, v10;
	v16 =	vmin.f32 v12, v14  }
0xc73: {  	v5 =	vmax.f32 v11, v5;
	v12 =	vmax.f32 v12, v14;
	v19 =	vld [tilespmem:s24+$0x1900];
	v20 =	vmin.f32 v18, v13  }
0xc74: {  	v13 =	vmax.f32 v18, v13;
	v14 =	vmax.f32 v12, v9;
	v9 =	vmin.f32 v12, v9;
	v11 =	vld [tilespmem:s24+$0x300];
	[tilespmem:s13+$0x80] =	vst v5  }
0xc75: {  	v21 =	vmax.f32 v8, v6;
	v8 =	vmin.f32 v8, v6;
	v18 =	vmax.f32 v13, v16;
	v12 =	vld [tilespmem:s24+$0x80];
	[tilespmem:s13+$0x100] =	vst v14  }
0xc76: {  	v13 =	vmin.f32 v13, v16;
	v14 =	vmax.f32 v21, v10;
	v10 =	vmin.f32 v21, v10;
	v6 =	vld [tilespmem:s24+$0x100];
	v5 =	vmovc v15  }
0xc77: {  	v7 =	vmax.f32 v7, v8;
	v8 =	vmax.f32 v14, v20;
	v14 =	vmin.f32 v14, v20;
	v15 =	vld [tilespmem:s24+$0x1880]  }
0xc78: {  	v7 =	vmax.f32 v7, v10;
	v10 =	vmax.f32 v8, v13;
	v8 =	vmin.f32 v8, v13  }
0xc79: {  	v7 =	vmax.f32 v7, v14;
	v13 =	vmax.f32 v18, v9;
	v20 =	vld [tilespmem:s24+$0x1980];
	v11 =	vadd.f32 v17, v11  }
0xc7a: {  	v7 =	vmax.f32 v7, v8;
	v8 =	vmin.f32 v18, v9;
	v14 =	vld [tilespmem:s24+$0x1A00];
	[tilespmem:s13+$0x180] =	vst v13  }
.Ltmp59:
0xc7b: {  	[tilespmem:s24+$0x300] =	vst v11;
	v11 =	vmax.f32 v10, v8;
	v8 =	vmin.f32 v10, v8;
	(pc) =	sbr.rel @p1 .LBB2_85-.Ltmp59, $4  }
0xc7c: {  	v9 =	vld [tilespmem:s24+$0x180];
	v16 =	vmax.f32 v12, v15;
	v10 =	vmin.f32 v12, v15;
	v7 =	vmax.f32 v7, v8;
	[tilespmem:s13+$0x200] =	vst v11  }
0xc7d: {  	v8 =	vld [tilespmem:s24+$0x200];
	v13 =	vmax.f32 v6, v10;
	v11 =	vmax.f32 v16, v19;
	v15 =	vmin.f32 v16, v19;
	[tilespmem:s13+$0x280] =	vst v7;
	s13 =	smov.u32 s24  }
0xc7e: {  	v7 =	vld [tilespmem:s13+$0x280];
	v16 =	vmax.f32 v13, v15;
	v18 =	vmax.f32 v11, v20;
	v17 =	vmin.f32 v11, v20  }
0xc7f: {  	v12 =	vmax.f32 v16, v17;
	v11 =	vmax.f32 v18, v14;
	v14 =	vmin.f32 v18, v14  }
0xc80: {  	v6 =	vmin.f32 v6, v10;
	v50 =	vmin.f32 v13, v15;
	v51 =	vmin.f32 v16, v17  }
0xc81: {  	v53 =	vmin.f32 v11, v5;
	v55 =	vmin.f32 v12, v14;
	v56 =	vmax.f32 v12, v14  }
0xc82: {  	v5 =	vmax.f32 v11, v5;
	v52 =	vmax.f32 v9, v6;
	v6 =	vmin.f32 v9, v6  }
0xc83: {  	v58 =	vmax.f32 v56, v53;
	v9 =	vmin.f32 v56, v53;
	v54 =	vmax.f32 v52, v50  }
0xc84: {  	v10 =	vmin.f32 v52, v50;
	v59 =	vmax.f32 v8, v6;
	v6 =	vmin.f32 v8, v6  }
0xc85: {  	v17 =	vmin.f32 v54, v51;
	v57 =	vmax.f32 v54, v51;
	v61 =	vmax.f32 v59, v10  }
0xc86: {  	s0 =	sadd.s32 $0x1, s0;
	v10 =	vmin.f32 v59, v10;
	v6 =	vmax.f32 v7, v6;
	v60 =	vmax.f32 v57, v55  }
0xc87: {  	p1 =	sne.s32 s0, $0x4;
	v11 =	vmin.f32 v57, v55;
	v7 =	vmax.f32 v61, v17;
	v62 =	vmin.f32 v61, v17  }
.Ltmp60:
0xc88: {  	[tilespmem:s13+$0x80] =	vst v5;
	v5 =	vmax.f32 v6, v10;
	v6 =	vmax.f32 v7, v11;
	v7 =	vmin.f32 v7, v11;
	(pc) =	sbr.rel @p1 .LBB2_84-.Ltmp60, $4  }
0xc89: {  	[tilespmem:s13+$0x100] =	vst v58;
	v5 =	vmax.f32 v5, v62;
	v63 =	vmax.f32 v60, v9;
	v8 =	vmin.f32 v60, v9  }
0xc8a: {  	v5 =	vmax.f32 v5, v7;
	[tilespmem:s13+$0x180] =	vst v63;
	v7 =	vmax.f32 v6, v8;
	v6 =	vmin.f32 v6, v8  }
0xc8b: {  	v5 =	vmax.f32 v5, v6;
	[tilespmem:s13+$0x200] =	vst v7  }
0xc8c: {  	[tilespmem:s13+$0x280] =	vst v5  }
0xc8d: {  	v5 =	vld [tilespmem:$0x80]  }
0xc8e: {  	v6 =	vld [tilespmem:$0x100]  }
0xc8f: {  	v7 =	vld [tilespmem:$0x180]  }
0xc90: {  	v8 =	vld [tilespmem:$0x200]  }
0xc91: {  	v9 =	vld [tilespmem:$0x280]  }
0xc92: {  	[tilespmem:$0x3080] =	vst v5;
	v5 =	vld [tilespmem:$0x300]  }
0xc93: {  	[tilespmem:$0x3100] =	vst v6;
	v6 =	vld [tilespmem:$0x380]  }
0xc94: {  	[tilespmem:$0x3180] =	vst v7;
	v7 =	vld [tilespmem:$0x400]  }
0xc95: {  	v48 =	vld [tilespmem:$0x480];
	[tilespmem:$0x3200] =	vst v8  }
0xc96: {  	v49 =	vld [tilespmem:$0x500];
	[tilespmem:$0x3280] =	vst v9  }
0xc97: {  	[tilespmem:$0x3300] =	vst v5;
	v5 =	vld [tilespmem:$0x580]  }
0xc98: {  	[tilespmem:$0x3090] =	vst v6;
	v6 =	vld [tilespmem:$0x600]  }
0xc99: {  	[tilespmem:$0x3110] =	vst v7;
	v7 =	vld [tilespmem:$0x680]  }
0xc9a: {  	v50 =	vld [tilespmem:$0x700];
	[tilespmem:$0x3190] =	vst v48  }
0xc9b: {  	v51 =	vld [tilespmem:$0x780];
	[tilespmem:$0x3210] =	vst v49  }
0xc9c: {  	[tilespmem:$0x3290] =	vst v5;
	v5 =	vld [tilespmem:$0x800]  }
0xc9d: {  	[tilespmem:$0x3310] =	vst v6;
	v6 =	vld [tilespmem:$0x880]  }
0xc9e: {  	[tilespmem:$0x30A0] =	vst v7;
	v7 =	vld [tilespmem:$0x900]  }
0xc9f: {  	v52 =	vld [tilespmem:$0x980];
	[tilespmem:$0x3120] =	vst v50  }
0xca0: {  	v53 =	vld [tilespmem:$0xA00];
	[tilespmem:$0x31A0] =	vst v51  }
0xca1: {  	[tilespmem:$0x3220] =	vst v5;
	v5 =	vld [tilespmem:$0xA80]  }
0xca2: {  	[tilespmem:$0x32A0] =	vst v6;
	v6 =	vld [tilespmem:$0xB00]  }
0xca3: {  	[tilespmem:$0x3320] =	vst v7;
	v7 =	vld [tilespmem:$0xB80]  }
0xca4: {  	v54 =	vld [tilespmem:$0xC00];
	[tilespmem:$0x30B0] =	vst v52  }
0xca5: {  	v55 =	vld [tilespmem:$0xC80];
	[tilespmem:$0x3130] =	vst v53  }
0xca6: {  	[tilespmem:$0x31B0] =	vst v5;
	v5 =	vld [tilespmem:$0xD00]  }
0xca7: {  	[tilespmem:$0x3230] =	vst v6;
	v6 =	vld [tilespmem:$0xD80]  }
0xca8: {  	[tilespmem:$0x32B0] =	vst v7;
	v7 =	vld [tilespmem:$0xE00]  }
0xca9: {  	v56 =	vld [tilespmem:$0xE80];
	[tilespmem:$0x3330] =	vst v54  }
0xcaa: {  	v57 =	vld [tilespmem:$0xF00];
	[tilespmem:$0x30C0] =	vst v55  }
0xcab: {  	[tilespmem:$0x3140] =	vst v5;
	v5 =	vld [tilespmem:$0xF80]  }
0xcac: {  	[tilespmem:$0x31C0] =	vst v6;
	v6 =	vld [tilespmem:$0x1000]  }
0xcad: {  	[tilespmem:$0x3240] =	vst v7;
	v7 =	vld [tilespmem:$0x1080]  }
0xcae: {  	v58 =	vld [tilespmem:$0x1100];
	[tilespmem:$0x32C0] =	vst v56  }
0xcaf: {  	v59 =	vld [tilespmem:$0x1180];
	[tilespmem:$0x3340] =	vst v57  }
0xcb0: {  	[tilespmem:$0x30D0] =	vst v5;
	v5 =	vld [tilespmem:$0x1200]  }
0xcb1: {  	[tilespmem:$0x3150] =	vst v6;
	v6 =	vld [tilespmem:$0x1280]  }
0xcb2: {  	[tilespmem:$0x31D0] =	vst v7;
	v7 =	vld [tilespmem:$0x1300]  }
0xcb3: {  	v60 =	vld [tilespmem:$0x1380];
	[tilespmem:$0x3250] =	vst v58  }
0xcb4: {  	v61 =	vld [tilespmem:$0x1400];
	[tilespmem:$0x32D0] =	vst v59  }
0xcb5: {  	[tilespmem:$0x3350] =	vst v5;
	v5 =	vld [tilespmem:$0x1480]  }
0xcb6: {  	[tilespmem:$0x30E0] =	vst v6;
	v6 =	vld [tilespmem:$0x1500]  }
0xcb7: {  	[tilespmem:$0x3160] =	vst v7;
	v7 =	vld [tilespmem:$0x1580]  }
0xcb8: {  	v62 =	vld [tilespmem:$0x1600];
	[tilespmem:$0x31E0] =	vst v60  }
0xcb9: {  	v63 =	vld [tilespmem:$0x1680];
	[tilespmem:$0x3260] =	vst v61  }
0xcba: {  	[tilespmem:$0x32E0] =	vst v5;
	v5 =	vld [tilespmem:$0x1700]  }
0xcbb: {  	[tilespmem:$0x3360] =	vst v6;
	v6 =	vld [tilespmem:$0x1780]  }
0xcbc: {  	[tilespmem:$0x30F0] =	vst v7;
	v7 =	vld [tilespmem:$0x1800]  }
0xcbd: {  	[tilespmem:$0x3170] =	vst v62  }
0xcbe: {  	[tilespmem:$0x31F0] =	vst v63  }
0xcbf: {  	[tilespmem:$0x3270] =	vst v5  }
0xcc0: {  	s0 =	simm.s32 $0x0;
	[tilespmem:$0x32F0] =	vst v6  }
.Ltmp61:
0xcc1: {  	s4 =	rddreg [dreg:$0x5];
	s13 =	simm.s32 $0x3080;
	[tilespmem:$0x3370] =	vst v7;
	(pc) =	sbr.rel .LBB2_88-.Ltmp61, $4  }
0xcc2: {  	[hbm4b:s4+s0] =	stream.linear.scatter [tilespmem:s13], [sflag:$0x3], $0x400, $0x38;
	[tilespmem:$0xFF80] =	vst v63  }
0xcc3: {  	_ =	swait.ge [sflag:s15], $0x400  }
0xcc4: {  	[sflag:s15] =	ssyncset.done $0x0  }
0xcc5: {  	[sflag:s15] =	ssyncadd.s32 $0xFFFFFC00  }
.LBB2_89:
0xcc6: {  	_ =	sfence.sel $0x180000  }
0xcc7: {  	[bflag:$0x0] =	sbarrier.arrive $0xFFFF  }
0xcc8: {  	_ =	strace $0x90000047  }
0xcc9: {  	[bflag:$0x2] =	sbarrier.arrive $0xFFFF  }
0xcca: {  	p0 =	sne.s32 s2, $0x0;
	s0 =	rddreg [dreg:$0x4]  }
0xccb: {  	s0 =	sadd.s32 @!p0 $0x100000, s0  }
0xccc: {  	[sflag:s0] =	ssyncadd.tile.s32 @!p0 $0x1;
	_ =	shalt  }
.Lfunc_end2:
_tile_overlayer_lowered:
.L_overlay_start_2:
0xccd: {  	(tag) =	ssettag $0x2  }
0xcce: {  	s0 =	rddreg [dreg:$0x0];
	s2 =	stileid.u32  }
0xccf: {  	s1 =	rddreg [dreg:$0x1];
	p0 =	sne.s32 s2, $0x0  }
0xcd0: {  	s3 =	rddreg [dreg:$0x2];
	[bflag:$0x3] =	sbarrier.arrive $0xFFFF;
	s2 =	simm.s32 @!p0 $0x1C03  }
0xcd1: {  	[timem:s3], [sflag:s2] =	dma.local @!p0 [hbm:s0], s1  }
0xcd2: {  	s0 =	simm.s32 @!p0 $0x3  }
0xcd3: {  	_ =	swait.ge @!p0 [sflag:s0], s1  }
0xcd4: {  	s1 =	ssub.s32 @!p0 $0x0, s1;
	[sflag:s0] =	ssyncset.done @!p0 $0x0  }
0xcd5: {  	[sflag:s0] =	ssyncadd.s32 @!p0 s1  }
0xcd6: {  	[bflag:$0x3] =	sbarrier.arrive $0xFFFF  }
0xcd7: {  	_ =	shalt  }

</sc_bundles>
